<compile_context>
chip_gen: v7x
topology: tpu7x:2x2x1
jax: 0.10.2.dev20260603
libtpu: 0.0.44.dev20260713+nightly
codegen_flags: <defaults>
</compile_context>

<pallas_src>
import functools

import jax
import jax.numpy as jnp
from jax import lax
from jax.experimental import pallas as pl
from jax.experimental.pallas import tpu as pltpu
from jax.experimental.pallas import tpu_sc as plsc

B = 16384
LS = 20
LG = 7
NW = 32
CHUNK = B // NW
L = 16
NG = CHUNK // L
XD = 23


def _sc_pool(ids_s_t, ids_g_t, g_ids, p_ids, age_v, st_t, gt_t, gy_t):
    mesh = plsc.VectorSubcoreMesh(
        core_axis_name="c", subcore_axis_name="s", num_cores=2, num_subcores=16
    )

    @functools.partial(
        pl.kernel,
        out_type=jax.ShapeDtypeStruct((XD, B), jnp.float32),
        mesh=mesh,
        compiler_params=pltpu.CompilerParams(needs_layout_passes=False),
        scratch_types=[
            pltpu.VMEM((LS, CHUNK), jnp.int32),
            pltpu.VMEM((LG, CHUNK), jnp.int32),
            pltpu.VMEM((CHUNK,), jnp.int32),
            pltpu.VMEM((CHUNK,), jnp.int32),
            pltpu.VMEM((CHUNK,), jnp.float32),
            pltpu.VMEM((5, 52), jnp.int32),
            pltpu.VMEM((2, 2), jnp.int32),
            pltpu.VMEM((2, 8), jnp.int32),
            pltpu.VMEM((XD, CHUNK), jnp.float32),
        ],
    )
    def k(ids_s_hbm, ids_g_hbm, g_hbm, p_hbm, a_hbm, st_hbm, gt_hbm, gy_hbm,
          out_hbm, ids_s_v, ids_g_v, g_v, p_v, a_v, st_v, gt_v, gy_v, x_v):
        wid = lax.axis_index("s") * 2 + lax.axis_index("c")
        base = pl.multiple_of(wid * CHUNK, CHUNK)
        pltpu.sync_copy(ids_s_hbm.at[:, pl.ds(base, CHUNK)], ids_s_v)
        pltpu.sync_copy(ids_g_hbm.at[:, pl.ds(base, CHUNK)], ids_g_v)
        pltpu.sync_copy(g_hbm.at[pl.ds(base, CHUNK)], g_v)
        pltpu.sync_copy(p_hbm.at[pl.ds(base, CHUNK)], p_v)
        pltpu.sync_copy(a_hbm.at[pl.ds(base, CHUNK)], a_v)
        pltpu.sync_copy(st_hbm, st_v)
        pltpu.sync_copy(gt_hbm, gt_v)
        pltpu.sync_copy(gy_hbm, gy_v)

        def unpk(w):
            return plsc.unpack(plsc.bitcast(w, jnp.bfloat16),
                               format=plsc.PackFormat.INTERLEAVED,
                               preferred_element_type=jnp.float32)

        def group(o):
            acc_s = [jnp.zeros((L,), jnp.float32)] * 10
            for j in range(LS):
                idx = ids_s_v[j, pl.ds(o, L)]
                for dp in range(5):
                    a, b = unpk(plsc.load_gather(st_v.at[dp], [idx]))
                    acc_s[2 * dp] = acc_s[2 * dp] + a
                    acc_s[2 * dp + 1] = acc_s[2 * dp + 1] + b
            for d in range(10):
                x_v[d, pl.ds(o, L)] = acc_s[d] * (1.0 / LS)
            gi = g_v[pl.ds(o, L)]
            pi = p_v[pl.ds(o, L)]
            for dp in range(2):
                a, b = unpk(plsc.load_gather(gt_v.at[dp], [gi]))
                x_v[10 + 2 * dp, pl.ds(o, L)] = a
                x_v[11 + 2 * dp, pl.ds(o, L)] = b
                a, b = unpk(plsc.load_gather(gt_v.at[dp], [pi]))
                x_v[14 + 2 * dp, pl.ds(o, L)] = a
                x_v[15 + 2 * dp, pl.ds(o, L)] = b
            acc_g = [jnp.zeros((L,), jnp.float32)] * 4
            for j in range(LG):
                idx = ids_g_v[j, pl.ds(o, L)]
                for dp in range(2):
                    a, b = unpk(plsc.load_gather(gy_v.at[dp], [idx]))
                    acc_g[2 * dp] = acc_g[2 * dp] + a
                    acc_g[2 * dp + 1] = acc_g[2 * dp + 1] + b
            for d in range(4):
                x_v[18 + d, pl.ds(o, L)] = acc_g[d] * (1.0 / LG)
            x_v[22, pl.ds(o, L)] = (a_v[pl.ds(o, L)] - 19.0) * (1.0 / 6.5)

        def body(g, carry):
            o = pl.multiple_of(g * (2 * L), 2 * L)
            for u in range(2):
                group(o + u * L)
            return carry

        lax.fori_loop(0, NG // 2, body, None)
        pltpu.sync_copy(x_v, out_hbm.at[:, pl.ds(base, CHUNK)])

    return k(ids_s_t, ids_g_t, g_ids, p_ids, age_v, st_t, gt_t, gy_t)


def _tc_mlp(x_t, W1, b1, W2, b2):
    BB = 4096

    def body(x_ref, w1_ref, b1_ref, w2_ref, b2_ref, o_ref):
        x = x_ref[...]
        h = lax.dot_general(x, w1_ref[...], (((0,), (0,)), ((), ())),
                            preferred_element_type=jnp.float32)
        h = jnp.maximum(h + b1_ref[...], 0.0)
        o_ref[...] = jnp.dot(h, w2_ref[...],
                             preferred_element_type=jnp.float32) + b2_ref[...]

    return pl.pallas_call(
        body,
        grid=(B // BB,),
        in_specs=[
            pl.BlockSpec((XD, BB), lambda i: (0, i)),
            pl.BlockSpec((XD, 64), lambda i: (0, 0)),
            pl.BlockSpec((1, 64), lambda i: (0, 0)),
            pl.BlockSpec((64, 32), lambda i: (0, 0)),
            pl.BlockSpec((1, 32), lambda i: (0, 0)),
        ],
        out_specs=pl.BlockSpec((BB, 32), lambda i: (i, 0)),
        out_shape=jax.ShapeDtypeStruct((B, 32), jnp.float32),
    )(x_t, W1, b1.reshape(1, 64), W2, b2.reshape(1, 32))


def _pack_pairs(t):
    tb = t.astype(jnp.bfloat16)
    lo = lax.bitcast_convert_type(tb[:, 0::2], jnp.uint16).astype(jnp.uint32)
    hi = lax.bitcast_convert_type(tb[:, 1::2], jnp.uint16).astype(jnp.uint32)
    return lax.bitcast_convert_type(lo | (hi << 16), jnp.int32).T


def kernel(sports_ids, age, gender, preferred_gender, gym_days,
           sport_table, gender_table, gym_table, W1, b1, W2, b2):
    ids_s_t = sports_ids.T.astype(jnp.int32)
    ids_g_t = gym_days.T.astype(jnp.int32)
    g_ids = gender[:, 0].astype(jnp.int32)
    p_ids = preferred_gender[:, 0].astype(jnp.int32)
    age_v = age[:, 0]
    stp = _pack_pairs(sport_table)
    gtp = _pack_pairs(gender_table)
    gyp = _pack_pairs(gym_table)
    x_t = _sc_pool(ids_s_t, ids_g_t, g_ids, p_ids, age_v, stp, gtp, gyp)
    return _tc_mlp(x_t, W1, b1, W2, b2)

# --- scband reference (transcript-rebuilt; emitter-appended) ---
"""Pipeline reference for scband-user-encoder-16527034155275 (READ-ONLY COPY).

The authoritative reference and input builder live on the scoring server;
editing this copy changes nothing except your own understanding.
"""

import jax, jax.numpy as jnp
import numpy as np

B = 16384
LS = 20
LG = 7


def setup_inputs(seed: int = 0) -> dict:
    key = jax.random.key(seed)
    ks = jax.random.split(key, 12)
    sports_ids = jax.random.randint(ks[0], (B, LS), 0, 52)
    age = jax.random.normal(ks[1], (B, 1), dtype=jnp.float32)
    gender = jax.random.randint(ks[2], (B, 1), 0, 2)
    preferred_gender = jax.random.randint(ks[3], (B, 1), 0, 2)
    gym_days = jax.random.randint(ks[4], (B, LG), 0, 8)
    # embedding tables (padding_idx=0 rows zeroed, matching nn.Embedding(padding_idx=0))
    sport_table = jax.random.normal(ks[5], (52, 10), dtype=jnp.float32).at[0].set(0.0)
    gender_table = jax.random.normal(ks[6], (2, 4), dtype=jnp.float32)
    gym_table = jax.random.normal(ks[7], (8, 4), dtype=jnp.float32).at[0].set(0.0)
    # MLP params: input_dim = 10 + 4*2 + 4 + 1 = 23
    W1 = jax.random.normal(ks[8], (23, 64), dtype=jnp.float32) * 0.1
    b1 = jnp.zeros((64,), dtype=jnp.float32)
    W2 = jax.random.normal(ks[9], (64, 32), dtype=jnp.float32) * 0.1
    b2 = jnp.zeros((32,), dtype=jnp.float32)
    return {
        'sports_ids': sports_ids,
        'age': age,
        'gender': gender,
        'preferred_gender': preferred_gender,
        'gym_days': gym_days,
        'sport_table': sport_table,
        'gender_table': gender_table,
        'gym_table': gym_table,
        'W1': W1,
        'b1': b1,
        'W2': W2,
        'b2': b2,
    }


def reference(sports_ids, age, gender, preferred_gender, gym_days,
              sport_table, gender_table, gym_table, W1, b1, W2, b2):
    age_n = (age - 19.0) / 6.5
    sports_emb = jnp.take(sport_table, sports_ids, axis=0)  # [B, LS, 10]
    sports_vec = sports_emb.mean(axis=1)                    # [B, 10]
    gym_emb = jnp.take(gym_table, gym_days, axis=0)         # [B, LG, 4]
    gym_vec = gym_emb.mean(axis=1)                          # [B, 4]
    gender_vec = jnp.take(gender_table, gender[:, 0], axis=0)            # [B, 4]
    pref_vec = jnp.take(gender_table, preferred_gender[:, 0], axis=0)    # [B, 4]
    x = jnp.concatenate([sports_vec, gender_vec, pref_vec, gym_vec, age_n], axis=1)  # [B, 23]
    h = jax.nn.relu(x @ W1 + b1)
    return h @ W2 + b2

if __name__ == "__main__":
    import jax
    _d = setup_inputs()
    print(jax.jit(kernel)(*tuple(_d.values())))

</pallas_src>

<mosaic_0001>
#map = affine_map<(d0, d1) -> (0, 0)>
#map1 = affine_map<(d0, d1) -> (0)>
module attributes {stable_mosaic.version = 14 : i64} {
  func.func @k(%arg0: i32, %arg1: i32, %arg2: memref<20x16384xi32, #tpu.memory_space<hbm>>, %arg3: memref<7x16384xi32, #tpu.memory_space<hbm>>, %arg4: memref<16384xi32, #tpu.memory_space<hbm>>, %arg5: memref<16384xi32, #tpu.memory_space<hbm>>, %arg6: memref<16384xf32, #tpu.memory_space<hbm>>, %arg7: memref<5x52xi32, #tpu.memory_space<hbm>>, %arg8: memref<2x2xi32, #tpu.memory_space<hbm>>, %arg9: memref<2x8xi32, #tpu.memory_space<hbm>>, %arg10: memref<23x16384xf32, #tpu.memory_space<hbm>>, %arg11: memref<20x512xi32, #tpu.memory_space<vmem>>, %arg12: memref<7x512xi32, #tpu.memory_space<vmem>>, %arg13: memref<512xi32, #tpu.memory_space<vmem>>, %arg14: memref<512xi32, #tpu.memory_space<vmem>>, %arg15: memref<512xf32, #tpu.memory_space<vmem>>, %arg16: memref<5x52xi32, #tpu.memory_space<vmem>>, %arg17: memref<2x2xi32, #tpu.memory_space<vmem>>, %arg18: memref<2x8xi32, #tpu.memory_space<vmem>>, %arg19: memref<23x512xf32, #tpu.memory_space<vmem>>) attributes {dimension_semantics = [#tpu.dimension_semantics<core_parallel>, #tpu.dimension_semantics<subcore_parallel>], iteration_bounds = array<i64: 2, 16>, scalar_prefetch = 0 : i64, scratch_operands = 9 : i64, tpu.core_type = #tpu.core_type<sc_vector_subcore>, window_params = [{transform_indices = #map}, {transform_indices = #map}, {transform_indices = #map1}, {transform_indices = #map1}, {transform_indices = #map1}, {transform_indices = #map}, {transform_indices = #map}, {transform_indices = #map}, {transform_indices = #map}]} {
    %mul3A = arith.constant 2 : i32
    %mul3A_0 = arith.muli %arg1, %mul3A : i32
    %add3A = arith.addi %mul3A_0, %arg0 : i32
    %mul3A_1 = arith.constant 512 : i32
    %mul3A_2 = arith.muli %add3A, %mul3A_1 : i32
    %multiple_of3A = tpu.assume_multiple %mul3A_2, 512 : i32
    "tpu.region"() ({
      %run_scoped3A = tpu.sem_alloc : memref<!tpu.dma_semaphore, #tpu.memory_space<semaphore_mem>>
      %dma_start3A = arith.constant 0 : i32
      %dma_start3A_7 = tpu.memref_slice %arg2[%dma_start3A, %multiple_of3A] : memref<20x16384xi32, #tpu.memory_space<hbm>> -> memref<20x512xi32, #tpu.memory_space<hbm>>
      %dma_start3A_8 = arith.constant 0 : i32
      %dma_start3A_9 = tpu.memref_slice %arg2[%dma_start3A_8, %multiple_of3A] : memref<20x16384xi32, #tpu.memory_space<hbm>> -> memref<20x512xi32, #tpu.memory_space<hbm>>
      tpu.enqueue_dma source(%dma_start3A_9 : memref<20x512xi32, #tpu.memory_space<hbm>>) target(%arg11 : memref<20x512xi32, #tpu.memory_space<vmem>>) target_semaphore(%run_scoped3A : memref<!tpu.dma_semaphore, #tpu.memory_space<semaphore_mem>>)
      %dma_wait3A = arith.constant 0 : i32
      %dma_wait3A_10 = tpu.memref_slice %arg2[%dma_wait3A, %multiple_of3A] : memref<20x16384xi32, #tpu.memory_space<hbm>> -> memref<20x512xi32, #tpu.memory_space<hbm>>
      %dma_wait3A_11 = arith.constant 0 : i32
      %dma_wait3A_12 = tpu.memref_slice %arg2[%dma_wait3A_11, %multiple_of3A] : memref<20x16384xi32, #tpu.memory_space<hbm>> -> memref<20x512xi32, #tpu.memory_space<hbm>>
      tpu.wait_dma2 semaphore(%run_scoped3A : memref<!tpu.dma_semaphore, #tpu.memory_space<semaphore_mem>>) src(%dma_wait3A_12 : memref<20x512xi32, #tpu.memory_space<hbm>>) dst(%arg11 : memref<20x512xi32, #tpu.memory_space<vmem>>)
      tpu.yield
    }) : () -> ()
    "tpu.region"() ({
      %run_scoped3A = tpu.sem_alloc : memref<!tpu.dma_semaphore, #tpu.memory_space<semaphore_mem>>
      %dma_start3A = arith.constant 0 : i32
      %dma_start3A_7 = tpu.memref_slice %arg3[%dma_start3A, %multiple_of3A] : memref<7x16384xi32, #tpu.memory_space<hbm>> -> memref<7x512xi32, #tpu.memory_space<hbm>>
      %dma_start3A_8 = arith.constant 0 : i32
      %dma_start3A_9 = tpu.memref_slice %arg3[%dma_start3A_8, %multiple_of3A] : memref<7x16384xi32, #tpu.memory_space<hbm>> -> memref<7x512xi32, #tpu.memory_space<hbm>>
      tpu.enqueue_dma source(%dma_start3A_9 : memref<7x512xi32, #tpu.memory_space<hbm>>) target(%arg12 : memref<7x512xi32, #tpu.memory_space<vmem>>) target_semaphore(%run_scoped3A : memref<!tpu.dma_semaphore, #tpu.memory_space<semaphore_mem>>)
      %dma_wait3A = arith.constant 0 : i32
      %dma_wait3A_10 = tpu.memref_slice %arg3[%dma_wait3A, %multiple_of3A] : memref<7x16384xi32, #tpu.memory_space<hbm>> -> memref<7x512xi32, #tpu.memory_space<hbm>>
      %dma_wait3A_11 = arith.constant 0 : i32
      %dma_wait3A_12 = tpu.memref_slice %arg3[%dma_wait3A_11, %multiple_of3A] : memref<7x16384xi32, #tpu.memory_space<hbm>> -> memref<7x512xi32, #tpu.memory_space<hbm>>
      tpu.wait_dma2 semaphore(%run_scoped3A : memref<!tpu.dma_semaphore, #tpu.memory_space<semaphore_mem>>) src(%dma_wait3A_12 : memref<7x512xi32, #tpu.memory_space<hbm>>) dst(%arg12 : memref<7x512xi32, #tpu.memory_space<vmem>>)
      tpu.yield
    }) : () -> ()
    "tpu.region"() ({
      %run_scoped3A = tpu.sem_alloc : memref<!tpu.dma_semaphore, #tpu.memory_space<semaphore_mem>>
      %dma_start3A = tpu.memref_slice %arg4[%multiple_of3A] : memref<16384xi32, #tpu.memory_space<hbm>> -> memref<512xi32, #tpu.memory_space<hbm>>
      %dma_start3A_7 = tpu.memref_slice %arg4[%multiple_of3A] : memref<16384xi32, #tpu.memory_space<hbm>> -> memref<512xi32, #tpu.memory_space<hbm>>
      tpu.enqueue_dma source(%dma_start3A_7 : memref<512xi32, #tpu.memory_space<hbm>>) target(%arg13 : memref<512xi32, #tpu.memory_space<vmem>>) target_semaphore(%run_scoped3A : memref<!tpu.dma_semaphore, #tpu.memory_space<semaphore_mem>>)
      %dma_wait3A = tpu.memref_slice %arg4[%multiple_of3A] : memref<16384xi32, #tpu.memory_space<hbm>> -> memref<512xi32, #tpu.memory_space<hbm>>
      %dma_wait3A_8 = tpu.memref_slice %arg4[%multiple_of3A] : memref<16384xi32, #tpu.memory_space<hbm>> -> memref<512xi32, #tpu.memory_space<hbm>>
      tpu.wait_dma2 semaphore(%run_scoped3A : memref<!tpu.dma_semaphore, #tpu.memory_space<semaphore_mem>>) src(%dma_wait3A_8 : memref<512xi32, #tpu.memory_space<hbm>>) dst(%arg13 : memref<512xi32, #tpu.memory_space<vmem>>)
      tpu.yield
    }) : () -> ()
    "tpu.region"() ({
      %run_scoped3A = tpu.sem_alloc : memref<!tpu.dma_semaphore, #tpu.memory_space<semaphore_mem>>
      %dma_start3A = tpu.memref_slice %arg5[%multiple_of3A] : memref<16384xi32, #tpu.memory_space<hbm>> -> memref<512xi32, #tpu.memory_space<hbm>>
      %dma_start3A_7 = tpu.memref_slice %arg5[%multiple_of3A] : memref<16384xi32, #tpu.memory_space<hbm>> -> memref<512xi32, #tpu.memory_space<hbm>>
      tpu.enqueue_dma source(%dma_start3A_7 : memref<512xi32, #tpu.memory_space<hbm>>) target(%arg14 : memref<512xi32, #tpu.memory_space<vmem>>) target_semaphore(%run_scoped3A : memref<!tpu.dma_semaphore, #tpu.memory_space<semaphore_mem>>)
      %dma_wait3A = tpu.memref_slice %arg5[%multiple_of3A] : memref<16384xi32, #tpu.memory_space<hbm>> -> memref<512xi32, #tpu.memory_space<hbm>>
      %dma_wait3A_8 = tpu.memref_slice %arg5[%multiple_of3A] : memref<16384xi32, #tpu.memory_space<hbm>> -> memref<512xi32, #tpu.memory_space<hbm>>
      tpu.wait_dma2 semaphore(%run_scoped3A : memref<!tpu.dma_semaphore, #tpu.memory_space<semaphore_mem>>) src(%dma_wait3A_8 : memref<512xi32, #tpu.memory_space<hbm>>) dst(%arg14 : memref<512xi32, #tpu.memory_space<vmem>>)
      tpu.yield
    }) : () -> ()
    "tpu.region"() ({
      %run_scoped3A = tpu.sem_alloc : memref<!tpu.dma_semaphore, #tpu.memory_space<semaphore_mem>>
      %dma_start3A = tpu.memref_slice %arg6[%multiple_of3A] : memref<16384xf32, #tpu.memory_space<hbm>> -> memref<512xf32, #tpu.memory_space<hbm>>
      %dma_start3A_7 = tpu.memref_slice %arg6[%multiple_of3A] : memref<16384xf32, #tpu.memory_space<hbm>> -> memref<512xf32, #tpu.memory_space<hbm>>
      tpu.enqueue_dma source(%dma_start3A_7 : memref<512xf32, #tpu.memory_space<hbm>>) target(%arg15 : memref<512xf32, #tpu.memory_space<vmem>>) target_semaphore(%run_scoped3A : memref<!tpu.dma_semaphore, #tpu.memory_space<semaphore_mem>>)
      %dma_wait3A = tpu.memref_slice %arg6[%multiple_of3A] : memref<16384xf32, #tpu.memory_space<hbm>> -> memref<512xf32, #tpu.memory_space<hbm>>
      %dma_wait3A_8 = tpu.memref_slice %arg6[%multiple_of3A] : memref<16384xf32, #tpu.memory_space<hbm>> -> memref<512xf32, #tpu.memory_space<hbm>>
      tpu.wait_dma2 semaphore(%run_scoped3A : memref<!tpu.dma_semaphore, #tpu.memory_space<semaphore_mem>>) src(%dma_wait3A_8 : memref<512xf32, #tpu.memory_space<hbm>>) dst(%arg15 : memref<512xf32, #tpu.memory_space<vmem>>)
      tpu.yield
    }) : () -> ()
    "tpu.region"() ({
      %run_scoped3A = tpu.sem_alloc : memref<!tpu.dma_semaphore, #tpu.memory_space<semaphore_mem>>
      tpu.enqueue_dma source(%arg7 : memref<5x52xi32, #tpu.memory_space<hbm>>) target(%arg16 : memref<5x52xi32, #tpu.memory_space<vmem>>) target_semaphore(%run_scoped3A : memref<!tpu.dma_semaphore, #tpu.memory_space<semaphore_mem>>)
      tpu.wait_dma2 semaphore(%run_scoped3A : memref<!tpu.dma_semaphore, #tpu.memory_space<semaphore_mem>>) src(%arg7 : memref<5x52xi32, #tpu.memory_space<hbm>>) dst(%arg16 : memref<5x52xi32, #tpu.memory_space<vmem>>)
      tpu.yield
    }) : () -> ()
    "tpu.region"() ({
      %run_scoped3A = tpu.sem_alloc : memref<!tpu.dma_semaphore, #tpu.memory_space<semaphore_mem>>
      tpu.enqueue_dma source(%arg8 : memref<2x2xi32, #tpu.memory_space<hbm>>) target(%arg17 : memref<2x2xi32, #tpu.memory_space<vmem>>) target_semaphore(%run_scoped3A : memref<!tpu.dma_semaphore, #tpu.memory_space<semaphore_mem>>)
      tpu.wait_dma2 semaphore(%run_scoped3A : memref<!tpu.dma_semaphore, #tpu.memory_space<semaphore_mem>>) src(%arg8 : memref<2x2xi32, #tpu.memory_space<hbm>>) dst(%arg17 : memref<2x2xi32, #tpu.memory_space<vmem>>)
      tpu.yield
    }) : () -> ()
    "tpu.region"() ({
      %run_scoped3A = tpu.sem_alloc : memref<!tpu.dma_semaphore, #tpu.memory_space<semaphore_mem>>
      tpu.enqueue_dma source(%arg9 : memref<2x8xi32, #tpu.memory_space<hbm>>) target(%arg18 : memref<2x8xi32, #tpu.memory_space<vmem>>) target_semaphore(%run_scoped3A : memref<!tpu.dma_semaphore, #tpu.memory_space<semaphore_mem>>)
      tpu.wait_dma2 semaphore(%run_scoped3A : memref<!tpu.dma_semaphore, #tpu.memory_space<semaphore_mem>>) src(%arg9 : memref<2x8xi32, #tpu.memory_space<hbm>>) dst(%arg18 : memref<2x8xi32, #tpu.memory_space<vmem>>)
      tpu.yield
    }) : () -> ()
    %scan3A = arith.constant 0 : i32
    %scan3A_3 = arith.constant 16 : i32
    %scan3A_4 = arith.addi %scan3A, %scan3A_3 : i32
    %scan3A_5 = arith.constant 1 : i32
    scf.for %scan3A_7 = %scan3A to %scan3A_4 step %scan3A_5  : i32 {
      %mul3A_8 = arith.constant 32 : i32
      %mul3A_9 = arith.muli %scan3A_7, %mul3A_8 : i32
      %multiple_of3A_10 = tpu.assume_multiple %mul3A_9, 32 : i32
      %add3A_11 = arith.constant 0 : i32
      %add3A_12 = arith.addi %multiple_of3A_10, %add3A_11 : i32
      %broadcast_in_dim3A = arith.constant 0.000000e+00 : f32
      %broadcast_in_dim3A_13 = vector.broadcast %broadcast_in_dim3A : f32 to vector<16xf32>
      %get3A = arith.constant 0 : i32
      %get3A_14 = arith.index_cast %get3A : i32 to index
      %get3A_15 = arith.index_cast %add3A_12 : i32 to index
      %get3A_16 = tpu.vector_load %arg11[%get3A_14, %get3A_15] {strides = array<i32>} : memref<20x512xi32, #tpu.memory_space<vmem>>, vector<16xi32>,
      %gather3A = arith.constant 0 : i32
      %gather3A_17 = arith.constant 0 : i32
      %gather3A_18 = tpu.memref_slice %arg16[%gather3A, %gather3A_17] : memref<5x52xi32, #tpu.memory_space<vmem>> -> memref<1x52xi32, #tpu.memory_space<vmem>>
      %gather3A_19 = tpu.memref_squeeze %gather3A_18 : memref<1x52xi32, #tpu.memory_space<vmem>> -> memref<52xi32, #tpu.memory_space<vmem>>
      %gather3A_20 = tpu.vector_load_idx %gather3A_19[%get3A_16] : memref<52xi32, #tpu.memory_space<vmem>>[vector<16xi32>], vector<16xi32>,
      %bitcast3A = vector.bitcast %gather3A_20 : vector<16xi32> to vector<32xbf16>
      %unpack3A = tpu.unpack_subelements %bitcast3A, 0 {pack_format = #tpu.pack_format<interleaved>} : vector<32xbf16> -> vector<16xf32>
      %unpack3A_21 = tpu.unpack_subelements %bitcast3A, 1 {pack_format = #tpu.pack_format<interleaved>} : vector<32xbf16> -> vector<16xf32>
      %add3A_22 = arith.addf %broadcast_in_dim3A_13, %unpack3A : vector<16xf32>
      %add3A_23 = arith.addf %broadcast_in_dim3A_13, %unpack3A_21 : vector<16xf32>
      %gather3A_24 = arith.constant 1 : i32
      %gather3A_25 = arith.constant 0 : i32
      %gather3A_26 = tpu.memref_slice %arg16[%gather3A_24, %gather3A_25] : memref<5x52xi32, #tpu.memory_space<vmem>> -> memref<1x52xi32, #tpu.memory_space<vmem>>
      %gather3A_27 = tpu.memref_squeeze %gather3A_26 : memref<1x52xi32, #tpu.memory_space<vmem>> -> memref<52xi32, #tpu.memory_space<vmem>>
      %gather3A_28 = tpu.vector_load_idx %gather3A_27[%get3A_16] : memref<52xi32, #tpu.memory_space<vmem>>[vector<16xi32>], vector<16xi32>,
      %bitcast3A_29 = vector.bitcast %gather3A_28 : vector<16xi32> to vector<32xbf16>
      %unpack3A_30 = tpu.unpack_subelements %bitcast3A_29, 0 {pack_format = #tpu.pack_format<interleaved>} : vector<32xbf16> -> vector<16xf32>
      %unpack3A_31 = tpu.unpack_subelements %bitcast3A_29, 1 {pack_format = #tpu.pack_format<interleaved>} : vector<32xbf16> -> vector<16xf32>
      %add3A_32 = arith.addf %broadcast_in_dim3A_13, %unpack3A_30 : vector<16xf32>
      %add3A_33 = arith.addf %broadcast_in_dim3A_13, %unpack3A_31 : vector<16xf32>
      %gather3A_34 = arith.constant 2 : i32
      %gather3A_35 = arith.constant 0 : i32
      %gather3A_36 = tpu.memref_slice %arg16[%gather3A_34, %gather3A_35] : memref<5x52xi32, #tpu.memory_space<vmem>> -> memref<1x52xi32, #tpu.memory_space<vmem>>
      %gather3A_37 = tpu.memref_squeeze %gather3A_36 : memref<1x52xi32, #tpu.memory_space<vmem>> -> memref<52xi32, #tpu.memory_space<vmem>>
      %gather3A_38 = tpu.vector_load_idx %gather3A_37[%get3A_16] : memref<52xi32, #tpu.memory_space<vmem>>[vector<16xi32>], vector<16xi32>,
      %bitcast3A_39 = vector.bitcast %gather3A_38 : vector<16xi32> to vector<32xbf16>
      %unpack3A_40 = tpu.unpack_subelements %bitcast3A_39, 0 {pack_format = #tpu.pack_format<interleaved>} : vector<32xbf16> -> vector<16xf32>
      %unpack3A_41 = tpu.unpack_subelements %bitcast3A_39, 1 {pack_format = #tpu.pack_format<interleaved>} : vector<32xbf16> -> vector<16xf32>
      %add3A_42 = arith.addf %broadcast_in_dim3A_13, %unpack3A_40 : vector<16xf32>
      %add3A_43 = arith.addf %broadcast_in_dim3A_13, %unpack3A_41 : vector<16xf32>
      %gather3A_44 = arith.constant 3 : i32
      %gather3A_45 = arith.constant 0 : i32
      %gather3A_46 = tpu.memref_slice %arg16[%gather3A_44, %gather3A_45] : memref<5x52xi32, #tpu.memory_space<vmem>> -> memref<1x52xi32, #tpu.memory_space<vmem>>
      %gather3A_47 = tpu.memref_squeeze %gather3A_46 : memref<1x52xi32, #tpu.memory_space<vmem>> -> memref<52xi32, #tpu.memory_space<vmem>>
      %gather3A_48 = tpu.vector_load_idx %gather3A_47[%get3A_16] : memref<52xi32, #tpu.memory_space<vmem>>[vector<16xi32>], vector<16xi32>,
      %bitcast3A_49 = vector.bitcast %gather3A_48 : vector<16xi32> to vector<32xbf16>
      %unpack3A_50 = tpu.unpack_subelements %bitcast3A_49, 0 {pack_format = #tpu.pack_format<interleaved>} : vector<32xbf16> -> vector<16xf32>
      %unpack3A_51 = tpu.unpack_subelements %bitcast3A_49, 1 {pack_format = #tpu.pack_format<interleaved>} : vector<32xbf16> -> vector<16xf32>
      %add3A_52 = arith.addf %broadcast_in_dim3A_13, %unpack3A_50 : vector<16xf32>
      %add3A_53 = arith.addf %broadcast_in_dim3A_13, %unpack3A_51 : vector<16xf32>
      %gather3A_54 = arith.constant 4 : i32
      %gather3A_55 = arith.constant 0 : i32
      %gather3A_56 = tpu.memref_slice %arg16[%gather3A_54, %gather3A_55] : memref<5x52xi32, #tpu.memory_space<vmem>> -> memref<1x52xi32, #tpu.memory_space<vmem>>
      %gather3A_57 = tpu.memref_squeeze %gather3A_56 : memref<1x52xi32, #tpu.memory_space<vmem>> -> memref<52xi32, #tpu.memory_space<vmem>>
      %gather3A_58 = tpu.vector_load_idx %gather3A_57[%get3A_16] : memref<52xi32, #tpu.memory_space<vmem>>[vector<16xi32>], vector<16xi32>,
      %bitcast3A_59 = vector.bitcast %gather3A_58 : vector<16xi32> to vector<32xbf16>
      %unpack3A_60 = tpu.unpack_subelements %bitcast3A_59, 0 {pack_format = #tpu.pack_format<interleaved>} : vector<32xbf16> -> vector<16xf32>
      %unpack3A_61 = tpu.unpack_subelements %bitcast3A_59, 1 {pack_format = #tpu.pack_format<interleaved>} : vector<32xbf16> -> vector<16xf32>
      %add3A_62 = arith.addf %broadcast_in_dim3A_13, %unpack3A_60 : vector<16xf32>
      %add3A_63 = arith.addf %broadcast_in_dim3A_13, %unpack3A_61 : vector<16xf32>
      %get3A_64 = arith.constant 1 : i32
      %get3A_65 = arith.index_cast %get3A_64 : i32 to index
      %get3A_66 = arith.index_cast %add3A_12 : i32 to index
      %get3A_67 = tpu.vector_load %arg11[%get3A_65, %get3A_66] {strides = array<i32>} : memref<20x512xi32, #tpu.memory_space<vmem>>, vector<16xi32>,
      %gather3A_68 = arith.constant 0 : i32
      %gather3A_69 = arith.constant 0 : i32
      %gather3A_70 = tpu.memref_slice %arg16[%gather3A_68, %gather3A_69] : memref<5x52xi32, #tpu.memory_space<vmem>> -> memref<1x52xi32, #tpu.memory_space<vmem>>
      %gather3A_71 = tpu.memref_squeeze %gather3A_70 : memref<1x52xi32, #tpu.memory_space<vmem>> -> memref<52xi32, #tpu.memory_space<vmem>>
      %gather3A_72 = tpu.vector_load_idx %gather3A_71[%get3A_67] : memref<52xi32, #tpu.memory_space<vmem>>[vector<16xi32>], vector<16xi32>,
      %bitcast3A_73 = vector.bitcast %gather3A_72 : vector<16xi32> to vector<32xbf16>
      %unpack3A_74 = tpu.unpack_subelements %bitcast3A_73, 0 {pack_format = #tpu.pack_format<interleaved>} : vector<32xbf16> -> vector<16xf32>
      %unpack3A_75 = tpu.unpack_subelements %bitcast3A_73, 1 {pack_format = #tpu.pack_format<interleaved>} : vector<32xbf16> -> vector<16xf32>
      %add3A_76 = arith.addf %add3A_22, %unpack3A_74 : vector<16xf32>
      %add3A_77 = arith.addf %add3A_23, %unpack3A_75 : vector<16xf32>
      %gather3A_78 = arith.constant 1 : i32
      %gather3A_79 = arith.constant 0 : i32
      %gather3A_80 = tpu.memref_slice %arg16[%gather3A_78, %gather3A_79] : memref<5x52xi32, #tpu.memory_space<vmem>> -> memref<1x52xi32, #tpu.memory_space<vmem>>
      %gather3A_81 = tpu.memref_squeeze %gather3A_80 : memref<1x52xi32, #tpu.memory_space<vmem>> -> memref<52xi32, #tpu.memory_space<vmem>>
      %gather3A_82 = tpu.vector_load_idx %gather3A_81[%get3A_67] : memref<52xi32, #tpu.memory_space<vmem>>[vector<16xi32>], vector<16xi32>,
      %bitcast3A_83 = vector.bitcast %gather3A_82 : vector<16xi32> to vector<32xbf16>
      %unpack3A_84 = tpu.unpack_subelements %bitcast3A_83, 0 {pack_format = #tpu.pack_format<interleaved>} : vector<32xbf16> -> vector<16xf32>
      %unpack3A_85 = tpu.unpack_subelements %bitcast3A_83, 1 {pack_format = #tpu.pack_format<interleaved>} : vector<32xbf16> -> vector<16xf32>
      %add3A_86 = arith.addf %add3A_32, %unpack3A_84 : vector<16xf32>
      %add3A_87 = arith.addf %add3A_33, %unpack3A_85 : vector<16xf32>
      %gather3A_88 = arith.constant 2 : i32
      %gather3A_89 = arith.constant 0 : i32
      %gather3A_90 = tpu.memref_slice %arg16[%gather3A_88, %gather3A_89] : memref<5x52xi32, #tpu.memory_space<vmem>> -> memref<1x52xi32, #tpu.memory_space<vmem>>
      %gather3A_91 = tpu.memref_squeeze %gather3A_90 : memref<1x52xi32, #tpu.memory_space<vmem>> -> memref<52xi32, #tpu.memory_space<vmem>>
      %gather3A_92 = tpu.vector_load_idx %gather3A_91[%get3A_67] : memref<52xi32, #tpu.memory_space<vmem>>[vector<16xi32>], vector<16xi32>,
      %bitcast3A_93 = vector.bitcast %gather3A_92 : vector<16xi32> to vector<32xbf16>
      %unpack3A_94 = tpu.unpack_subelements %bitcast3A_93, 0 {pack_format = #tpu.pack_format<interleaved>} : vector<32xbf16> -> vector<16xf32>
      %unpack3A_95 = tpu.unpack_subelements %bitcast3A_93, 1 {pack_format = #tpu.pack_format<interleaved>} : vector<32xbf16> -> vector<16xf32>
      %add3A_96 = arith.addf %add3A_42, %unpack3A_94 : vector<16xf32>
      %add3A_97 = arith.addf %add3A_43, %unpack3A_95 : vector<16xf32>
      %gather3A_98 = arith.constant 3 : i32
      %gather3A_99 = arith.constant 0 : i32
      %gather3A_100 = tpu.memref_slice %arg16[%gather3A_98, %gather3A_99] : memref<5x52xi32, #tpu.memory_space<vmem>> -> memref<1x52xi32, #tpu.memory_space<vmem>>
      %gather3A_101 = tpu.memref_squeeze %gather3A_100 : memref<1x52xi32, #tpu.memory_space<vmem>> -> memref<52xi32, #tpu.memory_space<vmem>>
      %gather3A_102 = tpu.vector_load_idx %gather3A_101[%get3A_67] : memref<52xi32, #tpu.memory_space<vmem>>[vector<16xi32>], vector<16xi32>,
      %bitcast3A_103 = vector.bitcast %gather3A_102 : vector<16xi32> to vector<32xbf16>
      %unpack3A_104 = tpu.unpack_subelements %bitcast3A_103, 0 {pack_format = #tpu.pack_format<interleaved>} : vector<32xbf16> -> vector<16xf32>
      %unpack3A_105 = tpu.unpack_subelements %bitcast3A_103, 1 {pack_format = #tpu.pack_format<interleaved>} : vector<32xbf16> -> vector<16xf32>
      %add3A_106 = arith.addf %add3A_52, %unpack3A_104 : vector<16xf32>
      %add3A_107 = arith.addf %add3A_53, %unpack3A_105 : vector<16xf32>
      %gather3A_108 = arith.constant 4 : i32
      %gather3A_109 = arith.constant 0 : i32
      %gather3A_110 = tpu.memref_slice %arg16[%gather3A_108, %gather3A_109] : memref<5x52xi32, #tpu.memory_space<vmem>> -> memref<1x52xi32, #tpu.memory_space<vmem>>
      %gather3A_111 = tpu.memref_squeeze %gather3A_110 : memref<1x52xi32, #tpu.memory_space<vmem>> -> memref<52xi32, #tpu.memory_space<vmem>>
      %gather3A_112 = tpu.vector_load_idx %gather3A_111[%get3A_67] : memref<52xi32, #tpu.memory_space<vmem>>[vector<16xi32>], vector<16xi32>,
      %bitcast3A_113 = vector.bitcast %gather3A_112 : vector<16xi32> to vector<32xbf16>
      %unpack3A_114 = tpu.unpack_subelements %bitcast3A_113, 0 {pack_format = #tpu.pack_format<interleaved>} : vector<32xbf16> -> vector<16xf32>
      %unpack3A_115 = tpu.unpack_subelements %bitcast3A_113, 1 {pack_format = #tpu.pack_format<interleaved>} : vector<32xbf16> -> vector<16xf32>
      %add3A_116 = arith.addf %add3A_62, %unpack3A_114 : vector<16xf32>
      %add3A_117 = arith.addf %add3A_63, %unpack3A_115 : vector<16xf32>
      %get3A_118 = arith.constant 2 : i32
      %get3A_119 = arith.index_cast %get3A_118 : i32 to index
      %get3A_120 = arith.index_cast %add3A_12 : i32 to index
      %get3A_121 = tpu.vector_load %arg11[%get3A_119, %get3A_120] {strides = array<i32>} : memref<20x512xi32, #tpu.memory_space<vmem>>, vector<16xi32>,
      %gather3A_122 = arith.constant 0 : i32
      %gather3A_123 = arith.constant 0 : i32
      %gather3A_124 = tpu.memref_slice %arg16[%gather3A_122, %gather3A_123] : memref<5x52xi32, #tpu.memory_space<vmem>> -> memref<1x52xi32, #tpu.memory_space<vmem>>
      %gather3A_125 = tpu.memref_squeeze %gather3A_124 : memref<1x52xi32, #tpu.memory_space<vmem>> -> memref<52xi32, #tpu.memory_space<vmem>>
      %gather3A_126 = tpu.vector_load_idx %gather3A_125[%get3A_121] : memref<52xi32, #tpu.memory_space<vmem>>[vector<16xi32>], vector<16xi32>,
      %bitcast3A_127 = vector.bitcast %gather3A_126 : vector<16xi32> to vector<32xbf16>
      %unpack3A_128 = tpu.unpack_subelements %bitcast3A_127, 0 {pack_format = #tpu.pack_format<interleaved>} : vector<32xbf16> -> vector<16xf32>
      %unpack3A_129 = tpu.unpack_subelements %bitcast3A_127, 1 {pack_format = #tpu.pack_format<interleaved>} : vector<32xbf16> -> vector<16xf32>
      %add3A_130 = arith.addf %add3A_76, %unpack3A_128 : vector<16xf32>
      %add3A_131 = arith.addf %add3A_77, %unpack3A_129 : vector<16xf32>
      %gather3A_132 = arith.constant 1 : i32
      %gather3A_133 = arith.constant 0 : i32
      %gather3A_134 = tpu.memref_slice %arg16[%gather3A_132, %gather3A_133] : memref<5x52xi32, #tpu.memory_space<vmem>> -> memref<1x52xi32, #tpu.memory_space<vmem>>
      %gather3A_135 = tpu.memref_squeeze %gather3A_134 : memref<1x52xi32, #tpu.memory_space<vmem>> -> memref<52xi32, #tpu.memory_space<vmem>>
      %gather3A_136 = tpu.vector_load_idx %gather3A_135[%get3A_121] : memref<52xi32, #tpu.memory_space<vmem>>[vector<16xi32>], vector<16xi32>,
      %bitcast3A_137 = vector.bitcast %gather3A_136 : vector<16xi32> to vector<32xbf16>
      %unpack3A_138 = tpu.unpack_subelements %bitcast3A_137, 0 {pack_format = #tpu.pack_format<interleaved>} : vector<32xbf16> -> vector<16xf32>
      %unpack3A_139 = tpu.unpack_subelements %bitcast3A_137, 1 {pack_format = #tpu.pack_format<interleaved>} : vector<32xbf16> -> vector<16xf32>
      %add3A_140 = arith.addf %add3A_86, %unpack3A_138 : vector<16xf32>
      %add3A_141 = arith.addf %add3A_87, %unpack3A_139 : vector<16xf32>
      %gather3A_142 = arith.constant 2 : i32
      %gather3A_143 = arith.constant 0 : i32
      %gather3A_144 = tpu.memref_slice %arg16[%gather3A_142, %gather3A_143] : memref<5x52xi32, #tpu.memory_space<vmem>> -> memref<1x52xi32, #tpu.memory_space<vmem>>
      %gather3A_145 = tpu.memref_squeeze %gather3A_144 : memref<1x52xi32, #tpu.memory_space<vmem>> -> memref<52xi32, #tpu.memory_space<vmem>>
      %gather3A_146 = tpu.vector_load_idx %gather3A_145[%get3A_121] : memref<52xi32, #tpu.memory_space<vmem>>[vector<16xi32>], vector<16xi32>,
      %bitcast3A_147 = vector.bitcast %gather3A_146 : vector<16xi32> to vector<32xbf16>
      %unpack3A_148 = tpu.unpack_subelements %bitcast3A_147, 0 {pack_format = #tpu.pack_format<interleaved>} : vector<32xbf16> -> vector<16xf32>
      %unpack3A_149 = tpu.unpack_subelements %bitcast3A_147, 1 {pack_format = #tpu.pack_format<interleaved>} : vector<32xbf16> -> vector<16xf32>
      %add3A_150 = arith.addf %add3A_96, %unpack3A_148 : vector<16xf32>
      %add3A_151 = arith.addf %add3A_97, %unpack3A_149 : vector<16xf32>
      %gather3A_152 = arith.constant 3 : i32
      %gather3A_153 = arith.constant 0 : i32
      %gather3A_154 = tpu.memref_slice %arg16[%gather3A_152, %gather3A_153] : memref<5x52xi32, #tpu.memory_space<vmem>> -> memref<1x52xi32, #tpu.memory_space<vmem>>
      %gather3A_155 = tpu.memref_squeeze %gather3A_154 : memref<1x52xi32, #tpu.memory_space<vmem>> -> memref<52xi32, #tpu.memory_space<vmem>>
      %gather3A_156 = tpu.vector_load_idx %gather3A_155[%get3A_121] : memref<52xi32, #tpu.memory_space<vmem>>[vector<16xi32>], vector<16xi32>,
      %bitcast3A_157 = vector.bitcast %gather3A_156 : vector<16xi32> to vector<32xbf16>
      %unpack3A_158 = tpu.unpack_subelements %bitcast3A_157, 0 {pack_format = #tpu.pack_format<interleaved>} : vector<32xbf16> -> vector<16xf32>
      %unpack3A_159 = tpu.unpack_subelements %bitcast3A_157, 1 {pack_format = #tpu.pack_format<interleaved>} : vector<32xbf16> -> vector<16xf32>
      %add3A_160 = arith.addf %add3A_106, %unpack3A_158 : vector<16xf32>
      %add3A_161 = arith.addf %add3A_107, %unpack3A_159 : vector<16xf32>
      %gather3A_162 = arith.constant 4 : i32
      %gather3A_163 = arith.constant 0 : i32
      %gather3A_164 = tpu.memref_slice %arg16[%gather3A_162, %gather3A_163] : memref<5x52xi32, #tpu.memory_space<vmem>> -> memref<1x52xi32, #tpu.memory_space<vmem>>
      %gather3A_165 = tpu.memref_squeeze %gather3A_164 : memref<1x52xi32, #tpu.memory_space<vmem>> -> memref<52xi32, #tpu.memory_space<vmem>>
      %gather3A_166 = tpu.vector_load_idx %gather3A_165[%get3A_121] : memref<52xi32, #tpu.memory_space<vmem>>[vector<16xi32>], vector<16xi32>,
      %bitcast3A_167 = vector.bitcast %gather3A_166 : vector<16xi32> to vector<32xbf16>
      %unpack3A_168 = tpu.unpack_subelements %bitcast3A_167, 0 {pack_format = #tpu.pack_format<interleaved>} : vector<32xbf16> -> vector<16xf32>
      %unpack3A_169 = tpu.unpack_subelements %bitcast3A_167, 1 {pack_format = #tpu.pack_format<interleaved>} : vector<32xbf16> -> vector<16xf32>
      %add3A_170 = arith.addf %add3A_116, %unpack3A_168 : vector<16xf32>
      %add3A_171 = arith.addf %add3A_117, %unpack3A_169 : vector<16xf32>
      %get3A_172 = arith.constant 3 : i32
      %get3A_173 = arith.index_cast %get3A_172 : i32 to index
      %get3A_174 = arith.index_cast %add3A_12 : i32 to index
      %get3A_175 = tpu.vector_load %arg11[%get3A_173, %get3A_174] {strides = array<i32>} : memref<20x512xi32, #tpu.memory_space<vmem>>, vector<16xi32>,
      %gather3A_176 = arith.constant 0 : i32
      %gather3A_177 = arith.constant 0 : i32
      %gather3A_178 = tpu.memref_slice %arg16[%gather3A_176, %gather3A_177] : memref<5x52xi32, #tpu.memory_space<vmem>> -> memref<1x52xi32, #tpu.memory_space<vmem>>
      %gather3A_179 = tpu.memref_squeeze %gather3A_178 : memref<1x52xi32, #tpu.memory_space<vmem>> -> memref<52xi32, #tpu.memory_space<vmem>>
      %gather3A_180 = tpu.vector_load_idx %gather3A_179[%get3A_175] : memref<52xi32, #tpu.memory_space<vmem>>[vector<16xi32>], vector<16xi32>,
      %bitcast3A_181 = vector.bitcast %gather3A_180 : vector<16xi32> to vector<32xbf16>
      %unpack3A_182 = tpu.unpack_subelements %bitcast3A_181, 0 {pack_format = #tpu.pack_format<interleaved>} : vector<32xbf16> -> vector<16xf32>
      %unpack3A_183 = tpu.unpack_subelements %bitcast3A_181, 1 {pack_format = #tpu.pack_format<interleaved>} : vector<32xbf16> -> vector<16xf32>
      %add3A_184 = arith.addf %add3A_130, %unpack3A_182 : vector<16xf32>
      %add3A_185 = arith.addf %add3A_131, %unpack3A_183 : vector<16xf32>
      %gather3A_186 = arith.constant 1 : i32
      %gather3A_187 = arith.constant 0 : i32
      %gather3A_188 = tpu.memref_slice %arg16[%gather3A_186, %gather3A_187] : memref<5x52xi32, #tpu.memory_space<vmem>> -> memref<1x52xi32, #tpu.memory_space<vmem>>
      %gather3A_189 = tpu.memref_squeeze %gather3A_188 : memref<1x52xi32, #tpu.memory_space<vmem>> -> memref<52xi32, #tpu.memory_space<vmem>>
      %gather3A_190 = tpu.vector_load_idx %gather3A_189[%get3A_175] : memref<52xi32, #tpu.memory_space<vmem>>[vector<16xi32>], vector<16xi32>,
      %bitcast3A_191 = vector.bitcast %gather3A_190 : vector<16xi32> to vector<32xbf16>
      %unpack3A_192 = tpu.unpack_subelements %bitcast3A_191, 0 {pack_format = #tpu.pack_format<interleaved>} : vector<32xbf16> -> vector<16xf32>
      %unpack3A_193 = tpu.unpack_subelements %bitcast3A_191, 1 {pack_format = #tpu.pack_format<interleaved>} : vector<32xbf16> -> vector<16xf32>
      %add3A_194 = arith.addf %add3A_140, %unpack3A_192 : vector<16xf32>
      %add3A_195 = arith.addf %add3A_141, %unpack3A_193 : vector<16xf32>
      %gather3A_196 = arith.constant 2 : i32
      %gather3A_197 = arith.constant 0 : i32
      %gather3A_198 = tpu.memref_slice %arg16[%gather3A_196, %gather3A_197] : memref<5x52xi32, #tpu.memory_space<vmem>> -> memref<1x52xi32, #tpu.memory_space<vmem>>
      %gather3A_199 = tpu.memref_squeeze %gather3A_198 : memref<1x52xi32, #tpu.memory_space<vmem>> -> memref<52xi32, #tpu.memory_space<vmem>>
      %gather3A_200 = tpu.vector_load_idx %gather3A_199[%get3A_175] : memref<52xi32, #tpu.memory_space<vmem>>[vector<16xi32>], vector<16xi32>,
      %bitcast3A_201 = vector.bitcast %gather3A_200 : vector<16xi32> to vector<32xbf16>
      %unpack3A_202 = tpu.unpack_subelements %bitcast3A_201, 0 {pack_format = #tpu.pack_format<interleaved>} : vector<32xbf16> -> vector<16xf32>
      %unpack3A_203 = tpu.unpack_subelements %bitcast3A_201, 1 {pack_format = #tpu.pack_format<interleaved>} : vector<32xbf16> -> vector<16xf32>
      %add3A_204 = arith.addf %add3A_150, %unpack3A_202 : vector<16xf32>
      %add3A_205 = arith.addf %add3A_151, %unpack3A_203 : vector<16xf32>
      %gather3A_206 = arith.constant 3 : i32
      %gather3A_207 = arith.constant 0 : i32
      %gather3A_208 = tpu.memref_slice %arg16[%gather3A_206, %gather3A_207] : memref<5x52xi32, #tpu.memory_space<vmem>> -> memref<1x52xi32, #tpu.memory_space<vmem>>
      %gather3A_209 = tpu.memref_squeeze %gather3A_208 : memref<1x52xi32, #tpu.memory_space<vmem>> -> memref<52xi32, #tpu.memory_space<vmem>>
      %gather3A_210 = tpu.vector_load_idx %gather3A_209[%get3A_175] : memref<52xi32, #tpu.memory_space<vmem>>[vector<16xi32>], vector<16xi32>,
      %bitcast3A_211 = vector.bitcast %gather3A_210 : vector<16xi32> to vector<32xbf16>
      %unpack3A_212 = tpu.unpack_subelements %bitcast3A_211, 0 {pack_format = #tpu.pack_format<interleaved>} : vector<32xbf16> -> vector<16xf32>
      %unpack3A_213 = tpu.unpack_subelements %bitcast3A_211, 1 {pack_format = #tpu.pack_format<interleaved>} : vector<32xbf16> -> vector<16xf32>
      %add3A_214 = arith.addf %add3A_160, %unpack3A_212 : vector<16xf32>
      %add3A_215 = arith.addf %add3A_161, %unpack3A_213 : vector<16xf32>
      %gather3A_216 = arith.constant 4 : i32
      %gather3A_217 = arith.constant 0 : i32
      %gather3A_218 = tpu.memref_slice %arg16[%gather3A_216, %gather3A_217] : memref<5x52xi32, #tpu.memory_space<vmem>> -> memref<1x52xi32, #tpu.memory_space<vmem>>
      %gather3A_219 = tpu.memref_squeeze %gather3A_218 : memref<1x52xi32, #tpu.memory_space<vmem>> -> memref<52xi32, #tpu.memory_space<vmem>>
      %gather3A_220 = tpu.vector_load_idx %gather3A_219[%get3A_175] : memref<52xi32, #tpu.memory_space<vmem>>[vector<16xi32>], vector<16xi32>,
      %bitcast3A_221 = vector.bitcast %gather3A_220 : vector<16xi32> to vector<32xbf16>
      %unpack3A_222 = tpu.unpack_subelements %bitcast3A_221, 0 {pack_format = #tpu.pack_format<interleaved>} : vector<32xbf16> -> vector<16xf32>
      %unpack3A_223 = tpu.unpack_subelements %bitcast3A_221, 1 {pack_format = #tpu.pack_format<interleaved>} : vector<32xbf16> -> vector<16xf32>
      %add3A_224 = arith.addf %add3A_170, %unpack3A_222 : vector<16xf32>
      %add3A_225 = arith.addf %add3A_171, %unpack3A_223 : vector<16xf32>
      %get3A_226 = arith.constant 4 : i32
      %get3A_227 = arith.index_cast %get3A_226 : i32 to index
      %get3A_228 = arith.index_cast %add3A_12 : i32 to index
      %get3A_229 = tpu.vector_load %arg11[%get3A_227, %get3A_228] {strides = array<i32>} : memref<20x512xi32, #tpu.memory_space<vmem>>, vector<16xi32>,
      %gather3A_230 = arith.constant 0 : i32
      %gather3A_231 = arith.constant 0 : i32
      %gather3A_232 = tpu.memref_slice %arg16[%gather3A_230, %gather3A_231] : memref<5x52xi32, #tpu.memory_space<vmem>> -> memref<1x52xi32, #tpu.memory_space<vmem>>
      %gather3A_233 = tpu.memref_squeeze %gather3A_232 : memref<1x52xi32, #tpu.memory_space<vmem>> -> memref<52xi32, #tpu.memory_space<vmem>>
      %gather3A_234 = tpu.vector_load_idx %gather3A_233[%get3A_229] : memref<52xi32, #tpu.memory_space<vmem>>[vector<16xi32>], vector<16xi32>,
      %bitcast3A_235 = vector.bitcast %gather3A_234 : vector<16xi32> to vector<32xbf16>
      %unpack3A_236 = tpu.unpack_subelements %bitcast3A_235, 0 {pack_format = #tpu.pack_format<interleaved>} : vector<32xbf16> -> vector<16xf32>
      %unpack3A_237 = tpu.unpack_subelements %bitcast3A_235, 1 {pack_format = #tpu.pack_format<interleaved>} : vector<32xbf16> -> vector<16xf32>
      %add3A_238 = arith.addf %add3A_184, %unpack3A_236 : vector<16xf32>
      %add3A_239 = arith.addf %add3A_185, %unpack3A_237 : vector<16xf32>
      %gather3A_240 = arith.constant 1 : i32
      %gather3A_241 = arith.constant 0 : i32
      %gather3A_242 = tpu.memref_slice %arg16[%gather3A_240, %gather3A_241] : memref<5x52xi32, #tpu.memory_space<vmem>> -> memref<1x52xi32, #tpu.memory_space<vmem>>
      %gather3A_243 = tpu.memref_squeeze %gather3A_242 : memref<1x52xi32, #tpu.memory_space<vmem>> -> memref<52xi32, #tpu.memory_space<vmem>>
      %gather3A_244 = tpu.vector_load_idx %gather3A_243[%get3A_229] : memref<52xi32, #tpu.memory_space<vmem>>[vector<16xi32>], vector<16xi32>,
      %bitcast3A_245 = vector.bitcast %gather3A_244 : vector<16xi32> to vector<32xbf16>
      %unpack3A_246 = tpu.unpack_subelements %bitcast3A_245, 0 {pack_format = #tpu.pack_format<interleaved>} : vector<32xbf16> -> vector<16xf32>
      %unpack3A_247 = tpu.unpack_subelements %bitcast3A_245, 1 {pack_format = #tpu.pack_format<interleaved>} : vector<32xbf16> -> vector<16xf32>
      %add3A_248 = arith.addf %add3A_194, %unpack3A_246 : vector<16xf32>
      %add3A_249 = arith.addf %add3A_195, %unpack3A_247 : vector<16xf32>
      %gather3A_250 = arith.constant 2 : i32
      %gather3A_251 = arith.constant 0 : i32
      %gather3A_252 = tpu.memref_slice %arg16[%gather3A_250, %gather3A_251] : memref<5x52xi32, #tpu.memory_space<vmem>> -> memref<1x52xi32, #tpu.memory_space<vmem>>
      %gather3A_253 = tpu.memref_squeeze %gather3A_252 : memref<1x52xi32, #tpu.memory_space<vmem>> -> memref<52xi32, #tpu.memory_space<vmem>>
      %gather3A_254 = tpu.vector_load_idx %gather3A_253[%get3A_229] : memref<52xi32, #tpu.memory_space<vmem>>[vector<16xi32>], vector<16xi32>,
      %bitcast3A_255 = vector.bitcast %gather3A_254 : vector<16xi32> to vector<32xbf16>
      %unpack3A_256 = tpu.unpack_subelements %bitcast3A_255, 0 {pack_format = #tpu.pack_format<interleaved>} : vector<32xbf16> -> vector<16xf32>
      %unpack3A_257 = tpu.unpack_subelements %bitcast3A_255, 1 {pack_format = #tpu.pack_format<interleaved>} : vector<32xbf16> -> vector<16xf32>
      %add3A_258 = arith.addf %add3A_204, %unpack3A_256 : vector<16xf32>
      %add3A_259 = arith.addf %add3A_205, %unpack3A_257 : vector<16xf32>
      %gather3A_260 = arith.constant 3 : i32
      %gather3A_261 = arith.constant 0 : i32
      %gather3A_262 = tpu.memref_slice %arg16[%gather3A_260, %gather3A_261] : memref<5x52xi32, #tpu.memory_space<vmem>> -> memref<1x52xi32, #tpu.memory_space<vmem>>
      %gather3A_263 = tpu.memref_squeeze %gather3A_262 : memref<1x52xi32, #tpu.memory_space<vmem>> -> memref<52xi32, #tpu.memory_space<vmem>>
      %gather3A_264 = tpu.vector_load_idx %gather3A_263[%get3A_229] : memref<52xi32, #tpu.memory_space<vmem>>[vector<16xi32>], vector<16xi32>,
      %bitcast3A_265 = vector.bitcast %gather3A_264 : vector<16xi32> to vector<32xbf16>
      %unpack3A_266 = tpu.unpack_subelements %bitcast3A_265, 0 {pack_format = #tpu.pack_format<interleaved>} : vector<32xbf16> -> vector<16xf32>
      %unpack3A_267 = tpu.unpack_subelements %bitcast3A_265, 1 {pack_format = #tpu.pack_format<interleaved>} : vector<32xbf16> -> vector<16xf32>
      %add3A_268 = arith.addf %add3A_214, %unpack3A_266 : vector<16xf32>
      %add3A_269 = arith.addf %add3A_215, %unpack3A_267 : vector<16xf32>
      %gather3A_270 = arith.constant 4 : i32
      %gather3A_271 = arith.constant 0 : i32
      %gather3A_272 = tpu.memref_slice %arg16[%gather3A_270, %gather3A_271] : memref<5x52xi32, #tpu.memory_space<vmem>> -> memref<1x52xi32, #tpu.memory_space<vmem>>
      %gather3A_273 = tpu.memref_squeeze %gather3A_272 : memref<1x52xi32, #tpu.memory_space<vmem>> -> memref<52xi32, #tpu.memory_space<vmem>>
      %gather3A_274 = tpu.vector_load_idx %gather3A_273[%get3A_229] : memref<52xi32, #tpu.memory_space<vmem>>[vector<16xi32>], vector<16xi32>,
      %bitcast3A_275 = vector.bitcast %gather3A_274 : vector<16xi32> to vector<32xbf16>
      %unpack3A_276 = tpu.unpack_subelements %bitcast3A_275, 0 {pack_format = #tpu.pack_format<interleaved>} : vector<32xbf16> -> vector<16xf32>
      %unpack3A_277 = tpu.unpack_subelements %bitcast3A_275, 1 {pack_format = #tpu.pack_format<interleaved>} : vector<32xbf16> -> vector<16xf32>
      %add3A_278 = arith.addf %add3A_224, %unpack3A_276 : vector<16xf32>
      %add3A_279 = arith.addf %add3A_225, %unpack3A_277 : vector<16xf32>
      %get3A_280 = arith.constant 5 : i32
      %get3A_281 = arith.index_cast %get3A_280 : i32 to index
      %get3A_282 = arith.index_cast %add3A_12 : i32 to index
      %get3A_283 = tpu.vector_load %arg11[%get3A_281, %get3A_282] {strides = array<i32>} : memref<20x512xi32, #tpu.memory_space<vmem>>, vector<16xi32>,
      %gather3A_284 = arith.constant 0 : i32
      %gather3A_285 = arith.constant 0 : i32
      %gather3A_286 = tpu.memref_slice %arg16[%gather3A_284, %gather3A_285] : memref<5x52xi32, #tpu.memory_space<vmem>> -> memref<1x52xi32, #tpu.memory_space<vmem>>
      %gather3A_287 = tpu.memref_squeeze %gather3A_286 : memref<1x52xi32, #tpu.memory_space<vmem>> -> memref<52xi32, #tpu.memory_space<vmem>>
      %gather3A_288 = tpu.vector_load_idx %gather3A_287[%get3A_283] : memref<52xi32, #tpu.memory_space<vmem>>[vector<16xi32>], vector<16xi32>,
      %bitcast3A_289 = vector.bitcast %gather3A_288 : vector<16xi32> to vector<32xbf16>
      %unpack3A_290 = tpu.unpack_subelements %bitcast3A_289, 0 {pack_format = #tpu.pack_format<interleaved>} : vector<32xbf16> -> vector<16xf32>
      %unpack3A_291 = tpu.unpack_subelements %bitcast3A_289, 1 {pack_format = #tpu.pack_format<interleaved>} : vector<32xbf16> -> vector<16xf32>
      %add3A_292 = arith.addf %add3A_238, %unpack3A_290 : vector<16xf32>
      %add3A_293 = arith.addf %add3A_239, %unpack3A_291 : vector<16xf32>
      %gather3A_294 = arith.constant 1 : i32
      %gather3A_295 = arith.constant 0 : i32
      %gather3A_296 = tpu.memref_slice %arg16[%gather3A_294, %gather3A_295] : memref<5x52xi32, #tpu.memory_space<vmem>> -> memref<1x52xi32, #tpu.memory_space<vmem>>
      %gather3A_297 = tpu.memref_squeeze %gather3A_296 : memref<1x52xi32, #tpu.memory_space<vmem>> -> memref<52xi32, #tpu.memory_space<vmem>>
      %gather3A_298 = tpu.vector_load_idx %gather3A_297[%get3A_283] : memref<52xi32, #tpu.memory_space<vmem>>[vector<16xi32>], vector<16xi32>,
      %bitcast3A_299 = vector.bitcast %gather3A_298 : vector<16xi32> to vector<32xbf16>
      %unpack3A_300 = tpu.unpack_subelements %bitcast3A_299, 0 {pack_format = #tpu.pack_format<interleaved>} : vector<32xbf16> -> vector<16xf32>
      %unpack3A_301 = tpu.unpack_subelements %bitcast3A_299, 1 {pack_format = #tpu.pack_format<interleaved>} : vector<32xbf16> -> vector<16xf32>
      %add3A_302 = arith.addf %add3A_248, %unpack3A_300 : vector<16xf32>
      %add3A_303 = arith.addf %add3A_249, %unpack3A_301 : vector<16xf32>
      %gather3A_304 = arith.constant 2 : i32
      %gather3A_305 = arith.constant 0 : i32
      %gather3A_306 = tpu.memref_slice %arg16[%gather3A_304, %gather3A_305] : memref<5x52xi32, #tpu.memory_space<vmem>> -> memref<1x52xi32, #tpu.memory_space<vmem>>
      %gather3A_307 = tpu.memref_squeeze %gather3A_306 : memref<1x52xi32, #tpu.memory_space<vmem>> -> memref<52xi32, #tpu.memory_space<vmem>>
      %gather3A_308 = tpu.vector_load_idx %gather3A_307[%get3A_283] : memref<52xi32, #tpu.memory_space<vmem>>[vector<16xi32>], vector<16xi32>,
      %bitcast3A_309 = vector.bitcast %gather3A_308 : vector<16xi32> to vector<32xbf16>
      %unpack3A_310 = tpu.unpack_subelements %bitcast3A_309, 0 {pack_format = #tpu.pack_format<interleaved>} : vector<32xbf16> -> vector<16xf32>
      %unpack3A_311 = tpu.unpack_subelements %bitcast3A_309, 1 {pack_format = #tpu.pack_format<interleaved>} : vector<32xbf16> -> vector<16xf32>
      %add3A_312 = arith.addf %add3A_258, %unpack3A_310 : vector<16xf32>
      %add3A_313 = arith.addf %add3A_259, %unpack3A_311 : vector<16xf32>
      %gather3A_314 = arith.constant 3 : i32
      %gather3A_315 = arith.constant 0 : i32
      %gather3A_316 = tpu.memref_slice %arg16[%gather3A_314, %gather3A_315] : memref<5x52xi32, #tpu.memory_space<vmem>> -> memref<1x52xi32, #tpu.memory_space<vmem>>
      %gather3A_317 = tpu.memref_squeeze %gather3A_316 : memref<1x52xi32, #tpu.memory_space<vmem>> -> memref<52xi32, #tpu.memory_space<vmem>>
      %gather3A_318 = tpu.vector_load_idx %gather3A_317[%get3A_283] : memref<52xi32, #tpu.memory_space<vmem>>[vector<16xi32>], vector<16xi32>,
      %bitcast3A_319 = vector.bitcast %gather3A_318 : vector<16xi32> to vector<32xbf16>
      %unpack3A_320 = tpu.unpack_subelements %bitcast3A_319, 0 {pack_format = #tpu.pack_format<interleaved>} : vector<32xbf16> -> vector<16xf32>
      %unpack3A_321 = tpu.unpack_subelements %bitcast3A_319, 1 {pack_format = #tpu.pack_format<interleaved>} : vector<32xbf16> -> vector<16xf32>
      %add3A_322 = arith.addf %add3A_268, %unpack3A_320 : vector<16xf32>
      %add3A_323 = arith.addf %add3A_269, %unpack3A_321 : vector<16xf32>
      %gather3A_324 = arith.constant 4 : i32
      %gather3A_325 = arith.constant 0 : i32
      %gather3A_326 = tpu.memref_slice %arg16[%gather3A_324, %gather3A_325] : memref<5x52xi32, #tpu.memory_space<vmem>> -> memref<1x52xi32, #tpu.memory_space<vmem>>
      %gather3A_327 = tpu.memref_squeeze %gather3A_326 : memref<1x52xi32, #tpu.memory_space<vmem>> -> memref<52xi32, #tpu.memory_space<vmem>>
      %gather3A_328 = tpu.vector_load_idx %gather3A_327[%get3A_283] : memref<52xi32, #tpu.memory_space<vmem>>[vector<16xi32>], vector<16xi32>,
      %bitcast3A_329 = vector.bitcast %gather3A_328 : vector<16xi32> to vector<32xbf16>
      %unpack3A_330 = tpu.unpack_subelements %bitcast3A_329, 0 {pack_format = #tpu.pack_format<interleaved>} : vector<32xbf16> -> vector<16xf32>
      %unpack3A_331 = tpu.unpack_subelements %bitcast3A_329, 1 {pack_format = #tpu.pack_format<interleaved>} : vector<32xbf16> -> vector<16xf32>
      %add3A_332 = arith.addf %add3A_278, %unpack3A_330 : vector<16xf32>
      %add3A_333 = arith.addf %add3A_279, %unpack3A_331 : vector<16xf32>
      %get3A_334 = arith.constant 6 : i32
      %get3A_335 = arith.index_cast %get3A_334 : i32 to index
      %get3A_336 = arith.index_cast %add3A_12 : i32 to index
      %get3A_337 = tpu.vector_load %arg11[%get3A_335, %get3A_336] {strides = array<i32>} : memref<20x512xi32, #tpu.memory_space<vmem>>, vector<16xi32>,
      %gather3A_338 = arith.constant 0 : i32
      %gather3A_339 = arith.constant 0 : i32
      %gather3A_340 = tpu.memref_slice %arg16[%gather3A_338, %gather3A_339] : memref<5x52xi32, #tpu.memory_space<vmem>> -> memref<1x52xi32, #tpu.memory_space<vmem>>
      %gather3A_341 = tpu.memref_squeeze %gather3A_340 : memref<1x52xi32, #tpu.memory_space<vmem>> -> memref<52xi32, #tpu.memory_space<vmem>>
      %gather3A_342 = tpu.vector_load_idx %gather3A_341[%get3A_337] : memref<52xi32, #tpu.memory_space<vmem>>[vector<16xi32>], vector<16xi32>,
      %bitcast3A_343 = vector.bitcast %gather3A_342 : vector<16xi32> to vector<32xbf16>
      %unpack3A_344 = tpu.unpack_subelements %bitcast3A_343, 0 {pack_format = #tpu.pack_format<interleaved>} : vector<32xbf16> -> vector<16xf32>
      %unpack3A_345 = tpu.unpack_subelements %bitcast3A_343, 1 {pack_format = #tpu.pack_format<interleaved>} : vector<32xbf16> -> vector<16xf32>
      %add3A_346 = arith.addf %add3A_292, %unpack3A_344 : vector<16xf32>
      %add3A_347 = arith.addf %add3A_293, %unpack3A_345 : vector<16xf32>
      %gather3A_348 = arith.constant 1 : i32
      %gather3A_349 = arith.constant 0 : i32
      %gather3A_350 = tpu.memref_slice %arg16[%gather3A_348, %gather3A_349] : memref<5x52xi32, #tpu.memory_space<vmem>> -> memref<1x52xi32, #tpu.memory_space<vmem>>
      %gather3A_351 = tpu.memref_squeeze %gather3A_350 : memref<1x52xi32, #tpu.memory_space<vmem>> -> memref<52xi32, #tpu.memory_space<vmem>>
      %gather3A_352 = tpu.vector_load_idx %gather3A_351[%get3A_337] : memref<52xi32, #tpu.memory_space<vmem>>[vector<16xi32>], vector<16xi32>,
      %bitcast3A_353 = vector.bitcast %gather3A_352 : vector<16xi32> to vector<32xbf16>
      %unpack3A_354 = tpu.unpack_subelements %bitcast3A_353, 0 {pack_format = #tpu.pack_format<interleaved>} : vector<32xbf16> -> vector<16xf32>
      %unpack3A_355 = tpu.unpack_subelements %bitcast3A_353, 1 {pack_format = #tpu.pack_format<interleaved>} : vector<32xbf16> -> vector<16xf32>
      %add3A_356 = arith.addf %add3A_302, %unpack3A_354 : vector<16xf32>
      %add3A_357 = arith.addf %add3A_303, %unpack3A_355 : vector<16xf32>
      %gather3A_358 = arith.constant 2 : i32
      %gather3A_359 = arith.constant 0 : i32
      %gather3A_360 = tpu.memref_slice %arg16[%gather3A_358, %gather3A_359] : memref<5x52xi32, #tpu.memory_space<vmem>> -> memref<1x52xi32, #tpu.memory_space<vmem>>
      %gather3A_361 = tpu.memref_squeeze %gather3A_360 : memref<1x52xi32, #tpu.memory_space<vmem>> -> memref<52xi32, #tpu.memory_space<vmem>>
      %gather3A_362 = tpu.vector_load_idx %gather3A_361[%get3A_337] : memref<52xi32, #tpu.memory_space<vmem>>[vector<16xi32>], vector<16xi32>,
      %bitcast3A_363 = vector.bitcast %gather3A_362 : vector<16xi32> to vector<32xbf16>
      %unpack3A_364 = tpu.unpack_subelements %bitcast3A_363, 0 {pack_format = #tpu.pack_format<interleaved>} : vector<32xbf16> -> vector<16xf32>
      %unpack3A_365 = tpu.unpack_subelements %bitcast3A_363, 1 {pack_format = #tpu.pack_format<interleaved>} : vector<32xbf16> -> vector<16xf32>
      %add3A_366 = arith.addf %add3A_312, %unpack3A_364 : vector<16xf32>
      %add3A_367 = arith.addf %add3A_313, %unpack3A_365 : vector<16xf32>
      %gather3A_368 = arith.constant 3 : i32
      %gather3A_369 = arith.constant 0 : i32
      %gather3A_370 = tpu.memref_slice %arg16[%gather3A_368, %gather3A_369] : memref<5x52xi32, #tpu.memory_space<vmem>> -> memref<1x52xi32, #tpu.memory_space<vmem>>
      %gather3A_371 = tpu.memref_squeeze %gather3A_370 : memref<1x52xi32, #tpu.memory_space<vmem>> -> memref<52xi32, #tpu.memory_space<vmem>>
      %gather3A_372 = tpu.vector_load_idx %gather3A_371[%get3A_337] : memref<52xi32, #tpu.memory_space<vmem>>[vector<16xi32>], vector<16xi32>,
      %bitcast3A_373 = vector.bitcast %gather3A_372 : vector<16xi32> to vector<32xbf16>
      %unpack3A_374 = tpu.unpack_subelements %bitcast3A_373, 0 {pack_format = #tpu.pack_format<interleaved>} : vector<32xbf16> -> vector<16xf32>
      %unpack3A_375 = tpu.unpack_subelements %bitcast3A_373, 1 {pack_format = #tpu.pack_format<interleaved>} : vector<32xbf16> -> vector<16xf32>
      %add3A_376 = arith.addf %add3A_322, %unpack3A_374 : vector<16xf32>
      %add3A_377 = arith.addf %add3A_323, %unpack3A_375 : vector<16xf32>
      %gather3A_378 = arith.constant 4 : i32
      %gather3A_379 = arith.constant 0 : i32
      %gather3A_380 = tpu.memref_slice %arg16[%gather3A_378, %gather3A_379] : memref<5x52xi32, #tpu.memory_space<vmem>> -> memref<1x52xi32, #tpu.memory_space<vmem>>
      %gather3A_381 = tpu.memref_squeeze %gather3A_380 : memref<1x52xi32, #tpu.memory_space<vmem>> -> memref<52xi32, #tpu.memory_space<vmem>>
      %gather3A_382 = tpu.vector_load_idx %gather3A_381[%get3A_337] : memref<52xi32, #tpu.memory_space<vmem>>[vector<16xi32>], vector<16xi32>,
      %bitcast3A_383 = vector.bitcast %gather3A_382 : vector<16xi32> to vector<32xbf16>
      %unpack3A_384 = tpu.unpack_subelements %bitcast3A_383, 0 {pack_format = #tpu.pack_format<interleaved>} : vector<32xbf16> -> vector<16xf32>
      %unpack3A_385 = tpu.unpack_subelements %bitcast3A_383, 1 {pack_format = #tpu.pack_format<interleaved>} : vector<32xbf16> -> vector<16xf32>
      %add3A_386 = arith.addf %add3A_332, %unpack3A_384 : vector<16xf32>
      %add3A_387 = arith.addf %add3A_333, %unpack3A_385 : vector<16xf32>
      %get3A_388 = arith.constant 7 : i32
      %get3A_389 = arith.index_cast %get3A_388 : i32 to index
      %get3A_390 = arith.index_cast %add3A_12 : i32 to index
      %get3A_391 = tpu.vector_load %arg11[%get3A_389, %get3A_390] {strides = array<i32>} : memref<20x512xi32, #tpu.memory_space<vmem>>, vector<16xi32>,
      %gather3A_392 = arith.constant 0 : i32
      %gather3A_393 = arith.constant 0 : i32
      %gather3A_394 = tpu.memref_slice %arg16[%gather3A_392, %gather3A_393] : memref<5x52xi32, #tpu.memory_space<vmem>> -> memref<1x52xi32, #tpu.memory_space<vmem>>
      %gather3A_395 = tpu.memref_squeeze %gather3A_394 : memref<1x52xi32, #tpu.memory_space<vmem>> -> memref<52xi32, #tpu.memory_space<vmem>>
      %gather3A_396 = tpu.vector_load_idx %gather3A_395[%get3A_391] : memref<52xi32, #tpu.memory_space<vmem>>[vector<16xi32>], vector<16xi32>,
      %bitcast3A_397 = vector.bitcast %gather3A_396 : vector<16xi32> to vector<32xbf16>
      %unpack3A_398 = tpu.unpack_subelements %bitcast3A_397, 0 {pack_format = #tpu.pack_format<interleaved>} : vector<32xbf16> -> vector<16xf32>
      %unpack3A_399 = tpu.unpack_subelements %bitcast3A_397, 1 {pack_format = #tpu.pack_format<interleaved>} : vector<32xbf16> -> vector<16xf32>
      %add3A_400 = arith.addf %add3A_346, %unpack3A_398 : vector<16xf32>
      %add3A_401 = arith.addf %add3A_347, %unpack3A_399 : vector<16xf32>
      %gather3A_402 = arith.constant 1 : i32
      %gather3A_403 = arith.constant 0 : i32
      %gather3A_404 = tpu.memref_slice %arg16[%gather3A_402, %gather3A_403] : memref<5x52xi32, #tpu.memory_space<vmem>> -> memref<1x52xi32, #tpu.memory_space<vmem>>
      %gather3A_405 = tpu.memref_squeeze %gather3A_404 : memref<1x52xi32, #tpu.memory_space<vmem>> -> memref<52xi32, #tpu.memory_space<vmem>>
      %gather3A_406 = tpu.vector_load_idx %gather3A_405[%get3A_391] : memref<52xi32, #tpu.memory_space<vmem>>[vector<16xi32>], vector<16xi32>,
      %bitcast3A_407 = vector.bitcast %gather3A_406 : vector<16xi32> to vector<32xbf16>
      %unpack3A_408 = tpu.unpack_subelements %bitcast3A_407, 0 {pack_format = #tpu.pack_format<interleaved>} : vector<32xbf16> -> vector<16xf32>
      %unpack3A_409 = tpu.unpack_subelements %bitcast3A_407, 1 {pack_format = #tpu.pack_format<interleaved>} : vector<32xbf16> -> vector<16xf32>
      %add3A_410 = arith.addf %add3A_356, %unpack3A_408 : vector<16xf32>
      %add3A_411 = arith.addf %add3A_357, %unpack3A_409 : vector<16xf32>
      %gather3A_412 = arith.constant 2 : i32
      %gather3A_413 = arith.constant 0 : i32
      %gather3A_414 = tpu.memref_slice %arg16[%gather3A_412, %gather3A_413] : memref<5x52xi32, #tpu.memory_space<vmem>> -> memref<1x52xi32, #tpu.memory_space<vmem>>
      %gather3A_415 = tpu.memref_squeeze %gather3A_414 : memref<1x52xi32, #tpu.memory_space<vmem>> -> memref<52xi32, #tpu.memory_space<vmem>>
      %gather3A_416 = tpu.vector_load_idx %gather3A_415[%get3A_391] : memref<52xi32, #tpu.memory_space<vmem>>[vector<16xi32>], vector<16xi32>,
      %bitcast3A_417 = vector.bitcast %gather3A_416 : vector<16xi32> to vector<32xbf16>
      %unpack3A_418 = tpu.unpack_subelements %bitcast3A_417, 0 {pack_format = #tpu.pack_format<interleaved>} : vector<32xbf16> -> vector<16xf32>
      %unpack3A_419 = tpu.unpack_subelements %bitcast3A_417, 1 {pack_format = #tpu.pack_format<interleaved>} : vector<32xbf16> -> vector<16xf32>
      %add3A_420 = arith.addf %add3A_366, %unpack3A_418 : vector<16xf32>
      %add3A_421 = arith.addf %add3A_367, %unpack3A_419 : vector<16xf32>
      %gather3A_422 = arith.constant 3 : i32
      %gather3A_423 = arith.constant 0 : i32
      %gather3A_424 = tpu.memref_slice %arg16[%gather3A_422, %gather3A_423] : memref<5x52xi32, #tpu.memory_space<vmem>> -> memref<1x52xi32, #tpu.memory_space<vmem>>
      %gather3A_425 = tpu.memref_squeeze %gather3A_424 : memref<1x52xi32, #tpu.memory_space<vmem>> -> memref<52xi32, #tpu.memory_space<vmem>>
      %gather3A_426 = tpu.vector_load_idx %gather3A_425[%get3A_391] : memref<52xi32, #tpu.memory_space<vmem>>[vector<16xi32>], vector<16xi32>,
      %bitcast3A_427 = vector.bitcast %gather3A_426 : vector<16xi32> to vector<32xbf16>
      %unpack3A_428 = tpu.unpack_subelements %bitcast3A_427, 0 {pack_format = #tpu.pack_format<interleaved>} : vector<32xbf16> -> vector<16xf32>
      %unpack3A_429 = tpu.unpack_subelements %bitcast3A_427, 1 {pack_format = #tpu.pack_format<interleaved>} : vector<32xbf16> -> vector<16xf32>
      %add3A_430 = arith.addf %add3A_376, %unpack3A_428 : vector<16xf32>
      %add3A_431 = arith.addf %add3A_377, %unpack3A_429 : vector<16xf32>
      %gather3A_432 = arith.constant 4 : i32
      %gather3A_433 = arith.constant 0 : i32
      %gather3A_434 = tpu.memref_slice %arg16[%gather3A_432, %gather3A_433] : memref<5x52xi32, #tpu.memory_space<vmem>> -> memref<1x52xi32, #tpu.memory_space<vmem>>
      %gather3A_435 = tpu.memref_squeeze %gather3A_434 : memref<1x52xi32, #tpu.memory_space<vmem>> -> memref<52xi32, #tpu.memory_space<vmem>>
      %gather3A_436 = tpu.vector_load_idx %gather3A_435[%get3A_391] : memref<52xi32, #tpu.memory_space<vmem>>[vector<16xi32>], vector<16xi32>,
      %bitcast3A_437 = vector.bitcast %gather3A_436 : vector<16xi32> to vector<32xbf16>
      %unpack3A_438 = tpu.unpack_subelements %bitcast3A_437, 0 {pack_format = #tpu.pack_format<interleaved>} : vector<32xbf16> -> vector<16xf32>
      %unpack3A_439 = tpu.unpack_subelements %bitcast3A_437, 1 {pack_format = #tpu.pack_format<interleaved>} : vector<32xbf16> -> vector<16xf32>
      %add3A_440 = arith.addf %add3A_386, %unpack3A_438 : vector<16xf32>
      %add3A_441 = arith.addf %add3A_387, %unpack3A_439 : vector<16xf32>
      %get3A_442 = arith.constant 8 : i32
      %get3A_443 = arith.index_cast %get3A_442 : i32 to index
      %get3A_444 = arith.index_cast %add3A_12 : i32 to index
      %get3A_445 = tpu.vector_load %arg11[%get3A_443, %get3A_444] {strides = array<i32>} : memref<20x512xi32, #tpu.memory_space<vmem>>, vector<16xi32>,
      %gather3A_446 = arith.constant 0 : i32
      %gather3A_447 = arith.constant 0 : i32
      %gather3A_448 = tpu.memref_slice %arg16[%gather3A_446, %gather3A_447] : memref<5x52xi32, #tpu.memory_space<vmem>> -> memref<1x52xi32, #tpu.memory_space<vmem>>
      %gather3A_449 = tpu.memref_squeeze %gather3A_448 : memref<1x52xi32, #tpu.memory_space<vmem>> -> memref<52xi32, #tpu.memory_space<vmem>>
      %gather3A_450 = tpu.vector_load_idx %gather3A_449[%get3A_445] : memref<52xi32, #tpu.memory_space<vmem>>[vector<16xi32>], vector<16xi32>,
      %bitcast3A_451 = vector.bitcast %gather3A_450 : vector<16xi32> to vector<32xbf16>
      %unpack3A_452 = tpu.unpack_subelements %bitcast3A_451, 0 {pack_format = #tpu.pack_format<interleaved>} : vector<32xbf16> -> vector<16xf32>
      %unpack3A_453 = tpu.unpack_subelements %bitcast3A_451, 1 {pack_format = #tpu.pack_format<interleaved>} : vector<32xbf16> -> vector<16xf32>
      %add3A_454 = arith.addf %add3A_400, %unpack3A_452 : vector<16xf32>
      %add3A_455 = arith.addf %add3A_401, %unpack3A_453 : vector<16xf32>
      %gather3A_456 = arith.constant 1 : i32
      %gather3A_457 = arith.constant 0 : i32
      %gather3A_458 = tpu.memref_slice %arg16[%gather3A_456, %gather3A_457] : memref<5x52xi32, #tpu.memory_space<vmem>> -> memref<1x52xi32, #tpu.memory_space<vmem>>
      %gather3A_459 = tpu.memref_squeeze %gather3A_458 : memref<1x52xi32, #tpu.memory_space<vmem>> -> memref<52xi32, #tpu.memory_space<vmem>>
      %gather3A_460 = tpu.vector_load_idx %gather3A_459[%get3A_445] : memref<52xi32, #tpu.memory_space<vmem>>[vector<16xi32>], vector<16xi32>,
      %bitcast3A_461 = vector.bitcast %gather3A_460 : vector<16xi32> to vector<32xbf16>
      %unpack3A_462 = tpu.unpack_subelements %bitcast3A_461, 0 {pack_format = #tpu.pack_format<interleaved>} : vector<32xbf16> -> vector<16xf32>
      %unpack3A_463 = tpu.unpack_subelements %bitcast3A_461, 1 {pack_format = #tpu.pack_format<interleaved>} : vector<32xbf16> -> vector<16xf32>
      %add3A_464 = arith.addf %add3A_410, %unpack3A_462 : vector<16xf32>
      %add3A_465 = arith.addf %add3A_411, %unpack3A_463 : vector<16xf32>
      %gather3A_466 = arith.constant 2 : i32
      %gather3A_467 = arith.constant 0 : i32
      %gather3A_468 = tpu.memref_slice %arg16[%gather3A_466, %gather3A_467] : memref<5x52xi32, #tpu.memory_space<vmem>> -> memref<1x52xi32, #tpu.memory_space<vmem>>
      %gather3A_469 = tpu.memref_squeeze %gather3A_468 : memref<1x52xi32, #tpu.memory_space<vmem>> -> memref<52xi32, #tpu.memory_space<vmem>>
      %gather3A_470 = tpu.vector_load_idx %gather3A_469[%get3A_445] : memref<52xi32, #tpu.memory_space<vmem>>[vector<16xi32>], vector<16xi32>,
      %bitcast3A_471 = vector.bitcast %gather3A_470 : vector<16xi32> to vector<32xbf16>
      %unpack3A_472 = tpu.unpack_subelements %bitcast3A_471, 0 {pack_format = #tpu.pack_format<interleaved>} : vector<32xbf16> -> vector<16xf32>
      %unpack3A_473 = tpu.unpack_subelements %bitcast3A_471, 1 {pack_format = #tpu.pack_format<interleaved>} : vector<32xbf16> -> vector<16xf32>
      %add3A_474 = arith.addf %add3A_420, %unpack3A_472 : vector<16xf32>
      %add3A_475 = arith.addf %add3A_421, %unpack3A_473 : vector<16xf32>
      %gather3A_476 = arith.constant 3 : i32
      %gather3A_477 = arith.constant 0 : i32
      %gather3A_478 = tpu.memref_slice %arg16[%gather3A_476, %gather3A_477] : memref<5x52xi32, #tpu.memory_space<vmem>> -> memref<1x52xi32, #tpu.memory_space<vmem>>
      %gather3A_479 = tpu.memref_squeeze %gather3A_478 : memref<1x52xi32, #tpu.memory_space<vmem>> -> memref<52xi32, #tpu.memory_space<vmem>>
      %gather3A_480 = tpu.vector_load_idx %gather3A_479[%get3A_445] : memref<52xi32, #tpu.memory_space<vmem>>[vector<16xi32>], vector<16xi32>,
      %bitcast3A_481 = vector.bitcast %gather3A_480 : vector<16xi32> to vector<32xbf16>
      %unpack3A_482 = tpu.unpack_subelements %bitcast3A_481, 0 {pack_format = #tpu.pack_format<interleaved>} : vector<32xbf16> -> vector<16xf32>
      %unpack3A_483 = tpu.unpack_subelements %bitcast3A_481, 1 {pack_format = #tpu.pack_format<interleaved>} : vector<32xbf16> -> vector<16xf32>
      %add3A_484 = arith.addf %add3A_430, %unpack3A_482 : vector<16xf32>
      %add3A_485 = arith.addf %add3A_431, %unpack3A_483 : vector<16xf32>
      %gather3A_486 = arith.constant 4 : i32
      %gather3A_487 = arith.constant 0 : i32
      %gather3A_488 = tpu.memref_slice %arg16[%gather3A_486, %gather3A_487] : memref<5x52xi32, #tpu.memory_space<vmem>> -> memref<1x52xi32, #tpu.memory_space<vmem>>
      %gather3A_489 = tpu.memref_squeeze %gather3A_488 : memref<1x52xi32, #tpu.memory_space<vmem>> -> memref<52xi32, #tpu.memory_space<vmem>>
      %gather3A_490 = tpu.vector_load_idx %gather3A_489[%get3A_445] : memref<52xi32, #tpu.memory_space<vmem>>[vector<16xi32>], vector<16xi32>,
      %bitcast3A_491 = vector.bitcast %gather3A_490 : vector<16xi32> to vector<32xbf16>
      %unpack3A_492 = tpu.unpack_subelements %bitcast3A_491, 0 {pack_format = #tpu.pack_format<interleaved>} : vector<32xbf16> -> vector<16xf32>
      %unpack3A_493 = tpu.unpack_subelements %bitcast3A_491, 1 {pack_format = #tpu.pack_format<interleaved>} : vector<32xbf16> -> vector<16xf32>
      %add3A_494 = arith.addf %add3A_440, %unpack3A_492 : vector<16xf32>
      %add3A_495 = arith.addf %add3A_441, %unpack3A_493 : vector<16xf32>
      %get3A_496 = arith.constant 9 : i32
      %get3A_497 = arith.index_cast %get3A_496 : i32 to index
      %get3A_498 = arith.index_cast %add3A_12 : i32 to index
      %get3A_499 = tpu.vector_load %arg11[%get3A_497, %get3A_498] {strides = array<i32>} : memref<20x512xi32, #tpu.memory_space<vmem>>, vector<16xi32>,
      %gather3A_500 = arith.constant 0 : i32
      %gather3A_501 = arith.constant 0 : i32
      %gather3A_502 = tpu.memref_slice %arg16[%gather3A_500, %gather3A_501] : memref<5x52xi32, #tpu.memory_space<vmem>> -> memref<1x52xi32, #tpu.memory_space<vmem>>
      %gather3A_503 = tpu.memref_squeeze %gather3A_502 : memref<1x52xi32, #tpu.memory_space<vmem>> -> memref<52xi32, #tpu.memory_space<vmem>>
      %gather3A_504 = tpu.vector_load_idx %gather3A_503[%get3A_499] : memref<52xi32, #tpu.memory_space<vmem>>[vector<16xi32>], vector<16xi32>,
      %bitcast3A_505 = vector.bitcast %gather3A_504 : vector<16xi32> to vector<32xbf16>
      %unpack3A_506 = tpu.unpack_subelements %bitcast3A_505, 0 {pack_format = #tpu.pack_format<interleaved>} : vector<32xbf16> -> vector<16xf32>
      %unpack3A_507 = tpu.unpack_subelements %bitcast3A_505, 1 {pack_format = #tpu.pack_format<interleaved>} : vector<32xbf16> -> vector<16xf32>
      %add3A_508 = arith.addf %add3A_454, %unpack3A_506 : vector<16xf32>
      %add3A_509 = arith.addf %add3A_455, %unpack3A_507 : vector<16xf32>
      %gather3A_510 = arith.constant 1 : i32
      %gather3A_511 = arith.constant 0 : i32
      %gather3A_512 = tpu.memref_slice %arg16[%gather3A_510, %gather3A_511] : memref<5x52xi32, #tpu.memory_space<vmem>> -> memref<1x52xi32, #tpu.memory_space<vmem>>
      %gather3A_513 = tpu.memref_squeeze %gather3A_512 : memref<1x52xi32, #tpu.memory_space<vmem>> -> memref<52xi32, #tpu.memory_space<vmem>>
      %gather3A_514 = tpu.vector_load_idx %gather3A_513[%get3A_499] : memref<52xi32, #tpu.memory_space<vmem>>[vector<16xi32>], vector<16xi32>,
      %bitcast3A_515 = vector.bitcast %gather3A_514 : vector<16xi32> to vector<32xbf16>
      %unpack3A_516 = tpu.unpack_subelements %bitcast3A_515, 0 {pack_format = #tpu.pack_format<interleaved>} : vector<32xbf16> -> vector<16xf32>
      %unpack3A_517 = tpu.unpack_subelements %bitcast3A_515, 1 {pack_format = #tpu.pack_format<interleaved>} : vector<32xbf16> -> vector<16xf32>
      %add3A_518 = arith.addf %add3A_464, %unpack3A_516 : vector<16xf32>
      %add3A_519 = arith.addf %add3A_465, %unpack3A_517 : vector<16xf32>
      %gather3A_520 = arith.constant 2 : i32
      %gather3A_521 = arith.constant 0 : i32
      %gather3A_522 = tpu.memref_slice %arg16[%gather3A_520, %gather3A_521] : memref<5x52xi32, #tpu.memory_space<vmem>> -> memref<1x52xi32, #tpu.memory_space<vmem>>
      %gather3A_523 = tpu.memref_squeeze %gather3A_522 : memref<1x52xi32, #tpu.memory_space<vmem>> -> memref<52xi32, #tpu.memory_space<vmem>>
      %gather3A_524 = tpu.vector_load_idx %gather3A_523[%get3A_499] : memref<52xi32, #tpu.memory_space<vmem>>[vector<16xi32>], vector<16xi32>,
      %bitcast3A_525 = vector.bitcast %gather3A_524 : vector<16xi32> to vector<32xbf16>
      %unpack3A_526 = tpu.unpack_subelements %bitcast3A_525, 0 {pack_format = #tpu.pack_format<interleaved>} : vector<32xbf16> -> vector<16xf32>
      %unpack3A_527 = tpu.unpack_subelements %bitcast3A_525, 1 {pack_format = #tpu.pack_format<interleaved>} : vector<32xbf16> -> vector<16xf32>
      %add3A_528 = arith.addf %add3A_474, %unpack3A_526 : vector<16xf32>
      %add3A_529 = arith.addf %add3A_475, %unpack3A_527 : vector<16xf32>
      %gather3A_530 = arith.constant 3 : i32
      %gather3A_531 = arith.constant 0 : i32
      %gather3A_532 = tpu.memref_slice %arg16[%gather3A_530, %gather3A_531] : memref<5x52xi32, #tpu.memory_space<vmem>> -> memref<1x52xi32, #tpu.memory_space<vmem>>
      %gather3A_533 = tpu.memref_squeeze %gather3A_532 : memref<1x52xi32, #tpu.memory_space<vmem>> -> memref<52xi32, #tpu.memory_space<vmem>>
      %gather3A_534 = tpu.vector_load_idx %gather3A_533[%get3A_499] : memref<52xi32, #tpu.memory_space<vmem>>[vector<16xi32>], vector<16xi32>,
      %bitcast3A_535 = vector.bitcast %gather3A_534 : vector<16xi32> to vector<32xbf16>
      %unpack3A_536 = tpu.unpack_subelements %bitcast3A_535, 0 {pack_format = #tpu.pack_format<interleaved>} : vector<32xbf16> -> vector<16xf32>
      %unpack3A_537 = tpu.unpack_subelements %bitcast3A_535, 1 {pack_format = #tpu.pack_format<interleaved>} : vector<32xbf16> -> vector<16xf32>
      %add3A_538 = arith.addf %add3A_484, %unpack3A_536 : vector<16xf32>
      %add3A_539 = arith.addf %add3A_485, %unpack3A_537 : vector<16xf32>
      %gather3A_540 = arith.constant 4 : i32
      %gather3A_541 = arith.constant 0 : i32
      %gather3A_542 = tpu.memref_slice %arg16[%gather3A_540, %gather3A_541] : memref<5x52xi32, #tpu.memory_space<vmem>> -> memref<1x52xi32, #tpu.memory_space<vmem>>
      %gather3A_543 = tpu.memref_squeeze %gather3A_542 : memref<1x52xi32, #tpu.memory_space<vmem>> -> memref<52xi32, #tpu.memory_space<vmem>>
      %gather3A_544 = tpu.vector_load_idx %gather3A_543[%get3A_499] : memref<52xi32, #tpu.memory_space<vmem>>[vector<16xi32>], vector<16xi32>,
      %bitcast3A_545 = vector.bitcast %gather3A_544 : vector<16xi32> to vector<32xbf16>
      %unpack3A_546 = tpu.unpack_subelements %bitcast3A_545, 0 {pack_format = #tpu.pack_format<interleaved>} : vector<32xbf16> -> vector<16xf32>
      %unpack3A_547 = tpu.unpack_subelements %bitcast3A_545, 1 {pack_format = #tpu.pack_format<interleaved>} : vector<32xbf16> -> vector<16xf32>
      %add3A_548 = arith.addf %add3A_494, %unpack3A_546 : vector<16xf32>
      %add3A_549 = arith.addf %add3A_495, %unpack3A_547 : vector<16xf32>
      %get3A_550 = arith.constant 10 : i32
      %get3A_551 = arith.index_cast %get3A_550 : i32 to index
      %get3A_552 = arith.index_cast %add3A_12 : i32 to index
      %get3A_553 = tpu.vector_load %arg11[%get3A_551, %get3A_552] {strides = array<i32>} : memref<20x512xi32, #tpu.memory_space<vmem>>, vector<16xi32>,
      %gather3A_554 = arith.constant 0 : i32
      %gather3A_555 = arith.constant 0 : i32
      %gather3A_556 = tpu.memref_slice %arg16[%gather3A_554, %gather3A_555] : memref<5x52xi32, #tpu.memory_space<vmem>> -> memref<1x52xi32, #tpu.memory_space<vmem>>
      %gather3A_557 = tpu.memref_squeeze %gather3A_556 : memref<1x52xi32, #tpu.memory_space<vmem>> -> memref<52xi32, #tpu.memory_space<vmem>>
      %gather3A_558 = tpu.vector_load_idx %gather3A_557[%get3A_553] : memref<52xi32, #tpu.memory_space<vmem>>[vector<16xi32>], vector<16xi32>,
      %bitcast3A_559 = vector.bitcast %gather3A_558 : vector<16xi32> to vector<32xbf16>
      %unpack3A_560 = tpu.unpack_subelements %bitcast3A_559, 0 {pack_format = #tpu.pack_format<interleaved>} : vector<32xbf16> -> vector<16xf32>
      %unpack3A_561 = tpu.unpack_subelements %bitcast3A_559, 1 {pack_format = #tpu.pack_format<interleaved>} : vector<32xbf16> -> vector<16xf32>
      %add3A_562 = arith.addf %add3A_508, %unpack3A_560 : vector<16xf32>
      %add3A_563 = arith.addf %add3A_509, %unpack3A_561 : vector<16xf32>
      %gather3A_564 = arith.constant 1 : i32
      %gather3A_565 = arith.constant 0 : i32
      %gather3A_566 = tpu.memref_slice %arg16[%gather3A_564, %gather3A_565] : memref<5x52xi32, #tpu.memory_space<vmem>> -> memref<1x52xi32, #tpu.memory_space<vmem>>
      %gather3A_567 = tpu.memref_squeeze %gather3A_566 : memref<1x52xi32, #tpu.memory_space<vmem>> -> memref<52xi32, #tpu.memory_space<vmem>>
      %gather3A_568 = tpu.vector_load_idx %gather3A_567[%get3A_553] : memref<52xi32, #tpu.memory_space<vmem>>[vector<16xi32>], vector<16xi32>,
      %bitcast3A_569 = vector.bitcast %gather3A_568 : vector<16xi32> to vector<32xbf16>
      %unpack3A_570 = tpu.unpack_subelements %bitcast3A_569, 0 {pack_format = #tpu.pack_format<interleaved>} : vector<32xbf16> -> vector<16xf32>
      %unpack3A_571 = tpu.unpack_subelements %bitcast3A_569, 1 {pack_format = #tpu.pack_format<interleaved>} : vector<32xbf16> -> vector<16xf32>
      %add3A_572 = arith.addf %add3A_518, %unpack3A_570 : vector<16xf32>
      %add3A_573 = arith.addf %add3A_519, %unpack3A_571 : vector<16xf32>
      %gather3A_574 = arith.constant 2 : i32
      %gather3A_575 = arith.constant 0 : i32
      %gather3A_576 = tpu.memref_slice %arg16[%gather3A_574, %gather3A_575] : memref<5x52xi32, #tpu.memory_space<vmem>> -> memref<1x52xi32, #tpu.memory_space<vmem>>
      %gather3A_577 = tpu.memref_squeeze %gather3A_576 : memref<1x52xi32, #tpu.memory_space<vmem>> -> memref<52xi32, #tpu.memory_space<vmem>>
      %gather3A_578 = tpu.vector_load_idx %gather3A_577[%get3A_553] : memref<52xi32, #tpu.memory_space<vmem>>[vector<16xi32>], vector<16xi32>,
      %bitcast3A_579 = vector.bitcast %gather3A_578 : vector<16xi32> to vector<32xbf16>
      %unpack3A_580 = tpu.unpack_subelements %bitcast3A_579, 0 {pack_format = #tpu.pack_format<interleaved>} : vector<32xbf16> -> vector<16xf32>
      %unpack3A_581 = tpu.unpack_subelements %bitcast3A_579, 1 {pack_format = #tpu.pack_format<interleaved>} : vector<32xbf16> -> vector<16xf32>
      %add3A_582 = arith.addf %add3A_528, %unpack3A_580 : vector<16xf32>
      %add3A_583 = arith.addf %add3A_529, %unpack3A_581 : vector<16xf32>
      %gather3A_584 = arith.constant 3 : i32
      %gather3A_585 = arith.constant 0 : i32
      %gather3A_586 = tpu.memref_slice %arg16[%gather3A_584, %gather3A_585] : memref<5x52xi32, #tpu.memory_space<vmem>> -> memref<1x52xi32, #tpu.memory_space<vmem>>
      %gather3A_587 = tpu.memref_squeeze %gather3A_586 : memref<1x52xi32, #tpu.memory_space<vmem>> -> memref<52xi32, #tpu.memory_space<vmem>>
      %gather3A_588 = tpu.vector_load_idx %gather3A_587[%get3A_553] : memref<52xi32, #tpu.memory_space<vmem>>[vector<16xi32>], vector<16xi32>,
      %bitcast3A_589 = vector.bitcast %gather3A_588 : vector<16xi32> to vector<32xbf16>
      %unpack3A_590 = tpu.unpack_subelements %bitcast3A_589, 0 {pack_format = #tpu.pack_format<interleaved>} : vector<32xbf16> -> vector<16xf32>
      %unpack3A_591 = tpu.unpack_subelements %bitcast3A_589, 1 {pack_format = #tpu.pack_format<interleaved>} : vector<32xbf16> -> vector<16xf32>
      %add3A_592 = arith.addf %add3A_538, %unpack3A_590 : vector<16xf32>
      %add3A_593 = arith.addf %add3A_539, %unpack3A_591 : vector<16xf32>
      %gather3A_594 = arith.constant 4 : i32
      %gather3A_595 = arith.constant 0 : i32
      %gather3A_596 = tpu.memref_slice %arg16[%gather3A_594, %gather3A_595] : memref<5x52xi32, #tpu.memory_space<vmem>> -> memref<1x52xi32, #tpu.memory_space<vmem>>
      %gather3A_597 = tpu.memref_squeeze %gather3A_596 : memref<1x52xi32, #tpu.memory_space<vmem>> -> memref<52xi32, #tpu.memory_space<vmem>>
      %gather3A_598 = tpu.vector_load_idx %gather3A_597[%get3A_553] : memref<52xi32, #tpu.memory_space<vmem>>[vector<16xi32>], vector<16xi32>,
      %bitcast3A_599 = vector.bitcast %gather3A_598 : vector<16xi32> to vector<32xbf16>
      %unpack3A_600 = tpu.unpack_subelements %bitcast3A_599, 0 {pack_format = #tpu.pack_format<interleaved>} : vector<32xbf16> -> vector<16xf32>
      %unpack3A_601 = tpu.unpack_subelements %bitcast3A_599, 1 {pack_format = #tpu.pack_format<interleaved>} : vector<32xbf16> -> vector<16xf32>
      %add3A_602 = arith.addf %add3A_548, %unpack3A_600 : vector<16xf32>
      %add3A_603 = arith.addf %add3A_549, %unpack3A_601 : vector<16xf32>
      %get3A_604 = arith.constant 11 : i32
      %get3A_605 = arith.index_cast %get3A_604 : i32 to index
      %get3A_606 = arith.index_cast %add3A_12 : i32 to index
      %get3A_607 = tpu.vector_load %arg11[%get3A_605, %get3A_606] {strides = array<i32>} : memref<20x512xi32, #tpu.memory_space<vmem>>, vector<16xi32>,
      %gather3A_608 = arith.constant 0 : i32
      %gather3A_609 = arith.constant 0 : i32
      %gather3A_610 = tpu.memref_slice %arg16[%gather3A_608, %gather3A_609] : memref<5x52xi32, #tpu.memory_space<vmem>> -> memref<1x52xi32, #tpu.memory_space<vmem>>
      %gather3A_611 = tpu.memref_squeeze %gather3A_610 : memref<1x52xi32, #tpu.memory_space<vmem>> -> memref<52xi32, #tpu.memory_space<vmem>>
      %gather3A_612 = tpu.vector_load_idx %gather3A_611[%get3A_607] : memref<52xi32, #tpu.memory_space<vmem>>[vector<16xi32>], vector<16xi32>,
      %bitcast3A_613 = vector.bitcast %gather3A_612 : vector<16xi32> to vector<32xbf16>
      %unpack3A_614 = tpu.unpack_subelements %bitcast3A_613, 0 {pack_format = #tpu.pack_format<interleaved>} : vector<32xbf16> -> vector<16xf32>
      %unpack3A_615 = tpu.unpack_subelements %bitcast3A_613, 1 {pack_format = #tpu.pack_format<interleaved>} : vector<32xbf16> -> vector<16xf32>
      %add3A_616 = arith.addf %add3A_562, %unpack3A_614 : vector<16xf32>
      %add3A_617 = arith.addf %add3A_563, %unpack3A_615 : vector<16xf32>
      %gather3A_618 = arith.constant 1 : i32
      %gather3A_619 = arith.constant 0 : i32
      %gather3A_620 = tpu.memref_slice %arg16[%gather3A_618, %gather3A_619] : memref<5x52xi32, #tpu.memory_space<vmem>> -> memref<1x52xi32, #tpu.memory_space<vmem>>
      %gather3A_621 = tpu.memref_squeeze %gather3A_620 : memref<1x52xi32, #tpu.memory_space<vmem>> -> memref<52xi32, #tpu.memory_space<vmem>>
      %gather3A_622 = tpu.vector_load_idx %gather3A_621[%get3A_607] : memref<52xi32, #tpu.memory_space<vmem>>[vector<16xi32>], vector<16xi32>,
      %bitcast3A_623 = vector.bitcast %gather3A_622 : vector<16xi32> to vector<32xbf16>
      %unpack3A_624 = tpu.unpack_subelements %bitcast3A_623, 0 {pack_format = #tpu.pack_format<interleaved>} : vector<32xbf16> -> vector<16xf32>
      %unpack3A_625 = tpu.unpack_subelements %bitcast3A_623, 1 {pack_format = #tpu.pack_format<interleaved>} : vector<32xbf16> -> vector<16xf32>
      %add3A_626 = arith.addf %add3A_572, %unpack3A_624 : vector<16xf32>
      %add3A_627 = arith.addf %add3A_573, %unpack3A_625 : vector<16xf32>
      %gather3A_628 = arith.constant 2 : i32
      %gather3A_629 = arith.constant 0 : i32
      %gather3A_630 = tpu.memref_slice %arg16[%gather3A_628, %gather3A_629] : memref<5x52xi32, #tpu.memory_space<vmem>> -> memref<1x52xi32, #tpu.memory_space<vmem>>
      %gather3A_631 = tpu.memref_squeeze %gather3A_630 : memref<1x52xi32, #tpu.memory_space<vmem>> -> memref<52xi32, #tpu.memory_space<vmem>>
      %gather3A_632 = tpu.vector_load_idx %gather3A_631[%get3A_607] : memref<52xi32, #tpu.memory_space<vmem>>[vector<16xi32>], vector<16xi32>,
      %bitcast3A_633 = vector.bitcast %gather3A_632 : vector<16xi32> to vector<32xbf16>
      %unpack3A_634 = tpu.unpack_subelements %bitcast3A_633, 0 {pack_format = #tpu.pack_format<interleaved>} : vector<32xbf16> -> vector<16xf32>
      %unpack3A_635 = tpu.unpack_subelements %bitcast3A_633, 1 {pack_format = #tpu.pack_format<interleaved>} : vector<32xbf16> -> vector<16xf32>
      %add3A_636 = arith.addf %add3A_582, %unpack3A_634 : vector<16xf32>
      %add3A_637 = arith.addf %add3A_583, %unpack3A_635 : vector<16xf32>
      %gather3A_638 = arith.constant 3 : i32
      %gather3A_639 = arith.constant 0 : i32
      %gather3A_640 = tpu.memref_slice %arg16[%gather3A_638, %gather3A_639] : memref<5x52xi32, #tpu.memory_space<vmem>> -> memref<1x52xi32, #tpu.memory_space<vmem>>
      %gather3A_641 = tpu.memref_squeeze %gather3A_640 : memref<1x52xi32, #tpu.memory_space<vmem>> -> memref<52xi32, #tpu.memory_space<vmem>>
      %gather3A_642 = tpu.vector_load_idx %gather3A_641[%get3A_607] : memref<52xi32, #tpu.memory_space<vmem>>[vector<16xi32>], vector<16xi32>,
      %bitcast3A_643 = vector.bitcast %gather3A_642 : vector<16xi32> to vector<32xbf16>
      %unpack3A_644 = tpu.unpack_subelements %bitcast3A_643, 0 {pack_format = #tpu.pack_format<interleaved>} : vector<32xbf16> -> vector<16xf32>
      %unpack3A_645 = tpu.unpack_subelements %bitcast3A_643, 1 {pack_format = #tpu.pack_format<interleaved>} : vector<32xbf16> -> vector<16xf32>
      %add3A_646 = arith.addf %add3A_592, %unpack3A_644 : vector<16xf32>
      %add3A_647 = arith.addf %add3A_593, %unpack3A_645 : vector<16xf32>
      %gather3A_648 = arith.constant 4 : i32
      %gather3A_649 = arith.constant 0 : i32
      %gather3A_650 = tpu.memref_slice %arg16[%gather3A_648, %gather3A_649] : memref<5x52xi32, #tpu.memory_space<vmem>> -> memref<1x52xi32, #tpu.memory_space<vmem>>
      %gather3A_651 = tpu.memref_squeeze %gather3A_650 : memref<1x52xi32, #tpu.memory_space<vmem>> -> memref<52xi32, #tpu.memory_space<vmem>>
      %gather3A_652 = tpu.vector_load_idx %gather3A_651[%get3A_607] : memref<52xi32, #tpu.memory_space<vmem>>[vector<16xi32>], vector<16xi32>,
      %bitcast3A_653 = vector.bitcast %gather3A_652 : vector<16xi32> to vector<32xbf16>
      %unpack3A_654 = tpu.unpack_subelements %bitcast3A_653, 0 {pack_format = #tpu.pack_format<interleaved>} : vector<32xbf16> -> vector<16xf32>
      %unpack3A_655 = tpu.unpack_subelements %bitcast3A_653, 1 {pack_format = #tpu.pack_format<interleaved>} : vector<32xbf16> -> vector<16xf32>
      %add3A_656 = arith.addf %add3A_602, %unpack3A_654 : vector<16xf32>
      %add3A_657 = arith.addf %add3A_603, %unpack3A_655 : vector<16xf32>
      %get3A_658 = arith.constant 12 : i32
      %get3A_659 = arith.index_cast %get3A_658 : i32 to index
      %get3A_660 = arith.index_cast %add3A_12 : i32 to index
      %get3A_661 = tpu.vector_load %arg11[%get3A_659, %get3A_660] {strides = array<i32>} : memref<20x512xi32, #tpu.memory_space<vmem>>, vector<16xi32>,
      %gather3A_662 = arith.constant 0 : i32
      %gather3A_663 = arith.constant 0 : i32
      %gather3A_664 = tpu.memref_slice %arg16[%gather3A_662, %gather3A_663] : memref<5x52xi32, #tpu.memory_space<vmem>> -> memref<1x52xi32, #tpu.memory_space<vmem>>
      %gather3A_665 = tpu.memref_squeeze %gather3A_664 : memref<1x52xi32, #tpu.memory_space<vmem>> -> memref<52xi32, #tpu.memory_space<vmem>>
      %gather3A_666 = tpu.vector_load_idx %gather3A_665[%get3A_661] : memref<52xi32, #tpu.memory_space<vmem>>[vector<16xi32>], vector<16xi32>,
      %bitcast3A_667 = vector.bitcast %gather3A_666 : vector<16xi32> to vector<32xbf16>
      %unpack3A_668 = tpu.unpack_subelements %bitcast3A_667, 0 {pack_format = #tpu.pack_format<interleaved>} : vector<32xbf16> -> vector<16xf32>
      %unpack3A_669 = tpu.unpack_subelements %bitcast3A_667, 1 {pack_format = #tpu.pack_format<interleaved>} : vector<32xbf16> -> vector<16xf32>
      %add3A_670 = arith.addf %add3A_616, %unpack3A_668 : vector<16xf32>
      %add3A_671 = arith.addf %add3A_617, %unpack3A_669 : vector<16xf32>
      %gather3A_672 = arith.constant 1 : i32
      %gather3A_673 = arith.constant 0 : i32
      %gather3A_674 = tpu.memref_slice %arg16[%gather3A_672, %gather3A_673] : memref<5x52xi32, #tpu.memory_space<vmem>> -> memref<1x52xi32, #tpu.memory_space<vmem>>
      %gather3A_675 = tpu.memref_squeeze %gather3A_674 : memref<1x52xi32, #tpu.memory_space<vmem>> -> memref<52xi32, #tpu.memory_space<vmem>>
      %gather3A_676 = tpu.vector_load_idx %gather3A_675[%get3A_661] : memref<52xi32, #tpu.memory_space<vmem>>[vector<16xi32>], vector<16xi32>,
      %bitcast3A_677 = vector.bitcast %gather3A_676 : vector<16xi32> to vector<32xbf16>
      %unpack3A_678 = tpu.unpack_subelements %bitcast3A_677, 0 {pack_format = #tpu.pack_format<interleaved>} : vector<32xbf16> -> vector<16xf32>
      %unpack3A_679 = tpu.unpack_subelements %bitcast3A_677, 1 {pack_format = #tpu.pack_format<interleaved>} : vector<32xbf16> -> vector<16xf32>
      %add3A_680 = arith.addf %add3A_626, %unpack3A_678 : vector<16xf32>
      %add3A_681 = arith.addf %add3A_627, %unpack3A_679 : vector<16xf32>
      %gather3A_682 = arith.constant 2 : i32
      %gather3A_683 = arith.constant 0 : i32
      %gather3A_684 = tpu.memref_slice %arg16[%gather3A_682, %gather3A_683] : memref<5x52xi32, #tpu.memory_space<vmem>> -> memref<1x52xi32, #tpu.memory_space<vmem>>
      %gather3A_685 = tpu.memref_squeeze %gather3A_684 : memref<1x52xi32, #tpu.memory_space<vmem>> -> memref<52xi32, #tpu.memory_space<vmem>>
      %gather3A_686 = tpu.vector_load_idx %gather3A_685[%get3A_661] : memref<52xi32, #tpu.memory_space<vmem>>[vector<16xi32>], vector<16xi32>,
      %bitcast3A_687 = vector.bitcast %gather3A_686 : vector<16xi32> to vector<32xbf16>
      %unpack3A_688 = tpu.unpack_subelements %bitcast3A_687, 0 {pack_format = #tpu.pack_format<interleaved>} : vector<32xbf16> -> vector<16xf32>
      %unpack3A_689 = tpu.unpack_subelements %bitcast3A_687, 1 {pack_format = #tpu.pack_format<interleaved>} : vector<32xbf16> -> vector<16xf32>
      %add3A_690 = arith.addf %add3A_636, %unpack3A_688 : vector<16xf32>
      %add3A_691 = arith.addf %add3A_637, %unpack3A_689 : vector<16xf32>
      %gather3A_692 = arith.constant 3 : i32
      %gather3A_693 = arith.constant 0 : i32
      %gather3A_694 = tpu.memref_slice %arg16[%gather3A_692, %gather3A_693] : memref<5x52xi32, #tpu.memory_space<vmem>> -> memref<1x52xi32, #tpu.memory_space<vmem>>
      %gather3A_695 = tpu.memref_squeeze %gather3A_694 : memref<1x52xi32, #tpu.memory_space<vmem>> -> memref<52xi32, #tpu.memory_space<vmem>>
      %gather3A_696 = tpu.vector_load_idx %gather3A_695[%get3A_661] : memref<52xi32, #tpu.memory_space<vmem>>[vector<16xi32>], vector<16xi32>,
      %bitcast3A_697 = vector.bitcast %gather3A_696 : vector<16xi32> to vector<32xbf16>
      %unpack3A_698 = tpu.unpack_subelements %bitcast3A_697, 0 {pack_format = #tpu.pack_format<interleaved>} : vector<32xbf16> -> vector<16xf32>
      %unpack3A_699 = tpu.unpack_subelements %bitcast3A_697, 1 {pack_format = #tpu.pack_format<interleaved>} : vector<32xbf16> -> vector<16xf32>
      %add3A_700 = arith.addf %add3A_646, %unpack3A_698 : vector<16xf32>
      %add3A_701 = arith.addf %add3A_647, %unpack3A_699 : vector<16xf32>
      %gather3A_702 = arith.constant 4 : i32
      %gather3A_703 = arith.constant 0 : i32
      %gather3A_704 = tpu.memref_slice %arg16[%gather3A_702, %gather3A_703] : memref<5x52xi32, #tpu.memory_space<vmem>> -> memref<1x52xi32, #tpu.memory_space<vmem>>
      %gather3A_705 = tpu.memref_squeeze %gather3A_704 : memref<1x52xi32, #tpu.memory_space<vmem>> -> memref<52xi32, #tpu.memory_space<vmem>>
      %gather3A_706 = tpu.vector_load_idx %gather3A_705[%get3A_661] : memref<52xi32, #tpu.memory_space<vmem>>[vector<16xi32>], vector<16xi32>,
      %bitcast3A_707 = vector.bitcast %gather3A_706 : vector<16xi32> to vector<32xbf16>
      %unpack3A_708 = tpu.unpack_subelements %bitcast3A_707, 0 {pack_format = #tpu.pack_format<interleaved>} : vector<32xbf16> -> vector<16xf32>
      %unpack3A_709 = tpu.unpack_subelements %bitcast3A_707, 1 {pack_format = #tpu.pack_format<interleaved>} : vector<32xbf16> -> vector<16xf32>
      %add3A_710 = arith.addf %add3A_656, %unpack3A_708 : vector<16xf32>
      %add3A_711 = arith.addf %add3A_657, %unpack3A_709 : vector<16xf32>
      %get3A_712 = arith.constant 13 : i32
      %get3A_713 = arith.index_cast %get3A_712 : i32 to index
      %get3A_714 = arith.index_cast %add3A_12 : i32 to index
      %get3A_715 = tpu.vector_load %arg11[%get3A_713, %get3A_714] {strides = array<i32>} : memref<20x512xi32, #tpu.memory_space<vmem>>, vector<16xi32>,
      %gather3A_716 = arith.constant 0 : i32
      %gather3A_717 = arith.constant 0 : i32
      %gather3A_718 = tpu.memref_slice %arg16[%gather3A_716, %gather3A_717] : memref<5x52xi32, #tpu.memory_space<vmem>> -> memref<1x52xi32, #tpu.memory_space<vmem>>
      %gather3A_719 = tpu.memref_squeeze %gather3A_718 : memref<1x52xi32, #tpu.memory_space<vmem>> -> memref<52xi32, #tpu.memory_space<vmem>>
      %gather3A_720 = tpu.vector_load_idx %gather3A_719[%get3A_715] : memref<52xi32, #tpu.memory_space<vmem>>[vector<16xi32>], vector<16xi32>,
      %bitcast3A_721 = vector.bitcast %gather3A_720 : vector<16xi32> to vector<32xbf16>
      %unpack3A_722 = tpu.unpack_subelements %bitcast3A_721, 0 {pack_format = #tpu.pack_format<interleaved>} : vector<32xbf16> -> vector<16xf32>
      %unpack3A_723 = tpu.unpack_subelements %bitcast3A_721, 1 {pack_format = #tpu.pack_format<interleaved>} : vector<32xbf16> -> vector<16xf32>
      %add3A_724 = arith.addf %add3A_670, %unpack3A_722 : vector<16xf32>
      %add3A_725 = arith.addf %add3A_671, %unpack3A_723 : vector<16xf32>
      %gather3A_726 = arith.constant 1 : i32
      %gather3A_727 = arith.constant 0 : i32
      %gather3A_728 = tpu.memref_slice %arg16[%gather3A_726, %gather3A_727] : memref<5x52xi32, #tpu.memory_space<vmem>> -> memref<1x52xi32, #tpu.memory_space<vmem>>
      %gather3A_729 = tpu.memref_squeeze %gather3A_728 : memref<1x52xi32, #tpu.memory_space<vmem>> -> memref<52xi32, #tpu.memory_space<vmem>>
      %gather3A_730 = tpu.vector_load_idx %gather3A_729[%get3A_715] : memref<52xi32, #tpu.memory_space<vmem>>[vector<16xi32>], vector<16xi32>,
      %bitcast3A_731 = vector.bitcast %gather3A_730 : vector<16xi32> to vector<32xbf16>
      %unpack3A_732 = tpu.unpack_subelements %bitcast3A_731, 0 {pack_format = #tpu.pack_format<interleaved>} : vector<32xbf16> -> vector<16xf32>
      %unpack3A_733 = tpu.unpack_subelements %bitcast3A_731, 1 {pack_format = #tpu.pack_format<interleaved>} : vector<32xbf16> -> vector<16xf32>
      %add3A_734 = arith.addf %add3A_680, %unpack3A_732 : vector<16xf32>
      %add3A_735 = arith.addf %add3A_681, %unpack3A_733 : vector<16xf32>
      %gather3A_736 = arith.constant 2 : i32
      %gather3A_737 = arith.constant 0 : i32
      %gather3A_738 = tpu.memref_slice %arg16[%gather3A_736, %gather3A_737] : memref<5x52xi32, #tpu.memory_space<vmem>> -> memref<1x52xi32, #tpu.memory_space<vmem>>
      %gather3A_739 = tpu.memref_squeeze %gather3A_738 : memref<1x52xi32, #tpu.memory_space<vmem>> -> memref<52xi32, #tpu.memory_space<vmem>>
      %gather3A_740 = tpu.vector_load_idx %gather3A_739[%get3A_715] : memref<52xi32, #tpu.memory_space<vmem>>[vector<16xi32>], vector<16xi32>,
      %bitcast3A_741 = vector.bitcast %gather3A_740 : vector<16xi32> to vector<32xbf16>
      %unpack3A_742 = tpu.unpack_subelements %bitcast3A_741, 0 {pack_format = #tpu.pack_format<interleaved>} : vector<32xbf16> -> vector<16xf32>
      %unpack3A_743 = tpu.unpack_subelements %bitcast3A_741, 1 {pack_format = #tpu.pack_format<interleaved>} : vector<32xbf16> -> vector<16xf32>
      %add3A_744 = arith.addf %add3A_690, %unpack3A_742 : vector<16xf32>
      %add3A_745 = arith.addf %add3A_691, %unpack3A_743 : vector<16xf32>
      %gather3A_746 = arith.constant 3 : i32
      %gather3A_747 = arith.constant 0 : i32
      %gather3A_748 = tpu.memref_slice %arg16[%gather3A_746, %gather3A_747] : memref<5x52xi32, #tpu.memory_space<vmem>> -> memref<1x52xi32, #tpu.memory_space<vmem>>
      %gather3A_749 = tpu.memref_squeeze %gather3A_748 : memref<1x52xi32, #tpu.memory_space<vmem>> -> memref<52xi32, #tpu.memory_space<vmem>>
      %gather3A_750 = tpu.vector_load_idx %gather3A_749[%get3A_715] : memref<52xi32, #tpu.memory_space<vmem>>[vector<16xi32>], vector<16xi32>,
      %bitcast3A_751 = vector.bitcast %gather3A_750 : vector<16xi32> to vector<32xbf16>
      %unpack3A_752 = tpu.unpack_subelements %bitcast3A_751, 0 {pack_format = #tpu.pack_format<interleaved>} : vector<32xbf16> -> vector<16xf32>
      %unpack3A_753 = tpu.unpack_subelements %bitcast3A_751, 1 {pack_format = #tpu.pack_format<interleaved>} : vector<32xbf16> -> vector<16xf32>
      %add3A_754 = arith.addf %add3A_700, %unpack3A_752 : vector<16xf32>
      %add3A_755 = arith.addf %add3A_701, %unpack3A_753 : vector<16xf32>
      %gather3A_756 = arith.constant 4 : i32
      %gather3A_757 = arith.constant 0 : i32
      %gather3A_758 = tpu.memref_slice %arg16[%gather3A_756, %gather3A_757] : memref<5x52xi32, #tpu.memory_space<vmem>> -> memref<1x52xi32, #tpu.memory_space<vmem>>
      %gather3A_759 = tpu.memref_squeeze %gather3A_758 : memref<1x52xi32, #tpu.memory_space<vmem>> -> memref<52xi32, #tpu.memory_space<vmem>>
      %gather3A_760 = tpu.vector_load_idx %gather3A_759[%get3A_715] : memref<52xi32, #tpu.memory_space<vmem>>[vector<16xi32>], vector<16xi32>,
      %bitcast3A_761 = vector.bitcast %gather3A_760 : vector<16xi32> to vector<32xbf16>
      %unpack3A_762 = tpu.unpack_subelements %bitcast3A_761, 0 {pack_format = #tpu.pack_format<interleaved>} : vector<32xbf16> -> vector<16xf32>
      %unpack3A_763 = tpu.unpack_subelements %bitcast3A_761, 1 {pack_format = #tpu.pack_format<interleaved>} : vector<32xbf16> -> vector<16xf32>
      %add3A_764 = arith.addf %add3A_710, %unpack3A_762 : vector<16xf32>
      %add3A_765 = arith.addf %add3A_711, %unpack3A_763 : vector<16xf32>
      %get3A_766 = arith.constant 14 : i32
      %get3A_767 = arith.index_cast %get3A_766 : i32 to index
      %get3A_768 = arith.index_cast %add3A_12 : i32 to index
      %get3A_769 = tpu.vector_load %arg11[%get3A_767, %get3A_768] {strides = array<i32>} : memref<20x512xi32, #tpu.memory_space<vmem>>, vector<16xi32>,
      %gather3A_770 = arith.constant 0 : i32
      %gather3A_771 = arith.constant 0 : i32
      %gather3A_772 = tpu.memref_slice %arg16[%gather3A_770, %gather3A_771] : memref<5x52xi32, #tpu.memory_space<vmem>> -> memref<1x52xi32, #tpu.memory_space<vmem>>
      %gather3A_773 = tpu.memref_squeeze %gather3A_772 : memref<1x52xi32, #tpu.memory_space<vmem>> -> memref<52xi32, #tpu.memory_space<vmem>>
      %gather3A_774 = tpu.vector_load_idx %gather3A_773[%get3A_769] : memref<52xi32, #tpu.memory_space<vmem>>[vector<16xi32>], vector<16xi32>,
      %bitcast3A_775 = vector.bitcast %gather3A_774 : vector<16xi32> to vector<32xbf16>
      %unpack3A_776 = tpu.unpack_subelements %bitcast3A_775, 0 {pack_format = #tpu.pack_format<interleaved>} : vector<32xbf16> -> vector<16xf32>
      %unpack3A_777 = tpu.unpack_subelements %bitcast3A_775, 1 {pack_format = #tpu.pack_format<interleaved>} : vector<32xbf16> -> vector<16xf32>
      %add3A_778 = arith.addf %add3A_724, %unpack3A_776 : vector<16xf32>
      %add3A_779 = arith.addf %add3A_725, %unpack3A_777 : vector<16xf32>
      %gather3A_780 = arith.constant 1 : i32
      %gather3A_781 = arith.constant 0 : i32
      %gather3A_782 = tpu.memref_slice %arg16[%gather3A_780, %gather3A_781] : memref<5x52xi32, #tpu.memory_space<vmem>> -> memref<1x52xi32, #tpu.memory_space<vmem>>
      %gather3A_783 = tpu.memref_squeeze %gather3A_782 : memref<1x52xi32, #tpu.memory_space<vmem>> -> memref<52xi32, #tpu.memory_space<vmem>>
      %gather3A_784 = tpu.vector_load_idx %gather3A_783[%get3A_769] : memref<52xi32, #tpu.memory_space<vmem>>[vector<16xi32>], vector<16xi32>,
      %bitcast3A_785 = vector.bitcast %gather3A_784 : vector<16xi32> to vector<32xbf16>
      %unpack3A_786 = tpu.unpack_subelements %bitcast3A_785, 0 {pack_format = #tpu.pack_format<interleaved>} : vector<32xbf16> -> vector<16xf32>
      %unpack3A_787 = tpu.unpack_subelements %bitcast3A_785, 1 {pack_format = #tpu.pack_format<interleaved>} : vector<32xbf16> -> vector<16xf32>
      %add3A_788 = arith.addf %add3A_734, %unpack3A_786 : vector<16xf32>
      %add3A_789 = arith.addf %add3A_735, %unpack3A_787 : vector<16xf32>
      %gather3A_790 = arith.constant 2 : i32
      %gather3A_791 = arith.constant 0 : i32
      %gather3A_792 = tpu.memref_slice %arg16[%gather3A_790, %gather3A_791] : memref<5x52xi32, #tpu.memory_space<vmem>> -> memref<1x52xi32, #tpu.memory_space<vmem>>
      %gather3A_793 = tpu.memref_squeeze %gather3A_792 : memref<1x52xi32, #tpu.memory_space<vmem>> -> memref<52xi32, #tpu.memory_space<vmem>>
      %gather3A_794 = tpu.vector_load_idx %gather3A_793[%get3A_769] : memref<52xi32, #tpu.memory_space<vmem>>[vector<16xi32>], vector<16xi32>,
      %bitcast3A_795 = vector.bitcast %gather3A_794 : vector<16xi32> to vector<32xbf16>
      %unpack3A_796 = tpu.unpack_subelements %bitcast3A_795, 0 {pack_format = #tpu.pack_format<interleaved>} : vector<32xbf16> -> vector<16xf32>
      %unpack3A_797 = tpu.unpack_subelements %bitcast3A_795, 1 {pack_format = #tpu.pack_format<interleaved>} : vector<32xbf16> -> vector<16xf32>
      %add3A_798 = arith.addf %add3A_744, %unpack3A_796 : vector<16xf32>
      %add3A_799 = arith.addf %add3A_745, %unpack3A_797 : vector<16xf32>
      %gather3A_800 = arith.constant 3 : i32
      %gather3A_801 = arith.constant 0 : i32
      %gather3A_802 = tpu.memref_slice %arg16[%gather3A_800, %gather3A_801] : memref<5x52xi32, #tpu.memory_space<vmem>> -> memref<1x52xi32, #tpu.memory_space<vmem>>
      %gather3A_803 = tpu.memref_squeeze %gather3A_802 : memref<1x52xi32, #tpu.memory_space<vmem>> -> memref<52xi32, #tpu.memory_space<vmem>>
      %gather3A_804 = tpu.vector_load_idx %gather3A_803[%get3A_769] : memref<52xi32, #tpu.memory_space<vmem>>[vector<16xi32>], vector<16xi32>,
      %bitcast3A_805 = vector.bitcast %gather3A_804 : vector<16xi32> to vector<32xbf16>
      %unpack3A_806 = tpu.unpack_subelements %bitcast3A_805, 0 {pack_format = #tpu.pack_format<interleaved>} : vector<32xbf16> -> vector<16xf32>
      %unpack3A_807 = tpu.unpack_subelements %bitcast3A_805, 1 {pack_format = #tpu.pack_format<interleaved>} : vector<32xbf16> -> vector<16xf32>
      %add3A_808 = arith.addf %add3A_754, %unpack3A_806 : vector<16xf32>
      %add3A_809 = arith.addf %add3A_755, %unpack3A_807 : vector<16xf32>
      %gather3A_810 = arith.constant 4 : i32
      %gather3A_811 = arith.constant 0 : i32
      %gather3A_812 = tpu.memref_slice %arg16[%gather3A_810, %gather3A_811] : memref<5x52xi32, #tpu.memory_space<vmem>> -> memref<1x52xi32, #tpu.memory_space<vmem>>
      %gather3A_813 = tpu.memref_squeeze %gather3A_812 : memref<1x52xi32, #tpu.memory_space<vmem>> -> memref<52xi32, #tpu.memory_space<vmem>>
      %gather3A_814 = tpu.vector_load_idx %gather3A_813[%get3A_769] : memref<52xi32, #tpu.memory_space<vmem>>[vector<16xi32>], vector<16xi32>,
      %bitcast3A_815 = vector.bitcast %gather3A_814 : vector<16xi32> to vector<32xbf16>
      %unpack3A_816 = tpu.unpack_subelements %bitcast3A_815, 0 {pack_format = #tpu.pack_format<interleaved>} : vector<32xbf16> -> vector<16xf32>
      %unpack3A_817 = tpu.unpack_subelements %bitcast3A_815, 1 {pack_format = #tpu.pack_format<interleaved>} : vector<32xbf16> -> vector<16xf32>
      %add3A_818 = arith.addf %add3A_764, %unpack3A_816 : vector<16xf32>
      %add3A_819 = arith.addf %add3A_765, %unpack3A_817 : vector<16xf32>
      %get3A_820 = arith.constant 15 : i32
      %get3A_821 = arith.index_cast %get3A_820 : i32 to index
      %get3A_822 = arith.index_cast %add3A_12 : i32 to index
      %get3A_823 = tpu.vector_load %arg11[%get3A_821, %get3A_822] {strides = array<i32>} : memref<20x512xi32, #tpu.memory_space<vmem>>, vector<16xi32>,
      %gather3A_824 = arith.constant 0 : i32
      %gather3A_825 = arith.constant 0 : i32
      %gather3A_826 = tpu.memref_slice %arg16[%gather3A_824, %gather3A_825] : memref<5x52xi32, #tpu.memory_space<vmem>> -> memref<1x52xi32, #tpu.memory_space<vmem>>
      %gather3A_827 = tpu.memref_squeeze %gather3A_826 : memref<1x52xi32, #tpu.memory_space<vmem>> -> memref<52xi32, #tpu.memory_space<vmem>>
      %gather3A_828 = tpu.vector_load_idx %gather3A_827[%get3A_823] : memref<52xi32, #tpu.memory_space<vmem>>[vector<16xi32>], vector<16xi32>,
      %bitcast3A_829 = vector.bitcast %gather3A_828 : vector<16xi32> to vector<32xbf16>
      %unpack3A_830 = tpu.unpack_subelements %bitcast3A_829, 0 {pack_format = #tpu.pack_format<interleaved>} : vector<32xbf16> -> vector<16xf32>
      %unpack3A_831 = tpu.unpack_subelements %bitcast3A_829, 1 {pack_format = #tpu.pack_format<interleaved>} : vector<32xbf16> -> vector<16xf32>
      %add3A_832 = arith.addf %add3A_778, %unpack3A_830 : vector<16xf32>
      %add3A_833 = arith.addf %add3A_779, %unpack3A_831 : vector<16xf32>
      %gather3A_834 = arith.constant 1 : i32
      %gather3A_835 = arith.constant 0 : i32
      %gather3A_836 = tpu.memref_slice %arg16[%gather3A_834, %gather3A_835] : memref<5x52xi32, #tpu.memory_space<vmem>> -> memref<1x52xi32, #tpu.memory_space<vmem>>
      %gather3A_837 = tpu.memref_squeeze %gather3A_836 : memref<1x52xi32, #tpu.memory_space<vmem>> -> memref<52xi32, #tpu.memory_space<vmem>>
      %gather3A_838 = tpu.vector_load_idx %gather3A_837[%get3A_823] : memref<52xi32, #tpu.memory_space<vmem>>[vector<16xi32>], vector<16xi32>,
      %bitcast3A_839 = vector.bitcast %gather3A_838 : vector<16xi32> to vector<32xbf16>
      %unpack3A_840 = tpu.unpack_subelements %bitcast3A_839, 0 {pack_format = #tpu.pack_format<interleaved>} : vector<32xbf16> -> vector<16xf32>
      %unpack3A_841 = tpu.unpack_subelements %bitcast3A_839, 1 {pack_format = #tpu.pack_format<interleaved>} : vector<32xbf16> -> vector<16xf32>
      %add3A_842 = arith.addf %add3A_788, %unpack3A_840 : vector<16xf32>
      %add3A_843 = arith.addf %add3A_789, %unpack3A_841 : vector<16xf32>
      %gather3A_844 = arith.constant 2 : i32
      %gather3A_845 = arith.constant 0 : i32
      %gather3A_846 = tpu.memref_slice %arg16[%gather3A_844, %gather3A_845] : memref<5x52xi32, #tpu.memory_space<vmem>> -> memref<1x52xi32, #tpu.memory_space<vmem>>
      %gather3A_847 = tpu.memref_squeeze %gather3A_846 : memref<1x52xi32, #tpu.memory_space<vmem>> -> memref<52xi32, #tpu.memory_space<vmem>>
      %gather3A_848 = tpu.vector_load_idx %gather3A_847[%get3A_823] : memref<52xi32, #tpu.memory_space<vmem>>[vector<16xi32>], vector<16xi32>,
      %bitcast3A_849 = vector.bitcast %gather3A_848 : vector<16xi32> to vector<32xbf16>
      %unpack3A_850 = tpu.unpack_subelements %bitcast3A_849, 0 {pack_format = #tpu.pack_format<interleaved>} : vector<32xbf16> -> vector<16xf32>
      %unpack3A_851 = tpu.unpack_subelements %bitcast3A_849, 1 {pack_format = #tpu.pack_format<interleaved>} : vector<32xbf16> -> vector<16xf32>
      %add3A_852 = arith.addf %add3A_798, %unpack3A_850 : vector<16xf32>
      %add3A_853 = arith.addf %add3A_799, %unpack3A_851 : vector<16xf32>
      %gather3A_854 = arith.constant 3 : i32
      %gather3A_855 = arith.constant 0 : i32
      %gather3A_856 = tpu.memref_slice %arg16[%gather3A_854, %gather3A_855] : memref<5x52xi32, #tpu.memory_space<vmem>> -> memref<1x52xi32, #tpu.memory_space<vmem>>
      %gather3A_857 = tpu.memref_squeeze %gather3A_856 : memref<1x52xi32, #tpu.memory_space<vmem>> -> memref<52xi32, #tpu.memory_space<vmem>>
      %gather3A_858 = tpu.vector_load_idx %gather3A_857[%get3A_823] : memref<52xi32, #tpu.memory_space<vmem>>[vector<16xi32>], vector<16xi32>,
      %bitcast3A_859 = vector.bitcast %gather3A_858 : vector<16xi32> to vector<32xbf16>
      %unpack3A_860 = tpu.unpack_subelements %bitcast3A_859, 0 {pack_format = #tpu.pack_format<interleaved>} : vector<32xbf16> -> vector<16xf32>
      %unpack3A_861 = tpu.unpack_subelements %bitcast3A_859, 1 {pack_format = #tpu.pack_format<interleaved>} : vector<32xbf16> -> vector<16xf32>
      %add3A_862 = arith.addf %add3A_808, %unpack3A_860 : vector<16xf32>
      %add3A_863 = arith.addf %add3A_809, %unpack3A_861 : vector<16xf32>
      %gather3A_864 = arith.constant 4 : i32
      %gather3A_865 = arith.constant 0 : i32
      %gather3A_866 = tpu.memref_slice %arg16[%gather3A_864, %gather3A_865] : memref<5x52xi32, #tpu.memory_space<vmem>> -> memref<1x52xi32, #tpu.memory_space<vmem>>
      %gather3A_867 = tpu.memref_squeeze %gather3A_866 : memref<1x52xi32, #tpu.memory_space<vmem>> -> memref<52xi32, #tpu.memory_space<vmem>>
      %gather3A_868 = tpu.vector_load_idx %gather3A_867[%get3A_823] : memref<52xi32, #tpu.memory_space<vmem>>[vector<16xi32>], vector<16xi32>,
      %bitcast3A_869 = vector.bitcast %gather3A_868 : vector<16xi32> to vector<32xbf16>
      %unpack3A_870 = tpu.unpack_subelements %bitcast3A_869, 0 {pack_format = #tpu.pack_format<interleaved>} : vector<32xbf16> -> vector<16xf32>
      %unpack3A_871 = tpu.unpack_subelements %bitcast3A_869, 1 {pack_format = #tpu.pack_format<interleaved>} : vector<32xbf16> -> vector<16xf32>
      %add3A_872 = arith.addf %add3A_818, %unpack3A_870 : vector<16xf32>
      %add3A_873 = arith.addf %add3A_819, %unpack3A_871 : vector<16xf32>
      %get3A_874 = arith.constant 16 : i32
      %get3A_875 = arith.index_cast %get3A_874 : i32 to index
      %get3A_876 = arith.index_cast %add3A_12 : i32 to index
      %get3A_877 = tpu.vector_load %arg11[%get3A_875, %get3A_876] {strides = array<i32>} : memref<20x512xi32, #tpu.memory_space<vmem>>, vector<16xi32>,
      %gather3A_878 = arith.constant 0 : i32
      %gather3A_879 = arith.constant 0 : i32
      %gather3A_880 = tpu.memref_slice %arg16[%gather3A_878, %gather3A_879] : memref<5x52xi32, #tpu.memory_space<vmem>> -> memref<1x52xi32, #tpu.memory_space<vmem>>
      %gather3A_881 = tpu.memref_squeeze %gather3A_880 : memref<1x52xi32, #tpu.memory_space<vmem>> -> memref<52xi32, #tpu.memory_space<vmem>>
      %gather3A_882 = tpu.vector_load_idx %gather3A_881[%get3A_877] : memref<52xi32, #tpu.memory_space<vmem>>[vector<16xi32>], vector<16xi32>,
      %bitcast3A_883 = vector.bitcast %gather3A_882 : vector<16xi32> to vector<32xbf16>
      %unpack3A_884 = tpu.unpack_subelements %bitcast3A_883, 0 {pack_format = #tpu.pack_format<interleaved>} : vector<32xbf16> -> vector<16xf32>
      %unpack3A_885 = tpu.unpack_subelements %bitcast3A_883, 1 {pack_format = #tpu.pack_format<interleaved>} : vector<32xbf16> -> vector<16xf32>
      %add3A_886 = arith.addf %add3A_832, %unpack3A_884 : vector<16xf32>
      %add3A_887 = arith.addf %add3A_833, %unpack3A_885 : vector<16xf32>
      %gather3A_888 = arith.constant 1 : i32
      %gather3A_889 = arith.constant 0 : i32
      %gather3A_890 = tpu.memref_slice %arg16[%gather3A_888, %gather3A_889] : memref<5x52xi32, #tpu.memory_space<vmem>> -> memref<1x52xi32, #tpu.memory_space<vmem>>
      %gather3A_891 = tpu.memref_squeeze %gather3A_890 : memref<1x52xi32, #tpu.memory_space<vmem>> -> memref<52xi32, #tpu.memory_space<vmem>>
      %gather3A_892 = tpu.vector_load_idx %gather3A_891[%get3A_877] : memref<52xi32, #tpu.memory_space<vmem>>[vector<16xi32>], vector<16xi32>,
      %bitcast3A_893 = vector.bitcast %gather3A_892 : vector<16xi32> to vector<32xbf16>
      %unpack3A_894 = tpu.unpack_subelements %bitcast3A_893, 0 {pack_format = #tpu.pack_format<interleaved>} : vector<32xbf16> -> vector<16xf32>
      %unpack3A_895 = tpu.unpack_subelements %bitcast3A_893, 1 {pack_format = #tpu.pack_format<interleaved>} : vector<32xbf16> -> vector<16xf32>
      %add3A_896 = arith.addf %add3A_842, %unpack3A_894 : vector<16xf32>
      %add3A_897 = arith.addf %add3A_843, %unpack3A_895 : vector<16xf32>
      %gather3A_898 = arith.constant 2 : i32
      %gather3A_899 = arith.constant 0 : i32
      %gather3A_900 = tpu.memref_slice %arg16[%gather3A_898, %gather3A_899] : memref<5x52xi32, #tpu.memory_space<vmem>> -> memref<1x52xi32, #tpu.memory_space<vmem>>
      %gather3A_901 = tpu.memref_squeeze %gather3A_900 : memref<1x52xi32, #tpu.memory_space<vmem>> -> memref<52xi32, #tpu.memory_space<vmem>>
      %gather3A_902 = tpu.vector_load_idx %gather3A_901[%get3A_877] : memref<52xi32, #tpu.memory_space<vmem>>[vector<16xi32>], vector<16xi32>,
      %bitcast3A_903 = vector.bitcast %gather3A_902 : vector<16xi32> to vector<32xbf16>
      %unpack3A_904 = tpu.unpack_subelements %bitcast3A_903, 0 {pack_format = #tpu.pack_format<interleaved>} : vector<32xbf16> -> vector<16xf32>
      %unpack3A_905 = tpu.unpack_subelements %bitcast3A_903, 1 {pack_format = #tpu.pack_format<interleaved>} : vector<32xbf16> -> vector<16xf32>
      %add3A_906 = arith.addf %add3A_852, %unpack3A_904 : vector<16xf32>
      %add3A_907 = arith.addf %add3A_853, %unpack3A_905 : vector<16xf32>
      %gather3A_908 = arith.constant 3 : i32
      %gather3A_909 = arith.constant 0 : i32
      %gather3A_910 = tpu.memref_slice %arg16[%gather3A_908, %gather3A_909] : memref<5x52xi32, #tpu.memory_space<vmem>> -> memref<1x52xi32, #tpu.memory_space<vmem>>
      %gather3A_911 = tpu.memref_squeeze %gather3A_910 : memref<1x52xi32, #tpu.memory_space<vmem>> -> memref<52xi32, #tpu.memory_space<vmem>>
      %gather3A_912 = tpu.vector_load_idx %gather3A_911[%get3A_877] : memref<52xi32, #tpu.memory_space<vmem>>[vector<16xi32>], vector<16xi32>,
      %bitcast3A_913 = vector.bitcast %gather3A_912 : vector<16xi32> to vector<32xbf16>
      %unpack3A_914 = tpu.unpack_subelements %bitcast3A_913, 0 {pack_format = #tpu.pack_format<interleaved>} : vector<32xbf16> -> vector<16xf32>
      %unpack3A_915 = tpu.unpack_subelements %bitcast3A_913, 1 {pack_format = #tpu.pack_format<interleaved>} : vector<32xbf16> -> vector<16xf32>
      %add3A_916 = arith.addf %add3A_862, %unpack3A_914 : vector<16xf32>
      %add3A_917 = arith.addf %add3A_863, %unpack3A_915 : vector<16xf32>
      %gather3A_918 = arith.constant 4 : i32
      %gather3A_919 = arith.constant 0 : i32
      %gather3A_920 = tpu.memref_slice %arg16[%gather3A_918, %gather3A_919] : memref<5x52xi32, #tpu.memory_space<vmem>> -> memref<1x52xi32, #tpu.memory_space<vmem>>
      %gather3A_921 = tpu.memref_squeeze %gather3A_920 : memref<1x52xi32, #tpu.memory_space<vmem>> -> memref<52xi32, #tpu.memory_space<vmem>>
      %gather3A_922 = tpu.vector_load_idx %gather3A_921[%get3A_877] : memref<52xi32, #tpu.memory_space<vmem>>[vector<16xi32>], vector<16xi32>,
      %bitcast3A_923 = vector.bitcast %gather3A_922 : vector<16xi32> to vector<32xbf16>
      %unpack3A_924 = tpu.unpack_subelements %bitcast3A_923, 0 {pack_format = #tpu.pack_format<interleaved>} : vector<32xbf16> -> vector<16xf32>
      %unpack3A_925 = tpu.unpack_subelements %bitcast3A_923, 1 {pack_format = #tpu.pack_format<interleaved>} : vector<32xbf16> -> vector<16xf32>
      %add3A_926 = arith.addf %add3A_872, %unpack3A_924 : vector<16xf32>
      %add3A_927 = arith.addf %add3A_873, %unpack3A_925 : vector<16xf32>
      %get3A_928 = arith.constant 17 : i32
      %get3A_929 = arith.index_cast %get3A_928 : i32 to index
      %get3A_930 = arith.index_cast %add3A_12 : i32 to index
      %get3A_931 = tpu.vector_load %arg11[%get3A_929, %get3A_930] {strides = array<i32>} : memref<20x512xi32, #tpu.memory_space<vmem>>, vector<16xi32>,
      %gather3A_932 = arith.constant 0 : i32
      %gather3A_933 = arith.constant 0 : i32
      %gather3A_934 = tpu.memref_slice %arg16[%gather3A_932, %gather3A_933] : memref<5x52xi32, #tpu.memory_space<vmem>> -> memref<1x52xi32, #tpu.memory_space<vmem>>
      %gather3A_935 = tpu.memref_squeeze %gather3A_934 : memref<1x52xi32, #tpu.memory_space<vmem>> -> memref<52xi32, #tpu.memory_space<vmem>>
      %gather3A_936 = tpu.vector_load_idx %gather3A_935[%get3A_931] : memref<52xi32, #tpu.memory_space<vmem>>[vector<16xi32>], vector<16xi32>,
      %bitcast3A_937 = vector.bitcast %gather3A_936 : vector<16xi32> to vector<32xbf16>
      %unpack3A_938 = tpu.unpack_subelements %bitcast3A_937, 0 {pack_format = #tpu.pack_format<interleaved>} : vector<32xbf16> -> vector<16xf32>
      %unpack3A_939 = tpu.unpack_subelements %bitcast3A_937, 1 {pack_format = #tpu.pack_format<interleaved>} : vector<32xbf16> -> vector<16xf32>
      %add3A_940 = arith.addf %add3A_886, %unpack3A_938 : vector<16xf32>
      %add3A_941 = arith.addf %add3A_887, %unpack3A_939 : vector<16xf32>
      %gather3A_942 = arith.constant 1 : i32
      %gather3A_943 = arith.constant 0 : i32
      %gather3A_944 = tpu.memref_slice %arg16[%gather3A_942, %gather3A_943] : memref<5x52xi32, #tpu.memory_space<vmem>> -> memref<1x52xi32, #tpu.memory_space<vmem>>
      %gather3A_945 = tpu.memref_squeeze %gather3A_944 : memref<1x52xi32, #tpu.memory_space<vmem>> -> memref<52xi32, #tpu.memory_space<vmem>>
      %gather3A_946 = tpu.vector_load_idx %gather3A_945[%get3A_931] : memref<52xi32, #tpu.memory_space<vmem>>[vector<16xi32>], vector<16xi32>,
      %bitcast3A_947 = vector.bitcast %gather3A_946 : vector<16xi32> to vector<32xbf16>
      %unpack3A_948 = tpu.unpack_subelements %bitcast3A_947, 0 {pack_format = #tpu.pack_format<interleaved>} : vector<32xbf16> -> vector<16xf32>
      %unpack3A_949 = tpu.unpack_subelements %bitcast3A_947, 1 {pack_format = #tpu.pack_format<interleaved>} : vector<32xbf16> -> vector<16xf32>
      %add3A_950 = arith.addf %add3A_896, %unpack3A_948 : vector<16xf32>
      %add3A_951 = arith.addf %add3A_897, %unpack3A_949 : vector<16xf32>
      %gather3A_952 = arith.constant 2 : i32
      %gather3A_953 = arith.constant 0 : i32
      %gather3A_954 = tpu.memref_slice %arg16[%gather3A_952, %gather3A_953] : memref<5x52xi32, #tpu.memory_space<vmem>> -> memref<1x52xi32, #tpu.memory_space<vmem>>
      %gather3A_955 = tpu.memref_squeeze %gather3A_954 : memref<1x52xi32, #tpu.memory_space<vmem>> -> memref<52xi32, #tpu.memory_space<vmem>>
      %gather3A_956 = tpu.vector_load_idx %gather3A_955[%get3A_931] : memref<52xi32, #tpu.memory_space<vmem>>[vector<16xi32>], vector<16xi32>,
      %bitcast3A_957 = vector.bitcast %gather3A_956 : vector<16xi32> to vector<32xbf16>
      %unpack3A_958 = tpu.unpack_subelements %bitcast3A_957, 0 {pack_format = #tpu.pack_format<interleaved>} : vector<32xbf16> -> vector<16xf32>
      %unpack3A_959 = tpu.unpack_subelements %bitcast3A_957, 1 {pack_format = #tpu.pack_format<interleaved>} : vector<32xbf16> -> vector<16xf32>
      %add3A_960 = arith.addf %add3A_906, %unpack3A_958 : vector<16xf32>
      %add3A_961 = arith.addf %add3A_907, %unpack3A_959 : vector<16xf32>
      %gather3A_962 = arith.constant 3 : i32
      %gather3A_963 = arith.constant 0 : i32
      %gather3A_964 = tpu.memref_slice %arg16[%gather3A_962, %gather3A_963] : memref<5x52xi32, #tpu.memory_space<vmem>> -> memref<1x52xi32, #tpu.memory_space<vmem>>
      %gather3A_965 = tpu.memref_squeeze %gather3A_964 : memref<1x52xi32, #tpu.memory_space<vmem>> -> memref<52xi32, #tpu.memory_space<vmem>>
      %gather3A_966 = tpu.vector_load_idx %gather3A_965[%get3A_931] : memref<52xi32, #tpu.memory_space<vmem>>[vector<16xi32>], vector<16xi32>,
      %bitcast3A_967 = vector.bitcast %gather3A_966 : vector<16xi32> to vector<32xbf16>
      %unpack3A_968 = tpu.unpack_subelements %bitcast3A_967, 0 {pack_format = #tpu.pack_format<interleaved>} : vector<32xbf16> -> vector<16xf32>
      %unpack3A_969 = tpu.unpack_subelements %bitcast3A_967, 1 {pack_format = #tpu.pack_format<interleaved>} : vector<32xbf16> -> vector<16xf32>
      %add3A_970 = arith.addf %add3A_916, %unpack3A_968 : vector<16xf32>
      %add3A_971 = arith.addf %add3A_917, %unpack3A_969 : vector<16xf32>
      %gather3A_972 = arith.constant 4 : i32
      %gather3A_973 = arith.constant 0 : i32
      %gather3A_974 = tpu.memref_slice %arg16[%gather3A_972, %gather3A_973] : memref<5x52xi32, #tpu.memory_space<vmem>> -> memref<1x52xi32, #tpu.memory_space<vmem>>
      %gather3A_975 = tpu.memref_squeeze %gather3A_974 : memref<1x52xi32, #tpu.memory_space<vmem>> -> memref<52xi32, #tpu.memory_space<vmem>>
      %gather3A_976 = tpu.vector_load_idx %gather3A_975[%get3A_931] : memref<52xi32, #tpu.memory_space<vmem>>[vector<16xi32>], vector<16xi32>,
      %bitcast3A_977 = vector.bitcast %gather3A_976 : vector<16xi32> to vector<32xbf16>
      %unpack3A_978 = tpu.unpack_subelements %bitcast3A_977, 0 {pack_format = #tpu.pack_format<interleaved>} : vector<32xbf16> -> vector<16xf32>
      %unpack3A_979 = tpu.unpack_subelements %bitcast3A_977, 1 {pack_format = #tpu.pack_format<interleaved>} : vector<32xbf16> -> vector<16xf32>
      %add3A_980 = arith.addf %add3A_926, %unpack3A_978 : vector<16xf32>
      %add3A_981 = arith.addf %add3A_927, %unpack3A_979 : vector<16xf32>
      %get3A_982 = arith.constant 18 : i32
      %get3A_983 = arith.index_cast %get3A_982 : i32 to index
      %get3A_984 = arith.index_cast %add3A_12 : i32 to index
      %get3A_985 = tpu.vector_load %arg11[%get3A_983, %get3A_984] {strides = array<i32>} : memref<20x512xi32, #tpu.memory_space<vmem>>, vector<16xi32>,
      %gather3A_986 = arith.constant 0 : i32
      %gather3A_987 = arith.constant 0 : i32
      %gather3A_988 = tpu.memref_slice %arg16[%gather3A_986, %gather3A_987] : memref<5x52xi32, #tpu.memory_space<vmem>> -> memref<1x52xi32, #tpu.memory_space<vmem>>
      %gather3A_989 = tpu.memref_squeeze %gather3A_988 : memref<1x52xi32, #tpu.memory_space<vmem>> -> memref<52xi32, #tpu.memory_space<vmem>>
      %gather3A_990 = tpu.vector_load_idx %gather3A_989[%get3A_985] : memref<52xi32, #tpu.memory_space<vmem>>[vector<16xi32>], vector<16xi32>,
      %bitcast3A_991 = vector.bitcast %gather3A_990 : vector<16xi32> to vector<32xbf16>
      %unpack3A_992 = tpu.unpack_subelements %bitcast3A_991, 0 {pack_format = #tpu.pack_format<interleaved>} : vector<32xbf16> -> vector<16xf32>
      %unpack3A_993 = tpu.unpack_subelements %bitcast3A_991, 1 {pack_format = #tpu.pack_format<interleaved>} : vector<32xbf16> -> vector<16xf32>
      %add3A_994 = arith.addf %add3A_940, %unpack3A_992 : vector<16xf32>
      %add3A_995 = arith.addf %add3A_941, %unpack3A_993 : vector<16xf32>
      %gather3A_996 = arith.constant 1 : i32
      %gather3A_997 = arith.constant 0 : i32
      %gather3A_998 = tpu.memref_slice %arg16[%gather3A_996, %gather3A_997] : memref<5x52xi32, #tpu.memory_space<vmem>> -> memref<1x52xi32, #tpu.memory_space<vmem>>
      %gather3A_999 = tpu.memref_squeeze %gather3A_998 : memref<1x52xi32, #tpu.memory_space<vmem>> -> memref<52xi32, #tpu.memory_space<vmem>>
      %gather3A_1000 = tpu.vector_load_idx %gather3A_999[%get3A_985] : memref<52xi32, #tpu.memory_space<vmem>>[vector<16xi32>], vector<16xi32>,
      %bitcast3A_1001 = vector.bitcast %gather3A_1000 : vector<16xi32> to vector<32xbf16>
      %unpack3A_1002 = tpu.unpack_subelements %bitcast3A_1001, 0 {pack_format = #tpu.pack_format<interleaved>} : vector<32xbf16> -> vector<16xf32>
      %unpack3A_1003 = tpu.unpack_subelements %bitcast3A_1001, 1 {pack_format = #tpu.pack_format<interleaved>} : vector<32xbf16> -> vector<16xf32>
      %add3A_1004 = arith.addf %add3A_950, %unpack3A_1002 : vector<16xf32>
      %add3A_1005 = arith.addf %add3A_951, %unpack3A_1003 : vector<16xf32>
      %gather3A_1006 = arith.constant 2 : i32
      %gather3A_1007 = arith.constant 0 : i32
      %gather3A_1008 = tpu.memref_slice %arg16[%gather3A_1006, %gather3A_1007] : memref<5x52xi32, #tpu.memory_space<vmem>> -> memref<1x52xi32, #tpu.memory_space<vmem>>
      %gather3A_1009 = tpu.memref_squeeze %gather3A_1008 : memref<1x52xi32, #tpu.memory_space<vmem>> -> memref<52xi32, #tpu.memory_space<vmem>>
      %gather3A_1010 = tpu.vector_load_idx %gather3A_1009[%get3A_985] : memref<52xi32, #tpu.memory_space<vmem>>[vector<16xi32>], vector<16xi32>,
      %bitcast3A_1011 = vector.bitcast %gather3A_1010 : vector<16xi32> to vector<32xbf16>
      %unpack3A_1012 = tpu.unpack_subelements %bitcast3A_1011, 0 {pack_format = #tpu.pack_format<interleaved>} : vector<32xbf16> -> vector<16xf32>
      %unpack3A_1013 = tpu.unpack_subelements %bitcast3A_1011, 1 {pack_format = #tpu.pack_format<interleaved>} : vector<32xbf16> -> vector<16xf32>
      %add3A_1014 = arith.addf %add3A_960, %unpack3A_1012 : vector<16xf32>
      %add3A_1015 = arith.addf %add3A_961, %unpack3A_1013 : vector<16xf32>
      %gather3A_1016 = arith.constant 3 : i32
      %gather3A_1017 = arith.constant 0 : i32
      %gather3A_1018 = tpu.memref_slice %arg16[%gather3A_1016, %gather3A_1017] : memref<5x52xi32, #tpu.memory_space<vmem>> -> memref<1x52xi32, #tpu.memory_space<vmem>>
      %gather3A_1019 = tpu.memref_squeeze %gather3A_1018 : memref<1x52xi32, #tpu.memory_space<vmem>> -> memref<52xi32, #tpu.memory_space<vmem>>
      %gather3A_1020 = tpu.vector_load_idx %gather3A_1019[%get3A_985] : memref<52xi32, #tpu.memory_space<vmem>>[vector<16xi32>], vector<16xi32>,
      %bitcast3A_1021 = vector.bitcast %gather3A_1020 : vector<16xi32> to vector<32xbf16>
      %unpack3A_1022 = tpu.unpack_subelements %bitcast3A_1021, 0 {pack_format = #tpu.pack_format<interleaved>} : vector<32xbf16> -> vector<16xf32>
      %unpack3A_1023 = tpu.unpack_subelements %bitcast3A_1021, 1 {pack_format = #tpu.pack_format<interleaved>} : vector<32xbf16> -> vector<16xf32>
      %add3A_1024 = arith.addf %add3A_970, %unpack3A_1022 : vector<16xf32>
      %add3A_1025 = arith.addf %add3A_971, %unpack3A_1023 : vector<16xf32>
      %gather3A_1026 = arith.constant 4 : i32
      %gather3A_1027 = arith.constant 0 : i32
      %gather3A_1028 = tpu.memref_slice %arg16[%gather3A_1026, %gather3A_1027] : memref<5x52xi32, #tpu.memory_space<vmem>> -> memref<1x52xi32, #tpu.memory_space<vmem>>
      %gather3A_1029 = tpu.memref_squeeze %gather3A_1028 : memref<1x52xi32, #tpu.memory_space<vmem>> -> memref<52xi32, #tpu.memory_space<vmem>>
      %gather3A_1030 = tpu.vector_load_idx %gather3A_1029[%get3A_985] : memref<52xi32, #tpu.memory_space<vmem>>[vector<16xi32>], vector<16xi32>,
      %bitcast3A_1031 = vector.bitcast %gather3A_1030 : vector<16xi32> to vector<32xbf16>
      %unpack3A_1032 = tpu.unpack_subelements %bitcast3A_1031, 0 {pack_format = #tpu.pack_format<interleaved>} : vector<32xbf16> -> vector<16xf32>
      %unpack3A_1033 = tpu.unpack_subelements %bitcast3A_1031, 1 {pack_format = #tpu.pack_format<interleaved>} : vector<32xbf16> -> vector<16xf32>
      %add3A_1034 = arith.addf %add3A_980, %unpack3A_1032 : vector<16xf32>
      %add3A_1035 = arith.addf %add3A_981, %unpack3A_1033 : vector<16xf32>
      %get3A_1036 = arith.constant 19 : i32
      %get3A_1037 = arith.index_cast %get3A_1036 : i32 to index
      %get3A_1038 = arith.index_cast %add3A_12 : i32 to index
      %get3A_1039 = tpu.vector_load %arg11[%get3A_1037, %get3A_1038] {strides = array<i32>} : memref<20x512xi32, #tpu.memory_space<vmem>>, vector<16xi32>,
      %gather3A_1040 = arith.constant 0 : i32
      %gather3A_1041 = arith.constant 0 : i32
      %gather3A_1042 = tpu.memref_slice %arg16[%gather3A_1040, %gather3A_1041] : memref<5x52xi32, #tpu.memory_space<vmem>> -> memref<1x52xi32, #tpu.memory_space<vmem>>
      %gather3A_1043 = tpu.memref_squeeze %gather3A_1042 : memref<1x52xi32, #tpu.memory_space<vmem>> -> memref<52xi32, #tpu.memory_space<vmem>>
      %gather3A_1044 = tpu.vector_load_idx %gather3A_1043[%get3A_1039] : memref<52xi32, #tpu.memory_space<vmem>>[vector<16xi32>], vector<16xi32>,
      %bitcast3A_1045 = vector.bitcast %gather3A_1044 : vector<16xi32> to vector<32xbf16>
      %unpack3A_1046 = tpu.unpack_subelements %bitcast3A_1045, 0 {pack_format = #tpu.pack_format<interleaved>} : vector<32xbf16> -> vector<16xf32>
      %unpack3A_1047 = tpu.unpack_subelements %bitcast3A_1045, 1 {pack_format = #tpu.pack_format<interleaved>} : vector<32xbf16> -> vector<16xf32>
      %add3A_1048 = arith.addf %add3A_994, %unpack3A_1046 : vector<16xf32>
      %add3A_1049 = arith.addf %add3A_995, %unpack3A_1047 : vector<16xf32>
      %gather3A_1050 = arith.constant 1 : i32
      %gather3A_1051 = arith.constant 0 : i32
      %gather3A_1052 = tpu.memref_slice %arg16[%gather3A_1050, %gather3A_1051] : memref<5x52xi32, #tpu.memory_space<vmem>> -> memref<1x52xi32, #tpu.memory_space<vmem>>
      %gather3A_1053 = tpu.memref_squeeze %gather3A_1052 : memref<1x52xi32, #tpu.memory_space<vmem>> -> memref<52xi32, #tpu.memory_space<vmem>>
      %gather3A_1054 = tpu.vector_load_idx %gather3A_1053[%get3A_1039] : memref<52xi32, #tpu.memory_space<vmem>>[vector<16xi32>], vector<16xi32>,
      %bitcast3A_1055 = vector.bitcast %gather3A_1054 : vector<16xi32> to vector<32xbf16>
      %unpack3A_1056 = tpu.unpack_subelements %bitcast3A_1055, 0 {pack_format = #tpu.pack_format<interleaved>} : vector<32xbf16> -> vector<16xf32>
      %unpack3A_1057 = tpu.unpack_subelements %bitcast3A_1055, 1 {pack_format = #tpu.pack_format<interleaved>} : vector<32xbf16> -> vector<16xf32>
      %add3A_1058 = arith.addf %add3A_1004, %unpack3A_1056 : vector<16xf32>
      %add3A_1059 = arith.addf %add3A_1005, %unpack3A_1057 : vector<16xf32>
      %gather3A_1060 = arith.constant 2 : i32
      %gather3A_1061 = arith.constant 0 : i32
      %gather3A_1062 = tpu.memref_slice %arg16[%gather3A_1060, %gather3A_1061] : memref<5x52xi32, #tpu.memory_space<vmem>> -> memref<1x52xi32, #tpu.memory_space<vmem>>
      %gather3A_1063 = tpu.memref_squeeze %gather3A_1062 : memref<1x52xi32, #tpu.memory_space<vmem>> -> memref<52xi32, #tpu.memory_space<vmem>>
      %gather3A_1064 = tpu.vector_load_idx %gather3A_1063[%get3A_1039] : memref<52xi32, #tpu.memory_space<vmem>>[vector<16xi32>], vector<16xi32>,
      %bitcast3A_1065 = vector.bitcast %gather3A_1064 : vector<16xi32> to vector<32xbf16>
      %unpack3A_1066 = tpu.unpack_subelements %bitcast3A_1065, 0 {pack_format = #tpu.pack_format<interleaved>} : vector<32xbf16> -> vector<16xf32>
      %unpack3A_1067 = tpu.unpack_subelements %bitcast3A_1065, 1 {pack_format = #tpu.pack_format<interleaved>} : vector<32xbf16> -> vector<16xf32>
      %add3A_1068 = arith.addf %add3A_1014, %unpack3A_1066 : vector<16xf32>
      %add3A_1069 = arith.addf %add3A_1015, %unpack3A_1067 : vector<16xf32>
      %gather3A_1070 = arith.constant 3 : i32
      %gather3A_1071 = arith.constant 0 : i32
      %gather3A_1072 = tpu.memref_slice %arg16[%gather3A_1070, %gather3A_1071] : memref<5x52xi32, #tpu.memory_space<vmem>> -> memref<1x52xi32, #tpu.memory_space<vmem>>
      %gather3A_1073 = tpu.memref_squeeze %gather3A_1072 : memref<1x52xi32, #tpu.memory_space<vmem>> -> memref<52xi32, #tpu.memory_space<vmem>>
      %gather3A_1074 = tpu.vector_load_idx %gather3A_1073[%get3A_1039] : memref<52xi32, #tpu.memory_space<vmem>>[vector<16xi32>], vector<16xi32>,
      %bitcast3A_1075 = vector.bitcast %gather3A_1074 : vector<16xi32> to vector<32xbf16>
      %unpack3A_1076 = tpu.unpack_subelements %bitcast3A_1075, 0 {pack_format = #tpu.pack_format<interleaved>} : vector<32xbf16> -> vector<16xf32>
      %unpack3A_1077 = tpu.unpack_subelements %bitcast3A_1075, 1 {pack_format = #tpu.pack_format<interleaved>} : vector<32xbf16> -> vector<16xf32>
      %add3A_1078 = arith.addf %add3A_1024, %unpack3A_1076 : vector<16xf32>
      %add3A_1079 = arith.addf %add3A_1025, %unpack3A_1077 : vector<16xf32>
      %gather3A_1080 = arith.constant 4 : i32
      %gather3A_1081 = arith.constant 0 : i32
      %gather3A_1082 = tpu.memref_slice %arg16[%gather3A_1080, %gather3A_1081] : memref<5x52xi32, #tpu.memory_space<vmem>> -> memref<1x52xi32, #tpu.memory_space<vmem>>
      %gather3A_1083 = tpu.memref_squeeze %gather3A_1082 : memref<1x52xi32, #tpu.memory_space<vmem>> -> memref<52xi32, #tpu.memory_space<vmem>>
      %gather3A_1084 = tpu.vector_load_idx %gather3A_1083[%get3A_1039] : memref<52xi32, #tpu.memory_space<vmem>>[vector<16xi32>], vector<16xi32>,
      %bitcast3A_1085 = vector.bitcast %gather3A_1084 : vector<16xi32> to vector<32xbf16>
      %unpack3A_1086 = tpu.unpack_subelements %bitcast3A_1085, 0 {pack_format = #tpu.pack_format<interleaved>} : vector<32xbf16> -> vector<16xf32>
      %unpack3A_1087 = tpu.unpack_subelements %bitcast3A_1085, 1 {pack_format = #tpu.pack_format<interleaved>} : vector<32xbf16> -> vector<16xf32>
      %add3A_1088 = arith.addf %add3A_1034, %unpack3A_1086 : vector<16xf32>
      %add3A_1089 = arith.addf %add3A_1035, %unpack3A_1087 : vector<16xf32>
      %mul3A_1090 = arith.constant 5.000000e-02 : f32
      %mul3A_1091 = vector.broadcast %mul3A_1090 : f32 to vector<16xf32>
      %mul3A_1092 = arith.mulf %add3A_1048, %mul3A_1091 : vector<16xf32>
      %swap3A = arith.constant 0 : i32
      %swap3A_1093 = arith.index_cast %swap3A : i32 to index
      %swap3A_1094 = arith.index_cast %add3A_12 : i32 to index
      %swap3A_1095 = tpu.vector_load %arg19[%swap3A_1093, %swap3A_1094] {strides = array<i32>} : memref<23x512xf32, #tpu.memory_space<vmem>>, vector<16xf32>,
      tpu.vector_store %arg19[%swap3A_1093, %swap3A_1094], %mul3A_1092 {strides = array<i32>} : memref<23x512xf32, #tpu.memory_space<vmem>>, vector<16xf32>,
      %mul3A_1096 = arith.constant 5.000000e-02 : f32
      %mul3A_1097 = vector.broadcast %mul3A_1096 : f32 to vector<16xf32>
      %mul3A_1098 = arith.mulf %add3A_1049, %mul3A_1097 : vector<16xf32>
      %swap3A_1099 = arith.constant 1 : i32
      %swap3A_1100 = arith.index_cast %swap3A_1099 : i32 to index
      %swap3A_1101 = arith.index_cast %add3A_12 : i32 to index
      %swap3A_1102 = tpu.vector_load %arg19[%swap3A_1100, %swap3A_1101] {strides = array<i32>} : memref<23x512xf32, #tpu.memory_space<vmem>>, vector<16xf32>,
      tpu.vector_store %arg19[%swap3A_1100, %swap3A_1101], %mul3A_1098 {strides = array<i32>} : memref<23x512xf32, #tpu.memory_space<vmem>>, vector<16xf32>,
      %mul3A_1103 = arith.constant 5.000000e-02 : f32
      %mul3A_1104 = vector.broadcast %mul3A_1103 : f32 to vector<16xf32>
      %mul3A_1105 = arith.mulf %add3A_1058, %mul3A_1104 : vector<16xf32>
      %swap3A_1106 = arith.constant 2 : i32
      %swap3A_1107 = arith.index_cast %swap3A_1106 : i32 to index
      %swap3A_1108 = arith.index_cast %add3A_12 : i32 to index
      %swap3A_1109 = tpu.vector_load %arg19[%swap3A_1107, %swap3A_1108] {strides = array<i32>} : memref<23x512xf32, #tpu.memory_space<vmem>>, vector<16xf32>,
      tpu.vector_store %arg19[%swap3A_1107, %swap3A_1108], %mul3A_1105 {strides = array<i32>} : memref<23x512xf32, #tpu.memory_space<vmem>>, vector<16xf32>,
      %mul3A_1110 = arith.constant 5.000000e-02 : f32
      %mul3A_1111 = vector.broadcast %mul3A_1110 : f32 to vector<16xf32>
      %mul3A_1112 = arith.mulf %add3A_1059, %mul3A_1111 : vector<16xf32>
      %swap3A_1113 = arith.constant 3 : i32
      %swap3A_1114 = arith.index_cast %swap3A_1113 : i32 to index
      %swap3A_1115 = arith.index_cast %add3A_12 : i32 to index
      %swap3A_1116 = tpu.vector_load %arg19[%swap3A_1114, %swap3A_1115] {strides = array<i32>} : memref<23x512xf32, #tpu.memory_space<vmem>>, vector<16xf32>,
      tpu.vector_store %arg19[%swap3A_1114, %swap3A_1115], %mul3A_1112 {strides = array<i32>} : memref<23x512xf32, #tpu.memory_space<vmem>>, vector<16xf32>,
      %mul3A_1117 = arith.constant 5.000000e-02 : f32
      %mul3A_1118 = vector.broadcast %mul3A_1117 : f32 to vector<16xf32>
      %mul3A_1119 = arith.mulf %add3A_1068, %mul3A_1118 : vector<16xf32>
      %swap3A_1120 = arith.constant 4 : i32
      %swap3A_1121 = arith.index_cast %swap3A_1120 : i32 to index
      %swap3A_1122 = arith.index_cast %add3A_12 : i32 to index
      %swap3A_1123 = tpu.vector_load %arg19[%swap3A_1121, %swap3A_1122] {strides = array<i32>} : memref<23x512xf32, #tpu.memory_space<vmem>>, vector<16xf32>,
      tpu.vector_store %arg19[%swap3A_1121, %swap3A_1122], %mul3A_1119 {strides = array<i32>} : memref<23x512xf32, #tpu.memory_space<vmem>>, vector<16xf32>,
      %mul3A_1124 = arith.constant 5.000000e-02 : f32
      %mul3A_1125 = vector.broadcast %mul3A_1124 : f32 to vector<16xf32>
      %mul3A_1126 = arith.mulf %add3A_1069, %mul3A_1125 : vector<16xf32>
      %swap3A_1127 = arith.constant 5 : i32
      %swap3A_1128 = arith.index_cast %swap3A_1127 : i32 to index
      %swap3A_1129 = arith.index_cast %add3A_12 : i32 to index
      %swap3A_1130 = tpu.vector_load %arg19[%swap3A_1128, %swap3A_1129] {strides = array<i32>} : memref<23x512xf32, #tpu.memory_space<vmem>>, vector<16xf32>,
      tpu.vector_store %arg19[%swap3A_1128, %swap3A_1129], %mul3A_1126 {strides = array<i32>} : memref<23x512xf32, #tpu.memory_space<vmem>>, vector<16xf32>,
      %mul3A_1131 = arith.constant 5.000000e-02 : f32
      %mul3A_1132 = vector.broadcast %mul3A_1131 : f32 to vector<16xf32>
      %mul3A_1133 = arith.mulf %add3A_1078, %mul3A_1132 : vector<16xf32>
      %swap3A_1134 = arith.constant 6 : i32
      %swap3A_1135 = arith.index_cast %swap3A_1134 : i32 to index
      %swap3A_1136 = arith.index_cast %add3A_12 : i32 to index
      %swap3A_1137 = tpu.vector_load %arg19[%swap3A_1135, %swap3A_1136] {strides = array<i32>} : memref<23x512xf32, #tpu.memory_space<vmem>>, vector<16xf32>,
      tpu.vector_store %arg19[%swap3A_1135, %swap3A_1136], %mul3A_1133 {strides = array<i32>} : memref<23x512xf32, #tpu.memory_space<vmem>>, vector<16xf32>,
      %mul3A_1138 = arith.constant 5.000000e-02 : f32
      %mul3A_1139 = vector.broadcast %mul3A_1138 : f32 to vector<16xf32>
      %mul3A_1140 = arith.mulf %add3A_1079, %mul3A_1139 : vector<16xf32>
      %swap3A_1141 = arith.constant 7 : i32
      %swap3A_1142 = arith.index_cast %swap3A_1141 : i32 to index
      %swap3A_1143 = arith.index_cast %add3A_12 : i32 to index
      %swap3A_1144 = tpu.vector_load %arg19[%swap3A_1142, %swap3A_1143] {strides = array<i32>} : memref<23x512xf32, #tpu.memory_space<vmem>>, vector<16xf32>,
      tpu.vector_store %arg19[%swap3A_1142, %swap3A_1143], %mul3A_1140 {strides = array<i32>} : memref<23x512xf32, #tpu.memory_space<vmem>>, vector<16xf32>,
      %mul3A_1145 = arith.constant 5.000000e-02 : f32
      %mul3A_1146 = vector.broadcast %mul3A_1145 : f32 to vector<16xf32>
      %mul3A_1147 = arith.mulf %add3A_1088, %mul3A_1146 : vector<16xf32>
      %swap3A_1148 = arith.constant 8 : i32
      %swap3A_1149 = arith.index_cast %swap3A_1148 : i32 to index
      %swap3A_1150 = arith.index_cast %add3A_12 : i32 to index
      %swap3A_1151 = tpu.vector_load %arg19[%swap3A_1149, %swap3A_1150] {strides = array<i32>} : memref<23x512xf32, #tpu.memory_space<vmem>>, vector<16xf32>,
      tpu.vector_store %arg19[%swap3A_1149, %swap3A_1150], %mul3A_1147 {strides = array<i32>} : memref<23x512xf32, #tpu.memory_space<vmem>>, vector<16xf32>,
      %mul3A_1152 = arith.constant 5.000000e-02 : f32
      %mul3A_1153 = vector.broadcast %mul3A_1152 : f32 to vector<16xf32>
      %mul3A_1154 = arith.mulf %add3A_1089, %mul3A_1153 : vector<16xf32>
      %swap3A_1155 = arith.constant 9 : i32
      %swap3A_1156 = arith.index_cast %swap3A_1155 : i32 to index
      %swap3A_1157 = arith.index_cast %add3A_12 : i32 to index
      %swap3A_1158 = tpu.vector_load %arg19[%swap3A_1156, %swap3A_1157] {strides = array<i32>} : memref<23x512xf32, #tpu.memory_space<vmem>>, vector<16xf32>,
      tpu.vector_store %arg19[%swap3A_1156, %swap3A_1157], %mul3A_1154 {strides = array<i32>} : memref<23x512xf32, #tpu.memory_space<vmem>>, vector<16xf32>,
      %get3A_1159 = arith.index_cast %add3A_12 : i32 to index
      %get3A_1160 = tpu.vector_load %arg13[%get3A_1159] {strides = array<i32>} : memref<512xi32, #tpu.memory_space<vmem>>, vector<16xi32>,
      %get3A_1161 = arith.index_cast %add3A_12 : i32 to index
      %get3A_1162 = tpu.vector_load %arg14[%get3A_1161] {strides = array<i32>} : memref<512xi32, #tpu.memory_space<vmem>>, vector<16xi32>,
      %gather3A_1163 = arith.constant 0 : i32
      %gather3A_1164 = arith.constant 0 : i32
      %gather3A_1165 = tpu.memref_slice %arg17[%gather3A_1163, %gather3A_1164] : memref<2x2xi32, #tpu.memory_space<vmem>> -> memref<1x2xi32, #tpu.memory_space<vmem>>
      %gather3A_1166 = tpu.memref_squeeze %gather3A_1165 : memref<1x2xi32, #tpu.memory_space<vmem>> -> memref<2xi32, #tpu.memory_space<vmem>>
      %gather3A_1167 = tpu.vector_load_idx %gather3A_1166[%get3A_1160] : memref<2xi32, #tpu.memory_space<vmem>>[vector<16xi32>], vector<16xi32>,
      %bitcast3A_1168 = vector.bitcast %gather3A_1167 : vector<16xi32> to vector<32xbf16>
      %unpack3A_1169 = tpu.unpack_subelements %bitcast3A_1168, 0 {pack_format = #tpu.pack_format<interleaved>} : vector<32xbf16> -> vector<16xf32>
      %unpack3A_1170 = tpu.unpack_subelements %bitcast3A_1168, 1 {pack_format = #tpu.pack_format<interleaved>} : vector<32xbf16> -> vector<16xf32>
      %swap3A_1171 = arith.constant 10 : i32
      %swap3A_1172 = arith.index_cast %swap3A_1171 : i32 to index
      %swap3A_1173 = arith.index_cast %add3A_12 : i32 to index
      %swap3A_1174 = tpu.vector_load %arg19[%swap3A_1172, %swap3A_1173] {strides = array<i32>} : memref<23x512xf32, #tpu.memory_space<vmem>>, vector<16xf32>,
      tpu.vector_store %arg19[%swap3A_1172, %swap3A_1173], %unpack3A_1169 {strides = array<i32>} : memref<23x512xf32, #tpu.memory_space<vmem>>, vector<16xf32>,
      %swap3A_1175 = arith.constant 11 : i32
      %swap3A_1176 = arith.index_cast %swap3A_1175 : i32 to index
      %swap3A_1177 = arith.index_cast %add3A_12 : i32 to index
      %swap3A_1178 = tpu.vector_load %arg19[%swap3A_1176, %swap3A_1177] {strides = array<i32>} : memref<23x512xf32, #tpu.memory_space<vmem>>, vector<16xf32>,
      tpu.vector_store %arg19[%swap3A_1176, %swap3A_1177], %unpack3A_1170 {strides = array<i32>} : memref<23x512xf32, #tpu.memory_space<vmem>>, vector<16xf32>,
      %gather3A_1179 = arith.constant 0 : i32
      %gather3A_1180 = arith.constant 0 : i32
      %gather3A_1181 = tpu.memref_slice %arg17[%gather3A_1179, %gather3A_1180] : memref<2x2xi32, #tpu.memory_space<vmem>> -> memref<1x2xi32, #tpu.memory_space<vmem>>
      %gather3A_1182 = tpu.memref_squeeze %gather3A_1181 : memref<1x2xi32, #tpu.memory_space<vmem>> -> memref<2xi32, #tpu.memory_space<vmem>>
      %gather3A_1183 = tpu.vector_load_idx %gather3A_1182[%get3A_1162] : memref<2xi32, #tpu.memory_space<vmem>>[vector<16xi32>], vector<16xi32>,
      %bitcast3A_1184 = vector.bitcast %gather3A_1183 : vector<16xi32> to vector<32xbf16>
      %unpack3A_1185 = tpu.unpack_subelements %bitcast3A_1184, 0 {pack_format = #tpu.pack_format<interleaved>} : vector<32xbf16> -> vector<16xf32>
      %unpack3A_1186 = tpu.unpack_subelements %bitcast3A_1184, 1 {pack_format = #tpu.pack_format<interleaved>} : vector<32xbf16> -> vector<16xf32>
      %swap3A_1187 = arith.constant 14 : i32
      %swap3A_1188 = arith.index_cast %swap3A_1187 : i32 to index
      %swap3A_1189 = arith.index_cast %add3A_12 : i32 to index
      %swap3A_1190 = tpu.vector_load %arg19[%swap3A_1188, %swap3A_1189] {strides = array<i32>} : memref<23x512xf32, #tpu.memory_space<vmem>>, vector<16xf32>,
      tpu.vector_store %arg19[%swap3A_1188, %swap3A_1189], %unpack3A_1185 {strides = array<i32>} : memref<23x512xf32, #tpu.memory_space<vmem>>, vector<16xf32>,
      %swap3A_1191 = arith.constant 15 : i32
      %swap3A_1192 = arith.index_cast %swap3A_1191 : i32 to index
      %swap3A_1193 = arith.index_cast %add3A_12 : i32 to index
      %swap3A_1194 = tpu.vector_load %arg19[%swap3A_1192, %swap3A_1193] {strides = array<i32>} : memref<23x512xf32, #tpu.memory_space<vmem>>, vector<16xf32>,
      tpu.vector_store %arg19[%swap3A_1192, %swap3A_1193], %unpack3A_1186 {strides = array<i32>} : memref<23x512xf32, #tpu.memory_space<vmem>>, vector<16xf32>,
      %gather3A_1195 = arith.constant 1 : i32
      %gather3A_1196 = arith.constant 0 : i32
      %gather3A_1197 = tpu.memref_slice %arg17[%gather3A_1195, %gather3A_1196] : memref<2x2xi32, #tpu.memory_space<vmem>> -> memref<1x2xi32, #tpu.memory_space<vmem>>
      %gather3A_1198 = tpu.memref_squeeze %gather3A_1197 : memref<1x2xi32, #tpu.memory_space<vmem>> -> memref<2xi32, #tpu.memory_space<vmem>>
      %gather3A_1199 = tpu.vector_load_idx %gather3A_1198[%get3A_1160] : memref<2xi32, #tpu.memory_space<vmem>>[vector<16xi32>], vector<16xi32>,
      %bitcast3A_1200 = vector.bitcast %gather3A_1199 : vector<16xi32> to vector<32xbf16>
      %unpack3A_1201 = tpu.unpack_subelements %bitcast3A_1200, 0 {pack_format = #tpu.pack_format<interleaved>} : vector<32xbf16> -> vector<16xf32>
      %unpack3A_1202 = tpu.unpack_subelements %bitcast3A_1200, 1 {pack_format = #tpu.pack_format<interleaved>} : vector<32xbf16> -> vector<16xf32>
      %swap3A_1203 = arith.constant 12 : i32
      %swap3A_1204 = arith.index_cast %swap3A_1203 : i32 to index
      %swap3A_1205 = arith.index_cast %add3A_12 : i32 to index
      %swap3A_1206 = tpu.vector_load %arg19[%swap3A_1204, %swap3A_1205] {strides = array<i32>} : memref<23x512xf32, #tpu.memory_space<vmem>>, vector<16xf32>,
      tpu.vector_store %arg19[%swap3A_1204, %swap3A_1205], %unpack3A_1201 {strides = array<i32>} : memref<23x512xf32, #tpu.memory_space<vmem>>, vector<16xf32>,
      %swap3A_1207 = arith.constant 13 : i32
      %swap3A_1208 = arith.index_cast %swap3A_1207 : i32 to index
      %swap3A_1209 = arith.index_cast %add3A_12 : i32 to index
      %swap3A_1210 = tpu.vector_load %arg19[%swap3A_1208, %swap3A_1209] {strides = array<i32>} : memref<23x512xf32, #tpu.memory_space<vmem>>, vector<16xf32>,
      tpu.vector_store %arg19[%swap3A_1208, %swap3A_1209], %unpack3A_1202 {strides = array<i32>} : memref<23x512xf32, #tpu.memory_space<vmem>>, vector<16xf32>,
      %gather3A_1211 = arith.constant 1 : i32
      %gather3A_1212 = arith.constant 0 : i32
      %gather3A_1213 = tpu.memref_slice %arg17[%gather3A_1211, %gather3A_1212] : memref<2x2xi32, #tpu.memory_space<vmem>> -> memref<1x2xi32, #tpu.memory_space<vmem>>
      %gather3A_1214 = tpu.memref_squeeze %gather3A_1213 : memref<1x2xi32, #tpu.memory_space<vmem>> -> memref<2xi32, #tpu.memory_space<vmem>>
      %gather3A_1215 = tpu.vector_load_idx %gather3A_1214[%get3A_1162] : memref<2xi32, #tpu.memory_space<vmem>>[vector<16xi32>], vector<16xi32>,
      %bitcast3A_1216 = vector.bitcast %gather3A_1215 : vector<16xi32> to vector<32xbf16>
      %unpack3A_1217 = tpu.unpack_subelements %bitcast3A_1216, 0 {pack_format = #tpu.pack_format<interleaved>} : vector<32xbf16> -> vector<16xf32>
      %unpack3A_1218 = tpu.unpack_subelements %bitcast3A_1216, 1 {pack_format = #tpu.pack_format<interleaved>} : vector<32xbf16> -> vector<16xf32>
      %swap3A_1219 = arith.constant 16 : i32
      %swap3A_1220 = arith.index_cast %swap3A_1219 : i32 to index
      %swap3A_1221 = arith.index_cast %add3A_12 : i32 to index
      %swap3A_1222 = tpu.vector_load %arg19[%swap3A_1220, %swap3A_1221] {strides = array<i32>} : memref<23x512xf32, #tpu.memory_space<vmem>>, vector<16xf32>,
      tpu.vector_store %arg19[%swap3A_1220, %swap3A_1221], %unpack3A_1217 {strides = array<i32>} : memref<23x512xf32, #tpu.memory_space<vmem>>, vector<16xf32>,
      %swap3A_1223 = arith.constant 17 : i32
      %swap3A_1224 = arith.index_cast %swap3A_1223 : i32 to index
      %swap3A_1225 = arith.index_cast %add3A_12 : i32 to index
      %swap3A_1226 = tpu.vector_load %arg19[%swap3A_1224, %swap3A_1225] {strides = array<i32>} : memref<23x512xf32, #tpu.memory_space<vmem>>, vector<16xf32>,
      tpu.vector_store %arg19[%swap3A_1224, %swap3A_1225], %unpack3A_1218 {strides = array<i32>} : memref<23x512xf32, #tpu.memory_space<vmem>>, vector<16xf32>,
      %broadcast_in_dim3A_1227 = arith.constant 0.000000e+00 : f32
      %broadcast_in_dim3A_1228 = vector.broadcast %broadcast_in_dim3A_1227 : f32 to vector<16xf32>
      %get3A_1229 = arith.constant 0 : i32
      %get3A_1230 = arith.index_cast %get3A_1229 : i32 to index
      %get3A_1231 = arith.index_cast %add3A_12 : i32 to index
      %get3A_1232 = tpu.vector_load %arg12[%get3A_1230, %get3A_1231] {strides = array<i32>} : memref<7x512xi32, #tpu.memory_space<vmem>>, vector<16xi32>,
      %gather3A_1233 = arith.constant 0 : i32
      %gather3A_1234 = arith.constant 0 : i32
      %gather3A_1235 = tpu.memref_slice %arg18[%gather3A_1233, %gather3A_1234] : memref<2x8xi32, #tpu.memory_space<vmem>> -> memref<1x8xi32, #tpu.memory_space<vmem>>
      %gather3A_1236 = tpu.memref_squeeze %gather3A_1235 : memref<1x8xi32, #tpu.memory_space<vmem>> -> memref<8xi32, #tpu.memory_space<vmem>>
      %gather3A_1237 = tpu.vector_load_idx %gather3A_1236[%get3A_1232] : memref<8xi32, #tpu.memory_space<vmem>>[vector<16xi32>], vector<16xi32>,
      %bitcast3A_1238 = vector.bitcast %gather3A_1237 : vector<16xi32> to vector<32xbf16>
      %unpack3A_1239 = tpu.unpack_subelements %bitcast3A_1238, 0 {pack_format = #tpu.pack_format<interleaved>} : vector<32xbf16> -> vector<16xf32>
      %unpack3A_1240 = tpu.unpack_subelements %bitcast3A_1238, 1 {pack_format = #tpu.pack_format<interleaved>} : vector<32xbf16> -> vector<16xf32>
      %add3A_1241 = arith.addf %broadcast_in_dim3A_1228, %unpack3A_1239 : vector<16xf32>
      %add3A_1242 = arith.addf %broadcast_in_dim3A_1228, %unpack3A_1240 : vector<16xf32>
      %gather3A_1243 = arith.constant 1 : i32
      %gather3A_1244 = arith.constant 0 : i32
      %gather3A_1245 = tpu.memref_slice %arg18[%gather3A_1243, %gather3A_1244] : memref<2x8xi32, #tpu.memory_space<vmem>> -> memref<1x8xi32, #tpu.memory_space<vmem>>
      %gather3A_1246 = tpu.memref_squeeze %gather3A_1245 : memref<1x8xi32, #tpu.memory_space<vmem>> -> memref<8xi32, #tpu.memory_space<vmem>>
      %gather3A_1247 = tpu.vector_load_idx %gather3A_1246[%get3A_1232] : memref<8xi32, #tpu.memory_space<vmem>>[vector<16xi32>], vector<16xi32>,
      %bitcast3A_1248 = vector.bitcast %gather3A_1247 : vector<16xi32> to vector<32xbf16>
      %unpack3A_1249 = tpu.unpack_subelements %bitcast3A_1248, 0 {pack_format = #tpu.pack_format<interleaved>} : vector<32xbf16> -> vector<16xf32>
      %unpack3A_1250 = tpu.unpack_subelements %bitcast3A_1248, 1 {pack_format = #tpu.pack_format<interleaved>} : vector<32xbf16> -> vector<16xf32>
      %add3A_1251 = arith.addf %broadcast_in_dim3A_1228, %unpack3A_1249 : vector<16xf32>
      %add3A_1252 = arith.addf %broadcast_in_dim3A_1228, %unpack3A_1250 : vector<16xf32>
      %get3A_1253 = arith.constant 1 : i32
      %get3A_1254 = arith.index_cast %get3A_1253 : i32 to index
      %get3A_1255 = arith.index_cast %add3A_12 : i32 to index
      %get3A_1256 = tpu.vector_load %arg12[%get3A_1254, %get3A_1255] {strides = array<i32>} : memref<7x512xi32, #tpu.memory_space<vmem>>, vector<16xi32>,
      %gather3A_1257 = arith.constant 0 : i32
      %gather3A_1258 = arith.constant 0 : i32
      %gather3A_1259 = tpu.memref_slice %arg18[%gather3A_1257, %gather3A_1258] : memref<2x8xi32, #tpu.memory_space<vmem>> -> memref<1x8xi32, #tpu.memory_space<vmem>>
      %gather3A_1260 = tpu.memref_squeeze %gather3A_1259 : memref<1x8xi32, #tpu.memory_space<vmem>> -> memref<8xi32, #tpu.memory_space<vmem>>
      %gather3A_1261 = tpu.vector_load_idx %gather3A_1260[%get3A_1256] : memref<8xi32, #tpu.memory_space<vmem>>[vector<16xi32>], vector<16xi32>,
      %bitcast3A_1262 = vector.bitcast %gather3A_1261 : vector<16xi32> to vector<32xbf16>
      %unpack3A_1263 = tpu.unpack_subelements %bitcast3A_1262, 0 {pack_format = #tpu.pack_format<interleaved>} : vector<32xbf16> -> vector<16xf32>
      %unpack3A_1264 = tpu.unpack_subelements %bitcast3A_1262, 1 {pack_format = #tpu.pack_format<interleaved>} : vector<32xbf16> -> vector<16xf32>
      %add3A_1265 = arith.addf %add3A_1241, %unpack3A_1263 : vector<16xf32>
      %add3A_1266 = arith.addf %add3A_1242, %unpack3A_1264 : vector<16xf32>
      %gather3A_1267 = arith.constant 1 : i32
      %gather3A_1268 = arith.constant 0 : i32
      %gather3A_1269 = tpu.memref_slice %arg18[%gather3A_1267, %gather3A_1268] : memref<2x8xi32, #tpu.memory_space<vmem>> -> memref<1x8xi32, #tpu.memory_space<vmem>>
      %gather3A_1270 = tpu.memref_squeeze %gather3A_1269 : memref<1x8xi32, #tpu.memory_space<vmem>> -> memref<8xi32, #tpu.memory_space<vmem>>
      %gather3A_1271 = tpu.vector_load_idx %gather3A_1270[%get3A_1256] : memref<8xi32, #tpu.memory_space<vmem>>[vector<16xi32>], vector<16xi32>,
      %bitcast3A_1272 = vector.bitcast %gather3A_1271 : vector<16xi32> to vector<32xbf16>
      %unpack3A_1273 = tpu.unpack_subelements %bitcast3A_1272, 0 {pack_format = #tpu.pack_format<interleaved>} : vector<32xbf16> -> vector<16xf32>
      %unpack3A_1274 = tpu.unpack_subelements %bitcast3A_1272, 1 {pack_format = #tpu.pack_format<interleaved>} : vector<32xbf16> -> vector<16xf32>
      %add3A_1275 = arith.addf %add3A_1251, %unpack3A_1273 : vector<16xf32>
      %add3A_1276 = arith.addf %add3A_1252, %unpack3A_1274 : vector<16xf32>
      %get3A_1277 = arith.constant 2 : i32
      %get3A_1278 = arith.index_cast %get3A_1277 : i32 to index
      %get3A_1279 = arith.index_cast %add3A_12 : i32 to index
      %get3A_1280 = tpu.vector_load %arg12[%get3A_1278, %get3A_1279] {strides = array<i32>} : memref<7x512xi32, #tpu.memory_space<vmem>>, vector<16xi32>,
      %gather3A_1281 = arith.constant 0 : i32
      %gather3A_1282 = arith.constant 0 : i32
      %gather3A_1283 = tpu.memref_slice %arg18[%gather3A_1281, %gather3A_1282] : memref<2x8xi32, #tpu.memory_space<vmem>> -> memref<1x8xi32, #tpu.memory_space<vmem>>
      %gather3A_1284 = tpu.memref_squeeze %gather3A_1283 : memref<1x8xi32, #tpu.memory_space<vmem>> -> memref<8xi32, #tpu.memory_space<vmem>>
      %gather3A_1285 = tpu.vector_load_idx %gather3A_1284[%get3A_1280] : memref<8xi32, #tpu.memory_space<vmem>>[vector<16xi32>], vector<16xi32>,
      %bitcast3A_1286 = vector.bitcast %gather3A_1285 : vector<16xi32> to vector<32xbf16>
      %unpack3A_1287 = tpu.unpack_subelements %bitcast3A_1286, 0 {pack_format = #tpu.pack_format<interleaved>} : vector<32xbf16> -> vector<16xf32>
      %unpack3A_1288 = tpu.unpack_subelements %bitcast3A_1286, 1 {pack_format = #tpu.pack_format<interleaved>} : vector<32xbf16> -> vector<16xf32>
      %add3A_1289 = arith.addf %add3A_1265, %unpack3A_1287 : vector<16xf32>
      %add3A_1290 = arith.addf %add3A_1266, %unpack3A_1288 : vector<16xf32>
      %gather3A_1291 = arith.constant 1 : i32
      %gather3A_1292 = arith.constant 0 : i32
      %gather3A_1293 = tpu.memref_slice %arg18[%gather3A_1291, %gather3A_1292] : memref<2x8xi32, #tpu.memory_space<vmem>> -> memref<1x8xi32, #tpu.memory_space<vmem>>
      %gather3A_1294 = tpu.memref_squeeze %gather3A_1293 : memref<1x8xi32, #tpu.memory_space<vmem>> -> memref<8xi32, #tpu.memory_space<vmem>>
      %gather3A_1295 = tpu.vector_load_idx %gather3A_1294[%get3A_1280] : memref<8xi32, #tpu.memory_space<vmem>>[vector<16xi32>], vector<16xi32>,
      %bitcast3A_1296 = vector.bitcast %gather3A_1295 : vector<16xi32> to vector<32xbf16>
      %unpack3A_1297 = tpu.unpack_subelements %bitcast3A_1296, 0 {pack_format = #tpu.pack_format<interleaved>} : vector<32xbf16> -> vector<16xf32>
      %unpack3A_1298 = tpu.unpack_subelements %bitcast3A_1296, 1 {pack_format = #tpu.pack_format<interleaved>} : vector<32xbf16> -> vector<16xf32>
      %add3A_1299 = arith.addf %add3A_1275, %unpack3A_1297 : vector<16xf32>
      %add3A_1300 = arith.addf %add3A_1276, %unpack3A_1298 : vector<16xf32>
      %get3A_1301 = arith.constant 3 : i32
      %get3A_1302 = arith.index_cast %get3A_1301 : i32 to index
      %get3A_1303 = arith.index_cast %add3A_12 : i32 to index
      %get3A_1304 = tpu.vector_load %arg12[%get3A_1302, %get3A_1303] {strides = array<i32>} : memref<7x512xi32, #tpu.memory_space<vmem>>, vector<16xi32>,
      %gather3A_1305 = arith.constant 0 : i32
      %gather3A_1306 = arith.constant 0 : i32
      %gather3A_1307 = tpu.memref_slice %arg18[%gather3A_1305, %gather3A_1306] : memref<2x8xi32, #tpu.memory_space<vmem>> -> memref<1x8xi32, #tpu.memory_space<vmem>>
      %gather3A_1308 = tpu.memref_squeeze %gather3A_1307 : memref<1x8xi32, #tpu.memory_space<vmem>> -> memref<8xi32, #tpu.memory_space<vmem>>
      %gather3A_1309 = tpu.vector_load_idx %gather3A_1308[%get3A_1304] : memref<8xi32, #tpu.memory_space<vmem>>[vector<16xi32>], vector<16xi32>,
      %bitcast3A_1310 = vector.bitcast %gather3A_1309 : vector<16xi32> to vector<32xbf16>
      %unpack3A_1311 = tpu.unpack_subelements %bitcast3A_1310, 0 {pack_format = #tpu.pack_format<interleaved>} : vector<32xbf16> -> vector<16xf32>
      %unpack3A_1312 = tpu.unpack_subelements %bitcast3A_1310, 1 {pack_format = #tpu.pack_format<interleaved>} : vector<32xbf16> -> vector<16xf32>
      %add3A_1313 = arith.addf %add3A_1289, %unpack3A_1311 : vector<16xf32>
      %add3A_1314 = arith.addf %add3A_1290, %unpack3A_1312 : vector<16xf32>
      %gather3A_1315 = arith.constant 1 : i32
      %gather3A_1316 = arith.constant 0 : i32
      %gather3A_1317 = tpu.memref_slice %arg18[%gather3A_1315, %gather3A_1316] : memref<2x8xi32, #tpu.memory_space<vmem>> -> memref<1x8xi32, #tpu.memory_space<vmem>>
      %gather3A_1318 = tpu.memref_squeeze %gather3A_1317 : memref<1x8xi32, #tpu.memory_space<vmem>> -> memref<8xi32, #tpu.memory_space<vmem>>
      %gather3A_1319 = tpu.vector_load_idx %gather3A_1318[%get3A_1304] : memref<8xi32, #tpu.memory_space<vmem>>[vector<16xi32>], vector<16xi32>,
      %bitcast3A_1320 = vector.bitcast %gather3A_1319 : vector<16xi32> to vector<32xbf16>
      %unpack3A_1321 = tpu.unpack_subelements %bitcast3A_1320, 0 {pack_format = #tpu.pack_format<interleaved>} : vector<32xbf16> -> vector<16xf32>
      %unpack3A_1322 = tpu.unpack_subelements %bitcast3A_1320, 1 {pack_format = #tpu.pack_format<interleaved>} : vector<32xbf16> -> vector<16xf32>
      %add3A_1323 = arith.addf %add3A_1299, %unpack3A_1321 : vector<16xf32>
      %add3A_1324 = arith.addf %add3A_1300, %unpack3A_1322 : vector<16xf32>
      %get3A_1325 = arith.constant 4 : i32
      %get3A_1326 = arith.index_cast %get3A_1325 : i32 to index
      %get3A_1327 = arith.index_cast %add3A_12 : i32 to index
      %get3A_1328 = tpu.vector_load %arg12[%get3A_1326, %get3A_1327] {strides = array<i32>} : memref<7x512xi32, #tpu.memory_space<vmem>>, vector<16xi32>,
      %gather3A_1329 = arith.constant 0 : i32
      %gather3A_1330 = arith.constant 0 : i32
      %gather3A_1331 = tpu.memref_slice %arg18[%gather3A_1329, %gather3A_1330] : memref<2x8xi32, #tpu.memory_space<vmem>> -> memref<1x8xi32, #tpu.memory_space<vmem>>
      %gather3A_1332 = tpu.memref_squeeze %gather3A_1331 : memref<1x8xi32, #tpu.memory_space<vmem>> -> memref<8xi32, #tpu.memory_space<vmem>>
      %gather3A_1333 = tpu.vector_load_idx %gather3A_1332[%get3A_1328] : memref<8xi32, #tpu.memory_space<vmem>>[vector<16xi32>], vector<16xi32>,
      %bitcast3A_1334 = vector.bitcast %gather3A_1333 : vector<16xi32> to vector<32xbf16>
      %unpack3A_1335 = tpu.unpack_subelements %bitcast3A_1334, 0 {pack_format = #tpu.pack_format<interleaved>} : vector<32xbf16> -> vector<16xf32>
      %unpack3A_1336 = tpu.unpack_subelements %bitcast3A_1334, 1 {pack_format = #tpu.pack_format<interleaved>} : vector<32xbf16> -> vector<16xf32>
      %add3A_1337 = arith.addf %add3A_1313, %unpack3A_1335 : vector<16xf32>
      %add3A_1338 = arith.addf %add3A_1314, %unpack3A_1336 : vector<16xf32>
      %gather3A_1339 = arith.constant 1 : i32
      %gather3A_1340 = arith.constant 0 : i32
      %gather3A_1341 = tpu.memref_slice %arg18[%gather3A_1339, %gather3A_1340] : memref<2x8xi32, #tpu.memory_space<vmem>> -> memref<1x8xi32, #tpu.memory_space<vmem>>
      %gather3A_1342 = tpu.memref_squeeze %gather3A_1341 : memref<1x8xi32, #tpu.memory_space<vmem>> -> memref<8xi32, #tpu.memory_space<vmem>>
      %gather3A_1343 = tpu.vector_load_idx %gather3A_1342[%get3A_1328] : memref<8xi32, #tpu.memory_space<vmem>>[vector<16xi32>], vector<16xi32>,
      %bitcast3A_1344 = vector.bitcast %gather3A_1343 : vector<16xi32> to vector<32xbf16>
      %unpack3A_1345 = tpu.unpack_subelements %bitcast3A_1344, 0 {pack_format = #tpu.pack_format<interleaved>} : vector<32xbf16> -> vector<16xf32>
      %unpack3A_1346 = tpu.unpack_subelements %bitcast3A_1344, 1 {pack_format = #tpu.pack_format<interleaved>} : vector<32xbf16> -> vector<16xf32>
      %add3A_1347 = arith.addf %add3A_1323, %unpack3A_1345 : vector<16xf32>
      %add3A_1348 = arith.addf %add3A_1324, %unpack3A_1346 : vector<16xf32>
      %get3A_1349 = arith.constant 5 : i32
      %get3A_1350 = arith.index_cast %get3A_1349 : i32 to index
      %get3A_1351 = arith.index_cast %add3A_12 : i32 to index
      %get3A_1352 = tpu.vector_load %arg12[%get3A_1350, %get3A_1351] {strides = array<i32>} : memref<7x512xi32, #tpu.memory_space<vmem>>, vector<16xi32>,
      %gather3A_1353 = arith.constant 0 : i32
      %gather3A_1354 = arith.constant 0 : i32
      %gather3A_1355 = tpu.memref_slice %arg18[%gather3A_1353, %gather3A_1354] : memref<2x8xi32, #tpu.memory_space<vmem>> -> memref<1x8xi32, #tpu.memory_space<vmem>>
      %gather3A_1356 = tpu.memref_squeeze %gather3A_1355 : memref<1x8xi32, #tpu.memory_space<vmem>> -> memref<8xi32, #tpu.memory_space<vmem>>
      %gather3A_1357 = tpu.vector_load_idx %gather3A_1356[%get3A_1352] : memref<8xi32, #tpu.memory_space<vmem>>[vector<16xi32>], vector<16xi32>,
      %bitcast3A_1358 = vector.bitcast %gather3A_1357 : vector<16xi32> to vector<32xbf16>
      %unpack3A_1359 = tpu.unpack_subelements %bitcast3A_1358, 0 {pack_format = #tpu.pack_format<interleaved>} : vector<32xbf16> -> vector<16xf32>
      %unpack3A_1360 = tpu.unpack_subelements %bitcast3A_1358, 1 {pack_format = #tpu.pack_format<interleaved>} : vector<32xbf16> -> vector<16xf32>
      %add3A_1361 = arith.addf %add3A_1337, %unpack3A_1359 : vector<16xf32>
      %add3A_1362 = arith.addf %add3A_1338, %unpack3A_1360 : vector<16xf32>
      %gather3A_1363 = arith.constant 1 : i32
      %gather3A_1364 = arith.constant 0 : i32
      %gather3A_1365 = tpu.memref_slice %arg18[%gather3A_1363, %gather3A_1364] : memref<2x8xi32, #tpu.memory_space<vmem>> -> memref<1x8xi32, #tpu.memory_space<vmem>>
      %gather3A_1366 = tpu.memref_squeeze %gather3A_1365 : memref<1x8xi32, #tpu.memory_space<vmem>> -> memref<8xi32, #tpu.memory_space<vmem>>
      %gather3A_1367 = tpu.vector_load_idx %gather3A_1366[%get3A_1352] : memref<8xi32, #tpu.memory_space<vmem>>[vector<16xi32>], vector<16xi32>,
      %bitcast3A_1368 = vector.bitcast %gather3A_1367 : vector<16xi32> to vector<32xbf16>
      %unpack3A_1369 = tpu.unpack_subelements %bitcast3A_1368, 0 {pack_format = #tpu.pack_format<interleaved>} : vector<32xbf16> -> vector<16xf32>
      %unpack3A_1370 = tpu.unpack_subelements %bitcast3A_1368, 1 {pack_format = #tpu.pack_format<interleaved>} : vector<32xbf16> -> vector<16xf32>
      %add3A_1371 = arith.addf %add3A_1347, %unpack3A_1369 : vector<16xf32>
      %add3A_1372 = arith.addf %add3A_1348, %unpack3A_1370 : vector<16xf32>
      %get3A_1373 = arith.constant 6 : i32
      %get3A_1374 = arith.index_cast %get3A_1373 : i32 to index
      %get3A_1375 = arith.index_cast %add3A_12 : i32 to index
      %get3A_1376 = tpu.vector_load %arg12[%get3A_1374, %get3A_1375] {strides = array<i32>} : memref<7x512xi32, #tpu.memory_space<vmem>>, vector<16xi32>,
      %gather3A_1377 = arith.constant 0 : i32
      %gather3A_1378 = arith.constant 0 : i32
      %gather3A_1379 = tpu.memref_slice %arg18[%gather3A_1377, %gather3A_1378] : memref<2x8xi32, #tpu.memory_space<vmem>> -> memref<1x8xi32, #tpu.memory_space<vmem>>
      %gather3A_1380 = tpu.memref_squeeze %gather3A_1379 : memref<1x8xi32, #tpu.memory_space<vmem>> -> memref<8xi32, #tpu.memory_space<vmem>>
      %gather3A_1381 = tpu.vector_load_idx %gather3A_1380[%get3A_1376] : memref<8xi32, #tpu.memory_space<vmem>>[vector<16xi32>], vector<16xi32>,
      %bitcast3A_1382 = vector.bitcast %gather3A_1381 : vector<16xi32> to vector<32xbf16>
      %unpack3A_1383 = tpu.unpack_subelements %bitcast3A_1382, 0 {pack_format = #tpu.pack_format<interleaved>} : vector<32xbf16> -> vector<16xf32>
      %unpack3A_1384 = tpu.unpack_subelements %bitcast3A_1382, 1 {pack_format = #tpu.pack_format<interleaved>} : vector<32xbf16> -> vector<16xf32>
      %add3A_1385 = arith.addf %add3A_1361, %unpack3A_1383 : vector<16xf32>
      %add3A_1386 = arith.addf %add3A_1362, %unpack3A_1384 : vector<16xf32>
      %gather3A_1387 = arith.constant 1 : i32
      %gather3A_1388 = arith.constant 0 : i32
      %gather3A_1389 = tpu.memref_slice %arg18[%gather3A_1387, %gather3A_1388] : memref<2x8xi32, #tpu.memory_space<vmem>> -> memref<1x8xi32, #tpu.memory_space<vmem>>
      %gather3A_1390 = tpu.memref_squeeze %gather3A_1389 : memref<1x8xi32, #tpu.memory_space<vmem>> -> memref<8xi32, #tpu.memory_space<vmem>>
      %gather3A_1391 = tpu.vector_load_idx %gather3A_1390[%get3A_1376] : memref<8xi32, #tpu.memory_space<vmem>>[vector<16xi32>], vector<16xi32>,
      %bitcast3A_1392 = vector.bitcast %gather3A_1391 : vector<16xi32> to vector<32xbf16>
      %unpack3A_1393 = tpu.unpack_subelements %bitcast3A_1392, 0 {pack_format = #tpu.pack_format<interleaved>} : vector<32xbf16> -> vector<16xf32>
      %unpack3A_1394 = tpu.unpack_subelements %bitcast3A_1392, 1 {pack_format = #tpu.pack_format<interleaved>} : vector<32xbf16> -> vector<16xf32>
      %add3A_1395 = arith.addf %add3A_1371, %unpack3A_1393 : vector<16xf32>
      %add3A_1396 = arith.addf %add3A_1372, %unpack3A_1394 : vector<16xf32>
      %mul3A_1397 = arith.constant 0.142857149 : f32
      %mul3A_1398 = vector.broadcast %mul3A_1397 : f32 to vector<16xf32>
      %mul3A_1399 = arith.mulf %add3A_1385, %mul3A_1398 : vector<16xf32>
      %swap3A_1400 = arith.constant 18 : i32
      %swap3A_1401 = arith.index_cast %swap3A_1400 : i32 to index
      %swap3A_1402 = arith.index_cast %add3A_12 : i32 to index
      %swap3A_1403 = tpu.vector_load %arg19[%swap3A_1401, %swap3A_1402] {strides = array<i32>} : memref<23x512xf32, #tpu.memory_space<vmem>>, vector<16xf32>,
      tpu.vector_store %arg19[%swap3A_1401, %swap3A_1402], %mul3A_1399 {strides = array<i32>} : memref<23x512xf32, #tpu.memory_space<vmem>>, vector<16xf32>,
      %mul3A_1404 = arith.constant 0.142857149 : f32
      %mul3A_1405 = vector.broadcast %mul3A_1404 : f32 to vector<16xf32>
      %mul3A_1406 = arith.mulf %add3A_1386, %mul3A_1405 : vector<16xf32>
      %swap3A_1407 = arith.constant 19 : i32
      %swap3A_1408 = arith.index_cast %swap3A_1407 : i32 to index
      %swap3A_1409 = arith.index_cast %add3A_12 : i32 to index
      %swap3A_1410 = tpu.vector_load %arg19[%swap3A_1408, %swap3A_1409] {strides = array<i32>} : memref<23x512xf32, #tpu.memory_space<vmem>>, vector<16xf32>,
      tpu.vector_store %arg19[%swap3A_1408, %swap3A_1409], %mul3A_1406 {strides = array<i32>} : memref<23x512xf32, #tpu.memory_space<vmem>>, vector<16xf32>,
      %mul3A_1411 = arith.constant 0.142857149 : f32
      %mul3A_1412 = vector.broadcast %mul3A_1411 : f32 to vector<16xf32>
      %mul3A_1413 = arith.mulf %add3A_1395, %mul3A_1412 : vector<16xf32>
      %swap3A_1414 = arith.constant 20 : i32
      %swap3A_1415 = arith.index_cast %swap3A_1414 : i32 to index
      %swap3A_1416 = arith.index_cast %add3A_12 : i32 to index
      %swap3A_1417 = tpu.vector_load %arg19[%swap3A_1415, %swap3A_1416] {strides = array<i32>} : memref<23x512xf32, #tpu.memory_space<vmem>>, vector<16xf32>,
      tpu.vector_store %arg19[%swap3A_1415, %swap3A_1416], %mul3A_1413 {strides = array<i32>} : memref<23x512xf32, #tpu.memory_space<vmem>>, vector<16xf32>,
      %mul3A_1418 = arith.constant 0.142857149 : f32
      %mul3A_1419 = vector.broadcast %mul3A_1418 : f32 to vector<16xf32>
      %mul3A_1420 = arith.mulf %add3A_1396, %mul3A_1419 : vector<16xf32>
      %swap3A_1421 = arith.constant 21 : i32
      %swap3A_1422 = arith.index_cast %swap3A_1421 : i32 to index
      %swap3A_1423 = arith.index_cast %add3A_12 : i32 to index
      %swap3A_1424 = tpu.vector_load %arg19[%swap3A_1422, %swap3A_1423] {strides = array<i32>} : memref<23x512xf32, #tpu.memory_space<vmem>>, vector<16xf32>,
      tpu.vector_store %arg19[%swap3A_1422, %swap3A_1423], %mul3A_1420 {strides = array<i32>} : memref<23x512xf32, #tpu.memory_space<vmem>>, vector<16xf32>,
      %get3A_1425 = arith.index_cast %add3A_12 : i32 to index
      %get3A_1426 = tpu.vector_load %arg15[%get3A_1425] {strides = array<i32>} : memref<512xf32, #tpu.memory_space<vmem>>, vector<16xf32>,
      %sub3A = arith.constant 1.900000e+01 : f32
      %sub3A_1427 = vector.broadcast %sub3A : f32 to vector<16xf32>
      %sub3A_1428 = arith.subf %get3A_1426, %sub3A_1427 : vector<16xf32>
      %mul3A_1429 = arith.constant 0.15384616 : f32
      %mul3A_1430 = vector.broadcast %mul3A_1429 : f32 to vector<16xf32>
      %mul3A_1431 = arith.mulf %sub3A_1428, %mul3A_1430 : vector<16xf32>
      %swap3A_1432 = arith.constant 22 : i32
      %swap3A_1433 = arith.index_cast %swap3A_1432 : i32 to index
      %swap3A_1434 = arith.index_cast %add3A_12 : i32 to index
      %swap3A_1435 = tpu.vector_load %arg19[%swap3A_1433, %swap3A_1434] {strides = array<i32>} : memref<23x512xf32, #tpu.memory_space<vmem>>, vector<16xf32>,
      tpu.vector_store %arg19[%swap3A_1433, %swap3A_1434], %mul3A_1431 {strides = array<i32>} : memref<23x512xf32, #tpu.memory_space<vmem>>, vector<16xf32>,
      %add3A_1436 = arith.constant 16 : i32
      %add3A_1437 = arith.addi %multiple_of3A_10, %add3A_1436 : i32
      %broadcast_in_dim3A_1438 = arith.constant 0.000000e+00 : f32
      %broadcast_in_dim3A_1439 = vector.broadcast %broadcast_in_dim3A_1438 : f32 to vector<16xf32>
      %get3A_1440 = arith.constant 0 : i32
      %get3A_1441 = arith.index_cast %get3A_1440 : i32 to index
      %get3A_1442 = arith.index_cast %add3A_1437 : i32 to index
      %get3A_1443 = tpu.vector_load %arg11[%get3A_1441, %get3A_1442] {strides = array<i32>} : memref<20x512xi32, #tpu.memory_space<vmem>>, vector<16xi32>,
      %gather3A_1444 = arith.constant 0 : i32
      %gather3A_1445 = arith.constant 0 : i32
      %gather3A_1446 = tpu.memref_slice %arg16[%gather3A_1444, %gather3A_1445] : memref<5x52xi32, #tpu.memory_space<vmem>> -> memref<1x52xi32, #tpu.memory_space<vmem>>
      %gather3A_1447 = tpu.memref_squeeze %gather3A_1446 : memref<1x52xi32, #tpu.memory_space<vmem>> -> memref<52xi32, #tpu.memory_space<vmem>>
      %gather3A_1448 = tpu.vector_load_idx %gather3A_1447[%get3A_1443] : memref<52xi32, #tpu.memory_space<vmem>>[vector<16xi32>], vector<16xi32>,
      %bitcast3A_1449 = vector.bitcast %gather3A_1448 : vector<16xi32> to vector<32xbf16>
      %unpack3A_1450 = tpu.unpack_subelements %bitcast3A_1449, 0 {pack_format = #tpu.pack_format<interleaved>} : vector<32xbf16> -> vector<16xf32>
      %unpack3A_1451 = tpu.unpack_subelements %bitcast3A_1449, 1 {pack_format = #tpu.pack_format<interleaved>} : vector<32xbf16> -> vector<16xf32>
      %add3A_1452 = arith.addf %broadcast_in_dim3A_1439, %unpack3A_1450 : vector<16xf32>
      %add3A_1453 = arith.addf %broadcast_in_dim3A_1439, %unpack3A_1451 : vector<16xf32>
      %gather3A_1454 = arith.constant 1 : i32
      %gather3A_1455 = arith.constant 0 : i32
      %gather3A_1456 = tpu.memref_slice %arg16[%gather3A_1454, %gather3A_1455] : memref<5x52xi32, #tpu.memory_space<vmem>> -> memref<1x52xi32, #tpu.memory_space<vmem>>
      %gather3A_1457 = tpu.memref_squeeze %gather3A_1456 : memref<1x52xi32, #tpu.memory_space<vmem>> -> memref<52xi32, #tpu.memory_space<vmem>>
      %gather3A_1458 = tpu.vector_load_idx %gather3A_1457[%get3A_1443] : memref<52xi32, #tpu.memory_space<vmem>>[vector<16xi32>], vector<16xi32>,
      %bitcast3A_1459 = vector.bitcast %gather3A_1458 : vector<16xi32> to vector<32xbf16>
      %unpack3A_1460 = tpu.unpack_subelements %bitcast3A_1459, 0 {pack_format = #tpu.pack_format<interleaved>} : vector<32xbf16> -> vector<16xf32>
      %unpack3A_1461 = tpu.unpack_subelements %bitcast3A_1459, 1 {pack_format = #tpu.pack_format<interleaved>} : vector<32xbf16> -> vector<16xf32>
      %add3A_1462 = arith.addf %broadcast_in_dim3A_1439, %unpack3A_1460 : vector<16xf32>
      %add3A_1463 = arith.addf %broadcast_in_dim3A_1439, %unpack3A_1461 : vector<16xf32>
      %gather3A_1464 = arith.constant 2 : i32
      %gather3A_1465 = arith.constant 0 : i32
      %gather3A_1466 = tpu.memref_slice %arg16[%gather3A_1464, %gather3A_1465] : memref<5x52xi32, #tpu.memory_space<vmem>> -> memref<1x52xi32, #tpu.memory_space<vmem>>
      %gather3A_1467 = tpu.memref_squeeze %gather3A_1466 : memref<1x52xi32, #tpu.memory_space<vmem>> -> memref<52xi32, #tpu.memory_space<vmem>>
      %gather3A_1468 = tpu.vector_load_idx %gather3A_1467[%get3A_1443] : memref<52xi32, #tpu.memory_space<vmem>>[vector<16xi32>], vector<16xi32>,
      %bitcast3A_1469 = vector.bitcast %gather3A_1468 : vector<16xi32> to vector<32xbf16>
      %unpack3A_1470 = tpu.unpack_subelements %bitcast3A_1469, 0 {pack_format = #tpu.pack_format<interleaved>} : vector<32xbf16> -> vector<16xf32>
      %unpack3A_1471 = tpu.unpack_subelements %bitcast3A_1469, 1 {pack_format = #tpu.pack_format<interleaved>} : vector<32xbf16> -> vector<16xf32>
      %add3A_1472 = arith.addf %broadcast_in_dim3A_1439, %unpack3A_1470 : vector<16xf32>
      %add3A_1473 = arith.addf %broadcast_in_dim3A_1439, %unpack3A_1471 : vector<16xf32>
      %gather3A_1474 = arith.constant 3 : i32
      %gather3A_1475 = arith.constant 0 : i32
      %gather3A_1476 = tpu.memref_slice %arg16[%gather3A_1474, %gather3A_1475] : memref<5x52xi32, #tpu.memory_space<vmem>> -> memref<1x52xi32, #tpu.memory_space<vmem>>
      %gather3A_1477 = tpu.memref_squeeze %gather3A_1476 : memref<1x52xi32, #tpu.memory_space<vmem>> -> memref<52xi32, #tpu.memory_space<vmem>>
      %gather3A_1478 = tpu.vector_load_idx %gather3A_1477[%get3A_1443] : memref<52xi32, #tpu.memory_space<vmem>>[vector<16xi32>], vector<16xi32>,
      %bitcast3A_1479 = vector.bitcast %gather3A_1478 : vector<16xi32> to vector<32xbf16>
      %unpack3A_1480 = tpu.unpack_subelements %bitcast3A_1479, 0 {pack_format = #tpu.pack_format<interleaved>} : vector<32xbf16> -> vector<16xf32>
      %unpack3A_1481 = tpu.unpack_subelements %bitcast3A_1479, 1 {pack_format = #tpu.pack_format<interleaved>} : vector<32xbf16> -> vector<16xf32>
      %add3A_1482 = arith.addf %broadcast_in_dim3A_1439, %unpack3A_1480 : vector<16xf32>
      %add3A_1483 = arith.addf %broadcast_in_dim3A_1439, %unpack3A_1481 : vector<16xf32>
      %gather3A_1484 = arith.constant 4 : i32
      %gather3A_1485 = arith.constant 0 : i32
      %gather3A_1486 = tpu.memref_slice %arg16[%gather3A_1484, %gather3A_1485] : memref<5x52xi32, #tpu.memory_space<vmem>> -> memref<1x52xi32, #tpu.memory_space<vmem>>
      %gather3A_1487 = tpu.memref_squeeze %gather3A_1486 : memref<1x52xi32, #tpu.memory_space<vmem>> -> memref<52xi32, #tpu.memory_space<vmem>>
      %gather3A_1488 = tpu.vector_load_idx %gather3A_1487[%get3A_1443] : memref<52xi32, #tpu.memory_space<vmem>>[vector<16xi32>], vector<16xi32>,
      %bitcast3A_1489 = vector.bitcast %gather3A_1488 : vector<16xi32> to vector<32xbf16>
      %unpack3A_1490 = tpu.unpack_subelements %bitcast3A_1489, 0 {pack_format = #tpu.pack_format<interleaved>} : vector<32xbf16> -> vector<16xf32>
      %unpack3A_1491 = tpu.unpack_subelements %bitcast3A_1489, 1 {pack_format = #tpu.pack_format<interleaved>} : vector<32xbf16> -> vector<16xf32>
      %add3A_1492 = arith.addf %broadcast_in_dim3A_1439, %unpack3A_1490 : vector<16xf32>
      %add3A_1493 = arith.addf %broadcast_in_dim3A_1439, %unpack3A_1491 : vector<16xf32>
      %get3A_1494 = arith.constant 1 : i32
      %get3A_1495 = arith.index_cast %get3A_1494 : i32 to index
      %get3A_1496 = arith.index_cast %add3A_1437 : i32 to index
      %get3A_1497 = tpu.vector_load %arg11[%get3A_1495, %get3A_1496] {strides = array<i32>} : memref<20x512xi32, #tpu.memory_space<vmem>>, vector<16xi32>,
      %gather3A_1498 = arith.constant 0 : i32
      %gather3A_1499 = arith.constant 0 : i32
      %gather3A_1500 = tpu.memref_slice %arg16[%gather3A_1498, %gather3A_1499] : memref<5x52xi32, #tpu.memory_space<vmem>> -> memref<1x52xi32, #tpu.memory_space<vmem>>
      %gather3A_1501 = tpu.memref_squeeze %gather3A_1500 : memref<1x52xi32, #tpu.memory_space<vmem>> -> memref<52xi32, #tpu.memory_space<vmem>>
      %gather3A_1502 = tpu.vector_load_idx %gather3A_1501[%get3A_1497] : memref<52xi32, #tpu.memory_space<vmem>>[vector<16xi32>], vector<16xi32>,
      %bitcast3A_1503 = vector.bitcast %gather3A_1502 : vector<16xi32> to vector<32xbf16>
      %unpack3A_1504 = tpu.unpack_subelements %bitcast3A_1503, 0 {pack_format = #tpu.pack_format<interleaved>} : vector<32xbf16> -> vector<16xf32>
      %unpack3A_1505 = tpu.unpack_subelements %bitcast3A_1503, 1 {pack_format = #tpu.pack_format<interleaved>} : vector<32xbf16> -> vector<16xf32>
      %add3A_1506 = arith.addf %add3A_1452, %unpack3A_1504 : vector<16xf32>
      %add3A_1507 = arith.addf %add3A_1453, %unpack3A_1505 : vector<16xf32>
      %gather3A_1508 = arith.constant 1 : i32
      %gather3A_1509 = arith.constant 0 : i32
      %gather3A_1510 = tpu.memref_slice %arg16[%gather3A_1508, %gather3A_1509] : memref<5x52xi32, #tpu.memory_space<vmem>> -> memref<1x52xi32, #tpu.memory_space<vmem>>
      %gather3A_1511 = tpu.memref_squeeze %gather3A_1510 : memref<1x52xi32, #tpu.memory_space<vmem>> -> memref<52xi32, #tpu.memory_space<vmem>>
      %gather3A_1512 = tpu.vector_load_idx %gather3A_1511[%get3A_1497] : memref<52xi32, #tpu.memory_space<vmem>>[vector<16xi32>], vector<16xi32>,
      %bitcast3A_1513 = vector.bitcast %gather3A_1512 : vector<16xi32> to vector<32xbf16>
      %unpack3A_1514 = tpu.unpack_subelements %bitcast3A_1513, 0 {pack_format = #tpu.pack_format<interleaved>} : vector<32xbf16> -> vector<16xf32>
      %unpack3A_1515 = tpu.unpack_subelements %bitcast3A_1513, 1 {pack_format = #tpu.pack_format<interleaved>} : vector<32xbf16> -> vector<16xf32>
      %add3A_1516 = arith.addf %add3A_1462, %unpack3A_1514 : vector<16xf32>
      %add3A_1517 = arith.addf %add3A_1463, %unpack3A_1515 : vector<16xf32>
      %gather3A_1518 = arith.constant 2 : i32
      %gather3A_1519 = arith.constant 0 : i32
      %gather3A_1520 = tpu.memref_slice %arg16[%gather3A_1518, %gather3A_1519] : memref<5x52xi32, #tpu.memory_space<vmem>> -> memref<1x52xi32, #tpu.memory_space<vmem>>
      %gather3A_1521 = tpu.memref_squeeze %gather3A_1520 : memref<1x52xi32, #tpu.memory_space<vmem>> -> memref<52xi32, #tpu.memory_space<vmem>>
      %gather3A_1522 = tpu.vector_load_idx %gather3A_1521[%get3A_1497] : memref<52xi32, #tpu.memory_space<vmem>>[vector<16xi32>], vector<16xi32>,
      %bitcast3A_1523 = vector.bitcast %gather3A_1522 : vector<16xi32> to vector<32xbf16>
      %unpack3A_1524 = tpu.unpack_subelements %bitcast3A_1523, 0 {pack_format = #tpu.pack_format<interleaved>} : vector<32xbf16> -> vector<16xf32>
      %unpack3A_1525 = tpu.unpack_subelements %bitcast3A_1523, 1 {pack_format = #tpu.pack_format<interleaved>} : vector<32xbf16> -> vector<16xf32>
      %add3A_1526 = arith.addf %add3A_1472, %unpack3A_1524 : vector<16xf32>
      %add3A_1527 = arith.addf %add3A_1473, %unpack3A_1525 : vector<16xf32>
      %gather3A_1528 = arith.constant 3 : i32
      %gather3A_1529 = arith.constant 0 : i32
      %gather3A_1530 = tpu.memref_slice %arg16[%gather3A_1528, %gather3A_1529] : memref<5x52xi32, #tpu.memory_space<vmem>> -> memref<1x52xi32, #tpu.memory_space<vmem>>
      %gather3A_1531 = tpu.memref_squeeze %gather3A_1530 : memref<1x52xi32, #tpu.memory_space<vmem>> -> memref<52xi32, #tpu.memory_space<vmem>>
      %gather3A_1532 = tpu.vector_load_idx %gather3A_1531[%get3A_1497] : memref<52xi32, #tpu.memory_space<vmem>>[vector<16xi32>], vector<16xi32>,
      %bitcast3A_1533 = vector.bitcast %gather3A_1532 : vector<16xi32> to vector<32xbf16>
      %unpack3A_1534 = tpu.unpack_subelements %bitcast3A_1533, 0 {pack_format = #tpu.pack_format<interleaved>} : vector<32xbf16> -> vector<16xf32>
      %unpack3A_1535 = tpu.unpack_subelements %bitcast3A_1533, 1 {pack_format = #tpu.pack_format<interleaved>} : vector<32xbf16> -> vector<16xf32>
      %add3A_1536 = arith.addf %add3A_1482, %unpack3A_1534 : vector<16xf32>
      %add3A_1537 = arith.addf %add3A_1483, %unpack3A_1535 : vector<16xf32>
      %gather3A_1538 = arith.constant 4 : i32
      %gather3A_1539 = arith.constant 0 : i32
      %gather3A_1540 = tpu.memref_slice %arg16[%gather3A_1538, %gather3A_1539] : memref<5x52xi32, #tpu.memory_space<vmem>> -> memref<1x52xi32, #tpu.memory_space<vmem>>
      %gather3A_1541 = tpu.memref_squeeze %gather3A_1540 : memref<1x52xi32, #tpu.memory_space<vmem>> -> memref<52xi32, #tpu.memory_space<vmem>>
      %gather3A_1542 = tpu.vector_load_idx %gather3A_1541[%get3A_1497] : memref<52xi32, #tpu.memory_space<vmem>>[vector<16xi32>], vector<16xi32>,
      %bitcast3A_1543 = vector.bitcast %gather3A_1542 : vector<16xi32> to vector<32xbf16>
      %unpack3A_1544 = tpu.unpack_subelements %bitcast3A_1543, 0 {pack_format = #tpu.pack_format<interleaved>} : vector<32xbf16> -> vector<16xf32>
      %unpack3A_1545 = tpu.unpack_subelements %bitcast3A_1543, 1 {pack_format = #tpu.pack_format<interleaved>} : vector<32xbf16> -> vector<16xf32>
      %add3A_1546 = arith.addf %add3A_1492, %unpack3A_1544 : vector<16xf32>
      %add3A_1547 = arith.addf %add3A_1493, %unpack3A_1545 : vector<16xf32>
      %get3A_1548 = arith.constant 2 : i32
      %get3A_1549 = arith.index_cast %get3A_1548 : i32 to index
      %get3A_1550 = arith.index_cast %add3A_1437 : i32 to index
      %get3A_1551 = tpu.vector_load %arg11[%get3A_1549, %get3A_1550] {strides = array<i32>} : memref<20x512xi32, #tpu.memory_space<vmem>>, vector<16xi32>,
      %gather3A_1552 = arith.constant 0 : i32
      %gather3A_1553 = arith.constant 0 : i32
      %gather3A_1554 = tpu.memref_slice %arg16[%gather3A_1552, %gather3A_1553] : memref<5x52xi32, #tpu.memory_space<vmem>> -> memref<1x52xi32, #tpu.memory_space<vmem>>
      %gather3A_1555 = tpu.memref_squeeze %gather3A_1554 : memref<1x52xi32, #tpu.memory_space<vmem>> -> memref<52xi32, #tpu.memory_space<vmem>>
      %gather3A_1556 = tpu.vector_load_idx %gather3A_1555[%get3A_1551] : memref<52xi32, #tpu.memory_space<vmem>>[vector<16xi32>], vector<16xi32>,
      %bitcast3A_1557 = vector.bitcast %gather3A_1556 : vector<16xi32> to vector<32xbf16>
      %unpack3A_1558 = tpu.unpack_subelements %bitcast3A_1557, 0 {pack_format = #tpu.pack_format<interleaved>} : vector<32xbf16> -> vector<16xf32>
      %unpack3A_1559 = tpu.unpack_subelements %bitcast3A_1557, 1 {pack_format = #tpu.pack_format<interleaved>} : vector<32xbf16> -> vector<16xf32>
      %add3A_1560 = arith.addf %add3A_1506, %unpack3A_1558 : vector<16xf32>
      %add3A_1561 = arith.addf %add3A_1507, %unpack3A_1559 : vector<16xf32>
      %gather3A_1562 = arith.constant 1 : i32
      %gather3A_1563 = arith.constant 0 : i32
      %gather3A_1564 = tpu.memref_slice %arg16[%gather3A_1562, %gather3A_1563] : memref<5x52xi32, #tpu.memory_space<vmem>> -> memref<1x52xi32, #tpu.memory_space<vmem>>
      %gather3A_1565 = tpu.memref_squeeze %gather3A_1564 : memref<1x52xi32, #tpu.memory_space<vmem>> -> memref<52xi32, #tpu.memory_space<vmem>>
      %gather3A_1566 = tpu.vector_load_idx %gather3A_1565[%get3A_1551] : memref<52xi32, #tpu.memory_space<vmem>>[vector<16xi32>], vector<16xi32>,
      %bitcast3A_1567 = vector.bitcast %gather3A_1566 : vector<16xi32> to vector<32xbf16>
      %unpack3A_1568 = tpu.unpack_subelements %bitcast3A_1567, 0 {pack_format = #tpu.pack_format<interleaved>} : vector<32xbf16> -> vector<16xf32>
      %unpack3A_1569 = tpu.unpack_subelements %bitcast3A_1567, 1 {pack_format = #tpu.pack_format<interleaved>} : vector<32xbf16> -> vector<16xf32>
      %add3A_1570 = arith.addf %add3A_1516, %unpack3A_1568 : vector<16xf32>
      %add3A_1571 = arith.addf %add3A_1517, %unpack3A_1569 : vector<16xf32>
      %gather3A_1572 = arith.constant 2 : i32
      %gather3A_1573 = arith.constant 0 : i32
      %gather3A_1574 = tpu.memref_slice %arg16[%gather3A_1572, %gather3A_1573] : memref<5x52xi32, #tpu.memory_space<vmem>> -> memref<1x52xi32, #tpu.memory_space<vmem>>
      %gather3A_1575 = tpu.memref_squeeze %gather3A_1574 : memref<1x52xi32, #tpu.memory_space<vmem>> -> memref<52xi32, #tpu.memory_space<vmem>>
      %gather3A_1576 = tpu.vector_load_idx %gather3A_1575[%get3A_1551] : memref<52xi32, #tpu.memory_space<vmem>>[vector<16xi32>], vector<16xi32>,
      %bitcast3A_1577 = vector.bitcast %gather3A_1576 : vector<16xi32> to vector<32xbf16>
      %unpack3A_1578 = tpu.unpack_subelements %bitcast3A_1577, 0 {pack_format = #tpu.pack_format<interleaved>} : vector<32xbf16> -> vector<16xf32>
      %unpack3A_1579 = tpu.unpack_subelements %bitcast3A_1577, 1 {pack_format = #tpu.pack_format<interleaved>} : vector<32xbf16> -> vector<16xf32>
      %add3A_1580 = arith.addf %add3A_1526, %unpack3A_1578 : vector<16xf32>
      %add3A_1581 = arith.addf %add3A_1527, %unpack3A_1579 : vector<16xf32>
      %gather3A_1582 = arith.constant 3 : i32
      %gather3A_1583 = arith.constant 0 : i32
      %gather3A_1584 = tpu.memref_slice %arg16[%gather3A_1582, %gather3A_1583] : memref<5x52xi32, #tpu.memory_space<vmem>> -> memref<1x52xi32, #tpu.memory_space<vmem>>
      %gather3A_1585 = tpu.memref_squeeze %gather3A_1584 : memref<1x52xi32, #tpu.memory_space<vmem>> -> memref<52xi32, #tpu.memory_space<vmem>>
      %gather3A_1586 = tpu.vector_load_idx %gather3A_1585[%get3A_1551] : memref<52xi32, #tpu.memory_space<vmem>>[vector<16xi32>], vector<16xi32>,
      %bitcast3A_1587 = vector.bitcast %gather3A_1586 : vector<16xi32> to vector<32xbf16>
      %unpack3A_1588 = tpu.unpack_subelements %bitcast3A_1587, 0 {pack_format = #tpu.pack_format<interleaved>} : vector<32xbf16> -> vector<16xf32>
      %unpack3A_1589 = tpu.unpack_subelements %bitcast3A_1587, 1 {pack_format = #tpu.pack_format<interleaved>} : vector<32xbf16> -> vector<16xf32>
      %add3A_1590 = arith.addf %add3A_1536, %unpack3A_1588 : vector<16xf32>
      %add3A_1591 = arith.addf %add3A_1537, %unpack3A_1589 : vector<16xf32>
      %gather3A_1592 = arith.constant 4 : i32
      %gather3A_1593 = arith.constant 0 : i32
      %gather3A_1594 = tpu.memref_slice %arg16[%gather3A_1592, %gather3A_1593] : memref<5x52xi32, #tpu.memory_space<vmem>> -> memref<1x52xi32, #tpu.memory_space<vmem>>
      %gather3A_1595 = tpu.memref_squeeze %gather3A_1594 : memref<1x52xi32, #tpu.memory_space<vmem>> -> memref<52xi32, #tpu.memory_space<vmem>>
      %gather3A_1596 = tpu.vector_load_idx %gather3A_1595[%get3A_1551] : memref<52xi32, #tpu.memory_space<vmem>>[vector<16xi32>], vector<16xi32>,
      %bitcast3A_1597 = vector.bitcast %gather3A_1596 : vector<16xi32> to vector<32xbf16>
      %unpack3A_1598 = tpu.unpack_subelements %bitcast3A_1597, 0 {pack_format = #tpu.pack_format<interleaved>} : vector<32xbf16> -> vector<16xf32>
      %unpack3A_1599 = tpu.unpack_subelements %bitcast3A_1597, 1 {pack_format = #tpu.pack_format<interleaved>} : vector<32xbf16> -> vector<16xf32>
      %add3A_1600 = arith.addf %add3A_1546, %unpack3A_1598 : vector<16xf32>
      %add3A_1601 = arith.addf %add3A_1547, %unpack3A_1599 : vector<16xf32>
      %get3A_1602 = arith.constant 3 : i32
      %get3A_1603 = arith.index_cast %get3A_1602 : i32 to index
      %get3A_1604 = arith.index_cast %add3A_1437 : i32 to index
      %get3A_1605 = tpu.vector_load %arg11[%get3A_1603, %get3A_1604] {strides = array<i32>} : memref<20x512xi32, #tpu.memory_space<vmem>>, vector<16xi32>,
      %gather3A_1606 = arith.constant 0 : i32
      %gather3A_1607 = arith.constant 0 : i32
      %gather3A_1608 = tpu.memref_slice %arg16[%gather3A_1606, %gather3A_1607] : memref<5x52xi32, #tpu.memory_space<vmem>> -> memref<1x52xi32, #tpu.memory_space<vmem>>
      %gather3A_1609 = tpu.memref_squeeze %gather3A_1608 : memref<1x52xi32, #tpu.memory_space<vmem>> -> memref<52xi32, #tpu.memory_space<vmem>>
      %gather3A_1610 = tpu.vector_load_idx %gather3A_1609[%get3A_1605] : memref<52xi32, #tpu.memory_space<vmem>>[vector<16xi32>], vector<16xi32>,
      %bitcast3A_1611 = vector.bitcast %gather3A_1610 : vector<16xi32> to vector<32xbf16>
      %unpack3A_1612 = tpu.unpack_subelements %bitcast3A_1611, 0 {pack_format = #tpu.pack_format<interleaved>} : vector<32xbf16> -> vector<16xf32>
      %unpack3A_1613 = tpu.unpack_subelements %bitcast3A_1611, 1 {pack_format = #tpu.pack_format<interleaved>} : vector<32xbf16> -> vector<16xf32>
      %add3A_1614 = arith.addf %add3A_1560, %unpack3A_1612 : vector<16xf32>
      %add3A_1615 = arith.addf %add3A_1561, %unpack3A_1613 : vector<16xf32>
      %gather3A_1616 = arith.constant 1 : i32
      %gather3A_1617 = arith.constant 0 : i32
      %gather3A_1618 = tpu.memref_slice %arg16[%gather3A_1616, %gather3A_1617] : memref<5x52xi32, #tpu.memory_space<vmem>> -> memref<1x52xi32, #tpu.memory_space<vmem>>
      %gather3A_1619 = tpu.memref_squeeze %gather3A_1618 : memref<1x52xi32, #tpu.memory_space<vmem>> -> memref<52xi32, #tpu.memory_space<vmem>>
      %gather3A_1620 = tpu.vector_load_idx %gather3A_1619[%get3A_1605] : memref<52xi32, #tpu.memory_space<vmem>>[vector<16xi32>], vector<16xi32>,
      %bitcast3A_1621 = vector.bitcast %gather3A_1620 : vector<16xi32> to vector<32xbf16>
      %unpack3A_1622 = tpu.unpack_subelements %bitcast3A_1621, 0 {pack_format = #tpu.pack_format<interleaved>} : vector<32xbf16> -> vector<16xf32>
      %unpack3A_1623 = tpu.unpack_subelements %bitcast3A_1621, 1 {pack_format = #tpu.pack_format<interleaved>} : vector<32xbf16> -> vector<16xf32>
      %add3A_1624 = arith.addf %add3A_1570, %unpack3A_1622 : vector<16xf32>
      %add3A_1625 = arith.addf %add3A_1571, %unpack3A_1623 : vector<16xf32>
      %gather3A_1626 = arith.constant 2 : i32
      %gather3A_1627 = arith.constant 0 : i32
      %gather3A_1628 = tpu.memref_slice %arg16[%gather3A_1626, %gather3A_1627] : memref<5x52xi32, #tpu.memory_space<vmem>> -> memref<1x52xi32, #tpu.memory_space<vmem>>
      %gather3A_1629 = tpu.memref_squeeze %gather3A_1628 : memref<1x52xi32, #tpu.memory_space<vmem>> -> memref<52xi32, #tpu.memory_space<vmem>>
      %gather3A_1630 = tpu.vector_load_idx %gather3A_1629[%get3A_1605] : memref<52xi32, #tpu.memory_space<vmem>>[vector<16xi32>], vector<16xi32>,
      %bitcast3A_1631 = vector.bitcast %gather3A_1630 : vector<16xi32> to vector<32xbf16>
      %unpack3A_1632 = tpu.unpack_subelements %bitcast3A_1631, 0 {pack_format = #tpu.pack_format<interleaved>} : vector<32xbf16> -> vector<16xf32>
      %unpack3A_1633 = tpu.unpack_subelements %bitcast3A_1631, 1 {pack_format = #tpu.pack_format<interleaved>} : vector<32xbf16> -> vector<16xf32>
      %add3A_1634 = arith.addf %add3A_1580, %unpack3A_1632 : vector<16xf32>
      %add3A_1635 = arith.addf %add3A_1581, %unpack3A_1633 : vector<16xf32>
      %gather3A_1636 = arith.constant 3 : i32
      %gather3A_1637 = arith.constant 0 : i32
      %gather3A_1638 = tpu.memref_slice %arg16[%gather3A_1636, %gather3A_1637] : memref<5x52xi32, #tpu.memory_space<vmem>> -> memref<1x52xi32, #tpu.memory_space<vmem>>
      %gather3A_1639 = tpu.memref_squeeze %gather3A_1638 : memref<1x52xi32, #tpu.memory_space<vmem>> -> memref<52xi32, #tpu.memory_space<vmem>>
      %gather3A_1640 = tpu.vector_load_idx %gather3A_1639[%get3A_1605] : memref<52xi32, #tpu.memory_space<vmem>>[vector<16xi32>], vector<16xi32>,
      %bitcast3A_1641 = vector.bitcast %gather3A_1640 : vector<16xi32> to vector<32xbf16>
      %unpack3A_1642 = tpu.unpack_subelements %bitcast3A_1641, 0 {pack_format = #tpu.pack_format<interleaved>} : vector<32xbf16> -> vector<16xf32>
      %unpack3A_1643 = tpu.unpack_subelements %bitcast3A_1641, 1 {pack_format = #tpu.pack_format<interleaved>} : vector<32xbf16> -> vector<16xf32>
      %add3A_1644 = arith.addf %add3A_1590, %unpack3A_1642 : vector<16xf32>
      %add3A_1645 = arith.addf %add3A_1591, %unpack3A_1643 : vector<16xf32>
      %gather3A_1646 = arith.constant 4 : i32
      %gather3A_1647 = arith.constant 0 : i32
      %gather3A_1648 = tpu.memref_slice %arg16[%gather3A_1646, %gather3A_1647] : memref<5x52xi32, #tpu.memory_space<vmem>> -> memref<1x52xi32, #tpu.memory_space<vmem>>
      %gather3A_1649 = tpu.memref_squeeze %gather3A_1648 : memref<1x52xi32, #tpu.memory_space<vmem>> -> memref<52xi32, #tpu.memory_space<vmem>>
      %gather3A_1650 = tpu.vector_load_idx %gather3A_1649[%get3A_1605] : memref<52xi32, #tpu.memory_space<vmem>>[vector<16xi32>], vector<16xi32>,
      %bitcast3A_1651 = vector.bitcast %gather3A_1650 : vector<16xi32> to vector<32xbf16>
      %unpack3A_1652 = tpu.unpack_subelements %bitcast3A_1651, 0 {pack_format = #tpu.pack_format<interleaved>} : vector<32xbf16> -> vector<16xf32>
      %unpack3A_1653 = tpu.unpack_subelements %bitcast3A_1651, 1 {pack_format = #tpu.pack_format<interleaved>} : vector<32xbf16> -> vector<16xf32>
      %add3A_1654 = arith.addf %add3A_1600, %unpack3A_1652 : vector<16xf32>
      %add3A_1655 = arith.addf %add3A_1601, %unpack3A_1653 : vector<16xf32>
      %get3A_1656 = arith.constant 4 : i32
      %get3A_1657 = arith.index_cast %get3A_1656 : i32 to index
      %get3A_1658 = arith.index_cast %add3A_1437 : i32 to index
      %get3A_1659 = tpu.vector_load %arg11[%get3A_1657, %get3A_1658] {strides = array<i32>} : memref<20x512xi32, #tpu.memory_space<vmem>>, vector<16xi32>,
      %gather3A_1660 = arith.constant 0 : i32
      %gather3A_1661 = arith.constant 0 : i32
      %gather3A_1662 = tpu.memref_slice %arg16[%gather3A_1660, %gather3A_1661] : memref<5x52xi32, #tpu.memory_space<vmem>> -> memref<1x52xi32, #tpu.memory_space<vmem>>
      %gather3A_1663 = tpu.memref_squeeze %gather3A_1662 : memref<1x52xi32, #tpu.memory_space<vmem>> -> memref<52xi32, #tpu.memory_space<vmem>>
      %gather3A_1664 = tpu.vector_load_idx %gather3A_1663[%get3A_1659] : memref<52xi32, #tpu.memory_space<vmem>>[vector<16xi32>], vector<16xi32>,
      %bitcast3A_1665 = vector.bitcast %gather3A_1664 : vector<16xi32> to vector<32xbf16>
      %unpack3A_1666 = tpu.unpack_subelements %bitcast3A_1665, 0 {pack_format = #tpu.pack_format<interleaved>} : vector<32xbf16> -> vector<16xf32>
      %unpack3A_1667 = tpu.unpack_subelements %bitcast3A_1665, 1 {pack_format = #tpu.pack_format<interleaved>} : vector<32xbf16> -> vector<16xf32>
      %add3A_1668 = arith.addf %add3A_1614, %unpack3A_1666 : vector<16xf32>
      %add3A_1669 = arith.addf %add3A_1615, %unpack3A_1667 : vector<16xf32>
      %gather3A_1670 = arith.constant 1 : i32
      %gather3A_1671 = arith.constant 0 : i32
      %gather3A_1672 = tpu.memref_slice %arg16[%gather3A_1670, %gather3A_1671] : memref<5x52xi32, #tpu.memory_space<vmem>> -> memref<1x52xi32, #tpu.memory_space<vmem>>
      %gather3A_1673 = tpu.memref_squeeze %gather3A_1672 : memref<1x52xi32, #tpu.memory_space<vmem>> -> memref<52xi32, #tpu.memory_space<vmem>>
      %gather3A_1674 = tpu.vector_load_idx %gather3A_1673[%get3A_1659] : memref<52xi32, #tpu.memory_space<vmem>>[vector<16xi32>], vector<16xi32>,
      %bitcast3A_1675 = vector.bitcast %gather3A_1674 : vector<16xi32> to vector<32xbf16>
      %unpack3A_1676 = tpu.unpack_subelements %bitcast3A_1675, 0 {pack_format = #tpu.pack_format<interleaved>} : vector<32xbf16> -> vector<16xf32>
      %unpack3A_1677 = tpu.unpack_subelements %bitcast3A_1675, 1 {pack_format = #tpu.pack_format<interleaved>} : vector<32xbf16> -> vector<16xf32>
      %add3A_1678 = arith.addf %add3A_1624, %unpack3A_1676 : vector<16xf32>
      %add3A_1679 = arith.addf %add3A_1625, %unpack3A_1677 : vector<16xf32>
      %gather3A_1680 = arith.constant 2 : i32
      %gather3A_1681 = arith.constant 0 : i32
      %gather3A_1682 = tpu.memref_slice %arg16[%gather3A_1680, %gather3A_1681] : memref<5x52xi32, #tpu.memory_space<vmem>> -> memref<1x52xi32, #tpu.memory_space<vmem>>
      %gather3A_1683 = tpu.memref_squeeze %gather3A_1682 : memref<1x52xi32, #tpu.memory_space<vmem>> -> memref<52xi32, #tpu.memory_space<vmem>>
      %gather3A_1684 = tpu.vector_load_idx %gather3A_1683[%get3A_1659] : memref<52xi32, #tpu.memory_space<vmem>>[vector<16xi32>], vector<16xi32>,
      %bitcast3A_1685 = vector.bitcast %gather3A_1684 : vector<16xi32> to vector<32xbf16>
      %unpack3A_1686 = tpu.unpack_subelements %bitcast3A_1685, 0 {pack_format = #tpu.pack_format<interleaved>} : vector<32xbf16> -> vector<16xf32>
      %unpack3A_1687 = tpu.unpack_subelements %bitcast3A_1685, 1 {pack_format = #tpu.pack_format<interleaved>} : vector<32xbf16> -> vector<16xf32>
      %add3A_1688 = arith.addf %add3A_1634, %unpack3A_1686 : vector<16xf32>
      %add3A_1689 = arith.addf %add3A_1635, %unpack3A_1687 : vector<16xf32>
      %gather3A_1690 = arith.constant 3 : i32
      %gather3A_1691 = arith.constant 0 : i32
      %gather3A_1692 = tpu.memref_slice %arg16[%gather3A_1690, %gather3A_1691] : memref<5x52xi32, #tpu.memory_space<vmem>> -> memref<1x52xi32, #tpu.memory_space<vmem>>
      %gather3A_1693 = tpu.memref_squeeze %gather3A_1692 : memref<1x52xi32, #tpu.memory_space<vmem>> -> memref<52xi32, #tpu.memory_space<vmem>>
      %gather3A_1694 = tpu.vector_load_idx %gather3A_1693[%get3A_1659] : memref<52xi32, #tpu.memory_space<vmem>>[vector<16xi32>], vector<16xi32>,
      %bitcast3A_1695 = vector.bitcast %gather3A_1694 : vector<16xi32> to vector<32xbf16>
      %unpack3A_1696 = tpu.unpack_subelements %bitcast3A_1695, 0 {pack_format = #tpu.pack_format<interleaved>} : vector<32xbf16> -> vector<16xf32>
      %unpack3A_1697 = tpu.unpack_subelements %bitcast3A_1695, 1 {pack_format = #tpu.pack_format<interleaved>} : vector<32xbf16> -> vector<16xf32>
      %add3A_1698 = arith.addf %add3A_1644, %unpack3A_1696 : vector<16xf32>
      %add3A_1699 = arith.addf %add3A_1645, %unpack3A_1697 : vector<16xf32>
      %gather3A_1700 = arith.constant 4 : i32
      %gather3A_1701 = arith.constant 0 : i32
      %gather3A_1702 = tpu.memref_slice %arg16[%gather3A_1700, %gather3A_1701] : memref<5x52xi32, #tpu.memory_space<vmem>> -> memref<1x52xi32, #tpu.memory_space<vmem>>
      %gather3A_1703 = tpu.memref_squeeze %gather3A_1702 : memref<1x52xi32, #tpu.memory_space<vmem>> -> memref<52xi32, #tpu.memory_space<vmem>>
      %gather3A_1704 = tpu.vector_load_idx %gather3A_1703[%get3A_1659] : memref<52xi32, #tpu.memory_space<vmem>>[vector<16xi32>], vector<16xi32>,
      %bitcast3A_1705 = vector.bitcast %gather3A_1704 : vector<16xi32> to vector<32xbf16>
      %unpack3A_1706 = tpu.unpack_subelements %bitcast3A_1705, 0 {pack_format = #tpu.pack_format<interleaved>} : vector<32xbf16> -> vector<16xf32>
      %unpack3A_1707 = tpu.unpack_subelements %bitcast3A_1705, 1 {pack_format = #tpu.pack_format<interleaved>} : vector<32xbf16> -> vector<16xf32>
      %add3A_1708 = arith.addf %add3A_1654, %unpack3A_1706 : vector<16xf32>
      %add3A_1709 = arith.addf %add3A_1655, %unpack3A_1707 : vector<16xf32>
      %get3A_1710 = arith.constant 5 : i32
      %get3A_1711 = arith.index_cast %get3A_1710 : i32 to index
      %get3A_1712 = arith.index_cast %add3A_1437 : i32 to index
      %get3A_1713 = tpu.vector_load %arg11[%get3A_1711, %get3A_1712] {strides = array<i32>} : memref<20x512xi32, #tpu.memory_space<vmem>>, vector<16xi32>,
      %gather3A_1714 = arith.constant 0 : i32
      %gather3A_1715 = arith.constant 0 : i32
      %gather3A_1716 = tpu.memref_slice %arg16[%gather3A_1714, %gather3A_1715] : memref<5x52xi32, #tpu.memory_space<vmem>> -> memref<1x52xi32, #tpu.memory_space<vmem>>
      %gather3A_1717 = tpu.memref_squeeze %gather3A_1716 : memref<1x52xi32, #tpu.memory_space<vmem>> -> memref<52xi32, #tpu.memory_space<vmem>>
      %gather3A_1718 = tpu.vector_load_idx %gather3A_1717[%get3A_1713] : memref<52xi32, #tpu.memory_space<vmem>>[vector<16xi32>], vector<16xi32>,
      %bitcast3A_1719 = vector.bitcast %gather3A_1718 : vector<16xi32> to vector<32xbf16>
      %unpack3A_1720 = tpu.unpack_subelements %bitcast3A_1719, 0 {pack_format = #tpu.pack_format<interleaved>} : vector<32xbf16> -> vector<16xf32>
      %unpack3A_1721 = tpu.unpack_subelements %bitcast3A_1719, 1 {pack_format = #tpu.pack_format<interleaved>} : vector<32xbf16> -> vector<16xf32>
      %add3A_1722 = arith.addf %add3A_1668, %unpack3A_1720 : vector<16xf32>
      %add3A_1723 = arith.addf %add3A_1669, %unpack3A_1721 : vector<16xf32>
      %gather3A_1724 = arith.constant 1 : i32
      %gather3A_1725 = arith.constant 0 : i32
      %gather3A_1726 = tpu.memref_slice %arg16[%gather3A_1724, %gather3A_1725] : memref<5x52xi32, #tpu.memory_space<vmem>> -> memref<1x52xi32, #tpu.memory_space<vmem>>
      %gather3A_1727 = tpu.memref_squeeze %gather3A_1726 : memref<1x52xi32, #tpu.memory_space<vmem>> -> memref<52xi32, #tpu.memory_space<vmem>>
      %gather3A_1728 = tpu.vector_load_idx %gather3A_1727[%get3A_1713] : memref<52xi32, #tpu.memory_space<vmem>>[vector<16xi32>], vector<16xi32>,
      %bitcast3A_1729 = vector.bitcast %gather3A_1728 : vector<16xi32> to vector<32xbf16>
      %unpack3A_1730 = tpu.unpack_subelements %bitcast3A_1729, 0 {pack_format = #tpu.pack_format<interleaved>} : vector<32xbf16> -> vector<16xf32>
      %unpack3A_1731 = tpu.unpack_subelements %bitcast3A_1729, 1 {pack_format = #tpu.pack_format<interleaved>} : vector<32xbf16> -> vector<16xf32>
      %add3A_1732 = arith.addf %add3A_1678, %unpack3A_1730 : vector<16xf32>
      %add3A_1733 = arith.addf %add3A_1679, %unpack3A_1731 : vector<16xf32>
      %gather3A_1734 = arith.constant 2 : i32
      %gather3A_1735 = arith.constant 0 : i32
      %gather3A_1736 = tpu.memref_slice %arg16[%gather3A_1734, %gather3A_1735] : memref<5x52xi32, #tpu.memory_space<vmem>> -> memref<1x52xi32, #tpu.memory_space<vmem>>
      %gather3A_1737 = tpu.memref_squeeze %gather3A_1736 : memref<1x52xi32, #tpu.memory_space<vmem>> -> memref<52xi32, #tpu.memory_space<vmem>>
      %gather3A_1738 = tpu.vector_load_idx %gather3A_1737[%get3A_1713] : memref<52xi32, #tpu.memory_space<vmem>>[vector<16xi32>], vector<16xi32>,
      %bitcast3A_1739 = vector.bitcast %gather3A_1738 : vector<16xi32> to vector<32xbf16>
      %unpack3A_1740 = tpu.unpack_subelements %bitcast3A_1739, 0 {pack_format = #tpu.pack_format<interleaved>} : vector<32xbf16> -> vector<16xf32>
      %unpack3A_1741 = tpu.unpack_subelements %bitcast3A_1739, 1 {pack_format = #tpu.pack_format<interleaved>} : vector<32xbf16> -> vector<16xf32>
      %add3A_1742 = arith.addf %add3A_1688, %unpack3A_1740 : vector<16xf32>
      %add3A_1743 = arith.addf %add3A_1689, %unpack3A_1741 : vector<16xf32>
      %gather3A_1744 = arith.constant 3 : i32
      %gather3A_1745 = arith.constant 0 : i32
      %gather3A_1746 = tpu.memref_slice %arg16[%gather3A_1744, %gather3A_1745] : memref<5x52xi32, #tpu.memory_space<vmem>> -> memref<1x52xi32, #tpu.memory_space<vmem>>
      %gather3A_1747 = tpu.memref_squeeze %gather3A_1746 : memref<1x52xi32, #tpu.memory_space<vmem>> -> memref<52xi32, #tpu.memory_space<vmem>>
      %gather3A_1748 = tpu.vector_load_idx %gather3A_1747[%get3A_1713] : memref<52xi32, #tpu.memory_space<vmem>>[vector<16xi32>], vector<16xi32>,
      %bitcast3A_1749 = vector.bitcast %gather3A_1748 : vector<16xi32> to vector<32xbf16>
      %unpack3A_1750 = tpu.unpack_subelements %bitcast3A_1749, 0 {pack_format = #tpu.pack_format<interleaved>} : vector<32xbf16> -> vector<16xf32>
      %unpack3A_1751 = tpu.unpack_subelements %bitcast3A_1749, 1 {pack_format = #tpu.pack_format<interleaved>} : vector<32xbf16> -> vector<16xf32>
      %add3A_1752 = arith.addf %add3A_1698, %unpack3A_1750 : vector<16xf32>
      %add3A_1753 = arith.addf %add3A_1699, %unpack3A_1751 : vector<16xf32>
      %gather3A_1754 = arith.constant 4 : i32
      %gather3A_1755 = arith.constant 0 : i32
      %gather3A_1756 = tpu.memref_slice %arg16[%gather3A_1754, %gather3A_1755] : memref<5x52xi32, #tpu.memory_space<vmem>> -> memref<1x52xi32, #tpu.memory_space<vmem>>
      %gather3A_1757 = tpu.memref_squeeze %gather3A_1756 : memref<1x52xi32, #tpu.memory_space<vmem>> -> memref<52xi32, #tpu.memory_space<vmem>>
      %gather3A_1758 = tpu.vector_load_idx %gather3A_1757[%get3A_1713] : memref<52xi32, #tpu.memory_space<vmem>>[vector<16xi32>], vector<16xi32>,
      %bitcast3A_1759 = vector.bitcast %gather3A_1758 : vector<16xi32> to vector<32xbf16>
      %unpack3A_1760 = tpu.unpack_subelements %bitcast3A_1759, 0 {pack_format = #tpu.pack_format<interleaved>} : vector<32xbf16> -> vector<16xf32>
      %unpack3A_1761 = tpu.unpack_subelements %bitcast3A_1759, 1 {pack_format = #tpu.pack_format<interleaved>} : vector<32xbf16> -> vector<16xf32>
      %add3A_1762 = arith.addf %add3A_1708, %unpack3A_1760 : vector<16xf32>
      %add3A_1763 = arith.addf %add3A_1709, %unpack3A_1761 : vector<16xf32>
      %get3A_1764 = arith.constant 6 : i32
      %get3A_1765 = arith.index_cast %get3A_1764 : i32 to index
      %get3A_1766 = arith.index_cast %add3A_1437 : i32 to index
      %get3A_1767 = tpu.vector_load %arg11[%get3A_1765, %get3A_1766] {strides = array<i32>} : memref<20x512xi32, #tpu.memory_space<vmem>>, vector<16xi32>,
      %gather3A_1768 = arith.constant 0 : i32
      %gather3A_1769 = arith.constant 0 : i32
      %gather3A_1770 = tpu.memref_slice %arg16[%gather3A_1768, %gather3A_1769] : memref<5x52xi32, #tpu.memory_space<vmem>> -> memref<1x52xi32, #tpu.memory_space<vmem>>
      %gather3A_1771 = tpu.memref_squeeze %gather3A_1770 : memref<1x52xi32, #tpu.memory_space<vmem>> -> memref<52xi32, #tpu.memory_space<vmem>>
      %gather3A_1772 = tpu.vector_load_idx %gather3A_1771[%get3A_1767] : memref<52xi32, #tpu.memory_space<vmem>>[vector<16xi32>], vector<16xi32>,
      %bitcast3A_1773 = vector.bitcast %gather3A_1772 : vector<16xi32> to vector<32xbf16>
      %unpack3A_1774 = tpu.unpack_subelements %bitcast3A_1773, 0 {pack_format = #tpu.pack_format<interleaved>} : vector<32xbf16> -> vector<16xf32>
      %unpack3A_1775 = tpu.unpack_subelements %bitcast3A_1773, 1 {pack_format = #tpu.pack_format<interleaved>} : vector<32xbf16> -> vector<16xf32>
      %add3A_1776 = arith.addf %add3A_1722, %unpack3A_1774 : vector<16xf32>
      %add3A_1777 = arith.addf %add3A_1723, %unpack3A_1775 : vector<16xf32>
      %gather3A_1778 = arith.constant 1 : i32
      %gather3A_1779 = arith.constant 0 : i32
      %gather3A_1780 = tpu.memref_slice %arg16[%gather3A_1778, %gather3A_1779] : memref<5x52xi32, #tpu.memory_space<vmem>> -> memref<1x52xi32, #tpu.memory_space<vmem>>
      %gather3A_1781 = tpu.memref_squeeze %gather3A_1780 : memref<1x52xi32, #tpu.memory_space<vmem>> -> memref<52xi32, #tpu.memory_space<vmem>>
      %gather3A_1782 = tpu.vector_load_idx %gather3A_1781[%get3A_1767] : memref<52xi32, #tpu.memory_space<vmem>>[vector<16xi32>], vector<16xi32>,
      %bitcast3A_1783 = vector.bitcast %gather3A_1782 : vector<16xi32> to vector<32xbf16>
      %unpack3A_1784 = tpu.unpack_subelements %bitcast3A_1783, 0 {pack_format = #tpu.pack_format<interleaved>} : vector<32xbf16> -> vector<16xf32>
      %unpack3A_1785 = tpu.unpack_subelements %bitcast3A_1783, 1 {pack_format = #tpu.pack_format<interleaved>} : vector<32xbf16> -> vector<16xf32>
      %add3A_1786 = arith.addf %add3A_1732, %unpack3A_1784 : vector<16xf32>
      %add3A_1787 = arith.addf %add3A_1733, %unpack3A_1785 : vector<16xf32>
      %gather3A_1788 = arith.constant 2 : i32
      %gather3A_1789 = arith.constant 0 : i32
      %gather3A_1790 = tpu.memref_slice %arg16[%gather3A_1788, %gather3A_1789] : memref<5x52xi32, #tpu.memory_space<vmem>> -> memref<1x52xi32, #tpu.memory_space<vmem>>
      %gather3A_1791 = tpu.memref_squeeze %gather3A_1790 : memref<1x52xi32, #tpu.memory_space<vmem>> -> memref<52xi32, #tpu.memory_space<vmem>>
      %gather3A_1792 = tpu.vector_load_idx %gather3A_1791[%get3A_1767] : memref<52xi32, #tpu.memory_space<vmem>>[vector<16xi32>], vector<16xi32>,
      %bitcast3A_1793 = vector.bitcast %gather3A_1792 : vector<16xi32> to vector<32xbf16>
      %unpack3A_1794 = tpu.unpack_subelements %bitcast3A_1793, 0 {pack_format = #tpu.pack_format<interleaved>} : vector<32xbf16> -> vector<16xf32>
      %unpack3A_1795 = tpu.unpack_subelements %bitcast3A_1793, 1 {pack_format = #tpu.pack_format<interleaved>} : vector<32xbf16> -> vector<16xf32>
      %add3A_1796 = arith.addf %add3A_1742, %unpack3A_1794 : vector<16xf32>
      %add3A_1797 = arith.addf %add3A_1743, %unpack3A_1795 : vector<16xf32>
      %gather3A_1798 = arith.constant 3 : i32
      %gather3A_1799 = arith.constant 0 : i32
      %gather3A_1800 = tpu.memref_slice %arg16[%gather3A_1798, %gather3A_1799] : memref<5x52xi32, #tpu.memory_space<vmem>> -> memref<1x52xi32, #tpu.memory_space<vmem>>
      %gather3A_1801 = tpu.memref_squeeze %gather3A_1800 : memref<1x52xi32, #tpu.memory_space<vmem>> -> memref<52xi32, #tpu.memory_space<vmem>>
      %gather3A_1802 = tpu.vector_load_idx %gather3A_1801[%get3A_1767] : memref<52xi32, #tpu.memory_space<vmem>>[vector<16xi32>], vector<16xi32>,
      %bitcast3A_1803 = vector.bitcast %gather3A_1802 : vector<16xi32> to vector<32xbf16>
      %unpack3A_1804 = tpu.unpack_subelements %bitcast3A_1803, 0 {pack_format = #tpu.pack_format<interleaved>} : vector<32xbf16> -> vector<16xf32>
      %unpack3A_1805 = tpu.unpack_subelements %bitcast3A_1803, 1 {pack_format = #tpu.pack_format<interleaved>} : vector<32xbf16> -> vector<16xf32>
      %add3A_1806 = arith.addf %add3A_1752, %unpack3A_1804 : vector<16xf32>
      %add3A_1807 = arith.addf %add3A_1753, %unpack3A_1805 : vector<16xf32>
      %gather3A_1808 = arith.constant 4 : i32
      %gather3A_1809 = arith.constant 0 : i32
      %gather3A_1810 = tpu.memref_slice %arg16[%gather3A_1808, %gather3A_1809] : memref<5x52xi32, #tpu.memory_space<vmem>> -> memref<1x52xi32, #tpu.memory_space<vmem>>
      %gather3A_1811 = tpu.memref_squeeze %gather3A_1810 : memref<1x52xi32, #tpu.memory_space<vmem>> -> memref<52xi32, #tpu.memory_space<vmem>>
      %gather3A_1812 = tpu.vector_load_idx %gather3A_1811[%get3A_1767] : memref<52xi32, #tpu.memory_space<vmem>>[vector<16xi32>], vector<16xi32>,
      %bitcast3A_1813 = vector.bitcast %gather3A_1812 : vector<16xi32> to vector<32xbf16>
      %unpack3A_1814 = tpu.unpack_subelements %bitcast3A_1813, 0 {pack_format = #tpu.pack_format<interleaved>} : vector<32xbf16> -> vector<16xf32>
      %unpack3A_1815 = tpu.unpack_subelements %bitcast3A_1813, 1 {pack_format = #tpu.pack_format<interleaved>} : vector<32xbf16> -> vector<16xf32>
      %add3A_1816 = arith.addf %add3A_1762, %unpack3A_1814 : vector<16xf32>
      %add3A_1817 = arith.addf %add3A_1763, %unpack3A_1815 : vector<16xf32>
      %get3A_1818 = arith.constant 7 : i32
      %get3A_1819 = arith.index_cast %get3A_1818 : i32 to index
      %get3A_1820 = arith.index_cast %add3A_1437 : i32 to index
      %get3A_1821 = tpu.vector_load %arg11[%get3A_1819, %get3A_1820] {strides = array<i32>} : memref<20x512xi32, #tpu.memory_space<vmem>>, vector<16xi32>,
      %gather3A_1822 = arith.constant 0 : i32
      %gather3A_1823 = arith.constant 0 : i32
      %gather3A_1824 = tpu.memref_slice %arg16[%gather3A_1822, %gather3A_1823] : memref<5x52xi32, #tpu.memory_space<vmem>> -> memref<1x52xi32, #tpu.memory_space<vmem>>
      %gather3A_1825 = tpu.memref_squeeze %gather3A_1824 : memref<1x52xi32, #tpu.memory_space<vmem>> -> memref<52xi32, #tpu.memory_space<vmem>>
      %gather3A_1826 = tpu.vector_load_idx %gather3A_1825[%get3A_1821] : memref<52xi32, #tpu.memory_space<vmem>>[vector<16xi32>], vector<16xi32>,
      %bitcast3A_1827 = vector.bitcast %gather3A_1826 : vector<16xi32> to vector<32xbf16>
      %unpack3A_1828 = tpu.unpack_subelements %bitcast3A_1827, 0 {pack_format = #tpu.pack_format<interleaved>} : vector<32xbf16> -> vector<16xf32>
      %unpack3A_1829 = tpu.unpack_subelements %bitcast3A_1827, 1 {pack_format = #tpu.pack_format<interleaved>} : vector<32xbf16> -> vector<16xf32>
      %add3A_1830 = arith.addf %add3A_1776, %unpack3A_1828 : vector<16xf32>
      %add3A_1831 = arith.addf %add3A_1777, %unpack3A_1829 : vector<16xf32>
      %gather3A_1832 = arith.constant 1 : i32
      %gather3A_1833 = arith.constant 0 : i32
      %gather3A_1834 = tpu.memref_slice %arg16[%gather3A_1832, %gather3A_1833] : memref<5x52xi32, #tpu.memory_space<vmem>> -> memref<1x52xi32, #tpu.memory_space<vmem>>
      %gather3A_1835 = tpu.memref_squeeze %gather3A_1834 : memref<1x52xi32, #tpu.memory_space<vmem>> -> memref<52xi32, #tpu.memory_space<vmem>>
      %gather3A_1836 = tpu.vector_load_idx %gather3A_1835[%get3A_1821] : memref<52xi32, #tpu.memory_space<vmem>>[vector<16xi32>], vector<16xi32>,
      %bitcast3A_1837 = vector.bitcast %gather3A_1836 : vector<16xi32> to vector<32xbf16>
      %unpack3A_1838 = tpu.unpack_subelements %bitcast3A_1837, 0 {pack_format = #tpu.pack_format<interleaved>} : vector<32xbf16> -> vector<16xf32>
      %unpack3A_1839 = tpu.unpack_subelements %bitcast3A_1837, 1 {pack_format = #tpu.pack_format<interleaved>} : vector<32xbf16> -> vector<16xf32>
      %add3A_1840 = arith.addf %add3A_1786, %unpack3A_1838 : vector<16xf32>
      %add3A_1841 = arith.addf %add3A_1787, %unpack3A_1839 : vector<16xf32>
      %gather3A_1842 = arith.constant 2 : i32
      %gather3A_1843 = arith.constant 0 : i32
      %gather3A_1844 = tpu.memref_slice %arg16[%gather3A_1842, %gather3A_1843] : memref<5x52xi32, #tpu.memory_space<vmem>> -> memref<1x52xi32, #tpu.memory_space<vmem>>
      %gather3A_1845 = tpu.memref_squeeze %gather3A_1844 : memref<1x52xi32, #tpu.memory_space<vmem>> -> memref<52xi32, #tpu.memory_space<vmem>>
      %gather3A_1846 = tpu.vector_load_idx %gather3A_1845[%get3A_1821] : memref<52xi32, #tpu.memory_space<vmem>>[vector<16xi32>], vector<16xi32>,
      %bitcast3A_1847 = vector.bitcast %gather3A_1846 : vector<16xi32> to vector<32xbf16>
      %unpack3A_1848 = tpu.unpack_subelements %bitcast3A_1847, 0 {pack_format = #tpu.pack_format<interleaved>} : vector<32xbf16> -> vector<16xf32>
      %unpack3A_1849 = tpu.unpack_subelements %bitcast3A_1847, 1 {pack_format = #tpu.pack_format<interleaved>} : vector<32xbf16> -> vector<16xf32>
      %add3A_1850 = arith.addf %add3A_1796, %unpack3A_1848 : vector<16xf32>
      %add3A_1851 = arith.addf %add3A_1797, %unpack3A_1849 : vector<16xf32>
      %gather3A_1852 = arith.constant 3 : i32
      %gather3A_1853 = arith.constant 0 : i32
      %gather3A_1854 = tpu.memref_slice %arg16[%gather3A_1852, %gather3A_1853] : memref<5x52xi32, #tpu.memory_space<vmem>> -> memref<1x52xi32, #tpu.memory_space<vmem>>
      %gather3A_1855 = tpu.memref_squeeze %gather3A_1854 : memref<1x52xi32, #tpu.memory_space<vmem>> -> memref<52xi32, #tpu.memory_space<vmem>>
      %gather3A_1856 = tpu.vector_load_idx %gather3A_1855[%get3A_1821] : memref<52xi32, #tpu.memory_space<vmem>>[vector<16xi32>], vector<16xi32>,
      %bitcast3A_1857 = vector.bitcast %gather3A_1856 : vector<16xi32> to vector<32xbf16>
      %unpack3A_1858 = tpu.unpack_subelements %bitcast3A_1857, 0 {pack_format = #tpu.pack_format<interleaved>} : vector<32xbf16> -> vector<16xf32>
      %unpack3A_1859 = tpu.unpack_subelements %bitcast3A_1857, 1 {pack_format = #tpu.pack_format<interleaved>} : vector<32xbf16> -> vector<16xf32>
      %add3A_1860 = arith.addf %add3A_1806, %unpack3A_1858 : vector<16xf32>
      %add3A_1861 = arith.addf %add3A_1807, %unpack3A_1859 : vector<16xf32>
      %gather3A_1862 = arith.constant 4 : i32
      %gather3A_1863 = arith.constant 0 : i32
      %gather3A_1864 = tpu.memref_slice %arg16[%gather3A_1862, %gather3A_1863] : memref<5x52xi32, #tpu.memory_space<vmem>> -> memref<1x52xi32, #tpu.memory_space<vmem>>
      %gather3A_1865 = tpu.memref_squeeze %gather3A_1864 : memref<1x52xi32, #tpu.memory_space<vmem>> -> memref<52xi32, #tpu.memory_space<vmem>>
      %gather3A_1866 = tpu.vector_load_idx %gather3A_1865[%get3A_1821] : memref<52xi32, #tpu.memory_space<vmem>>[vector<16xi32>], vector<16xi32>,
      %bitcast3A_1867 = vector.bitcast %gather3A_1866 : vector<16xi32> to vector<32xbf16>
      %unpack3A_1868 = tpu.unpack_subelements %bitcast3A_1867, 0 {pack_format = #tpu.pack_format<interleaved>} : vector<32xbf16> -> vector<16xf32>
      %unpack3A_1869 = tpu.unpack_subelements %bitcast3A_1867, 1 {pack_format = #tpu.pack_format<interleaved>} : vector<32xbf16> -> vector<16xf32>
      %add3A_1870 = arith.addf %add3A_1816, %unpack3A_1868 : vector<16xf32>
      %add3A_1871 = arith.addf %add3A_1817, %unpack3A_1869 : vector<16xf32>
      %get3A_1872 = arith.constant 8 : i32
      %get3A_1873 = arith.index_cast %get3A_1872 : i32 to index
      %get3A_1874 = arith.index_cast %add3A_1437 : i32 to index
      %get3A_1875 = tpu.vector_load %arg11[%get3A_1873, %get3A_1874] {strides = array<i32>} : memref<20x512xi32, #tpu.memory_space<vmem>>, vector<16xi32>,
      %gather3A_1876 = arith.constant 0 : i32
      %gather3A_1877 = arith.constant 0 : i32
      %gather3A_1878 = tpu.memref_slice %arg16[%gather3A_1876, %gather3A_1877] : memref<5x52xi32, #tpu.memory_space<vmem>> -> memref<1x52xi32, #tpu.memory_space<vmem>>
      %gather3A_1879 = tpu.memref_squeeze %gather3A_1878 : memref<1x52xi32, #tpu.memory_space<vmem>> -> memref<52xi32, #tpu.memory_space<vmem>>
      %gather3A_1880 = tpu.vector_load_idx %gather3A_1879[%get3A_1875] : memref<52xi32, #tpu.memory_space<vmem>>[vector<16xi32>], vector<16xi32>,
      %bitcast3A_1881 = vector.bitcast %gather3A_1880 : vector<16xi32> to vector<32xbf16>
      %unpack3A_1882 = tpu.unpack_subelements %bitcast3A_1881, 0 {pack_format = #tpu.pack_format<interleaved>} : vector<32xbf16> -> vector<16xf32>
      %unpack3A_1883 = tpu.unpack_subelements %bitcast3A_1881, 1 {pack_format = #tpu.pack_format<interleaved>} : vector<32xbf16> -> vector<16xf32>
      %add3A_1884 = arith.addf %add3A_1830, %unpack3A_1882 : vector<16xf32>
      %add3A_1885 = arith.addf %add3A_1831, %unpack3A_1883 : vector<16xf32>
      %gather3A_1886 = arith.constant 1 : i32
      %gather3A_1887 = arith.constant 0 : i32
      %gather3A_1888 = tpu.memref_slice %arg16[%gather3A_1886, %gather3A_1887] : memref<5x52xi32, #tpu.memory_space<vmem>> -> memref<1x52xi32, #tpu.memory_space<vmem>>
      %gather3A_1889 = tpu.memref_squeeze %gather3A_1888 : memref<1x52xi32, #tpu.memory_space<vmem>> -> memref<52xi32, #tpu.memory_space<vmem>>
      %gather3A_1890 = tpu.vector_load_idx %gather3A_1889[%get3A_1875] : memref<52xi32, #tpu.memory_space<vmem>>[vector<16xi32>], vector<16xi32>,
      %bitcast3A_1891 = vector.bitcast %gather3A_1890 : vector<16xi32> to vector<32xbf16>
      %unpack3A_1892 = tpu.unpack_subelements %bitcast3A_1891, 0 {pack_format = #tpu.pack_format<interleaved>} : vector<32xbf16> -> vector<16xf32>
      %unpack3A_1893 = tpu.unpack_subelements %bitcast3A_1891, 1 {pack_format = #tpu.pack_format<interleaved>} : vector<32xbf16> -> vector<16xf32>
      %add3A_1894 = arith.addf %add3A_1840, %unpack3A_1892 : vector<16xf32>
      %add3A_1895 = arith.addf %add3A_1841, %unpack3A_1893 : vector<16xf32>
      %gather3A_1896 = arith.constant 2 : i32
      %gather3A_1897 = arith.constant 0 : i32
      %gather3A_1898 = tpu.memref_slice %arg16[%gather3A_1896, %gather3A_1897] : memref<5x52xi32, #tpu.memory_space<vmem>> -> memref<1x52xi32, #tpu.memory_space<vmem>>
      %gather3A_1899 = tpu.memref_squeeze %gather3A_1898 : memref<1x52xi32, #tpu.memory_space<vmem>> -> memref<52xi32, #tpu.memory_space<vmem>>
      %gather3A_1900 = tpu.vector_load_idx %gather3A_1899[%get3A_1875] : memref<52xi32, #tpu.memory_space<vmem>>[vector<16xi32>], vector<16xi32>,
      %bitcast3A_1901 = vector.bitcast %gather3A_1900 : vector<16xi32> to vector<32xbf16>
      %unpack3A_1902 = tpu.unpack_subelements %bitcast3A_1901, 0 {pack_format = #tpu.pack_format<interleaved>} : vector<32xbf16> -> vector<16xf32>
      %unpack3A_1903 = tpu.unpack_subelements %bitcast3A_1901, 1 {pack_format = #tpu.pack_format<interleaved>} : vector<32xbf16> -> vector<16xf32>
      %add3A_1904 = arith.addf %add3A_1850, %unpack3A_1902 : vector<16xf32>
      %add3A_1905 = arith.addf %add3A_1851, %unpack3A_1903 : vector<16xf32>
      %gather3A_1906 = arith.constant 3 : i32
      %gather3A_1907 = arith.constant 0 : i32
      %gather3A_1908 = tpu.memref_slice %arg16[%gather3A_1906, %gather3A_1907] : memref<5x52xi32, #tpu.memory_space<vmem>> -> memref<1x52xi32, #tpu.memory_space<vmem>>
      %gather3A_1909 = tpu.memref_squeeze %gather3A_1908 : memref<1x52xi32, #tpu.memory_space<vmem>> -> memref<52xi32, #tpu.memory_space<vmem>>
      %gather3A_1910 = tpu.vector_load_idx %gather3A_1909[%get3A_1875] : memref<52xi32, #tpu.memory_space<vmem>>[vector<16xi32>], vector<16xi32>,
      %bitcast3A_1911 = vector.bitcast %gather3A_1910 : vector<16xi32> to vector<32xbf16>
      %unpack3A_1912 = tpu.unpack_subelements %bitcast3A_1911, 0 {pack_format = #tpu.pack_format<interleaved>} : vector<32xbf16> -> vector<16xf32>
      %unpack3A_1913 = tpu.unpack_subelements %bitcast3A_1911, 1 {pack_format = #tpu.pack_format<interleaved>} : vector<32xbf16> -> vector<16xf32>
      %add3A_1914 = arith.addf %add3A_1860, %unpack3A_1912 : vector<16xf32>
      %add3A_1915 = arith.addf %add3A_1861, %unpack3A_1913 : vector<16xf32>
      %gather3A_1916 = arith.constant 4 : i32
      %gather3A_1917 = arith.constant 0 : i32
      %gather3A_1918 = tpu.memref_slice %arg16[%gather3A_1916, %gather3A_1917] : memref<5x52xi32, #tpu.memory_space<vmem>> -> memref<1x52xi32, #tpu.memory_space<vmem>>
      %gather3A_1919 = tpu.memref_squeeze %gather3A_1918 : memref<1x52xi32, #tpu.memory_space<vmem>> -> memref<52xi32, #tpu.memory_space<vmem>>
      %gather3A_1920 = tpu.vector_load_idx %gather3A_1919[%get3A_1875] : memref<52xi32, #tpu.memory_space<vmem>>[vector<16xi32>], vector<16xi32>,
      %bitcast3A_1921 = vector.bitcast %gather3A_1920 : vector<16xi32> to vector<32xbf16>
      %unpack3A_1922 = tpu.unpack_subelements %bitcast3A_1921, 0 {pack_format = #tpu.pack_format<interleaved>} : vector<32xbf16> -> vector<16xf32>
      %unpack3A_1923 = tpu.unpack_subelements %bitcast3A_1921, 1 {pack_format = #tpu.pack_format<interleaved>} : vector<32xbf16> -> vector<16xf32>
      %add3A_1924 = arith.addf %add3A_1870, %unpack3A_1922 : vector<16xf32>
      %add3A_1925 = arith.addf %add3A_1871, %unpack3A_1923 : vector<16xf32>
      %get3A_1926 = arith.constant 9 : i32
      %get3A_1927 = arith.index_cast %get3A_1926 : i32 to index
      %get3A_1928 = arith.index_cast %add3A_1437 : i32 to index
      %get3A_1929 = tpu.vector_load %arg11[%get3A_1927, %get3A_1928] {strides = array<i32>} : memref<20x512xi32, #tpu.memory_space<vmem>>, vector<16xi32>,
      %gather3A_1930 = arith.constant 0 : i32
      %gather3A_1931 = arith.constant 0 : i32
      %gather3A_1932 = tpu.memref_slice %arg16[%gather3A_1930, %gather3A_1931] : memref<5x52xi32, #tpu.memory_space<vmem>> -> memref<1x52xi32, #tpu.memory_space<vmem>>
      %gather3A_1933 = tpu.memref_squeeze %gather3A_1932 : memref<1x52xi32, #tpu.memory_space<vmem>> -> memref<52xi32, #tpu.memory_space<vmem>>
      %gather3A_1934 = tpu.vector_load_idx %gather3A_1933[%get3A_1929] : memref<52xi32, #tpu.memory_space<vmem>>[vector<16xi32>], vector<16xi32>,
      %bitcast3A_1935 = vector.bitcast %gather3A_1934 : vector<16xi32> to vector<32xbf16>
      %unpack3A_1936 = tpu.unpack_subelements %bitcast3A_1935, 0 {pack_format = #tpu.pack_format<interleaved>} : vector<32xbf16> -> vector<16xf32>
      %unpack3A_1937 = tpu.unpack_subelements %bitcast3A_1935, 1 {pack_format = #tpu.pack_format<interleaved>} : vector<32xbf16> -> vector<16xf32>
      %add3A_1938 = arith.addf %add3A_1884, %unpack3A_1936 : vector<16xf32>
      %add3A_1939 = arith.addf %add3A_1885, %unpack3A_1937 : vector<16xf32>
      %gather3A_1940 = arith.constant 1 : i32
      %gather3A_1941 = arith.constant 0 : i32
      %gather3A_1942 = tpu.memref_slice %arg16[%gather3A_1940, %gather3A_1941] : memref<5x52xi32, #tpu.memory_space<vmem>> -> memref<1x52xi32, #tpu.memory_space<vmem>>
      %gather3A_1943 = tpu.memref_squeeze %gather3A_1942 : memref<1x52xi32, #tpu.memory_space<vmem>> -> memref<52xi32, #tpu.memory_space<vmem>>
      %gather3A_1944 = tpu.vector_load_idx %gather3A_1943[%get3A_1929] : memref<52xi32, #tpu.memory_space<vmem>>[vector<16xi32>], vector<16xi32>,
      %bitcast3A_1945 = vector.bitcast %gather3A_1944 : vector<16xi32> to vector<32xbf16>
      %unpack3A_1946 = tpu.unpack_subelements %bitcast3A_1945, 0 {pack_format = #tpu.pack_format<interleaved>} : vector<32xbf16> -> vector<16xf32>
      %unpack3A_1947 = tpu.unpack_subelements %bitcast3A_1945, 1 {pack_format = #tpu.pack_format<interleaved>} : vector<32xbf16> -> vector<16xf32>
      %add3A_1948 = arith.addf %add3A_1894, %unpack3A_1946 : vector<16xf32>
      %add3A_1949 = arith.addf %add3A_1895, %unpack3A_1947 : vector<16xf32>
      %gather3A_1950 = arith.constant 2 : i32
      %gather3A_1951 = arith.constant 0 : i32
      %gather3A_1952 = tpu.memref_slice %arg16[%gather3A_1950, %gather3A_1951] : memref<5x52xi32, #tpu.memory_space<vmem>> -> memref<1x52xi32, #tpu.memory_space<vmem>>
      %gather3A_1953 = tpu.memref_squeeze %gather3A_1952 : memref<1x52xi32, #tpu.memory_space<vmem>> -> memref<52xi32, #tpu.memory_space<vmem>>
      %gather3A_1954 = tpu.vector_load_idx %gather3A_1953[%get3A_1929] : memref<52xi32, #tpu.memory_space<vmem>>[vector<16xi32>], vector<16xi32>,
      %bitcast3A_1955 = vector.bitcast %gather3A_1954 : vector<16xi32> to vector<32xbf16>
      %unpack3A_1956 = tpu.unpack_subelements %bitcast3A_1955, 0 {pack_format = #tpu.pack_format<interleaved>} : vector<32xbf16> -> vector<16xf32>
      %unpack3A_1957 = tpu.unpack_subelements %bitcast3A_1955, 1 {pack_format = #tpu.pack_format<interleaved>} : vector<32xbf16> -> vector<16xf32>
      %add3A_1958 = arith.addf %add3A_1904, %unpack3A_1956 : vector<16xf32>
      %add3A_1959 = arith.addf %add3A_1905, %unpack3A_1957 : vector<16xf32>
      %gather3A_1960 = arith.constant 3 : i32
      %gather3A_1961 = arith.constant 0 : i32
      %gather3A_1962 = tpu.memref_slice %arg16[%gather3A_1960, %gather3A_1961] : memref<5x52xi32, #tpu.memory_space<vmem>> -> memref<1x52xi32, #tpu.memory_space<vmem>>
      %gather3A_1963 = tpu.memref_squeeze %gather3A_1962 : memref<1x52xi32, #tpu.memory_space<vmem>> -> memref<52xi32, #tpu.memory_space<vmem>>
      %gather3A_1964 = tpu.vector_load_idx %gather3A_1963[%get3A_1929] : memref<52xi32, #tpu.memory_space<vmem>>[vector<16xi32>], vector<16xi32>,
      %bitcast3A_1965 = vector.bitcast %gather3A_1964 : vector<16xi32> to vector<32xbf16>
      %unpack3A_1966 = tpu.unpack_subelements %bitcast3A_1965, 0 {pack_format = #tpu.pack_format<interleaved>} : vector<32xbf16> -> vector<16xf32>
      %unpack3A_1967 = tpu.unpack_subelements %bitcast3A_1965, 1 {pack_format = #tpu.pack_format<interleaved>} : vector<32xbf16> -> vector<16xf32>
      %add3A_1968 = arith.addf %add3A_1914, %unpack3A_1966 : vector<16xf32>
      %add3A_1969 = arith.addf %add3A_1915, %unpack3A_1967 : vector<16xf32>
      %gather3A_1970 = arith.constant 4 : i32
      %gather3A_1971 = arith.constant 0 : i32
      %gather3A_1972 = tpu.memref_slice %arg16[%gather3A_1970, %gather3A_1971] : memref<5x52xi32, #tpu.memory_space<vmem>> -> memref<1x52xi32, #tpu.memory_space<vmem>>
      %gather3A_1973 = tpu.memref_squeeze %gather3A_1972 : memref<1x52xi32, #tpu.memory_space<vmem>> -> memref<52xi32, #tpu.memory_space<vmem>>
      %gather3A_1974 = tpu.vector_load_idx %gather3A_1973[%get3A_1929] : memref<52xi32, #tpu.memory_space<vmem>>[vector<16xi32>], vector<16xi32>,
      %bitcast3A_1975 = vector.bitcast %gather3A_1974 : vector<16xi32> to vector<32xbf16>
      %unpack3A_1976 = tpu.unpack_subelements %bitcast3A_1975, 0 {pack_format = #tpu.pack_format<interleaved>} : vector<32xbf16> -> vector<16xf32>
      %unpack3A_1977 = tpu.unpack_subelements %bitcast3A_1975, 1 {pack_format = #tpu.pack_format<interleaved>} : vector<32xbf16> -> vector<16xf32>
      %add3A_1978 = arith.addf %add3A_1924, %unpack3A_1976 : vector<16xf32>
      %add3A_1979 = arith.addf %add3A_1925, %unpack3A_1977 : vector<16xf32>
      %get3A_1980 = arith.constant 10 : i32
      %get3A_1981 = arith.index_cast %get3A_1980 : i32 to index
      %get3A_1982 = arith.index_cast %add3A_1437 : i32 to index
      %get3A_1983 = tpu.vector_load %arg11[%get3A_1981, %get3A_1982] {strides = array<i32>} : memref<20x512xi32, #tpu.memory_space<vmem>>, vector<16xi32>,
      %gather3A_1984 = arith.constant 0 : i32
      %gather3A_1985 = arith.constant 0 : i32
      %gather3A_1986 = tpu.memref_slice %arg16[%gather3A_1984, %gather3A_1985] : memref<5x52xi32, #tpu.memory_space<vmem>> -> memref<1x52xi32, #tpu.memory_space<vmem>>
      %gather3A_1987 = tpu.memref_squeeze %gather3A_1986 : memref<1x52xi32, #tpu.memory_space<vmem>> -> memref<52xi32, #tpu.memory_space<vmem>>
      %gather3A_1988 = tpu.vector_load_idx %gather3A_1987[%get3A_1983] : memref<52xi32, #tpu.memory_space<vmem>>[vector<16xi32>], vector<16xi32>,
      %bitcast3A_1989 = vector.bitcast %gather3A_1988 : vector<16xi32> to vector<32xbf16>
      %unpack3A_1990 = tpu.unpack_subelements %bitcast3A_1989, 0 {pack_format = #tpu.pack_format<interleaved>} : vector<32xbf16> -> vector<16xf32>
      %unpack3A_1991 = tpu.unpack_subelements %bitcast3A_1989, 1 {pack_format = #tpu.pack_format<interleaved>} : vector<32xbf16> -> vector<16xf32>
      %add3A_1992 = arith.addf %add3A_1938, %unpack3A_1990 : vector<16xf32>
      %add3A_1993 = arith.addf %add3A_1939, %unpack3A_1991 : vector<16xf32>
      %gather3A_1994 = arith.constant 1 : i32
      %gather3A_1995 = arith.constant 0 : i32
      %gather3A_1996 = tpu.memref_slice %arg16[%gather3A_1994, %gather3A_1995] : memref<5x52xi32, #tpu.memory_space<vmem>> -> memref<1x52xi32, #tpu.memory_space<vmem>>
      %gather3A_1997 = tpu.memref_squeeze %gather3A_1996 : memref<1x52xi32, #tpu.memory_space<vmem>> -> memref<52xi32, #tpu.memory_space<vmem>>
      %gather3A_1998 = tpu.vector_load_idx %gather3A_1997[%get3A_1983] : memref<52xi32, #tpu.memory_space<vmem>>[vector<16xi32>], vector<16xi32>,
      %bitcast3A_1999 = vector.bitcast %gather3A_1998 : vector<16xi32> to vector<32xbf16>
      %unpack3A_2000 = tpu.unpack_subelements %bitcast3A_1999, 0 {pack_format = #tpu.pack_format<interleaved>} : vector<32xbf16> -> vector<16xf32>
      %unpack3A_2001 = tpu.unpack_subelements %bitcast3A_1999, 1 {pack_format = #tpu.pack_format<interleaved>} : vector<32xbf16> -> vector<16xf32>
      %add3A_2002 = arith.addf %add3A_1948, %unpack3A_2000 : vector<16xf32>
      %add3A_2003 = arith.addf %add3A_1949, %unpack3A_2001 : vector<16xf32>
      %gather3A_2004 = arith.constant 2 : i32
      %gather3A_2005 = arith.constant 0 : i32
      %gather3A_2006 = tpu.memref_slice %arg16[%gather3A_2004, %gather3A_2005] : memref<5x52xi32, #tpu.memory_space<vmem>> -> memref<1x52xi32, #tpu.memory_space<vmem>>
      %gather3A_2007 = tpu.memref_squeeze %gather3A_2006 : memref<1x52xi32, #tpu.memory_space<vmem>> -> memref<52xi32, #tpu.memory_space<vmem>>
      %gather3A_2008 = tpu.vector_load_idx %gather3A_2007[%get3A_1983] : memref<52xi32, #tpu.memory_space<vmem>>[vector<16xi32>], vector<16xi32>,
      %bitcast3A_2009 = vector.bitcast %gather3A_2008 : vector<16xi32> to vector<32xbf16>
      %unpack3A_2010 = tpu.unpack_subelements %bitcast3A_2009, 0 {pack_format = #tpu.pack_format<interleaved>} : vector<32xbf16> -> vector<16xf32>
      %unpack3A_2011 = tpu.unpack_subelements %bitcast3A_2009, 1 {pack_format = #tpu.pack_format<interleaved>} : vector<32xbf16> -> vector<16xf32>
      %add3A_2012 = arith.addf %add3A_1958, %unpack3A_2010 : vector<16xf32>
      %add3A_2013 = arith.addf %add3A_1959, %unpack3A_2011 : vector<16xf32>
      %gather3A_2014 = arith.constant 3 : i32
      %gather3A_2015 = arith.constant 0 : i32
      %gather3A_2016 = tpu.memref_slice %arg16[%gather3A_2014, %gather3A_2015] : memref<5x52xi32, #tpu.memory_space<vmem>> -> memref<1x52xi32, #tpu.memory_space<vmem>>
      %gather3A_2017 = tpu.memref_squeeze %gather3A_2016 : memref<1x52xi32, #tpu.memory_space<vmem>> -> memref<52xi32, #tpu.memory_space<vmem>>
      %gather3A_2018 = tpu.vector_load_idx %gather3A_2017[%get3A_1983] : memref<52xi32, #tpu.memory_space<vmem>>[vector<16xi32>], vector<16xi32>,
      %bitcast3A_2019 = vector.bitcast %gather3A_2018 : vector<16xi32> to vector<32xbf16>
      %unpack3A_2020 = tpu.unpack_subelements %bitcast3A_2019, 0 {pack_format = #tpu.pack_format<interleaved>} : vector<32xbf16> -> vector<16xf32>
      %unpack3A_2021 = tpu.unpack_subelements %bitcast3A_2019, 1 {pack_format = #tpu.pack_format<interleaved>} : vector<32xbf16> -> vector<16xf32>
      %add3A_2022 = arith.addf %add3A_1968, %unpack3A_2020 : vector<16xf32>
      %add3A_2023 = arith.addf %add3A_1969, %unpack3A_2021 : vector<16xf32>
      %gather3A_2024 = arith.constant 4 : i32
      %gather3A_2025 = arith.constant 0 : i32
      %gather3A_2026 = tpu.memref_slice %arg16[%gather3A_2024, %gather3A_2025] : memref<5x52xi32, #tpu.memory_space<vmem>> -> memref<1x52xi32, #tpu.memory_space<vmem>>
      %gather3A_2027 = tpu.memref_squeeze %gather3A_2026 : memref<1x52xi32, #tpu.memory_space<vmem>> -> memref<52xi32, #tpu.memory_space<vmem>>
      %gather3A_2028 = tpu.vector_load_idx %gather3A_2027[%get3A_1983] : memref<52xi32, #tpu.memory_space<vmem>>[vector<16xi32>], vector<16xi32>,
      %bitcast3A_2029 = vector.bitcast %gather3A_2028 : vector<16xi32> to vector<32xbf16>
      %unpack3A_2030 = tpu.unpack_subelements %bitcast3A_2029, 0 {pack_format = #tpu.pack_format<interleaved>} : vector<32xbf16> -> vector<16xf32>
      %unpack3A_2031 = tpu.unpack_subelements %bitcast3A_2029, 1 {pack_format = #tpu.pack_format<interleaved>} : vector<32xbf16> -> vector<16xf32>
      %add3A_2032 = arith.addf %add3A_1978, %unpack3A_2030 : vector<16xf32>
      %add3A_2033 = arith.addf %add3A_1979, %unpack3A_2031 : vector<16xf32>
      %get3A_2034 = arith.constant 11 : i32
      %get3A_2035 = arith.index_cast %get3A_2034 : i32 to index
      %get3A_2036 = arith.index_cast %add3A_1437 : i32 to index
      %get3A_2037 = tpu.vector_load %arg11[%get3A_2035, %get3A_2036] {strides = array<i32>} : memref<20x512xi32, #tpu.memory_space<vmem>>, vector<16xi32>,
      %gather3A_2038 = arith.constant 0 : i32
      %gather3A_2039 = arith.constant 0 : i32
      %gather3A_2040 = tpu.memref_slice %arg16[%gather3A_2038, %gather3A_2039] : memref<5x52xi32, #tpu.memory_space<vmem>> -> memref<1x52xi32, #tpu.memory_space<vmem>>
      %gather3A_2041 = tpu.memref_squeeze %gather3A_2040 : memref<1x52xi32, #tpu.memory_space<vmem>> -> memref<52xi32, #tpu.memory_space<vmem>>
      %gather3A_2042 = tpu.vector_load_idx %gather3A_2041[%get3A_2037] : memref<52xi32, #tpu.memory_space<vmem>>[vector<16xi32>], vector<16xi32>,
      %bitcast3A_2043 = vector.bitcast %gather3A_2042 : vector<16xi32> to vector<32xbf16>
      %unpack3A_2044 = tpu.unpack_subelements %bitcast3A_2043, 0 {pack_format = #tpu.pack_format<interleaved>} : vector<32xbf16> -> vector<16xf32>
      %unpack3A_2045 = tpu.unpack_subelements %bitcast3A_2043, 1 {pack_format = #tpu.pack_format<interleaved>} : vector<32xbf16> -> vector<16xf32>
      %add3A_2046 = arith.addf %add3A_1992, %unpack3A_2044 : vector<16xf32>
      %add3A_2047 = arith.addf %add3A_1993, %unpack3A_2045 : vector<16xf32>
      %gather3A_2048 = arith.constant 1 : i32
      %gather3A_2049 = arith.constant 0 : i32
      %gather3A_2050 = tpu.memref_slice %arg16[%gather3A_2048, %gather3A_2049] : memref<5x52xi32, #tpu.memory_space<vmem>> -> memref<1x52xi32, #tpu.memory_space<vmem>>
      %gather3A_2051 = tpu.memref_squeeze %gather3A_2050 : memref<1x52xi32, #tpu.memory_space<vmem>> -> memref<52xi32, #tpu.memory_space<vmem>>
      %gather3A_2052 = tpu.vector_load_idx %gather3A_2051[%get3A_2037] : memref<52xi32, #tpu.memory_space<vmem>>[vector<16xi32>], vector<16xi32>,
      %bitcast3A_2053 = vector.bitcast %gather3A_2052 : vector<16xi32> to vector<32xbf16>
      %unpack3A_2054 = tpu.unpack_subelements %bitcast3A_2053, 0 {pack_format = #tpu.pack_format<interleaved>} : vector<32xbf16> -> vector<16xf32>
      %unpack3A_2055 = tpu.unpack_subelements %bitcast3A_2053, 1 {pack_format = #tpu.pack_format<interleaved>} : vector<32xbf16> -> vector<16xf32>
      %add3A_2056 = arith.addf %add3A_2002, %unpack3A_2054 : vector<16xf32>
      %add3A_2057 = arith.addf %add3A_2003, %unpack3A_2055 : vector<16xf32>
      %gather3A_2058 = arith.constant 2 : i32
      %gather3A_2059 = arith.constant 0 : i32
      %gather3A_2060 = tpu.memref_slice %arg16[%gather3A_2058, %gather3A_2059] : memref<5x52xi32, #tpu.memory_space<vmem>> -> memref<1x52xi32, #tpu.memory_space<vmem>>
      %gather3A_2061 = tpu.memref_squeeze %gather3A_2060 : memref<1x52xi32, #tpu.memory_space<vmem>> -> memref<52xi32, #tpu.memory_space<vmem>>
      %gather3A_2062 = tpu.vector_load_idx %gather3A_2061[%get3A_2037] : memref<52xi32, #tpu.memory_space<vmem>>[vector<16xi32>], vector<16xi32>,
      %bitcast3A_2063 = vector.bitcast %gather3A_2062 : vector<16xi32> to vector<32xbf16>
      %unpack3A_2064 = tpu.unpack_subelements %bitcast3A_2063, 0 {pack_format = #tpu.pack_format<interleaved>} : vector<32xbf16> -> vector<16xf32>
      %unpack3A_2065 = tpu.unpack_subelements %bitcast3A_2063, 1 {pack_format = #tpu.pack_format<interleaved>} : vector<32xbf16> -> vector<16xf32>
      %add3A_2066 = arith.addf %add3A_2012, %unpack3A_2064 : vector<16xf32>
      %add3A_2067 = arith.addf %add3A_2013, %unpack3A_2065 : vector<16xf32>
      %gather3A_2068 = arith.constant 3 : i32
      %gather3A_2069 = arith.constant 0 : i32
      %gather3A_2070 = tpu.memref_slice %arg16[%gather3A_2068, %gather3A_2069] : memref<5x52xi32, #tpu.memory_space<vmem>> -> memref<1x52xi32, #tpu.memory_space<vmem>>
      %gather3A_2071 = tpu.memref_squeeze %gather3A_2070 : memref<1x52xi32, #tpu.memory_space<vmem>> -> memref<52xi32, #tpu.memory_space<vmem>>
      %gather3A_2072 = tpu.vector_load_idx %gather3A_2071[%get3A_2037] : memref<52xi32, #tpu.memory_space<vmem>>[vector<16xi32>], vector<16xi32>,
      %bitcast3A_2073 = vector.bitcast %gather3A_2072 : vector<16xi32> to vector<32xbf16>
      %unpack3A_2074 = tpu.unpack_subelements %bitcast3A_2073, 0 {pack_format = #tpu.pack_format<interleaved>} : vector<32xbf16> -> vector<16xf32>
      %unpack3A_2075 = tpu.unpack_subelements %bitcast3A_2073, 1 {pack_format = #tpu.pack_format<interleaved>} : vector<32xbf16> -> vector<16xf32>
      %add3A_2076 = arith.addf %add3A_2022, %unpack3A_2074 : vector<16xf32>
      %add3A_2077 = arith.addf %add3A_2023, %unpack3A_2075 : vector<16xf32>
      %gather3A_2078 = arith.constant 4 : i32
      %gather3A_2079 = arith.constant 0 : i32
      %gather3A_2080 = tpu.memref_slice %arg16[%gather3A_2078, %gather3A_2079] : memref<5x52xi32, #tpu.memory_space<vmem>> -> memref<1x52xi32, #tpu.memory_space<vmem>>
      %gather3A_2081 = tpu.memref_squeeze %gather3A_2080 : memref<1x52xi32, #tpu.memory_space<vmem>> -> memref<52xi32, #tpu.memory_space<vmem>>
      %gather3A_2082 = tpu.vector_load_idx %gather3A_2081[%get3A_2037] : memref<52xi32, #tpu.memory_space<vmem>>[vector<16xi32>], vector<16xi32>,
      %bitcast3A_2083 = vector.bitcast %gather3A_2082 : vector<16xi32> to vector<32xbf16>
      %unpack3A_2084 = tpu.unpack_subelements %bitcast3A_2083, 0 {pack_format = #tpu.pack_format<interleaved>} : vector<32xbf16> -> vector<16xf32>
      %unpack3A_2085 = tpu.unpack_subelements %bitcast3A_2083, 1 {pack_format = #tpu.pack_format<interleaved>} : vector<32xbf16> -> vector<16xf32>
      %add3A_2086 = arith.addf %add3A_2032, %unpack3A_2084 : vector<16xf32>
      %add3A_2087 = arith.addf %add3A_2033, %unpack3A_2085 : vector<16xf32>
      %get3A_2088 = arith.constant 12 : i32
      %get3A_2089 = arith.index_cast %get3A_2088 : i32 to index
      %get3A_2090 = arith.index_cast %add3A_1437 : i32 to index
      %get3A_2091 = tpu.vector_load %arg11[%get3A_2089, %get3A_2090] {strides = array<i32>} : memref<20x512xi32, #tpu.memory_space<vmem>>, vector<16xi32>,
      %gather3A_2092 = arith.constant 0 : i32
      %gather3A_2093 = arith.constant 0 : i32
      %gather3A_2094 = tpu.memref_slice %arg16[%gather3A_2092, %gather3A_2093] : memref<5x52xi32, #tpu.memory_space<vmem>> -> memref<1x52xi32, #tpu.memory_space<vmem>>
      %gather3A_2095 = tpu.memref_squeeze %gather3A_2094 : memref<1x52xi32, #tpu.memory_space<vmem>> -> memref<52xi32, #tpu.memory_space<vmem>>
      %gather3A_2096 = tpu.vector_load_idx %gather3A_2095[%get3A_2091] : memref<52xi32, #tpu.memory_space<vmem>>[vector<16xi32>], vector<16xi32>,
      %bitcast3A_2097 = vector.bitcast %gather3A_2096 : vector<16xi32> to vector<32xbf16>
      %unpack3A_2098 = tpu.unpack_subelements %bitcast3A_2097, 0 {pack_format = #tpu.pack_format<interleaved>} : vector<32xbf16> -> vector<16xf32>
      %unpack3A_2099 = tpu.unpack_subelements %bitcast3A_2097, 1 {pack_format = #tpu.pack_format<interleaved>} : vector<32xbf16> -> vector<16xf32>
      %add3A_2100 = arith.addf %add3A_2046, %unpack3A_2098 : vector<16xf32>
      %add3A_2101 = arith.addf %add3A_2047, %unpack3A_2099 : vector<16xf32>
      %gather3A_2102 = arith.constant 1 : i32
      %gather3A_2103 = arith.constant 0 : i32
      %gather3A_2104 = tpu.memref_slice %arg16[%gather3A_2102, %gather3A_2103] : memref<5x52xi32, #tpu.memory_space<vmem>> -> memref<1x52xi32, #tpu.memory_space<vmem>>
      %gather3A_2105 = tpu.memref_squeeze %gather3A_2104 : memref<1x52xi32, #tpu.memory_space<vmem>> -> memref<52xi32, #tpu.memory_space<vmem>>
      %gather3A_2106 = tpu.vector_load_idx %gather3A_2105[%get3A_2091] : memref<52xi32, #tpu.memory_space<vmem>>[vector<16xi32>], vector<16xi32>,
      %bitcast3A_2107 = vector.bitcast %gather3A_2106 : vector<16xi32> to vector<32xbf16>
      %unpack3A_2108 = tpu.unpack_subelements %bitcast3A_2107, 0 {pack_format = #tpu.pack_format<interleaved>} : vector<32xbf16> -> vector<16xf32>
      %unpack3A_2109 = tpu.unpack_subelements %bitcast3A_2107, 1 {pack_format = #tpu.pack_format<interleaved>} : vector<32xbf16> -> vector<16xf32>
      %add3A_2110 = arith.addf %add3A_2056, %unpack3A_2108 : vector<16xf32>
      %add3A_2111 = arith.addf %add3A_2057, %unpack3A_2109 : vector<16xf32>
      %gather3A_2112 = arith.constant 2 : i32
      %gather3A_2113 = arith.constant 0 : i32
      %gather3A_2114 = tpu.memref_slice %arg16[%gather3A_2112, %gather3A_2113] : memref<5x52xi32, #tpu.memory_space<vmem>> -> memref<1x52xi32, #tpu.memory_space<vmem>>
      %gather3A_2115 = tpu.memref_squeeze %gather3A_2114 : memref<1x52xi32, #tpu.memory_space<vmem>> -> memref<52xi32, #tpu.memory_space<vmem>>
      %gather3A_2116 = tpu.vector_load_idx %gather3A_2115[%get3A_2091] : memref<52xi32, #tpu.memory_space<vmem>>[vector<16xi32>], vector<16xi32>,
      %bitcast3A_2117 = vector.bitcast %gather3A_2116 : vector<16xi32> to vector<32xbf16>
      %unpack3A_2118 = tpu.unpack_subelements %bitcast3A_2117, 0 {pack_format = #tpu.pack_format<interleaved>} : vector<32xbf16> -> vector<16xf32>
      %unpack3A_2119 = tpu.unpack_subelements %bitcast3A_2117, 1 {pack_format = #tpu.pack_format<interleaved>} : vector<32xbf16> -> vector<16xf32>
      %add3A_2120 = arith.addf %add3A_2066, %unpack3A_2118 : vector<16xf32>
      %add3A_2121 = arith.addf %add3A_2067, %unpack3A_2119 : vector<16xf32>
      %gather3A_2122 = arith.constant 3 : i32
      %gather3A_2123 = arith.constant 0 : i32
      %gather3A_2124 = tpu.memref_slice %arg16[%gather3A_2122, %gather3A_2123] : memref<5x52xi32, #tpu.memory_space<vmem>> -> memref<1x52xi32, #tpu.memory_space<vmem>>
      %gather3A_2125 = tpu.memref_squeeze %gather3A_2124 : memref<1x52xi32, #tpu.memory_space<vmem>> -> memref<52xi32, #tpu.memory_space<vmem>>
      %gather3A_2126 = tpu.vector_load_idx %gather3A_2125[%get3A_2091] : memref<52xi32, #tpu.memory_space<vmem>>[vector<16xi32>], vector<16xi32>,
      %bitcast3A_2127 = vector.bitcast %gather3A_2126 : vector<16xi32> to vector<32xbf16>
      %unpack3A_2128 = tpu.unpack_subelements %bitcast3A_2127, 0 {pack_format = #tpu.pack_format<interleaved>} : vector<32xbf16> -> vector<16xf32>
      %unpack3A_2129 = tpu.unpack_subelements %bitcast3A_2127, 1 {pack_format = #tpu.pack_format<interleaved>} : vector<32xbf16> -> vector<16xf32>
      %add3A_2130 = arith.addf %add3A_2076, %unpack3A_2128 : vector<16xf32>
      %add3A_2131 = arith.addf %add3A_2077, %unpack3A_2129 : vector<16xf32>
      %gather3A_2132 = arith.constant 4 : i32
      %gather3A_2133 = arith.constant 0 : i32
      %gather3A_2134 = tpu.memref_slice %arg16[%gather3A_2132, %gather3A_2133] : memref<5x52xi32, #tpu.memory_space<vmem>> -> memref<1x52xi32, #tpu.memory_space<vmem>>
      %gather3A_2135 = tpu.memref_squeeze %gather3A_2134 : memref<1x52xi32, #tpu.memory_space<vmem>> -> memref<52xi32, #tpu.memory_space<vmem>>
      %gather3A_2136 = tpu.vector_load_idx %gather3A_2135[%get3A_2091] : memref<52xi32, #tpu.memory_space<vmem>>[vector<16xi32>], vector<16xi32>,
      %bitcast3A_2137 = vector.bitcast %gather3A_2136 : vector<16xi32> to vector<32xbf16>
      %unpack3A_2138 = tpu.unpack_subelements %bitcast3A_2137, 0 {pack_format = #tpu.pack_format<interleaved>} : vector<32xbf16> -> vector<16xf32>
      %unpack3A_2139 = tpu.unpack_subelements %bitcast3A_2137, 1 {pack_format = #tpu.pack_format<interleaved>} : vector<32xbf16> -> vector<16xf32>
      %add3A_2140 = arith.addf %add3A_2086, %unpack3A_2138 : vector<16xf32>
      %add3A_2141 = arith.addf %add3A_2087, %unpack3A_2139 : vector<16xf32>
      %get3A_2142 = arith.constant 13 : i32
      %get3A_2143 = arith.index_cast %get3A_2142 : i32 to index
      %get3A_2144 = arith.index_cast %add3A_1437 : i32 to index
      %get3A_2145 = tpu.vector_load %arg11[%get3A_2143, %get3A_2144] {strides = array<i32>} : memref<20x512xi32, #tpu.memory_space<vmem>>, vector<16xi32>,
      %gather3A_2146 = arith.constant 0 : i32
      %gather3A_2147 = arith.constant 0 : i32
      %gather3A_2148 = tpu.memref_slice %arg16[%gather3A_2146, %gather3A_2147] : memref<5x52xi32, #tpu.memory_space<vmem>> -> memref<1x52xi32, #tpu.memory_space<vmem>>
      %gather3A_2149 = tpu.memref_squeeze %gather3A_2148 : memref<1x52xi32, #tpu.memory_space<vmem>> -> memref<52xi32, #tpu.memory_space<vmem>>
      %gather3A_2150 = tpu.vector_load_idx %gather3A_2149[%get3A_2145] : memref<52xi32, #tpu.memory_space<vmem>>[vector<16xi32>], vector<16xi32>,
      %bitcast3A_2151 = vector.bitcast %gather3A_2150 : vector<16xi32> to vector<32xbf16>
      %unpack3A_2152 = tpu.unpack_subelements %bitcast3A_2151, 0 {pack_format = #tpu.pack_format<interleaved>} : vector<32xbf16> -> vector<16xf32>
      %unpack3A_2153 = tpu.unpack_subelements %bitcast3A_2151, 1 {pack_format = #tpu.pack_format<interleaved>} : vector<32xbf16> -> vector<16xf32>
      %add3A_2154 = arith.addf %add3A_2100, %unpack3A_2152 : vector<16xf32>
      %add3A_2155 = arith.addf %add3A_2101, %unpack3A_2153 : vector<16xf32>
      %gather3A_2156 = arith.constant 1 : i32
      %gather3A_2157 = arith.constant 0 : i32
      %gather3A_2158 = tpu.memref_slice %arg16[%gather3A_2156, %gather3A_2157] : memref<5x52xi32, #tpu.memory_space<vmem>> -> memref<1x52xi32, #tpu.memory_space<vmem>>
      %gather3A_2159 = tpu.memref_squeeze %gather3A_2158 : memref<1x52xi32, #tpu.memory_space<vmem>> -> memref<52xi32, #tpu.memory_space<vmem>>
      %gather3A_2160 = tpu.vector_load_idx %gather3A_2159[%get3A_2145] : memref<52xi32, #tpu.memory_space<vmem>>[vector<16xi32>], vector<16xi32>,
      %bitcast3A_2161 = vector.bitcast %gather3A_2160 : vector<16xi32> to vector<32xbf16>
      %unpack3A_2162 = tpu.unpack_subelements %bitcast3A_2161, 0 {pack_format = #tpu.pack_format<interleaved>} : vector<32xbf16> -> vector<16xf32>
      %unpack3A_2163 = tpu.unpack_subelements %bitcast3A_2161, 1 {pack_format = #tpu.pack_format<interleaved>} : vector<32xbf16> -> vector<16xf32>
      %add3A_2164 = arith.addf %add3A_2110, %unpack3A_2162 : vector<16xf32>
      %add3A_2165 = arith.addf %add3A_2111, %unpack3A_2163 : vector<16xf32>
      %gather3A_2166 = arith.constant 2 : i32
      %gather3A_2167 = arith.constant 0 : i32
      %gather3A_2168 = tpu.memref_slice %arg16[%gather3A_2166, %gather3A_2167] : memref<5x52xi32, #tpu.memory_space<vmem>> -> memref<1x52xi32, #tpu.memory_space<vmem>>
      %gather3A_2169 = tpu.memref_squeeze %gather3A_2168 : memref<1x52xi32, #tpu.memory_space<vmem>> -> memref<52xi32, #tpu.memory_space<vmem>>
      %gather3A_2170 = tpu.vector_load_idx %gather3A_2169[%get3A_2145] : memref<52xi32, #tpu.memory_space<vmem>>[vector<16xi32>], vector<16xi32>,
      %bitcast3A_2171 = vector.bitcast %gather3A_2170 : vector<16xi32> to vector<32xbf16>
      %unpack3A_2172 = tpu.unpack_subelements %bitcast3A_2171, 0 {pack_format = #tpu.pack_format<interleaved>} : vector<32xbf16> -> vector<16xf32>
      %unpack3A_2173 = tpu.unpack_subelements %bitcast3A_2171, 1 {pack_format = #tpu.pack_format<interleaved>} : vector<32xbf16> -> vector<16xf32>
      %add3A_2174 = arith.addf %add3A_2120, %unpack3A_2172 : vector<16xf32>
      %add3A_2175 = arith.addf %add3A_2121, %unpack3A_2173 : vector<16xf32>
      %gather3A_2176 = arith.constant 3 : i32
      %gather3A_2177 = arith.constant 0 : i32
      %gather3A_2178 = tpu.memref_slice %arg16[%gather3A_2176, %gather3A_2177] : memref<5x52xi32, #tpu.memory_space<vmem>> -> memref<1x52xi32, #tpu.memory_space<vmem>>
      %gather3A_2179 = tpu.memref_squeeze %gather3A_2178 : memref<1x52xi32, #tpu.memory_space<vmem>> -> memref<52xi32, #tpu.memory_space<vmem>>
      %gather3A_2180 = tpu.vector_load_idx %gather3A_2179[%get3A_2145] : memref<52xi32, #tpu.memory_space<vmem>>[vector<16xi32>], vector<16xi32>,
      %bitcast3A_2181 = vector.bitcast %gather3A_2180 : vector<16xi32> to vector<32xbf16>
      %unpack3A_2182 = tpu.unpack_subelements %bitcast3A_2181, 0 {pack_format = #tpu.pack_format<interleaved>} : vector<32xbf16> -> vector<16xf32>
      %unpack3A_2183 = tpu.unpack_subelements %bitcast3A_2181, 1 {pack_format = #tpu.pack_format<interleaved>} : vector<32xbf16> -> vector<16xf32>
      %add3A_2184 = arith.addf %add3A_2130, %unpack3A_2182 : vector<16xf32>
      %add3A_2185 = arith.addf %add3A_2131, %unpack3A_2183 : vector<16xf32>
      %gather3A_2186 = arith.constant 4 : i32
      %gather3A_2187 = arith.constant 0 : i32
      %gather3A_2188 = tpu.memref_slice %arg16[%gather3A_2186, %gather3A_2187] : memref<5x52xi32, #tpu.memory_space<vmem>> -> memref<1x52xi32, #tpu.memory_space<vmem>>
      %gather3A_2189 = tpu.memref_squeeze %gather3A_2188 : memref<1x52xi32, #tpu.memory_space<vmem>> -> memref<52xi32, #tpu.memory_space<vmem>>
      %gather3A_2190 = tpu.vector_load_idx %gather3A_2189[%get3A_2145] : memref<52xi32, #tpu.memory_space<vmem>>[vector<16xi32>], vector<16xi32>,
      %bitcast3A_2191 = vector.bitcast %gather3A_2190 : vector<16xi32> to vector<32xbf16>
      %unpack3A_2192 = tpu.unpack_subelements %bitcast3A_2191, 0 {pack_format = #tpu.pack_format<interleaved>} : vector<32xbf16> -> vector<16xf32>
      %unpack3A_2193 = tpu.unpack_subelements %bitcast3A_2191, 1 {pack_format = #tpu.pack_format<interleaved>} : vector<32xbf16> -> vector<16xf32>
      %add3A_2194 = arith.addf %add3A_2140, %unpack3A_2192 : vector<16xf32>
      %add3A_2195 = arith.addf %add3A_2141, %unpack3A_2193 : vector<16xf32>
      %get3A_2196 = arith.constant 14 : i32
      %get3A_2197 = arith.index_cast %get3A_2196 : i32 to index
      %get3A_2198 = arith.index_cast %add3A_1437 : i32 to index
      %get3A_2199 = tpu.vector_load %arg11[%get3A_2197, %get3A_2198] {strides = array<i32>} : memref<20x512xi32, #tpu.memory_space<vmem>>, vector<16xi32>,
      %gather3A_2200 = arith.constant 0 : i32
      %gather3A_2201 = arith.constant 0 : i32
      %gather3A_2202 = tpu.memref_slice %arg16[%gather3A_2200, %gather3A_2201] : memref<5x52xi32, #tpu.memory_space<vmem>> -> memref<1x52xi32, #tpu.memory_space<vmem>>
      %gather3A_2203 = tpu.memref_squeeze %gather3A_2202 : memref<1x52xi32, #tpu.memory_space<vmem>> -> memref<52xi32, #tpu.memory_space<vmem>>
      %gather3A_2204 = tpu.vector_load_idx %gather3A_2203[%get3A_2199] : memref<52xi32, #tpu.memory_space<vmem>>[vector<16xi32>], vector<16xi32>,
      %bitcast3A_2205 = vector.bitcast %gather3A_2204 : vector<16xi32> to vector<32xbf16>
      %unpack3A_2206 = tpu.unpack_subelements %bitcast3A_2205, 0 {pack_format = #tpu.pack_format<interleaved>} : vector<32xbf16> -> vector<16xf32>
      %unpack3A_2207 = tpu.unpack_subelements %bitcast3A_2205, 1 {pack_format = #tpu.pack_format<interleaved>} : vector<32xbf16> -> vector<16xf32>
      %add3A_2208 = arith.addf %add3A_2154, %unpack3A_2206 : vector<16xf32>
      %add3A_2209 = arith.addf %add3A_2155, %unpack3A_2207 : vector<16xf32>
      %gather3A_2210 = arith.constant 1 : i32
      %gather3A_2211 = arith.constant 0 : i32
      %gather3A_2212 = tpu.memref_slice %arg16[%gather3A_2210, %gather3A_2211] : memref<5x52xi32, #tpu.memory_space<vmem>> -> memref<1x52xi32, #tpu.memory_space<vmem>>
      %gather3A_2213 = tpu.memref_squeeze %gather3A_2212 : memref<1x52xi32, #tpu.memory_space<vmem>> -> memref<52xi32, #tpu.memory_space<vmem>>
      %gather3A_2214 = tpu.vector_load_idx %gather3A_2213[%get3A_2199] : memref<52xi32, #tpu.memory_space<vmem>>[vector<16xi32>], vector<16xi32>,
      %bitcast3A_2215 = vector.bitcast %gather3A_2214 : vector<16xi32> to vector<32xbf16>
      %unpack3A_2216 = tpu.unpack_subelements %bitcast3A_2215, 0 {pack_format = #tpu.pack_format<interleaved>} : vector<32xbf16> -> vector<16xf32>
      %unpack3A_2217 = tpu.unpack_subelements %bitcast3A_2215, 1 {pack_format = #tpu.pack_format<interleaved>} : vector<32xbf16> -> vector<16xf32>
      %add3A_2218 = arith.addf %add3A_2164, %unpack3A_2216 : vector<16xf32>
      %add3A_2219 = arith.addf %add3A_2165, %unpack3A_2217 : vector<16xf32>
      %gather3A_2220 = arith.constant 2 : i32
      %gather3A_2221 = arith.constant 0 : i32
      %gather3A_2222 = tpu.memref_slice %arg16[%gather3A_2220, %gather3A_2221] : memref<5x52xi32, #tpu.memory_space<vmem>> -> memref<1x52xi32, #tpu.memory_space<vmem>>
      %gather3A_2223 = tpu.memref_squeeze %gather3A_2222 : memref<1x52xi32, #tpu.memory_space<vmem>> -> memref<52xi32, #tpu.memory_space<vmem>>
      %gather3A_2224 = tpu.vector_load_idx %gather3A_2223[%get3A_2199] : memref<52xi32, #tpu.memory_space<vmem>>[vector<16xi32>], vector<16xi32>,
      %bitcast3A_2225 = vector.bitcast %gather3A_2224 : vector<16xi32> to vector<32xbf16>
      %unpack3A_2226 = tpu.unpack_subelements %bitcast3A_2225, 0 {pack_format = #tpu.pack_format<interleaved>} : vector<32xbf16> -> vector<16xf32>
      %unpack3A_2227 = tpu.unpack_subelements %bitcast3A_2225, 1 {pack_format = #tpu.pack_format<interleaved>} : vector<32xbf16> -> vector<16xf32>
      %add3A_2228 = arith.addf %add3A_2174, %unpack3A_2226 : vector<16xf32>
      %add3A_2229 = arith.addf %add3A_2175, %unpack3A_2227 : vector<16xf32>
      %gather3A_2230 = arith.constant 3 : i32
      %gather3A_2231 = arith.constant 0 : i32
      %gather3A_2232 = tpu.memref_slice %arg16[%gather3A_2230, %gather3A_2231] : memref<5x52xi32, #tpu.memory_space<vmem>> -> memref<1x52xi32, #tpu.memory_space<vmem>>
      %gather3A_2233 = tpu.memref_squeeze %gather3A_2232 : memref<1x52xi32, #tpu.memory_space<vmem>> -> memref<52xi32, #tpu.memory_space<vmem>>
      %gather3A_2234 = tpu.vector_load_idx %gather3A_2233[%get3A_2199] : memref<52xi32, #tpu.memory_space<vmem>>[vector<16xi32>], vector<16xi32>,
      %bitcast3A_2235 = vector.bitcast %gather3A_2234 : vector<16xi32> to vector<32xbf16>
      %unpack3A_2236 = tpu.unpack_subelements %bitcast3A_2235, 0 {pack_format = #tpu.pack_format<interleaved>} : vector<32xbf16> -> vector<16xf32>
      %unpack3A_2237 = tpu.unpack_subelements %bitcast3A_2235, 1 {pack_format = #tpu.pack_format<interleaved>} : vector<32xbf16> -> vector<16xf32>
      %add3A_2238 = arith.addf %add3A_2184, %unpack3A_2236 : vector<16xf32>
      %add3A_2239 = arith.addf %add3A_2185, %unpack3A_2237 : vector<16xf32>
      %gather3A_2240 = arith.constant 4 : i32
      %gather3A_2241 = arith.constant 0 : i32
      %gather3A_2242 = tpu.memref_slice %arg16[%gather3A_2240, %gather3A_2241] : memref<5x52xi32, #tpu.memory_space<vmem>> -> memref<1x52xi32, #tpu.memory_space<vmem>>
      %gather3A_2243 = tpu.memref_squeeze %gather3A_2242 : memref<1x52xi32, #tpu.memory_space<vmem>> -> memref<52xi32, #tpu.memory_space<vmem>>
      %gather3A_2244 = tpu.vector_load_idx %gather3A_2243[%get3A_2199] : memref<52xi32, #tpu.memory_space<vmem>>[vector<16xi32>], vector<16xi32>,
      %bitcast3A_2245 = vector.bitcast %gather3A_2244 : vector<16xi32> to vector<32xbf16>
      %unpack3A_2246 = tpu.unpack_subelements %bitcast3A_2245, 0 {pack_format = #tpu.pack_format<interleaved>} : vector<32xbf16> -> vector<16xf32>
      %unpack3A_2247 = tpu.unpack_subelements %bitcast3A_2245, 1 {pack_format = #tpu.pack_format<interleaved>} : vector<32xbf16> -> vector<16xf32>
      %add3A_2248 = arith.addf %add3A_2194, %unpack3A_2246 : vector<16xf32>
      %add3A_2249 = arith.addf %add3A_2195, %unpack3A_2247 : vector<16xf32>
      %get3A_2250 = arith.constant 15 : i32
      %get3A_2251 = arith.index_cast %get3A_2250 : i32 to index
      %get3A_2252 = arith.index_cast %add3A_1437 : i32 to index
      %get3A_2253 = tpu.vector_load %arg11[%get3A_2251, %get3A_2252] {strides = array<i32>} : memref<20x512xi32, #tpu.memory_space<vmem>>, vector<16xi32>,
      %gather3A_2254 = arith.constant 0 : i32
      %gather3A_2255 = arith.constant 0 : i32
      %gather3A_2256 = tpu.memref_slice %arg16[%gather3A_2254, %gather3A_2255] : memref<5x52xi32, #tpu.memory_space<vmem>> -> memref<1x52xi32, #tpu.memory_space<vmem>>
      %gather3A_2257 = tpu.memref_squeeze %gather3A_2256 : memref<1x52xi32, #tpu.memory_space<vmem>> -> memref<52xi32, #tpu.memory_space<vmem>>
      %gather3A_2258 = tpu.vector_load_idx %gather3A_2257[%get3A_2253] : memref<52xi32, #tpu.memory_space<vmem>>[vector<16xi32>], vector<16xi32>,
      %bitcast3A_2259 = vector.bitcast %gather3A_2258 : vector<16xi32> to vector<32xbf16>
      %unpack3A_2260 = tpu.unpack_subelements %bitcast3A_2259, 0 {pack_format = #tpu.pack_format<interleaved>} : vector<32xbf16> -> vector<16xf32>
      %unpack3A_2261 = tpu.unpack_subelements %bitcast3A_2259, 1 {pack_format = #tpu.pack_format<interleaved>} : vector<32xbf16> -> vector<16xf32>
      %add3A_2262 = arith.addf %add3A_2208, %unpack3A_2260 : vector<16xf32>
      %add3A_2263 = arith.addf %add3A_2209, %unpack3A_2261 : vector<16xf32>
      %gather3A_2264 = arith.constant 1 : i32
      %gather3A_2265 = arith.constant 0 : i32
      %gather3A_2266 = tpu.memref_slice %arg16[%gather3A_2264, %gather3A_2265] : memref<5x52xi32, #tpu.memory_space<vmem>> -> memref<1x52xi32, #tpu.memory_space<vmem>>
      %gather3A_2267 = tpu.memref_squeeze %gather3A_2266 : memref<1x52xi32, #tpu.memory_space<vmem>> -> memref<52xi32, #tpu.memory_space<vmem>>
      %gather3A_2268 = tpu.vector_load_idx %gather3A_2267[%get3A_2253] : memref<52xi32, #tpu.memory_space<vmem>>[vector<16xi32>], vector<16xi32>,
      %bitcast3A_2269 = vector.bitcast %gather3A_2268 : vector<16xi32> to vector<32xbf16>
      %unpack3A_2270 = tpu.unpack_subelements %bitcast3A_2269, 0 {pack_format = #tpu.pack_format<interleaved>} : vector<32xbf16> -> vector<16xf32>
      %unpack3A_2271 = tpu.unpack_subelements %bitcast3A_2269, 1 {pack_format = #tpu.pack_format<interleaved>} : vector<32xbf16> -> vector<16xf32>
      %add3A_2272 = arith.addf %add3A_2218, %unpack3A_2270 : vector<16xf32>
      %add3A_2273 = arith.addf %add3A_2219, %unpack3A_2271 : vector<16xf32>
      %gather3A_2274 = arith.constant 2 : i32
      %gather3A_2275 = arith.constant 0 : i32
      %gather3A_2276 = tpu.memref_slice %arg16[%gather3A_2274, %gather3A_2275] : memref<5x52xi32, #tpu.memory_space<vmem>> -> memref<1x52xi32, #tpu.memory_space<vmem>>
      %gather3A_2277 = tpu.memref_squeeze %gather3A_2276 : memref<1x52xi32, #tpu.memory_space<vmem>> -> memref<52xi32, #tpu.memory_space<vmem>>
      %gather3A_2278 = tpu.vector_load_idx %gather3A_2277[%get3A_2253] : memref<52xi32, #tpu.memory_space<vmem>>[vector<16xi32>], vector<16xi32>,
      %bitcast3A_2279 = vector.bitcast %gather3A_2278 : vector<16xi32> to vector<32xbf16>
      %unpack3A_2280 = tpu.unpack_subelements %bitcast3A_2279, 0 {pack_format = #tpu.pack_format<interleaved>} : vector<32xbf16> -> vector<16xf32>
      %unpack3A_2281 = tpu.unpack_subelements %bitcast3A_2279, 1 {pack_format = #tpu.pack_format<interleaved>} : vector<32xbf16> -> vector<16xf32>
      %add3A_2282 = arith.addf %add3A_2228, %unpack3A_2280 : vector<16xf32>
      %add3A_2283 = arith.addf %add3A_2229, %unpack3A_2281 : vector<16xf32>
      %gather3A_2284 = arith.constant 3 : i32
      %gather3A_2285 = arith.constant 0 : i32
      %gather3A_2286 = tpu.memref_slice %arg16[%gather3A_2284, %gather3A_2285] : memref<5x52xi32, #tpu.memory_space<vmem>> -> memref<1x52xi32, #tpu.memory_space<vmem>>
      %gather3A_2287 = tpu.memref_squeeze %gather3A_2286 : memref<1x52xi32, #tpu.memory_space<vmem>> -> memref<52xi32, #tpu.memory_space<vmem>>
      %gather3A_2288 = tpu.vector_load_idx %gather3A_2287[%get3A_2253] : memref<52xi32, #tpu.memory_space<vmem>>[vector<16xi32>], vector<16xi32>,
      %bitcast3A_2289 = vector.bitcast %gather3A_2288 : vector<16xi32> to vector<32xbf16>
      %unpack3A_2290 = tpu.unpack_subelements %bitcast3A_2289, 0 {pack_format = #tpu.pack_format<interleaved>} : vector<32xbf16> -> vector<16xf32>
      %unpack3A_2291 = tpu.unpack_subelements %bitcast3A_2289, 1 {pack_format = #tpu.pack_format<interleaved>} : vector<32xbf16> -> vector<16xf32>
      %add3A_2292 = arith.addf %add3A_2238, %unpack3A_2290 : vector<16xf32>
      %add3A_2293 = arith.addf %add3A_2239, %unpack3A_2291 : vector<16xf32>
      %gather3A_2294 = arith.constant 4 : i32
      %gather3A_2295 = arith.constant 0 : i32
      %gather3A_2296 = tpu.memref_slice %arg16[%gather3A_2294, %gather3A_2295] : memref<5x52xi32, #tpu.memory_space<vmem>> -> memref<1x52xi32, #tpu.memory_space<vmem>>
      %gather3A_2297 = tpu.memref_squeeze %gather3A_2296 : memref<1x52xi32, #tpu.memory_space<vmem>> -> memref<52xi32, #tpu.memory_space<vmem>>
      %gather3A_2298 = tpu.vector_load_idx %gather3A_2297[%get3A_2253] : memref<52xi32, #tpu.memory_space<vmem>>[vector<16xi32>], vector<16xi32>,
      %bitcast3A_2299 = vector.bitcast %gather3A_2298 : vector<16xi32> to vector<32xbf16>
      %unpack3A_2300 = tpu.unpack_subelements %bitcast3A_2299, 0 {pack_format = #tpu.pack_format<interleaved>} : vector<32xbf16> -> vector<16xf32>
      %unpack3A_2301 = tpu.unpack_subelements %bitcast3A_2299, 1 {pack_format = #tpu.pack_format<interleaved>} : vector<32xbf16> -> vector<16xf32>
      %add3A_2302 = arith.addf %add3A_2248, %unpack3A_2300 : vector<16xf32>
      %add3A_2303 = arith.addf %add3A_2249, %unpack3A_2301 : vector<16xf32>
      %get3A_2304 = arith.constant 16 : i32
      %get3A_2305 = arith.index_cast %get3A_2304 : i32 to index
      %get3A_2306 = arith.index_cast %add3A_1437 : i32 to index
      %get3A_2307 = tpu.vector_load %arg11[%get3A_2305, %get3A_2306] {strides = array<i32>} : memref<20x512xi32, #tpu.memory_space<vmem>>, vector<16xi32>,
      %gather3A_2308 = arith.constant 0 : i32
      %gather3A_2309 = arith.constant 0 : i32
      %gather3A_2310 = tpu.memref_slice %arg16[%gather3A_2308, %gather3A_2309] : memref<5x52xi32, #tpu.memory_space<vmem>> -> memref<1x52xi32, #tpu.memory_space<vmem>>
      %gather3A_2311 = tpu.memref_squeeze %gather3A_2310 : memref<1x52xi32, #tpu.memory_space<vmem>> -> memref<52xi32, #tpu.memory_space<vmem>>
      %gather3A_2312 = tpu.vector_load_idx %gather3A_2311[%get3A_2307] : memref<52xi32, #tpu.memory_space<vmem>>[vector<16xi32>], vector<16xi32>,
      %bitcast3A_2313 = vector.bitcast %gather3A_2312 : vector<16xi32> to vector<32xbf16>
      %unpack3A_2314 = tpu.unpack_subelements %bitcast3A_2313, 0 {pack_format = #tpu.pack_format<interleaved>} : vector<32xbf16> -> vector<16xf32>
      %unpack3A_2315 = tpu.unpack_subelements %bitcast3A_2313, 1 {pack_format = #tpu.pack_format<interleaved>} : vector<32xbf16> -> vector<16xf32>
      %add3A_2316 = arith.addf %add3A_2262, %unpack3A_2314 : vector<16xf32>
      %add3A_2317 = arith.addf %add3A_2263, %unpack3A_2315 : vector<16xf32>
      %gather3A_2318 = arith.constant 1 : i32
      %gather3A_2319 = arith.constant 0 : i32
      %gather3A_2320 = tpu.memref_slice %arg16[%gather3A_2318, %gather3A_2319] : memref<5x52xi32, #tpu.memory_space<vmem>> -> memref<1x52xi32, #tpu.memory_space<vmem>>
      %gather3A_2321 = tpu.memref_squeeze %gather3A_2320 : memref<1x52xi32, #tpu.memory_space<vmem>> -> memref<52xi32, #tpu.memory_space<vmem>>
      %gather3A_2322 = tpu.vector_load_idx %gather3A_2321[%get3A_2307] : memref<52xi32, #tpu.memory_space<vmem>>[vector<16xi32>], vector<16xi32>,
      %bitcast3A_2323 = vector.bitcast %gather3A_2322 : vector<16xi32> to vector<32xbf16>
      %unpack3A_2324 = tpu.unpack_subelements %bitcast3A_2323, 0 {pack_format = #tpu.pack_format<interleaved>} : vector<32xbf16> -> vector<16xf32>
      %unpack3A_2325 = tpu.unpack_subelements %bitcast3A_2323, 1 {pack_format = #tpu.pack_format<interleaved>} : vector<32xbf16> -> vector<16xf32>
      %add3A_2326 = arith.addf %add3A_2272, %unpack3A_2324 : vector<16xf32>
      %add3A_2327 = arith.addf %add3A_2273, %unpack3A_2325 : vector<16xf32>
      %gather3A_2328 = arith.constant 2 : i32
      %gather3A_2329 = arith.constant 0 : i32
      %gather3A_2330 = tpu.memref_slice %arg16[%gather3A_2328, %gather3A_2329] : memref<5x52xi32, #tpu.memory_space<vmem>> -> memref<1x52xi32, #tpu.memory_space<vmem>>
      %gather3A_2331 = tpu.memref_squeeze %gather3A_2330 : memref<1x52xi32, #tpu.memory_space<vmem>> -> memref<52xi32, #tpu.memory_space<vmem>>
      %gather3A_2332 = tpu.vector_load_idx %gather3A_2331[%get3A_2307] : memref<52xi32, #tpu.memory_space<vmem>>[vector<16xi32>], vector<16xi32>,
      %bitcast3A_2333 = vector.bitcast %gather3A_2332 : vector<16xi32> to vector<32xbf16>
      %unpack3A_2334 = tpu.unpack_subelements %bitcast3A_2333, 0 {pack_format = #tpu.pack_format<interleaved>} : vector<32xbf16> -> vector<16xf32>
      %unpack3A_2335 = tpu.unpack_subelements %bitcast3A_2333, 1 {pack_format = #tpu.pack_format<interleaved>} : vector<32xbf16> -> vector<16xf32>
      %add3A_2336 = arith.addf %add3A_2282, %unpack3A_2334 : vector<16xf32>
      %add3A_2337 = arith.addf %add3A_2283, %unpack3A_2335 : vector<16xf32>
      %gather3A_2338 = arith.constant 3 : i32
      %gather3A_2339 = arith.constant 0 : i32
      %gather3A_2340 = tpu.memref_slice %arg16[%gather3A_2338, %gather3A_2339] : memref<5x52xi32, #tpu.memory_space<vmem>> -> memref<1x52xi32, #tpu.memory_space<vmem>>
      %gather3A_2341 = tpu.memref_squeeze %gather3A_2340 : memref<1x52xi32, #tpu.memory_space<vmem>> -> memref<52xi32, #tpu.memory_space<vmem>>
      %gather3A_2342 = tpu.vector_load_idx %gather3A_2341[%get3A_2307] : memref<52xi32, #tpu.memory_space<vmem>>[vector<16xi32>], vector<16xi32>,
      %bitcast3A_2343 = vector.bitcast %gather3A_2342 : vector<16xi32> to vector<32xbf16>
      %unpack3A_2344 = tpu.unpack_subelements %bitcast3A_2343, 0 {pack_format = #tpu.pack_format<interleaved>} : vector<32xbf16> -> vector<16xf32>
      %unpack3A_2345 = tpu.unpack_subelements %bitcast3A_2343, 1 {pack_format = #tpu.pack_format<interleaved>} : vector<32xbf16> -> vector<16xf32>
      %add3A_2346 = arith.addf %add3A_2292, %unpack3A_2344 : vector<16xf32>
      %add3A_2347 = arith.addf %add3A_2293, %unpack3A_2345 : vector<16xf32>
      %gather3A_2348 = arith.constant 4 : i32
      %gather3A_2349 = arith.constant 0 : i32
      %gather3A_2350 = tpu.memref_slice %arg16[%gather3A_2348, %gather3A_2349] : memref<5x52xi32, #tpu.memory_space<vmem>> -> memref<1x52xi32, #tpu.memory_space<vmem>>
      %gather3A_2351 = tpu.memref_squeeze %gather3A_2350 : memref<1x52xi32, #tpu.memory_space<vmem>> -> memref<52xi32, #tpu.memory_space<vmem>>
      %gather3A_2352 = tpu.vector_load_idx %gather3A_2351[%get3A_2307] : memref<52xi32, #tpu.memory_space<vmem>>[vector<16xi32>], vector<16xi32>,
      %bitcast3A_2353 = vector.bitcast %gather3A_2352 : vector<16xi32> to vector<32xbf16>
      %unpack3A_2354 = tpu.unpack_subelements %bitcast3A_2353, 0 {pack_format = #tpu.pack_format<interleaved>} : vector<32xbf16> -> vector<16xf32>
      %unpack3A_2355 = tpu.unpack_subelements %bitcast3A_2353, 1 {pack_format = #tpu.pack_format<interleaved>} : vector<32xbf16> -> vector<16xf32>
      %add3A_2356 = arith.addf %add3A_2302, %unpack3A_2354 : vector<16xf32>
      %add3A_2357 = arith.addf %add3A_2303, %unpack3A_2355 : vector<16xf32>
      %get3A_2358 = arith.constant 17 : i32
      %get3A_2359 = arith.index_cast %get3A_2358 : i32 to index
      %get3A_2360 = arith.index_cast %add3A_1437 : i32 to index
      %get3A_2361 = tpu.vector_load %arg11[%get3A_2359, %get3A_2360] {strides = array<i32>} : memref<20x512xi32, #tpu.memory_space<vmem>>, vector<16xi32>,
      %gather3A_2362 = arith.constant 0 : i32
      %gather3A_2363 = arith.constant 0 : i32
      %gather3A_2364 = tpu.memref_slice %arg16[%gather3A_2362, %gather3A_2363] : memref<5x52xi32, #tpu.memory_space<vmem>> -> memref<1x52xi32, #tpu.memory_space<vmem>>
      %gather3A_2365 = tpu.memref_squeeze %gather3A_2364 : memref<1x52xi32, #tpu.memory_space<vmem>> -> memref<52xi32, #tpu.memory_space<vmem>>
      %gather3A_2366 = tpu.vector_load_idx %gather3A_2365[%get3A_2361] : memref<52xi32, #tpu.memory_space<vmem>>[vector<16xi32>], vector<16xi32>,
      %bitcast3A_2367 = vector.bitcast %gather3A_2366 : vector<16xi32> to vector<32xbf16>
      %unpack3A_2368 = tpu.unpack_subelements %bitcast3A_2367, 0 {pack_format = #tpu.pack_format<interleaved>} : vector<32xbf16> -> vector<16xf32>
      %unpack3A_2369 = tpu.unpack_subelements %bitcast3A_2367, 1 {pack_format = #tpu.pack_format<interleaved>} : vector<32xbf16> -> vector<16xf32>
      %add3A_2370 = arith.addf %add3A_2316, %unpack3A_2368 : vector<16xf32>
      %add3A_2371 = arith.addf %add3A_2317, %unpack3A_2369 : vector<16xf32>
      %gather3A_2372 = arith.constant 1 : i32
      %gather3A_2373 = arith.constant 0 : i32
      %gather3A_2374 = tpu.memref_slice %arg16[%gather3A_2372, %gather3A_2373] : memref<5x52xi32, #tpu.memory_space<vmem>> -> memref<1x52xi32, #tpu.memory_space<vmem>>
      %gather3A_2375 = tpu.memref_squeeze %gather3A_2374 : memref<1x52xi32, #tpu.memory_space<vmem>> -> memref<52xi32, #tpu.memory_space<vmem>>
      %gather3A_2376 = tpu.vector_load_idx %gather3A_2375[%get3A_2361] : memref<52xi32, #tpu.memory_space<vmem>>[vector<16xi32>], vector<16xi32>,
      %bitcast3A_2377 = vector.bitcast %gather3A_2376 : vector<16xi32> to vector<32xbf16>
      %unpack3A_2378 = tpu.unpack_subelements %bitcast3A_2377, 0 {pack_format = #tpu.pack_format<interleaved>} : vector<32xbf16> -> vector<16xf32>
      %unpack3A_2379 = tpu.unpack_subelements %bitcast3A_2377, 1 {pack_format = #tpu.pack_format<interleaved>} : vector<32xbf16> -> vector<16xf32>
      %add3A_2380 = arith.addf %add3A_2326, %unpack3A_2378 : vector<16xf32>
      %add3A_2381 = arith.addf %add3A_2327, %unpack3A_2379 : vector<16xf32>
      %gather3A_2382 = arith.constant 2 : i32
      %gather3A_2383 = arith.constant 0 : i32
      %gather3A_2384 = tpu.memref_slice %arg16[%gather3A_2382, %gather3A_2383] : memref<5x52xi32, #tpu.memory_space<vmem>> -> memref<1x52xi32, #tpu.memory_space<vmem>>
      %gather3A_2385 = tpu.memref_squeeze %gather3A_2384 : memref<1x52xi32, #tpu.memory_space<vmem>> -> memref<52xi32, #tpu.memory_space<vmem>>
      %gather3A_2386 = tpu.vector_load_idx %gather3A_2385[%get3A_2361] : memref<52xi32, #tpu.memory_space<vmem>>[vector<16xi32>], vector<16xi32>,
      %bitcast3A_2387 = vector.bitcast %gather3A_2386 : vector<16xi32> to vector<32xbf16>
      %unpack3A_2388 = tpu.unpack_subelements %bitcast3A_2387, 0 {pack_format = #tpu.pack_format<interleaved>} : vector<32xbf16> -> vector<16xf32>
      %unpack3A_2389 = tpu.unpack_subelements %bitcast3A_2387, 1 {pack_format = #tpu.pack_format<interleaved>} : vector<32xbf16> -> vector<16xf32>
      %add3A_2390 = arith.addf %add3A_2336, %unpack3A_2388 : vector<16xf32>
      %add3A_2391 = arith.addf %add3A_2337, %unpack3A_2389 : vector<16xf32>
      %gather3A_2392 = arith.constant 3 : i32
      %gather3A_2393 = arith.constant 0 : i32
      %gather3A_2394 = tpu.memref_slice %arg16[%gather3A_2392, %gather3A_2393] : memref<5x52xi32, #tpu.memory_space<vmem>> -> memref<1x52xi32, #tpu.memory_space<vmem>>
      %gather3A_2395 = tpu.memref_squeeze %gather3A_2394 : memref<1x52xi32, #tpu.memory_space<vmem>> -> memref<52xi32, #tpu.memory_space<vmem>>
      %gather3A_2396 = tpu.vector_load_idx %gather3A_2395[%get3A_2361] : memref<52xi32, #tpu.memory_space<vmem>>[vector<16xi32>], vector<16xi32>,
      %bitcast3A_2397 = vector.bitcast %gather3A_2396 : vector<16xi32> to vector<32xbf16>
      %unpack3A_2398 = tpu.unpack_subelements %bitcast3A_2397, 0 {pack_format = #tpu.pack_format<interleaved>} : vector<32xbf16> -> vector<16xf32>
      %unpack3A_2399 = tpu.unpack_subelements %bitcast3A_2397, 1 {pack_format = #tpu.pack_format<interleaved>} : vector<32xbf16> -> vector<16xf32>
      %add3A_2400 = arith.addf %add3A_2346, %unpack3A_2398 : vector<16xf32>
      %add3A_2401 = arith.addf %add3A_2347, %unpack3A_2399 : vector<16xf32>
      %gather3A_2402 = arith.constant 4 : i32
      %gather3A_2403 = arith.constant 0 : i32
      %gather3A_2404 = tpu.memref_slice %arg16[%gather3A_2402, %gather3A_2403] : memref<5x52xi32, #tpu.memory_space<vmem>> -> memref<1x52xi32, #tpu.memory_space<vmem>>
      %gather3A_2405 = tpu.memref_squeeze %gather3A_2404 : memref<1x52xi32, #tpu.memory_space<vmem>> -> memref<52xi32, #tpu.memory_space<vmem>>
      %gather3A_2406 = tpu.vector_load_idx %gather3A_2405[%get3A_2361] : memref<52xi32, #tpu.memory_space<vmem>>[vector<16xi32>], vector<16xi32>,
      %bitcast3A_2407 = vector.bitcast %gather3A_2406 : vector<16xi32> to vector<32xbf16>
      %unpack3A_2408 = tpu.unpack_subelements %bitcast3A_2407, 0 {pack_format = #tpu.pack_format<interleaved>} : vector<32xbf16> -> vector<16xf32>
      %unpack3A_2409 = tpu.unpack_subelements %bitcast3A_2407, 1 {pack_format = #tpu.pack_format<interleaved>} : vector<32xbf16> -> vector<16xf32>
      %add3A_2410 = arith.addf %add3A_2356, %unpack3A_2408 : vector<16xf32>
      %add3A_2411 = arith.addf %add3A_2357, %unpack3A_2409 : vector<16xf32>
      %get3A_2412 = arith.constant 18 : i32
      %get3A_2413 = arith.index_cast %get3A_2412 : i32 to index
      %get3A_2414 = arith.index_cast %add3A_1437 : i32 to index
      %get3A_2415 = tpu.vector_load %arg11[%get3A_2413, %get3A_2414] {strides = array<i32>} : memref<20x512xi32, #tpu.memory_space<vmem>>, vector<16xi32>,
      %gather3A_2416 = arith.constant 0 : i32
      %gather3A_2417 = arith.constant 0 : i32
      %gather3A_2418 = tpu.memref_slice %arg16[%gather3A_2416, %gather3A_2417] : memref<5x52xi32, #tpu.memory_space<vmem>> -> memref<1x52xi32, #tpu.memory_space<vmem>>
      %gather3A_2419 = tpu.memref_squeeze %gather3A_2418 : memref<1x52xi32, #tpu.memory_space<vmem>> -> memref<52xi32, #tpu.memory_space<vmem>>
      %gather3A_2420 = tpu.vector_load_idx %gather3A_2419[%get3A_2415] : memref<52xi32, #tpu.memory_space<vmem>>[vector<16xi32>], vector<16xi32>,
      %bitcast3A_2421 = vector.bitcast %gather3A_2420 : vector<16xi32> to vector<32xbf16>
      %unpack3A_2422 = tpu.unpack_subelements %bitcast3A_2421, 0 {pack_format = #tpu.pack_format<interleaved>} : vector<32xbf16> -> vector<16xf32>
      %unpack3A_2423 = tpu.unpack_subelements %bitcast3A_2421, 1 {pack_format = #tpu.pack_format<interleaved>} : vector<32xbf16> -> vector<16xf32>
      %add3A_2424 = arith.addf %add3A_2370, %unpack3A_2422 : vector<16xf32>
      %add3A_2425 = arith.addf %add3A_2371, %unpack3A_2423 : vector<16xf32>
      %gather3A_2426 = arith.constant 1 : i32
      %gather3A_2427 = arith.constant 0 : i32
      %gather3A_2428 = tpu.memref_slice %arg16[%gather3A_2426, %gather3A_2427] : memref<5x52xi32, #tpu.memory_space<vmem>> -> memref<1x52xi32, #tpu.memory_space<vmem>>
      %gather3A_2429 = tpu.memref_squeeze %gather3A_2428 : memref<1x52xi32, #tpu.memory_space<vmem>> -> memref<52xi32, #tpu.memory_space<vmem>>
      %gather3A_2430 = tpu.vector_load_idx %gather3A_2429[%get3A_2415] : memref<52xi32, #tpu.memory_space<vmem>>[vector<16xi32>], vector<16xi32>,
      %bitcast3A_2431 = vector.bitcast %gather3A_2430 : vector<16xi32> to vector<32xbf16>
      %unpack3A_2432 = tpu.unpack_subelements %bitcast3A_2431, 0 {pack_format = #tpu.pack_format<interleaved>} : vector<32xbf16> -> vector<16xf32>
      %unpack3A_2433 = tpu.unpack_subelements %bitcast3A_2431, 1 {pack_format = #tpu.pack_format<interleaved>} : vector<32xbf16> -> vector<16xf32>
      %add3A_2434 = arith.addf %add3A_2380, %unpack3A_2432 : vector<16xf32>
      %add3A_2435 = arith.addf %add3A_2381, %unpack3A_2433 : vector<16xf32>
      %gather3A_2436 = arith.constant 2 : i32
      %gather3A_2437 = arith.constant 0 : i32
      %gather3A_2438 = tpu.memref_slice %arg16[%gather3A_2436, %gather3A_2437] : memref<5x52xi32, #tpu.memory_space<vmem>> -> memref<1x52xi32, #tpu.memory_space<vmem>>
      %gather3A_2439 = tpu.memref_squeeze %gather3A_2438 : memref<1x52xi32, #tpu.memory_space<vmem>> -> memref<52xi32, #tpu.memory_space<vmem>>
      %gather3A_2440 = tpu.vector_load_idx %gather3A_2439[%get3A_2415] : memref<52xi32, #tpu.memory_space<vmem>>[vector<16xi32>], vector<16xi32>,
      %bitcast3A_2441 = vector.bitcast %gather3A_2440 : vector<16xi32> to vector<32xbf16>
      %unpack3A_2442 = tpu.unpack_subelements %bitcast3A_2441, 0 {pack_format = #tpu.pack_format<interleaved>} : vector<32xbf16> -> vector<16xf32>
      %unpack3A_2443 = tpu.unpack_subelements %bitcast3A_2441, 1 {pack_format = #tpu.pack_format<interleaved>} : vector<32xbf16> -> vector<16xf32>
      %add3A_2444 = arith.addf %add3A_2390, %unpack3A_2442 : vector<16xf32>
      %add3A_2445 = arith.addf %add3A_2391, %unpack3A_2443 : vector<16xf32>
      %gather3A_2446 = arith.constant 3 : i32
      %gather3A_2447 = arith.constant 0 : i32
      %gather3A_2448 = tpu.memref_slice %arg16[%gather3A_2446, %gather3A_2447] : memref<5x52xi32, #tpu.memory_space<vmem>> -> memref<1x52xi32, #tpu.memory_space<vmem>>
      %gather3A_2449 = tpu.memref_squeeze %gather3A_2448 : memref<1x52xi32, #tpu.memory_space<vmem>> -> memref<52xi32, #tpu.memory_space<vmem>>
      %gather3A_2450 = tpu.vector_load_idx %gather3A_2449[%get3A_2415] : memref<52xi32, #tpu.memory_space<vmem>>[vector<16xi32>], vector<16xi32>,
      %bitcast3A_2451 = vector.bitcast %gather3A_2450 : vector<16xi32> to vector<32xbf16>
      %unpack3A_2452 = tpu.unpack_subelements %bitcast3A_2451, 0 {pack_format = #tpu.pack_format<interleaved>} : vector<32xbf16> -> vector<16xf32>
      %unpack3A_2453 = tpu.unpack_subelements %bitcast3A_2451, 1 {pack_format = #tpu.pack_format<interleaved>} : vector<32xbf16> -> vector<16xf32>
      %add3A_2454 = arith.addf %add3A_2400, %unpack3A_2452 : vector<16xf32>
      %add3A_2455 = arith.addf %add3A_2401, %unpack3A_2453 : vector<16xf32>
      %gather3A_2456 = arith.constant 4 : i32
      %gather3A_2457 = arith.constant 0 : i32
      %gather3A_2458 = tpu.memref_slice %arg16[%gather3A_2456, %gather3A_2457] : memref<5x52xi32, #tpu.memory_space<vmem>> -> memref<1x52xi32, #tpu.memory_space<vmem>>
      %gather3A_2459 = tpu.memref_squeeze %gather3A_2458 : memref<1x52xi32, #tpu.memory_space<vmem>> -> memref<52xi32, #tpu.memory_space<vmem>>
      %gather3A_2460 = tpu.vector_load_idx %gather3A_2459[%get3A_2415] : memref<52xi32, #tpu.memory_space<vmem>>[vector<16xi32>], vector<16xi32>,
      %bitcast3A_2461 = vector.bitcast %gather3A_2460 : vector<16xi32> to vector<32xbf16>
      %unpack3A_2462 = tpu.unpack_subelements %bitcast3A_2461, 0 {pack_format = #tpu.pack_format<interleaved>} : vector<32xbf16> -> vector<16xf32>
      %unpack3A_2463 = tpu.unpack_subelements %bitcast3A_2461, 1 {pack_format = #tpu.pack_format<interleaved>} : vector<32xbf16> -> vector<16xf32>
      %add3A_2464 = arith.addf %add3A_2410, %unpack3A_2462 : vector<16xf32>
      %add3A_2465 = arith.addf %add3A_2411, %unpack3A_2463 : vector<16xf32>
      %get3A_2466 = arith.constant 19 : i32
      %get3A_2467 = arith.index_cast %get3A_2466 : i32 to index
      %get3A_2468 = arith.index_cast %add3A_1437 : i32 to index
      %get3A_2469 = tpu.vector_load %arg11[%get3A_2467, %get3A_2468] {strides = array<i32>} : memref<20x512xi32, #tpu.memory_space<vmem>>, vector<16xi32>,
      %gather3A_2470 = arith.constant 0 : i32
      %gather3A_2471 = arith.constant 0 : i32
      %gather3A_2472 = tpu.memref_slice %arg16[%gather3A_2470, %gather3A_2471] : memref<5x52xi32, #tpu.memory_space<vmem>> -> memref<1x52xi32, #tpu.memory_space<vmem>>
      %gather3A_2473 = tpu.memref_squeeze %gather3A_2472 : memref<1x52xi32, #tpu.memory_space<vmem>> -> memref<52xi32, #tpu.memory_space<vmem>>
      %gather3A_2474 = tpu.vector_load_idx %gather3A_2473[%get3A_2469] : memref<52xi32, #tpu.memory_space<vmem>>[vector<16xi32>], vector<16xi32>,
      %bitcast3A_2475 = vector.bitcast %gather3A_2474 : vector<16xi32> to vector<32xbf16>
      %unpack3A_2476 = tpu.unpack_subelements %bitcast3A_2475, 0 {pack_format = #tpu.pack_format<interleaved>} : vector<32xbf16> -> vector<16xf32>
      %unpack3A_2477 = tpu.unpack_subelements %bitcast3A_2475, 1 {pack_format = #tpu.pack_format<interleaved>} : vector<32xbf16> -> vector<16xf32>
      %add3A_2478 = arith.addf %add3A_2424, %unpack3A_2476 : vector<16xf32>
      %add3A_2479 = arith.addf %add3A_2425, %unpack3A_2477 : vector<16xf32>
      %gather3A_2480 = arith.constant 1 : i32
      %gather3A_2481 = arith.constant 0 : i32
      %gather3A_2482 = tpu.memref_slice %arg16[%gather3A_2480, %gather3A_2481] : memref<5x52xi32, #tpu.memory_space<vmem>> -> memref<1x52xi32, #tpu.memory_space<vmem>>
      %gather3A_2483 = tpu.memref_squeeze %gather3A_2482 : memref<1x52xi32, #tpu.memory_space<vmem>> -> memref<52xi32, #tpu.memory_space<vmem>>
      %gather3A_2484 = tpu.vector_load_idx %gather3A_2483[%get3A_2469] : memref<52xi32, #tpu.memory_space<vmem>>[vector<16xi32>], vector<16xi32>,
      %bitcast3A_2485 = vector.bitcast %gather3A_2484 : vector<16xi32> to vector<32xbf16>
      %unpack3A_2486 = tpu.unpack_subelements %bitcast3A_2485, 0 {pack_format = #tpu.pack_format<interleaved>} : vector<32xbf16> -> vector<16xf32>
      %unpack3A_2487 = tpu.unpack_subelements %bitcast3A_2485, 1 {pack_format = #tpu.pack_format<interleaved>} : vector<32xbf16> -> vector<16xf32>
      %add3A_2488 = arith.addf %add3A_2434, %unpack3A_2486 : vector<16xf32>
      %add3A_2489 = arith.addf %add3A_2435, %unpack3A_2487 : vector<16xf32>
      %gather3A_2490 = arith.constant 2 : i32
      %gather3A_2491 = arith.constant 0 : i32
      %gather3A_2492 = tpu.memref_slice %arg16[%gather3A_2490, %gather3A_2491] : memref<5x52xi32, #tpu.memory_space<vmem>> -> memref<1x52xi32, #tpu.memory_space<vmem>>
      %gather3A_2493 = tpu.memref_squeeze %gather3A_2492 : memref<1x52xi32, #tpu.memory_space<vmem>> -> memref<52xi32, #tpu.memory_space<vmem>>
      %gather3A_2494 = tpu.vector_load_idx %gather3A_2493[%get3A_2469] : memref<52xi32, #tpu.memory_space<vmem>>[vector<16xi32>], vector<16xi32>,
      %bitcast3A_2495 = vector.bitcast %gather3A_2494 : vector<16xi32> to vector<32xbf16>
      %unpack3A_2496 = tpu.unpack_subelements %bitcast3A_2495, 0 {pack_format = #tpu.pack_format<interleaved>} : vector<32xbf16> -> vector<16xf32>
      %unpack3A_2497 = tpu.unpack_subelements %bitcast3A_2495, 1 {pack_format = #tpu.pack_format<interleaved>} : vector<32xbf16> -> vector<16xf32>
      %add3A_2498 = arith.addf %add3A_2444, %unpack3A_2496 : vector<16xf32>
      %add3A_2499 = arith.addf %add3A_2445, %unpack3A_2497 : vector<16xf32>
      %gather3A_2500 = arith.constant 3 : i32
      %gather3A_2501 = arith.constant 0 : i32
      %gather3A_2502 = tpu.memref_slice %arg16[%gather3A_2500, %gather3A_2501] : memref<5x52xi32, #tpu.memory_space<vmem>> -> memref<1x52xi32, #tpu.memory_space<vmem>>
      %gather3A_2503 = tpu.memref_squeeze %gather3A_2502 : memref<1x52xi32, #tpu.memory_space<vmem>> -> memref<52xi32, #tpu.memory_space<vmem>>
      %gather3A_2504 = tpu.vector_load_idx %gather3A_2503[%get3A_2469] : memref<52xi32, #tpu.memory_space<vmem>>[vector<16xi32>], vector<16xi32>,
      %bitcast3A_2505 = vector.bitcast %gather3A_2504 : vector<16xi32> to vector<32xbf16>
      %unpack3A_2506 = tpu.unpack_subelements %bitcast3A_2505, 0 {pack_format = #tpu.pack_format<interleaved>} : vector<32xbf16> -> vector<16xf32>
      %unpack3A_2507 = tpu.unpack_subelements %bitcast3A_2505, 1 {pack_format = #tpu.pack_format<interleaved>} : vector<32xbf16> -> vector<16xf32>
      %add3A_2508 = arith.addf %add3A_2454, %unpack3A_2506 : vector<16xf32>
      %add3A_2509 = arith.addf %add3A_2455, %unpack3A_2507 : vector<16xf32>
      %gather3A_2510 = arith.constant 4 : i32
      %gather3A_2511 = arith.constant 0 : i32
      %gather3A_2512 = tpu.memref_slice %arg16[%gather3A_2510, %gather3A_2511] : memref<5x52xi32, #tpu.memory_space<vmem>> -> memref<1x52xi32, #tpu.memory_space<vmem>>
      %gather3A_2513 = tpu.memref_squeeze %gather3A_2512 : memref<1x52xi32, #tpu.memory_space<vmem>> -> memref<52xi32, #tpu.memory_space<vmem>>
      %gather3A_2514 = tpu.vector_load_idx %gather3A_2513[%get3A_2469] : memref<52xi32, #tpu.memory_space<vmem>>[vector<16xi32>], vector<16xi32>,
      %bitcast3A_2515 = vector.bitcast %gather3A_2514 : vector<16xi32> to vector<32xbf16>
      %unpack3A_2516 = tpu.unpack_subelements %bitcast3A_2515, 0 {pack_format = #tpu.pack_format<interleaved>} : vector<32xbf16> -> vector<16xf32>
      %unpack3A_2517 = tpu.unpack_subelements %bitcast3A_2515, 1 {pack_format = #tpu.pack_format<interleaved>} : vector<32xbf16> -> vector<16xf32>
      %add3A_2518 = arith.addf %add3A_2464, %unpack3A_2516 : vector<16xf32>
      %add3A_2519 = arith.addf %add3A_2465, %unpack3A_2517 : vector<16xf32>
      %mul3A_2520 = arith.constant 5.000000e-02 : f32
      %mul3A_2521 = vector.broadcast %mul3A_2520 : f32 to vector<16xf32>
      %mul3A_2522 = arith.mulf %add3A_2478, %mul3A_2521 : vector<16xf32>
      %swap3A_2523 = arith.constant 0 : i32
      %swap3A_2524 = arith.index_cast %swap3A_2523 : i32 to index
      %swap3A_2525 = arith.index_cast %add3A_1437 : i32 to index
      %swap3A_2526 = tpu.vector_load %arg19[%swap3A_2524, %swap3A_2525] {strides = array<i32>} : memref<23x512xf32, #tpu.memory_space<vmem>>, vector<16xf32>,
      tpu.vector_store %arg19[%swap3A_2524, %swap3A_2525], %mul3A_2522 {strides = array<i32>} : memref<23x512xf32, #tpu.memory_space<vmem>>, vector<16xf32>,
      %mul3A_2527 = arith.constant 5.000000e-02 : f32
      %mul3A_2528 = vector.broadcast %mul3A_2527 : f32 to vector<16xf32>
      %mul3A_2529 = arith.mulf %add3A_2479, %mul3A_2528 : vector<16xf32>
      %swap3A_2530 = arith.constant 1 : i32
      %swap3A_2531 = arith.index_cast %swap3A_2530 : i32 to index
      %swap3A_2532 = arith.index_cast %add3A_1437 : i32 to index
      %swap3A_2533 = tpu.vector_load %arg19[%swap3A_2531, %swap3A_2532] {strides = array<i32>} : memref<23x512xf32, #tpu.memory_space<vmem>>, vector<16xf32>,
      tpu.vector_store %arg19[%swap3A_2531, %swap3A_2532], %mul3A_2529 {strides = array<i32>} : memref<23x512xf32, #tpu.memory_space<vmem>>, vector<16xf32>,
      %mul3A_2534 = arith.constant 5.000000e-02 : f32
      %mul3A_2535 = vector.broadcast %mul3A_2534 : f32 to vector<16xf32>
      %mul3A_2536 = arith.mulf %add3A_2488, %mul3A_2535 : vector<16xf32>
      %swap3A_2537 = arith.constant 2 : i32
      %swap3A_2538 = arith.index_cast %swap3A_2537 : i32 to index
      %swap3A_2539 = arith.index_cast %add3A_1437 : i32 to index
      %swap3A_2540 = tpu.vector_load %arg19[%swap3A_2538, %swap3A_2539] {strides = array<i32>} : memref<23x512xf32, #tpu.memory_space<vmem>>, vector<16xf32>,
      tpu.vector_store %arg19[%swap3A_2538, %swap3A_2539], %mul3A_2536 {strides = array<i32>} : memref<23x512xf32, #tpu.memory_space<vmem>>, vector<16xf32>,
      %mul3A_2541 = arith.constant 5.000000e-02 : f32
      %mul3A_2542 = vector.broadcast %mul3A_2541 : f32 to vector<16xf32>
      %mul3A_2543 = arith.mulf %add3A_2489, %mul3A_2542 : vector<16xf32>
      %swap3A_2544 = arith.constant 3 : i32
      %swap3A_2545 = arith.index_cast %swap3A_2544 : i32 to index
      %swap3A_2546 = arith.index_cast %add3A_1437 : i32 to index
      %swap3A_2547 = tpu.vector_load %arg19[%swap3A_2545, %swap3A_2546] {strides = array<i32>} : memref<23x512xf32, #tpu.memory_space<vmem>>, vector<16xf32>,
      tpu.vector_store %arg19[%swap3A_2545, %swap3A_2546], %mul3A_2543 {strides = array<i32>} : memref<23x512xf32, #tpu.memory_space<vmem>>, vector<16xf32>,
      %mul3A_2548 = arith.constant 5.000000e-02 : f32
      %mul3A_2549 = vector.broadcast %mul3A_2548 : f32 to vector<16xf32>
      %mul3A_2550 = arith.mulf %add3A_2498, %mul3A_2549 : vector<16xf32>
      %swap3A_2551 = arith.constant 4 : i32
      %swap3A_2552 = arith.index_cast %swap3A_2551 : i32 to index
      %swap3A_2553 = arith.index_cast %add3A_1437 : i32 to index
      %swap3A_2554 = tpu.vector_load %arg19[%swap3A_2552, %swap3A_2553] {strides = array<i32>} : memref<23x512xf32, #tpu.memory_space<vmem>>, vector<16xf32>,
      tpu.vector_store %arg19[%swap3A_2552, %swap3A_2553], %mul3A_2550 {strides = array<i32>} : memref<23x512xf32, #tpu.memory_space<vmem>>, vector<16xf32>,
      %mul3A_2555 = arith.constant 5.000000e-02 : f32
      %mul3A_2556 = vector.broadcast %mul3A_2555 : f32 to vector<16xf32>
      %mul3A_2557 = arith.mulf %add3A_2499, %mul3A_2556 : vector<16xf32>
      %swap3A_2558 = arith.constant 5 : i32
      %swap3A_2559 = arith.index_cast %swap3A_2558 : i32 to index
      %swap3A_2560 = arith.index_cast %add3A_1437 : i32 to index
      %swap3A_2561 = tpu.vector_load %arg19[%swap3A_2559, %swap3A_2560] {strides = array<i32>} : memref<23x512xf32, #tpu.memory_space<vmem>>, vector<16xf32>,
      tpu.vector_store %arg19[%swap3A_2559, %swap3A_2560], %mul3A_2557 {strides = array<i32>} : memref<23x512xf32, #tpu.memory_space<vmem>>, vector<16xf32>,
      %mul3A_2562 = arith.constant 5.000000e-02 : f32
      %mul3A_2563 = vector.broadcast %mul3A_2562 : f32 to vector<16xf32>
      %mul3A_2564 = arith.mulf %add3A_2508, %mul3A_2563 : vector<16xf32>
      %swap3A_2565 = arith.constant 6 : i32
      %swap3A_2566 = arith.index_cast %swap3A_2565 : i32 to index
      %swap3A_2567 = arith.index_cast %add3A_1437 : i32 to index
      %swap3A_2568 = tpu.vector_load %arg19[%swap3A_2566, %swap3A_2567] {strides = array<i32>} : memref<23x512xf32, #tpu.memory_space<vmem>>, vector<16xf32>,
      tpu.vector_store %arg19[%swap3A_2566, %swap3A_2567], %mul3A_2564 {strides = array<i32>} : memref<23x512xf32, #tpu.memory_space<vmem>>, vector<16xf32>,
      %mul3A_2569 = arith.constant 5.000000e-02 : f32
      %mul3A_2570 = vector.broadcast %mul3A_2569 : f32 to vector<16xf32>
      %mul3A_2571 = arith.mulf %add3A_2509, %mul3A_2570 : vector<16xf32>
      %swap3A_2572 = arith.constant 7 : i32
      %swap3A_2573 = arith.index_cast %swap3A_2572 : i32 to index
      %swap3A_2574 = arith.index_cast %add3A_1437 : i32 to index
      %swap3A_2575 = tpu.vector_load %arg19[%swap3A_2573, %swap3A_2574] {strides = array<i32>} : memref<23x512xf32, #tpu.memory_space<vmem>>, vector<16xf32>,
      tpu.vector_store %arg19[%swap3A_2573, %swap3A_2574], %mul3A_2571 {strides = array<i32>} : memref<23x512xf32, #tpu.memory_space<vmem>>, vector<16xf32>,
      %mul3A_2576 = arith.constant 5.000000e-02 : f32
      %mul3A_2577 = vector.broadcast %mul3A_2576 : f32 to vector<16xf32>
      %mul3A_2578 = arith.mulf %add3A_2518, %mul3A_2577 : vector<16xf32>
      %swap3A_2579 = arith.constant 8 : i32
      %swap3A_2580 = arith.index_cast %swap3A_2579 : i32 to index
      %swap3A_2581 = arith.index_cast %add3A_1437 : i32 to index
      %swap3A_2582 = tpu.vector_load %arg19[%swap3A_2580, %swap3A_2581] {strides = array<i32>} : memref<23x512xf32, #tpu.memory_space<vmem>>, vector<16xf32>,
      tpu.vector_store %arg19[%swap3A_2580, %swap3A_2581], %mul3A_2578 {strides = array<i32>} : memref<23x512xf32, #tpu.memory_space<vmem>>, vector<16xf32>,
      %mul3A_2583 = arith.constant 5.000000e-02 : f32
      %mul3A_2584 = vector.broadcast %mul3A_2583 : f32 to vector<16xf32>
      %mul3A_2585 = arith.mulf %add3A_2519, %mul3A_2584 : vector<16xf32>
      %swap3A_2586 = arith.constant 9 : i32
      %swap3A_2587 = arith.index_cast %swap3A_2586 : i32 to index
      %swap3A_2588 = arith.index_cast %add3A_1437 : i32 to index
      %swap3A_2589 = tpu.vector_load %arg19[%swap3A_2587, %swap3A_2588] {strides = array<i32>} : memref<23x512xf32, #tpu.memory_space<vmem>>, vector<16xf32>,
      tpu.vector_store %arg19[%swap3A_2587, %swap3A_2588], %mul3A_2585 {strides = array<i32>} : memref<23x512xf32, #tpu.memory_space<vmem>>, vector<16xf32>,
      %get3A_2590 = arith.index_cast %add3A_1437 : i32 to index
      %get3A_2591 = tpu.vector_load %arg13[%get3A_2590] {strides = array<i32>} : memref<512xi32, #tpu.memory_space<vmem>>, vector<16xi32>,
      %get3A_2592 = arith.index_cast %add3A_1437 : i32 to index
      %get3A_2593 = tpu.vector_load %arg14[%get3A_2592] {strides = array<i32>} : memref<512xi32, #tpu.memory_space<vmem>>, vector<16xi32>,
      %gather3A_2594 = arith.constant 0 : i32
      %gather3A_2595 = arith.constant 0 : i32
      %gather3A_2596 = tpu.memref_slice %arg17[%gather3A_2594, %gather3A_2595] : memref<2x2xi32, #tpu.memory_space<vmem>> -> memref<1x2xi32, #tpu.memory_space<vmem>>
      %gather3A_2597 = tpu.memref_squeeze %gather3A_2596 : memref<1x2xi32, #tpu.memory_space<vmem>> -> memref<2xi32, #tpu.memory_space<vmem>>
      %gather3A_2598 = tpu.vector_load_idx %gather3A_2597[%get3A_2591] : memref<2xi32, #tpu.memory_space<vmem>>[vector<16xi32>], vector<16xi32>,
      %bitcast3A_2599 = vector.bitcast %gather3A_2598 : vector<16xi32> to vector<32xbf16>
      %unpack3A_2600 = tpu.unpack_subelements %bitcast3A_2599, 0 {pack_format = #tpu.pack_format<interleaved>} : vector<32xbf16> -> vector<16xf32>
      %unpack3A_2601 = tpu.unpack_subelements %bitcast3A_2599, 1 {pack_format = #tpu.pack_format<interleaved>} : vector<32xbf16> -> vector<16xf32>
      %swap3A_2602 = arith.constant 10 : i32
      %swap3A_2603 = arith.index_cast %swap3A_2602 : i32 to index
      %swap3A_2604 = arith.index_cast %add3A_1437 : i32 to index
      %swap3A_2605 = tpu.vector_load %arg19[%swap3A_2603, %swap3A_2604] {strides = array<i32>} : memref<23x512xf32, #tpu.memory_space<vmem>>, vector<16xf32>,
      tpu.vector_store %arg19[%swap3A_2603, %swap3A_2604], %unpack3A_2600 {strides = array<i32>} : memref<23x512xf32, #tpu.memory_space<vmem>>, vector<16xf32>,
      %swap3A_2606 = arith.constant 11 : i32
      %swap3A_2607 = arith.index_cast %swap3A_2606 : i32 to index
      %swap3A_2608 = arith.index_cast %add3A_1437 : i32 to index
      %swap3A_2609 = tpu.vector_load %arg19[%swap3A_2607, %swap3A_2608] {strides = array<i32>} : memref<23x512xf32, #tpu.memory_space<vmem>>, vector<16xf32>,
      tpu.vector_store %arg19[%swap3A_2607, %swap3A_2608], %unpack3A_2601 {strides = array<i32>} : memref<23x512xf32, #tpu.memory_space<vmem>>, vector<16xf32>,
      %gather3A_2610 = arith.constant 0 : i32
      %gather3A_2611 = arith.constant 0 : i32
      %gather3A_2612 = tpu.memref_slice %arg17[%gather3A_2610, %gather3A_2611] : memref<2x2xi32, #tpu.memory_space<vmem>> -> memref<1x2xi32, #tpu.memory_space<vmem>>
      %gather3A_2613 = tpu.memref_squeeze %gather3A_2612 : memref<1x2xi32, #tpu.memory_space<vmem>> -> memref<2xi32, #tpu.memory_space<vmem>>
      %gather3A_2614 = tpu.vector_load_idx %gather3A_2613[%get3A_2593] : memref<2xi32, #tpu.memory_space<vmem>>[vector<16xi32>], vector<16xi32>,
      %bitcast3A_2615 = vector.bitcast %gather3A_2614 : vector<16xi32> to vector<32xbf16>
      %unpack3A_2616 = tpu.unpack_subelements %bitcast3A_2615, 0 {pack_format = #tpu.pack_format<interleaved>} : vector<32xbf16> -> vector<16xf32>
      %unpack3A_2617 = tpu.unpack_subelements %bitcast3A_2615, 1 {pack_format = #tpu.pack_format<interleaved>} : vector<32xbf16> -> vector<16xf32>
      %swap3A_2618 = arith.constant 14 : i32
      %swap3A_2619 = arith.index_cast %swap3A_2618 : i32 to index
      %swap3A_2620 = arith.index_cast %add3A_1437 : i32 to index
      %swap3A_2621 = tpu.vector_load %arg19[%swap3A_2619, %swap3A_2620] {strides = array<i32>} : memref<23x512xf32, #tpu.memory_space<vmem>>, vector<16xf32>,
      tpu.vector_store %arg19[%swap3A_2619, %swap3A_2620], %unpack3A_2616 {strides = array<i32>} : memref<23x512xf32, #tpu.memory_space<vmem>>, vector<16xf32>,
      %swap3A_2622 = arith.constant 15 : i32
      %swap3A_2623 = arith.index_cast %swap3A_2622 : i32 to index
      %swap3A_2624 = arith.index_cast %add3A_1437 : i32 to index
      %swap3A_2625 = tpu.vector_load %arg19[%swap3A_2623, %swap3A_2624] {strides = array<i32>} : memref<23x512xf32, #tpu.memory_space<vmem>>, vector<16xf32>,
      tpu.vector_store %arg19[%swap3A_2623, %swap3A_2624], %unpack3A_2617 {strides = array<i32>} : memref<23x512xf32, #tpu.memory_space<vmem>>, vector<16xf32>,
      %gather3A_2626 = arith.constant 1 : i32
      %gather3A_2627 = arith.constant 0 : i32
      %gather3A_2628 = tpu.memref_slice %arg17[%gather3A_2626, %gather3A_2627] : memref<2x2xi32, #tpu.memory_space<vmem>> -> memref<1x2xi32, #tpu.memory_space<vmem>>
      %gather3A_2629 = tpu.memref_squeeze %gather3A_2628 : memref<1x2xi32, #tpu.memory_space<vmem>> -> memref<2xi32, #tpu.memory_space<vmem>>
      %gather3A_2630 = tpu.vector_load_idx %gather3A_2629[%get3A_2591] : memref<2xi32, #tpu.memory_space<vmem>>[vector<16xi32>], vector<16xi32>,
      %bitcast3A_2631 = vector.bitcast %gather3A_2630 : vector<16xi32> to vector<32xbf16>
      %unpack3A_2632 = tpu.unpack_subelements %bitcast3A_2631, 0 {pack_format = #tpu.pack_format<interleaved>} : vector<32xbf16> -> vector<16xf32>
      %unpack3A_2633 = tpu.unpack_subelements %bitcast3A_2631, 1 {pack_format = #tpu.pack_format<interleaved>} : vector<32xbf16> -> vector<16xf32>
      %swap3A_2634 = arith.constant 12 : i32
      %swap3A_2635 = arith.index_cast %swap3A_2634 : i32 to index
      %swap3A_2636 = arith.index_cast %add3A_1437 : i32 to index
      %swap3A_2637 = tpu.vector_load %arg19[%swap3A_2635, %swap3A_2636] {strides = array<i32>} : memref<23x512xf32, #tpu.memory_space<vmem>>, vector<16xf32>,
      tpu.vector_store %arg19[%swap3A_2635, %swap3A_2636], %unpack3A_2632 {strides = array<i32>} : memref<23x512xf32, #tpu.memory_space<vmem>>, vector<16xf32>,
      %swap3A_2638 = arith.constant 13 : i32
      %swap3A_2639 = arith.index_cast %swap3A_2638 : i32 to index
      %swap3A_2640 = arith.index_cast %add3A_1437 : i32 to index
      %swap3A_2641 = tpu.vector_load %arg19[%swap3A_2639, %swap3A_2640] {strides = array<i32>} : memref<23x512xf32, #tpu.memory_space<vmem>>, vector<16xf32>,
      tpu.vector_store %arg19[%swap3A_2639, %swap3A_2640], %unpack3A_2633 {strides = array<i32>} : memref<23x512xf32, #tpu.memory_space<vmem>>, vector<16xf32>,
      %gather3A_2642 = arith.constant 1 : i32
      %gather3A_2643 = arith.constant 0 : i32
      %gather3A_2644 = tpu.memref_slice %arg17[%gather3A_2642, %gather3A_2643] : memref<2x2xi32, #tpu.memory_space<vmem>> -> memref<1x2xi32, #tpu.memory_space<vmem>>
      %gather3A_2645 = tpu.memref_squeeze %gather3A_2644 : memref<1x2xi32, #tpu.memory_space<vmem>> -> memref<2xi32, #tpu.memory_space<vmem>>
      %gather3A_2646 = tpu.vector_load_idx %gather3A_2645[%get3A_2593] : memref<2xi32, #tpu.memory_space<vmem>>[vector<16xi32>], vector<16xi32>,
      %bitcast3A_2647 = vector.bitcast %gather3A_2646 : vector<16xi32> to vector<32xbf16>
      %unpack3A_2648 = tpu.unpack_subelements %bitcast3A_2647, 0 {pack_format = #tpu.pack_format<interleaved>} : vector<32xbf16> -> vector<16xf32>
      %unpack3A_2649 = tpu.unpack_subelements %bitcast3A_2647, 1 {pack_format = #tpu.pack_format<interleaved>} : vector<32xbf16> -> vector<16xf32>
      %swap3A_2650 = arith.constant 16 : i32
      %swap3A_2651 = arith.index_cast %swap3A_2650 : i32 to index
      %swap3A_2652 = arith.index_cast %add3A_1437 : i32 to index
      %swap3A_2653 = tpu.vector_load %arg19[%swap3A_2651, %swap3A_2652] {strides = array<i32>} : memref<23x512xf32, #tpu.memory_space<vmem>>, vector<16xf32>,
      tpu.vector_store %arg19[%swap3A_2651, %swap3A_2652], %unpack3A_2648 {strides = array<i32>} : memref<23x512xf32, #tpu.memory_space<vmem>>, vector<16xf32>,
      %swap3A_2654 = arith.constant 17 : i32
      %swap3A_2655 = arith.index_cast %swap3A_2654 : i32 to index
      %swap3A_2656 = arith.index_cast %add3A_1437 : i32 to index
      %swap3A_2657 = tpu.vector_load %arg19[%swap3A_2655, %swap3A_2656] {strides = array<i32>} : memref<23x512xf32, #tpu.memory_space<vmem>>, vector<16xf32>,
      tpu.vector_store %arg19[%swap3A_2655, %swap3A_2656], %unpack3A_2649 {strides = array<i32>} : memref<23x512xf32, #tpu.memory_space<vmem>>, vector<16xf32>,
      %broadcast_in_dim3A_2658 = arith.constant 0.000000e+00 : f32
      %broadcast_in_dim3A_2659 = vector.broadcast %broadcast_in_dim3A_2658 : f32 to vector<16xf32>
      %get3A_2660 = arith.constant 0 : i32
      %get3A_2661 = arith.index_cast %get3A_2660 : i32 to index
      %get3A_2662 = arith.index_cast %add3A_1437 : i32 to index
      %get3A_2663 = tpu.vector_load %arg12[%get3A_2661, %get3A_2662] {strides = array<i32>} : memref<7x512xi32, #tpu.memory_space<vmem>>, vector<16xi32>,
      %gather3A_2664 = arith.constant 0 : i32
      %gather3A_2665 = arith.constant 0 : i32
      %gather3A_2666 = tpu.memref_slice %arg18[%gather3A_2664, %gather3A_2665] : memref<2x8xi32, #tpu.memory_space<vmem>> -> memref<1x8xi32, #tpu.memory_space<vmem>>
      %gather3A_2667 = tpu.memref_squeeze %gather3A_2666 : memref<1x8xi32, #tpu.memory_space<vmem>> -> memref<8xi32, #tpu.memory_space<vmem>>
      %gather3A_2668 = tpu.vector_load_idx %gather3A_2667[%get3A_2663] : memref<8xi32, #tpu.memory_space<vmem>>[vector<16xi32>], vector<16xi32>,
      %bitcast3A_2669 = vector.bitcast %gather3A_2668 : vector<16xi32> to vector<32xbf16>
      %unpack3A_2670 = tpu.unpack_subelements %bitcast3A_2669, 0 {pack_format = #tpu.pack_format<interleaved>} : vector<32xbf16> -> vector<16xf32>
      %unpack3A_2671 = tpu.unpack_subelements %bitcast3A_2669, 1 {pack_format = #tpu.pack_format<interleaved>} : vector<32xbf16> -> vector<16xf32>
      %add3A_2672 = arith.addf %broadcast_in_dim3A_2659, %unpack3A_2670 : vector<16xf32>
      %add3A_2673 = arith.addf %broadcast_in_dim3A_2659, %unpack3A_2671 : vector<16xf32>
      %gather3A_2674 = arith.constant 1 : i32
      %gather3A_2675 = arith.constant 0 : i32
      %gather3A_2676 = tpu.memref_slice %arg18[%gather3A_2674, %gather3A_2675] : memref<2x8xi32, #tpu.memory_space<vmem>> -> memref<1x8xi32, #tpu.memory_space<vmem>>
      %gather3A_2677 = tpu.memref_squeeze %gather3A_2676 : memref<1x8xi32, #tpu.memory_space<vmem>> -> memref<8xi32, #tpu.memory_space<vmem>>
      %gather3A_2678 = tpu.vector_load_idx %gather3A_2677[%get3A_2663] : memref<8xi32, #tpu.memory_space<vmem>>[vector<16xi32>], vector<16xi32>,
      %bitcast3A_2679 = vector.bitcast %gather3A_2678 : vector<16xi32> to vector<32xbf16>
      %unpack3A_2680 = tpu.unpack_subelements %bitcast3A_2679, 0 {pack_format = #tpu.pack_format<interleaved>} : vector<32xbf16> -> vector<16xf32>
      %unpack3A_2681 = tpu.unpack_subelements %bitcast3A_2679, 1 {pack_format = #tpu.pack_format<interleaved>} : vector<32xbf16> -> vector<16xf32>
      %add3A_2682 = arith.addf %broadcast_in_dim3A_2659, %unpack3A_2680 : vector<16xf32>
      %add3A_2683 = arith.addf %broadcast_in_dim3A_2659, %unpack3A_2681 : vector<16xf32>
      %get3A_2684 = arith.constant 1 : i32
      %get3A_2685 = arith.index_cast %get3A_2684 : i32 to index
      %get3A_2686 = arith.index_cast %add3A_1437 : i32 to index
      %get3A_2687 = tpu.vector_load %arg12[%get3A_2685, %get3A_2686] {strides = array<i32>} : memref<7x512xi32, #tpu.memory_space<vmem>>, vector<16xi32>,
      %gather3A_2688 = arith.constant 0 : i32
      %gather3A_2689 = arith.constant 0 : i32
      %gather3A_2690 = tpu.memref_slice %arg18[%gather3A_2688, %gather3A_2689] : memref<2x8xi32, #tpu.memory_space<vmem>> -> memref<1x8xi32, #tpu.memory_space<vmem>>
      %gather3A_2691 = tpu.memref_squeeze %gather3A_2690 : memref<1x8xi32, #tpu.memory_space<vmem>> -> memref<8xi32, #tpu.memory_space<vmem>>
      %gather3A_2692 = tpu.vector_load_idx %gather3A_2691[%get3A_2687] : memref<8xi32, #tpu.memory_space<vmem>>[vector<16xi32>], vector<16xi32>,
      %bitcast3A_2693 = vector.bitcast %gather3A_2692 : vector<16xi32> to vector<32xbf16>
      %unpack3A_2694 = tpu.unpack_subelements %bitcast3A_2693, 0 {pack_format = #tpu.pack_format<interleaved>} : vector<32xbf16> -> vector<16xf32>
      %unpack3A_2695 = tpu.unpack_subelements %bitcast3A_2693, 1 {pack_format = #tpu.pack_format<interleaved>} : vector<32xbf16> -> vector<16xf32>
      %add3A_2696 = arith.addf %add3A_2672, %unpack3A_2694 : vector<16xf32>
      %add3A_2697 = arith.addf %add3A_2673, %unpack3A_2695 : vector<16xf32>
      %gather3A_2698 = arith.constant 1 : i32
      %gather3A_2699 = arith.constant 0 : i32
      %gather3A_2700 = tpu.memref_slice %arg18[%gather3A_2698, %gather3A_2699] : memref<2x8xi32, #tpu.memory_space<vmem>> -> memref<1x8xi32, #tpu.memory_space<vmem>>
      %gather3A_2701 = tpu.memref_squeeze %gather3A_2700 : memref<1x8xi32, #tpu.memory_space<vmem>> -> memref<8xi32, #tpu.memory_space<vmem>>
      %gather3A_2702 = tpu.vector_load_idx %gather3A_2701[%get3A_2687] : memref<8xi32, #tpu.memory_space<vmem>>[vector<16xi32>], vector<16xi32>,
      %bitcast3A_2703 = vector.bitcast %gather3A_2702 : vector<16xi32> to vector<32xbf16>
      %unpack3A_2704 = tpu.unpack_subelements %bitcast3A_2703, 0 {pack_format = #tpu.pack_format<interleaved>} : vector<32xbf16> -> vector<16xf32>
      %unpack3A_2705 = tpu.unpack_subelements %bitcast3A_2703, 1 {pack_format = #tpu.pack_format<interleaved>} : vector<32xbf16> -> vector<16xf32>
      %add3A_2706 = arith.addf %add3A_2682, %unpack3A_2704 : vector<16xf32>
      %add3A_2707 = arith.addf %add3A_2683, %unpack3A_2705 : vector<16xf32>
      %get3A_2708 = arith.constant 2 : i32
      %get3A_2709 = arith.index_cast %get3A_2708 : i32 to index
      %get3A_2710 = arith.index_cast %add3A_1437 : i32 to index
      %get3A_2711 = tpu.vector_load %arg12[%get3A_2709, %get3A_2710] {strides = array<i32>} : memref<7x512xi32, #tpu.memory_space<vmem>>, vector<16xi32>,
      %gather3A_2712 = arith.constant 0 : i32
      %gather3A_2713 = arith.constant 0 : i32
      %gather3A_2714 = tpu.memref_slice %arg18[%gather3A_2712, %gather3A_2713] : memref<2x8xi32, #tpu.memory_space<vmem>> -> memref<1x8xi32, #tpu.memory_space<vmem>>
      %gather3A_2715 = tpu.memref_squeeze %gather3A_2714 : memref<1x8xi32, #tpu.memory_space<vmem>> -> memref<8xi32, #tpu.memory_space<vmem>>
      %gather3A_2716 = tpu.vector_load_idx %gather3A_2715[%get3A_2711] : memref<8xi32, #tpu.memory_space<vmem>>[vector<16xi32>], vector<16xi32>,
      %bitcast3A_2717 = vector.bitcast %gather3A_2716 : vector<16xi32> to vector<32xbf16>
      %unpack3A_2718 = tpu.unpack_subelements %bitcast3A_2717, 0 {pack_format = #tpu.pack_format<interleaved>} : vector<32xbf16> -> vector<16xf32>
      %unpack3A_2719 = tpu.unpack_subelements %bitcast3A_2717, 1 {pack_format = #tpu.pack_format<interleaved>} : vector<32xbf16> -> vector<16xf32>
      %add3A_2720 = arith.addf %add3A_2696, %unpack3A_2718 : vector<16xf32>
      %add3A_2721 = arith.addf %add3A_2697, %unpack3A_2719 : vector<16xf32>
      %gather3A_2722 = arith.constant 1 : i32
      %gather3A_2723 = arith.constant 0 : i32
      %gather3A_2724 = tpu.memref_slice %arg18[%gather3A_2722, %gather3A_2723] : memref<2x8xi32, #tpu.memory_space<vmem>> -> memref<1x8xi32, #tpu.memory_space<vmem>>
      %gather3A_2725 = tpu.memref_squeeze %gather3A_2724 : memref<1x8xi32, #tpu.memory_space<vmem>> -> memref<8xi32, #tpu.memory_space<vmem>>
      %gather3A_2726 = tpu.vector_load_idx %gather3A_2725[%get3A_2711] : memref<8xi32, #tpu.memory_space<vmem>>[vector<16xi32>], vector<16xi32>,
      %bitcast3A_2727 = vector.bitcast %gather3A_2726 : vector<16xi32> to vector<32xbf16>
      %unpack3A_2728 = tpu.unpack_subelements %bitcast3A_2727, 0 {pack_format = #tpu.pack_format<interleaved>} : vector<32xbf16> -> vector<16xf32>
      %unpack3A_2729 = tpu.unpack_subelements %bitcast3A_2727, 1 {pack_format = #tpu.pack_format<interleaved>} : vector<32xbf16> -> vector<16xf32>
      %add3A_2730 = arith.addf %add3A_2706, %unpack3A_2728 : vector<16xf32>
      %add3A_2731 = arith.addf %add3A_2707, %unpack3A_2729 : vector<16xf32>
      %get3A_2732 = arith.constant 3 : i32
      %get3A_2733 = arith.index_cast %get3A_2732 : i32 to index
      %get3A_2734 = arith.index_cast %add3A_1437 : i32 to index
      %get3A_2735 = tpu.vector_load %arg12[%get3A_2733, %get3A_2734] {strides = array<i32>} : memref<7x512xi32, #tpu.memory_space<vmem>>, vector<16xi32>,
      %gather3A_2736 = arith.constant 0 : i32
      %gather3A_2737 = arith.constant 0 : i32
      %gather3A_2738 = tpu.memref_slice %arg18[%gather3A_2736, %gather3A_2737] : memref<2x8xi32, #tpu.memory_space<vmem>> -> memref<1x8xi32, #tpu.memory_space<vmem>>
      %gather3A_2739 = tpu.memref_squeeze %gather3A_2738 : memref<1x8xi32, #tpu.memory_space<vmem>> -> memref<8xi32, #tpu.memory_space<vmem>>
      %gather3A_2740 = tpu.vector_load_idx %gather3A_2739[%get3A_2735] : memref<8xi32, #tpu.memory_space<vmem>>[vector<16xi32>], vector<16xi32>,
      %bitcast3A_2741 = vector.bitcast %gather3A_2740 : vector<16xi32> to vector<32xbf16>
      %unpack3A_2742 = tpu.unpack_subelements %bitcast3A_2741, 0 {pack_format = #tpu.pack_format<interleaved>} : vector<32xbf16> -> vector<16xf32>
      %unpack3A_2743 = tpu.unpack_subelements %bitcast3A_2741, 1 {pack_format = #tpu.pack_format<interleaved>} : vector<32xbf16> -> vector<16xf32>
      %add3A_2744 = arith.addf %add3A_2720, %unpack3A_2742 : vector<16xf32>
      %add3A_2745 = arith.addf %add3A_2721, %unpack3A_2743 : vector<16xf32>
      %gather3A_2746 = arith.constant 1 : i32
      %gather3A_2747 = arith.constant 0 : i32
      %gather3A_2748 = tpu.memref_slice %arg18[%gather3A_2746, %gather3A_2747] : memref<2x8xi32, #tpu.memory_space<vmem>> -> memref<1x8xi32, #tpu.memory_space<vmem>>
      %gather3A_2749 = tpu.memref_squeeze %gather3A_2748 : memref<1x8xi32, #tpu.memory_space<vmem>> -> memref<8xi32, #tpu.memory_space<vmem>>
      %gather3A_2750 = tpu.vector_load_idx %gather3A_2749[%get3A_2735] : memref<8xi32, #tpu.memory_space<vmem>>[vector<16xi32>], vector<16xi32>,
      %bitcast3A_2751 = vector.bitcast %gather3A_2750 : vector<16xi32> to vector<32xbf16>
      %unpack3A_2752 = tpu.unpack_subelements %bitcast3A_2751, 0 {pack_format = #tpu.pack_format<interleaved>} : vector<32xbf16> -> vector<16xf32>
      %unpack3A_2753 = tpu.unpack_subelements %bitcast3A_2751, 1 {pack_format = #tpu.pack_format<interleaved>} : vector<32xbf16> -> vector<16xf32>
      %add3A_2754 = arith.addf %add3A_2730, %unpack3A_2752 : vector<16xf32>
      %add3A_2755 = arith.addf %add3A_2731, %unpack3A_2753 : vector<16xf32>
      %get3A_2756 = arith.constant 4 : i32
      %get3A_2757 = arith.index_cast %get3A_2756 : i32 to index
      %get3A_2758 = arith.index_cast %add3A_1437 : i32 to index
      %get3A_2759 = tpu.vector_load %arg12[%get3A_2757, %get3A_2758] {strides = array<i32>} : memref<7x512xi32, #tpu.memory_space<vmem>>, vector<16xi32>,
      %gather3A_2760 = arith.constant 0 : i32
      %gather3A_2761 = arith.constant 0 : i32
      %gather3A_2762 = tpu.memref_slice %arg18[%gather3A_2760, %gather3A_2761] : memref<2x8xi32, #tpu.memory_space<vmem>> -> memref<1x8xi32, #tpu.memory_space<vmem>>
      %gather3A_2763 = tpu.memref_squeeze %gather3A_2762 : memref<1x8xi32, #tpu.memory_space<vmem>> -> memref<8xi32, #tpu.memory_space<vmem>>
      %gather3A_2764 = tpu.vector_load_idx %gather3A_2763[%get3A_2759] : memref<8xi32, #tpu.memory_space<vmem>>[vector<16xi32>], vector<16xi32>,
      %bitcast3A_2765 = vector.bitcast %gather3A_2764 : vector<16xi32> to vector<32xbf16>
      %unpack3A_2766 = tpu.unpack_subelements %bitcast3A_2765, 0 {pack_format = #tpu.pack_format<interleaved>} : vector<32xbf16> -> vector<16xf32>
      %unpack3A_2767 = tpu.unpack_subelements %bitcast3A_2765, 1 {pack_format = #tpu.pack_format<interleaved>} : vector<32xbf16> -> vector<16xf32>
      %add3A_2768 = arith.addf %add3A_2744, %unpack3A_2766 : vector<16xf32>
      %add3A_2769 = arith.addf %add3A_2745, %unpack3A_2767 : vector<16xf32>
      %gather3A_2770 = arith.constant 1 : i32
      %gather3A_2771 = arith.constant 0 : i32
      %gather3A_2772 = tpu.memref_slice %arg18[%gather3A_2770, %gather3A_2771] : memref<2x8xi32, #tpu.memory_space<vmem>> -> memref<1x8xi32, #tpu.memory_space<vmem>>
      %gather3A_2773 = tpu.memref_squeeze %gather3A_2772 : memref<1x8xi32, #tpu.memory_space<vmem>> -> memref<8xi32, #tpu.memory_space<vmem>>
      %gather3A_2774 = tpu.vector_load_idx %gather3A_2773[%get3A_2759] : memref<8xi32, #tpu.memory_space<vmem>>[vector<16xi32>], vector<16xi32>,
      %bitcast3A_2775 = vector.bitcast %gather3A_2774 : vector<16xi32> to vector<32xbf16>
      %unpack3A_2776 = tpu.unpack_subelements %bitcast3A_2775, 0 {pack_format = #tpu.pack_format<interleaved>} : vector<32xbf16> -> vector<16xf32>
      %unpack3A_2777 = tpu.unpack_subelements %bitcast3A_2775, 1 {pack_format = #tpu.pack_format<interleaved>} : vector<32xbf16> -> vector<16xf32>
      %add3A_2778 = arith.addf %add3A_2754, %unpack3A_2776 : vector<16xf32>
      %add3A_2779 = arith.addf %add3A_2755, %unpack3A_2777 : vector<16xf32>
      %get3A_2780 = arith.constant 5 : i32
      %get3A_2781 = arith.index_cast %get3A_2780 : i32 to index
      %get3A_2782 = arith.index_cast %add3A_1437 : i32 to index
      %get3A_2783 = tpu.vector_load %arg12[%get3A_2781, %get3A_2782] {strides = array<i32>} : memref<7x512xi32, #tpu.memory_space<vmem>>, vector<16xi32>,
      %gather3A_2784 = arith.constant 0 : i32
      %gather3A_2785 = arith.constant 0 : i32
      %gather3A_2786 = tpu.memref_slice %arg18[%gather3A_2784, %gather3A_2785] : memref<2x8xi32, #tpu.memory_space<vmem>> -> memref<1x8xi32, #tpu.memory_space<vmem>>
      %gather3A_2787 = tpu.memref_squeeze %gather3A_2786 : memref<1x8xi32, #tpu.memory_space<vmem>> -> memref<8xi32, #tpu.memory_space<vmem>>
      %gather3A_2788 = tpu.vector_load_idx %gather3A_2787[%get3A_2783] : memref<8xi32, #tpu.memory_space<vmem>>[vector<16xi32>], vector<16xi32>,
      %bitcast3A_2789 = vector.bitcast %gather3A_2788 : vector<16xi32> to vector<32xbf16>
      %unpack3A_2790 = tpu.unpack_subelements %bitcast3A_2789, 0 {pack_format = #tpu.pack_format<interleaved>} : vector<32xbf16> -> vector<16xf32>
      %unpack3A_2791 = tpu.unpack_subelements %bitcast3A_2789, 1 {pack_format = #tpu.pack_format<interleaved>} : vector<32xbf16> -> vector<16xf32>
      %add3A_2792 = arith.addf %add3A_2768, %unpack3A_2790 : vector<16xf32>
      %add3A_2793 = arith.addf %add3A_2769, %unpack3A_2791 : vector<16xf32>
      %gather3A_2794 = arith.constant 1 : i32
      %gather3A_2795 = arith.constant 0 : i32
      %gather3A_2796 = tpu.memref_slice %arg18[%gather3A_2794, %gather3A_2795] : memref<2x8xi32, #tpu.memory_space<vmem>> -> memref<1x8xi32, #tpu.memory_space<vmem>>
      %gather3A_2797 = tpu.memref_squeeze %gather3A_2796 : memref<1x8xi32, #tpu.memory_space<vmem>> -> memref<8xi32, #tpu.memory_space<vmem>>
      %gather3A_2798 = tpu.vector_load_idx %gather3A_2797[%get3A_2783] : memref<8xi32, #tpu.memory_space<vmem>>[vector<16xi32>], vector<16xi32>,
      %bitcast3A_2799 = vector.bitcast %gather3A_2798 : vector<16xi32> to vector<32xbf16>
      %unpack3A_2800 = tpu.unpack_subelements %bitcast3A_2799, 0 {pack_format = #tpu.pack_format<interleaved>} : vector<32xbf16> -> vector<16xf32>
      %unpack3A_2801 = tpu.unpack_subelements %bitcast3A_2799, 1 {pack_format = #tpu.pack_format<interleaved>} : vector<32xbf16> -> vector<16xf32>
      %add3A_2802 = arith.addf %add3A_2778, %unpack3A_2800 : vector<16xf32>
      %add3A_2803 = arith.addf %add3A_2779, %unpack3A_2801 : vector<16xf32>
      %get3A_2804 = arith.constant 6 : i32
      %get3A_2805 = arith.index_cast %get3A_2804 : i32 to index
      %get3A_2806 = arith.index_cast %add3A_1437 : i32 to index
      %get3A_2807 = tpu.vector_load %arg12[%get3A_2805, %get3A_2806] {strides = array<i32>} : memref<7x512xi32, #tpu.memory_space<vmem>>, vector<16xi32>,
      %gather3A_2808 = arith.constant 0 : i32
      %gather3A_2809 = arith.constant 0 : i32
      %gather3A_2810 = tpu.memref_slice %arg18[%gather3A_2808, %gather3A_2809] : memref<2x8xi32, #tpu.memory_space<vmem>> -> memref<1x8xi32, #tpu.memory_space<vmem>>
      %gather3A_2811 = tpu.memref_squeeze %gather3A_2810 : memref<1x8xi32, #tpu.memory_space<vmem>> -> memref<8xi32, #tpu.memory_space<vmem>>
      %gather3A_2812 = tpu.vector_load_idx %gather3A_2811[%get3A_2807] : memref<8xi32, #tpu.memory_space<vmem>>[vector<16xi32>], vector<16xi32>,
      %bitcast3A_2813 = vector.bitcast %gather3A_2812 : vector<16xi32> to vector<32xbf16>
      %unpack3A_2814 = tpu.unpack_subelements %bitcast3A_2813, 0 {pack_format = #tpu.pack_format<interleaved>} : vector<32xbf16> -> vector<16xf32>
      %unpack3A_2815 = tpu.unpack_subelements %bitcast3A_2813, 1 {pack_format = #tpu.pack_format<interleaved>} : vector<32xbf16> -> vector<16xf32>
      %add3A_2816 = arith.addf %add3A_2792, %unpack3A_2814 : vector<16xf32>
      %add3A_2817 = arith.addf %add3A_2793, %unpack3A_2815 : vector<16xf32>
      %gather3A_2818 = arith.constant 1 : i32
      %gather3A_2819 = arith.constant 0 : i32
      %gather3A_2820 = tpu.memref_slice %arg18[%gather3A_2818, %gather3A_2819] : memref<2x8xi32, #tpu.memory_space<vmem>> -> memref<1x8xi32, #tpu.memory_space<vmem>>
      %gather3A_2821 = tpu.memref_squeeze %gather3A_2820 : memref<1x8xi32, #tpu.memory_space<vmem>> -> memref<8xi32, #tpu.memory_space<vmem>>
      %gather3A_2822 = tpu.vector_load_idx %gather3A_2821[%get3A_2807] : memref<8xi32, #tpu.memory_space<vmem>>[vector<16xi32>], vector<16xi32>,
      %bitcast3A_2823 = vector.bitcast %gather3A_2822 : vector<16xi32> to vector<32xbf16>
      %unpack3A_2824 = tpu.unpack_subelements %bitcast3A_2823, 0 {pack_format = #tpu.pack_format<interleaved>} : vector<32xbf16> -> vector<16xf32>
      %unpack3A_2825 = tpu.unpack_subelements %bitcast3A_2823, 1 {pack_format = #tpu.pack_format<interleaved>} : vector<32xbf16> -> vector<16xf32>
      %add3A_2826 = arith.addf %add3A_2802, %unpack3A_2824 : vector<16xf32>
      %add3A_2827 = arith.addf %add3A_2803, %unpack3A_2825 : vector<16xf32>
      %mul3A_2828 = arith.constant 0.142857149 : f32
      %mul3A_2829 = vector.broadcast %mul3A_2828 : f32 to vector<16xf32>
      %mul3A_2830 = arith.mulf %add3A_2816, %mul3A_2829 : vector<16xf32>
      %swap3A_2831 = arith.constant 18 : i32
      %swap3A_2832 = arith.index_cast %swap3A_2831 : i32 to index
      %swap3A_2833 = arith.index_cast %add3A_1437 : i32 to index
      %swap3A_2834 = tpu.vector_load %arg19[%swap3A_2832, %swap3A_2833] {strides = array<i32>} : memref<23x512xf32, #tpu.memory_space<vmem>>, vector<16xf32>,
      tpu.vector_store %arg19[%swap3A_2832, %swap3A_2833], %mul3A_2830 {strides = array<i32>} : memref<23x512xf32, #tpu.memory_space<vmem>>, vector<16xf32>,
      %mul3A_2835 = arith.constant 0.142857149 : f32
      %mul3A_2836 = vector.broadcast %mul3A_2835 : f32 to vector<16xf32>
      %mul3A_2837 = arith.mulf %add3A_2817, %mul3A_2836 : vector<16xf32>
      %swap3A_2838 = arith.constant 19 : i32
      %swap3A_2839 = arith.index_cast %swap3A_2838 : i32 to index
      %swap3A_2840 = arith.index_cast %add3A_1437 : i32 to index
      %swap3A_2841 = tpu.vector_load %arg19[%swap3A_2839, %swap3A_2840] {strides = array<i32>} : memref<23x512xf32, #tpu.memory_space<vmem>>, vector<16xf32>,
      tpu.vector_store %arg19[%swap3A_2839, %swap3A_2840], %mul3A_2837 {strides = array<i32>} : memref<23x512xf32, #tpu.memory_space<vmem>>, vector<16xf32>,
      %mul3A_2842 = arith.constant 0.142857149 : f32
      %mul3A_2843 = vector.broadcast %mul3A_2842 : f32 to vector<16xf32>
      %mul3A_2844 = arith.mulf %add3A_2826, %mul3A_2843 : vector<16xf32>
      %swap3A_2845 = arith.constant 20 : i32
      %swap3A_2846 = arith.index_cast %swap3A_2845 : i32 to index
      %swap3A_2847 = arith.index_cast %add3A_1437 : i32 to index
      %swap3A_2848 = tpu.vector_load %arg19[%swap3A_2846, %swap3A_2847] {strides = array<i32>} : memref<23x512xf32, #tpu.memory_space<vmem>>, vector<16xf32>,
      tpu.vector_store %arg19[%swap3A_2846, %swap3A_2847], %mul3A_2844 {strides = array<i32>} : memref<23x512xf32, #tpu.memory_space<vmem>>, vector<16xf32>,
      %mul3A_2849 = arith.constant 0.142857149 : f32
      %mul3A_2850 = vector.broadcast %mul3A_2849 : f32 to vector<16xf32>
      %mul3A_2851 = arith.mulf %add3A_2827, %mul3A_2850 : vector<16xf32>
      %swap3A_2852 = arith.constant 21 : i32
      %swap3A_2853 = arith.index_cast %swap3A_2852 : i32 to index
      %swap3A_2854 = arith.index_cast %add3A_1437 : i32 to index
      %swap3A_2855 = tpu.vector_load %arg19[%swap3A_2853, %swap3A_2854] {strides = array<i32>} : memref<23x512xf32, #tpu.memory_space<vmem>>, vector<16xf32>,
      tpu.vector_store %arg19[%swap3A_2853, %swap3A_2854], %mul3A_2851 {strides = array<i32>} : memref<23x512xf32, #tpu.memory_space<vmem>>, vector<16xf32>,
      %get3A_2856 = arith.index_cast %add3A_1437 : i32 to index
      %get3A_2857 = tpu.vector_load %arg15[%get3A_2856] {strides = array<i32>} : memref<512xf32, #tpu.memory_space<vmem>>, vector<16xf32>,
      %sub3A_2858 = arith.constant 1.900000e+01 : f32
      %sub3A_2859 = vector.broadcast %sub3A_2858 : f32 to vector<16xf32>
      %sub3A_2860 = arith.subf %get3A_2857, %sub3A_2859 : vector<16xf32>
      %mul3A_2861 = arith.constant 0.15384616 : f32
      %mul3A_2862 = vector.broadcast %mul3A_2861 : f32 to vector<16xf32>
      %mul3A_2863 = arith.mulf %sub3A_2860, %mul3A_2862 : vector<16xf32>
      %swap3A_2864 = arith.constant 22 : i32
      %swap3A_2865 = arith.index_cast %swap3A_2864 : i32 to index
      %swap3A_2866 = arith.index_cast %add3A_1437 : i32 to index
      %swap3A_2867 = tpu.vector_load %arg19[%swap3A_2865, %swap3A_2866] {strides = array<i32>} : memref<23x512xf32, #tpu.memory_space<vmem>>, vector<16xf32>,
      tpu.vector_store %arg19[%swap3A_2865, %swap3A_2866], %mul3A_2863 {strides = array<i32>} : memref<23x512xf32, #tpu.memory_space<vmem>>, vector<16xf32>,
    }
    %scan3A_6 = arith.constant 16 : i32
    "tpu.region"() ({
      %run_scoped3A = tpu.sem_alloc : memref<!tpu.dma_semaphore, #tpu.memory_space<semaphore_mem>>
      %dma_start3A = arith.constant 0 : i32
      %dma_start3A_7 = tpu.memref_slice %arg10[%dma_start3A, %multiple_of3A] : memref<23x16384xf32, #tpu.memory_space<hbm>> -> memref<23x512xf32, #tpu.memory_space<hbm>>
      %dma_start3A_8 = arith.constant 0 : i32
      %dma_start3A_9 = tpu.memref_slice %arg10[%dma_start3A_8, %multiple_of3A] : memref<23x16384xf32, #tpu.memory_space<hbm>> -> memref<23x512xf32, #tpu.memory_space<hbm>>
      tpu.enqueue_dma source(%arg19 : memref<23x512xf32, #tpu.memory_space<vmem>>) target(%dma_start3A_9 : memref<23x512xf32, #tpu.memory_space<hbm>>) target_semaphore(%run_scoped3A : memref<!tpu.dma_semaphore, #tpu.memory_space<semaphore_mem>>)
      %dma_wait3A = arith.constant 0 : i32
      %dma_wait3A_10 = tpu.memref_slice %arg10[%dma_wait3A, %multiple_of3A] : memref<23x16384xf32, #tpu.memory_space<hbm>> -> memref<23x512xf32, #tpu.memory_space<hbm>>
      %dma_wait3A_11 = arith.constant 0 : i32
      %dma_wait3A_12 = tpu.memref_slice %arg10[%dma_wait3A_11, %multiple_of3A] : memref<23x16384xf32, #tpu.memory_space<hbm>> -> memref<23x512xf32, #tpu.memory_space<hbm>>
      tpu.wait_dma2 semaphore(%run_scoped3A : memref<!tpu.dma_semaphore, #tpu.memory_space<semaphore_mem>>) src(%arg19 : memref<23x512xf32, #tpu.memory_space<vmem>>) dst(%dma_wait3A_12 : memref<23x512xf32, #tpu.memory_space<hbm>>)
      tpu.yield
    }) : () -> ()
    return
  }
}

module attributes {stable_mosaic.version = 14 : i64} {
  func.func @body(%arg0: i32, %arg1: memref<23x4096xf32, #tpu.memory_space<vmem>>, %arg2: memref<23x64xf32, #tpu.memory_space<vmem>>, %arg3: memref<1x64xf32, #tpu.memory_space<vmem>>, %arg4: memref<64x32xf32, #tpu.memory_space<vmem>>, %arg5: memref<1x32xf32, #tpu.memory_space<vmem>>, %arg6: memref<4096x32xf32, #tpu.memory_space<vmem>>) attributes {dimension_semantics = [#tpu.dimension_semantics<arbitrary>], iteration_bounds = array<i64: 4>, scalar_prefetch = 0 : i64, scratch_operands = 0 : i64, tpu.core_type = #tpu.core_type<tc>, window_params = [{transform_indices = @transform_0, window_bounds = array<i64: 23, 4096>}, {pipeline_mode = #tpu.pipeline_mode<synchronous>, transform_indices = @transform_1, window_bounds = array<i64: 23, 64>}, {pipeline_mode = #tpu.pipeline_mode<synchronous>, transform_indices = @transform_2, window_bounds = array<i64: 1, 64>}, {pipeline_mode = #tpu.pipeline_mode<synchronous>, transform_indices = @transform_3, window_bounds = array<i64: 64, 32>}, {pipeline_mode = #tpu.pipeline_mode<synchronous>, transform_indices = @transform_4, window_bounds = array<i64: 1, 32>}, {transform_indices = @transform_5, window_bounds = array<i64: 4096, 32>}]} {
    %get3A = arith.constant 0 : index
    %get3A_0 = arith.constant 0 : index
    %get3A_1 = vector.load %arg1[%get3A, %get3A_0] : memref<23x4096xf32, #tpu.memory_space<vmem>>, vector<23x4096xf32>
    %get3A_2 = arith.constant 0 : index
    %get3A_3 = arith.constant 0 : index
    %get3A_4 = vector.load %arg2[%get3A_2, %get3A_3] : memref<23x64xf32, #tpu.memory_space<vmem>>, vector<23x64xf32>
    %dot_general3A = arith.constant dense<0.000000e+00> : vector<4096x64xf32>
    %dot_general3A_5 = tpu.matmul %get3A_1, %get3A_4, %dot_general3A {dimension_numbers = #tpu.dot_dimension_numbers<[0], [0], [1], [1], [0, 1, 1, 1], [], []>, transpose_lhs_hint = false} : vector<23x4096xf32>, vector<23x64xf32>, vector<4096x64xf32> -> vector<4096x64xf32>
    %get3A_6 = arith.constant 0 : index
    %get3A_7 = arith.constant 0 : index
    %get3A_8 = vector.load %arg3[%get3A_6, %get3A_7] : memref<1x64xf32, #tpu.memory_space<vmem>>, vector<1x64xf32>
    %add3A = vector.broadcast %get3A_8 : vector<1x64xf32> to vector<4096x64xf32>
    %add3A_9 = arith.addf %dot_general3A_5, %add3A : vector<4096x64xf32>
    %max3A = arith.constant 0.000000e+00 : f32
    %max3A_10 = vector.broadcast %max3A : f32 to vector<4096x64xf32>
    %max3A_11 = arith.maximumf %add3A_9, %max3A_10 : vector<4096x64xf32>
    %get3A_12 = arith.constant 0 : index
    %get3A_13 = arith.constant 0 : index
    %get3A_14 = vector.load %arg4[%get3A_12, %get3A_13] : memref<64x32xf32, #tpu.memory_space<vmem>>, vector<64x32xf32>
    %dot_general3A_15 = arith.constant dense<0.000000e+00> : vector<4096x32xf32>
    %dot_general3A_16 = tpu.matmul %max3A_11, %get3A_14, %dot_general3A_15 {dimension_numbers = #tpu.dot_dimension_numbers<[1], [0], [0], [1], [0, 0, 1, 1], [], []>, transpose_lhs_hint = false} : vector<4096x64xf32>, vector<64x32xf32>, vector<4096x32xf32> -> vector<4096x32xf32>
    %get3A_17 = arith.constant 0 : index
    %get3A_18 = arith.constant 0 : index
    %get3A_19 = vector.load %arg5[%get3A_17, %get3A_18] : memref<1x32xf32, #tpu.memory_space<vmem>>, vector<1x32xf32>
    %add3A_20 = vector.broadcast %get3A_19 : vector<1x32xf32> to vector<4096x32xf32>
    %add3A_21 = arith.addf %dot_general3A_16, %add3A_20 : vector<4096x32xf32>
    %swap3A = arith.constant 0 : index
    %swap3A_22 = arith.constant 0 : index
    %swap3A_23 = vector.load %arg6[%swap3A, %swap3A_22] : memref<4096x32xf32, #tpu.memory_space<vmem>>, vector<4096x32xf32>
    tpu.vector_store %arg6[%swap3A, %swap3A_22], %add3A_21 {strides = array<i32>} : memref<4096x32xf32, #tpu.memory_space<vmem>>, vector<4096x32xf32>,
    return
  }
  func.func @transform_0(%arg0: i32) -> (i32, i32) {
    %c0_i32 = arith.constant 0 : i32
    %c0_i32_0 = arith.constant 0 : i32
    return %c0_i32, %arg0 : i32, i32
  }
  func.func @transform_1(%arg0: i32) -> (i32, i32) {
    %c0_i32 = arith.constant 0 : i32
    %c0_i32_0 = arith.constant 0 : i32
    %c0_i32_1 = arith.constant 0 : i32
    return %c0_i32, %c0_i32_0 : i32, i32
  }
  func.func @transform_2(%arg0: i32) -> (i32, i32) {
    %c0_i32 = arith.constant 0 : i32
    %c0_i32_0 = arith.constant 0 : i32
    %c0_i32_1 = arith.constant 0 : i32
    return %c0_i32, %c0_i32_0 : i32, i32
  }
  func.func @transform_3(%arg0: i32) -> (i32, i32) {
    %c0_i32 = arith.constant 0 : i32
    %c0_i32_0 = arith.constant 0 : i32
    %c0_i32_1 = arith.constant 0 : i32
    return %c0_i32, %c0_i32_0 : i32, i32
  }
  func.func @transform_4(%arg0: i32) -> (i32, i32) {
    %c0_i32 = arith.constant 0 : i32
    %c0_i32_0 = arith.constant 0 : i32
    %c0_i32_1 = arith.constant 0 : i32
    return %c0_i32, %c0_i32_0 : i32, i32
  }
  func.func @transform_5(%arg0: i32) -> (i32, i32) {
    %c0_i32 = arith.constant 0 : i32
    %c0_i32_0 = arith.constant 0 : i32
    return %arg0, %c0_i32 : i32, i32
  }
}

</mosaic_0001>

<sc_bundles>
// kernel: kernel.4.cloned.1.call-start
scs
__scs_entry_jumppad:
0x0: {  	(pc) =	sbr.rel $0x88, $3  }
0x1: {  	(tag) =	ssettag $0x0;
	lr =	simm.s32 $0x1  }
0x2: {  	[smem:$0x3F95] =	sst lr;
	_ =	strace $0xD0000000  }
0x3: {  	_ = 	snop  }
0x4: {  	_ = 	snop  }
0x5: {  	_ = 	snop  }
0x6: {  	_ = 	snop  }
0x7: {  	_ = 	snop  }
__scs_overlays_trampoline_lowered:
0x8: {  	[smem:$0x3FA4] =	sst s0  }
0x9: {  	[smem:$0x3FA5] =	sst s1  }
0xa: {  	[smem:$0x3FA6] =	sst s2  }
0xb: {  	[smem:$0x3FA7] =	sst s3  }
0xc: {  	[smem:$0x3FA8] =	sst s4  }
0xd: {  	[smem:$0x3FA9] =	sst s5  }
0xe: {  	[smem:$0x3FAA] =	sst s6  }
0xf: {  	[smem:$0x3FAB] =	sst s7  }
0x10: {  	[smem:$0x3FAC] =	sst s8  }
0x11: {  	[smem:$0x3FAD] =	sst s9;
	s0 =	simm.s32 @!p0 $0x0  }
0x12: {  	s1 =	sld [smem:$0x3F93];
	s0 =	simm.s32 @p0 $0x1  }
0x13: {  	[smem:$0x3FAE] =	sst s0;
	s0 =	simm.s32 @!p1 $0x0  }
0x14: {  	s2 =	sld [smem:$0x3F92];
	s0 =	simm.s32 @p1 $0x1  }
0x15: {  	[smem:$0x3FAF] =	sst s0;
	s0 =	simm.s32 @!p2 $0x0  }
0x16: {  	s3 =	sld [smem:$0x3FDB];
	s0 =	simm.s32 @p2 $0x1  }
0x17: {  	s4 =	simm.s32 $0x1BF5;
	[smem:$0x3FB1] =	sst s0  }
0x18: {  	s0 =	sld [smem:$0x3F94];
	_ =	swait.ge [sflag:s4], $0x0  }
0x19: {  	s7 =	sld [smem:$0x3F95]  }
0x1a: {  	s8 =	sadd.s32 $0xFFFFE003, lr  }
0x1b: {  	s9 =	sadd.s32 $0xFFFFFEF7, lr;
	s5 =	simm.s32 $0xFFFFFFFF;
	p2 =	slt.u32 s8, $0xFFFFF086  }
0x1c: {  	p1 =	slt.u32 s9, $0xF7A;
	s5 =	simm.s32 @!p2 $0x0  }
0x1d: {  	s5 =	simm.s32 @p1 $0x1;
	p0 =	seq.s32 s7, s2  }
0x1e: {  	s7 =	smul.u32 @!p0 $0xF7A, s2;
	p2 =	seq.s32 @!p0 s5, $0x0  }
0x1f: {  	s9 =	smul.u32 $0xF7A, s1;
	s8 =	simm.s32 @!p0 $0x1BF5;
	p2 =	por !p2, p0  }
0x20: {  	[sflag:s8] =	ssyncset.s32 @!p0 $0xFFFFF086;
	s6 =	sadd.s32 @!p0 s3, s7;
	s7 =	simm.s32 @!p0 $0x108  }
0x21: {  	s3 =	sadd.s32 s3, s9;
	s6 =	sadd.s32 @!p0 $0x88, s6;
	s7 =	simm.s32 @p2 $0x1082  }
0x22: {  	[simem:s7], [sflag:s8] =	dma.local @!p0 [hbm:s6], $0xF7A  }
0x23: {  	s9 =	sor.u32 $0xD0000000, s2;
	s6 =	simm.s32 $0x108;
	_ =	swait.ge @!p0 [sflag:s8], $0x0  }
0x24: {  	s3 =	sadd.s32 $0x88, s3;
	s6 =	simm.s32 @!p1 $0x1082;
	[sflag:s4] =	ssyncset.s32 $0xFFFFF086  }
0x25: {  	[simem:s6], [sflag:s4] =	dma.local [hbm:s3], $0xF7A  }
0x26: {  	[smem:$0x3F95] =	sst s1;
	(tag) =	ssettag s2;
	_ =	strace s9  }
0x27: {  	s1 =	sld [smem:$0x3FA5]  }
0x28: {  	s2 =	sld [smem:$0x3FA6]  }
0x29: {  	s4 =	sld [smem:$0x3FA8]  }
0x2a: {  	p0 =	seq.s32 s5, $0x0;
	s5 =	sld [smem:$0x3FA9]  }
0x2b: {  	s6 =	sld [smem:$0x3FAA]  }
0x2c: {  	s7 =	sld [smem:$0x3FAB]  }
0x2d: {  	s3 =	simm.s32 $0x108;
	s8 =	sld [smem:$0x3FAC]  }
0x2e: {  	s3 =	simm.s32 @!p0 $0x1082;
	s9 =	sld [smem:$0x3FAD]  }
0x2f: {  	lr =	sadd.s32 s0, s3;
	s0 =	sld [smem:$0x3FA4]  }
0x30: {  	s3 =	sld [smem:$0x3FA7]  }
0x31: {  	[smem:$0x3FB0] =	sst s10  }
0x32: {  	s10 =	sld [smem:$0x3FAE];
	_ =	sdelay $0x3  }
0x33: {  	p0 =	seq.s32 s10, $0x1;
	s10 =	sld [smem:$0x3FB0];
	_ =	sdelay $0x3  }
0x34: {  	[smem:$0x3FB0] =	sst s10  }
0x35: {  	s10 =	sld [smem:$0x3FAF];
	_ =	sdelay $0x3  }
0x36: {  	p1 =	seq.s32 s10, $0x1;
	s10 =	sld [smem:$0x3FB0];
	_ =	sdelay $0x3  }
0x37: {  	[smem:$0x3FB0] =	sst s10  }
0x38: {  	s10 =	sld [smem:$0x3FB1]  }
0x39: {  	_ = 	snop;
	(pc) =	sbr.ind lr, $3  }
0x3a: {  	_ = 	snop  }
0x3b: {  	_ = 	snop  }
0x3c: {  	p2 =	seq.s32 s10, $0x1;
	s10 =	sld [smem:$0x3FB0]  }
0x3d: {  	_ =	shalt  }
0x3e: {  	_ =	shalt  }
0x3f: {  	_ =	shalt  }
0x40: {  	_ =	shalt  }
0x41: {  	_ =	shalt  }
0x42: {  	_ =	shalt  }
0x43: {  	_ =	shalt  }
0x44: {  	_ =	shalt  }
0x45: {  	_ =	shalt  }
0x46: {  	_ =	shalt  }
0x47: {  	_ =	shalt  }
0x48: {  	_ =	shalt  }
0x49: {  	_ =	shalt  }
0x4a: {  	_ =	shalt  }
0x4b: {  	_ =	shalt  }
0x4c: {  	_ =	shalt  }
0x4d: {  	_ =	shalt  }
0x4e: {  	_ =	shalt  }
0x4f: {  	_ =	shalt  }
0x50: {  	_ =	shalt  }
0x51: {  	_ =	shalt  }
0x52: {  	_ =	shalt  }
0x53: {  	_ =	shalt  }
0x54: {  	_ =	shalt  }
0x55: {  	_ =	shalt  }
0x56: {  	_ =	shalt  }
0x57: {  	_ =	shalt  }
0x58: {  	_ =	shalt  }
0x59: {  	_ =	shalt  }
0x5a: {  	_ =	shalt  }
0x5b: {  	_ =	shalt  }
0x5c: {  	_ =	shalt  }
0x5d: {  	_ =	shalt  }
0x5e: {  	_ =	shalt  }
0x5f: {  	_ =	shalt  }
0x60: {  	_ =	shalt  }
0x61: {  	_ =	shalt  }
0x62: {  	_ =	shalt  }
0x63: {  	_ =	shalt  }
0x64: {  	_ =	shalt  }
0x65: {  	_ =	shalt  }
0x66: {  	_ =	shalt  }
0x67: {  	_ =	shalt  }
0x68: {  	_ =	shalt  }
0x69: {  	_ =	shalt  }
0x6a: {  	_ =	shalt  }
0x6b: {  	_ =	shalt  }
0x6c: {  	_ =	shalt  }
0x6d: {  	_ =	shalt  }
0x6e: {  	_ =	shalt  }
0x6f: {  	_ =	shalt  }
0x70: {  	_ =	shalt  }
0x71: {  	_ =	shalt  }
0x72: {  	_ =	shalt  }
0x73: {  	_ =	shalt  }
0x74: {  	_ =	shalt  }
0x75: {  	_ =	shalt  }
0x76: {  	_ =	shalt  }
0x77: {  	_ =	shalt  }
0x78: {  	_ =	shalt  }
0x79: {  	_ =	shalt  }
0x7a: {  	_ =	shalt  }
0x7b: {  	_ =	shalt  }
0x7c: {  	_ =	shalt  }
0x7d: {  	_ =	shalt  }
0x7e: {  	_ =	shalt  }
0x7f: {  	_ =	shalt  }
0x80: {  	_ =	shalt  }
0x81: {  	_ =	shalt  }
0x82: {  	_ =	shalt  }
0x83: {  	_ =	shalt  }
0x84: {  	_ =	shalt  }
0x85: {  	_ =	shalt  }
0x86: {  	_ =	shalt  }
0x87: {  	_ =	shalt  }
.Lfunc_end0:
.L_simem_size_0:
called_computation_lowered:
.L_overlay_start_0:
0x88: {  	s2 =	sld [smem:$0x3FD9]  }
0x89: {  	s3 =	sld [smem:$0x3FFE];
	_ =	sdelay $0x1  }
0x8a: {  	s1 =	srdreg.scid  }
0x8b: {  	s0 =	sand.u32 $0x1, s1  }
0x8c: {  	s17 =	sshll.u32 s0, $0xA;
	s2 =	sadd.s32 s3, s2  }
0x8d: {  	s2 =	sadd.s32 s2, s17  }
0x8e: {  	[smem:$0x3FBC] =	sst s2  }
0x8f: {  	_ = 	snop  }
0x90: {  	s2 =	sld [smem:$0x3FC9]  }
0x91: {  	s18 =	sld [smem:$0x3FC8]  }
0x92: {  	s4 =	sld [smem:$0x3FC7]  }
0x93: {  	s5 =	sld [smem:$0x3FC6]  }
0x94: {  	s6 =	sld [smem:$0x3FC5]  }
0x95: {  	s7 =	sld [smem:$0x3FD0];
	(tm) =	ssettm $0x1  }
0x96: {  	s8 =	sld [smem:$0x3FFB];
	_ =	sdelay $0x3  }
0x97: {  	_ =	strace s8  }
0x98: {  	s8 =	sld [smem:$0x3FFC];
	_ =	sdelay $0x3  }
0x99: {  	_ =	strace s8  }
0x9a: {  	s8 =	sld [smem:$0x3FFD];
	_ =	sdelay $0x3  }
0x9b: {  	_ =	strace s8  }
0x9c: {  	_ =	strace $0x8FFFFFFF  }
0x9d: {  	s19 =	sld [smem:$0x3FDB];
	_ =	sdelay $0x1  }
0x9e: {  	s9 =	simm.s32 $_scs_section_size  }
0x9f: {  	s10 =	simm.s32 $_size__tile_overlayer_lowered;
	s11 =	simm.s32 $_tile_overlayer_lowered  }
0xa0: {  	s22 =	simm.s32 $0x1BFF;
	s21 =	sshll.u32 s11, $0x1;
	s8 =	sadd.s32 s9, s19  }
0xa1: {  	s12 =	simm.s32 $0x0;
	s20 =	sshll.u32 s10, $0x1;
	s10 =	sadd.s32 s21, s8  }
0xa2: {  	[timem:s12], [sflag:s22] =	dma.local [hbm:s10], s20  }
0xa3: {  	_ =	swait.ge [sflag:s22], s20  }
0xa4: {  	s9 =	ssub.s32 $0x0, s20;
	[sflag:s22] =	ssyncset.done $0x0  }
0xa5: {  	[sflag:s22] =	ssyncadd.s32 s9;
	_ =	sdelay $0x1  }
0xa6: {  	s23 =	simm.s32 $0x1B8B  }
0xa7: {  	_ =	swait.ge [sflag:s23], $0x1  }
0xa8: {  	[sflag:s23] =	ssyncset.done $0x0  }
0xa9: {  	s25 =	simm.s32 $0x1B8E;
	s24 =	sld [smem:$0x3FFE];
	[sflag:s23] =	ssyncadd.s32 $0xFFFFFFFF  }
0xaa: {  	s26 =	simm.s32 $execute0_lowered;
	[smem:$0x3FD2] =	sst s25  }
0xab: {  	s10 =	sshll.u32 s26, $0x1;
	_ =	strace $0x80000046;
	[dreg:$0x1] =	wrdreg $0xFFFFFFFF  }
0xac: {  	s28 =	simm.s32 $_size_execute0_lowered;
	s8 =	sadd.s32 s8, s10;
	[dreg:$0x0] =	wrdreg $0x0  }
0xad: {  	s10 =	sshll.u32 s28, $0x1;
	[dreg:$0x2] =	wrdreg s8  }
0xae: {  	[dreg:$0x3] =	wrdreg s10  }
0xaf: {  	[dreg:$0x4] =	wrdreg $0xC0  }
0xb0: {  	_ =	task [dreg:s12], $0x5FFFF  }
0xb1: {  	[dreg:$0x1] =	wrdreg $0xFFFFFFFF  }
0xb2: {  	[dreg:$0x0] =	wrdreg $0x60  }
0xb3: {  	[dreg:$0x2] =	wrdreg s2  }
0xb4: {  	[dreg:$0x3] =	wrdreg s6  }
0xb5: {  	[dreg:$0x4] =	wrdreg s4  }
0xb6: {  	[dreg:$0x5] =	wrdreg s5  }
0xb7: {  	[dreg:$0x6] =	wrdreg s18  }
0xb8: {  	[dreg:$0x7] =	wrdreg s24  }
0xb9: {  	[dreg:$0x8] =	wrdreg s7  }
0xba: {  	[dreg:$0x9] =	wrdreg $0x9  }
0xbb: {  	_ =	task.clear_ibuf [dreg:s12], $0xAFFFF;
	_ =	strace $0x90000046  }
0xbc: {  	s29 =	simm.s32 $0x9;
	_ =	strace $0x80000048  }
0xbd: {  	_ =	swait.ge [sflag:s29], $0x1  }
0xbe: {  	[sflag:s29] =	ssyncadd.s32 $0xFFFFFFFF  }
0xbf: {  	_ =	strace $0x90000048  }
0xc0: {  	_ =	sfence  }
0xc1: {  	s30 =	sld [smem:$0x0];
	_ =	sdelay $0x2  }
0xc2: {  	s31 =	sshll.u32 s1, $0xD;
	s1 =	sshrl.u32 s1, $0x2  }
0xc3: {  	s3 =	sand.u32 $0x4000, s31;
	s1 =	sadd.s32 s1, s30  }
0xc4: {  	s0 =	sor.u32 s3, s0;
	s1 =	sshll.u32 s1, $0x11  }
0xc5: {  	s0 =	sor.u32 s1, s0  }
0xc6: {  	s0 =	sadd.s32 $0x8F2B, s0  }
0xc7: {  	[sflag:s0] =	ssyncadd.remote.s32 $0x1  }
0xc8: {  	_ =	sfence.sel $0xFFFF  }
0xc9: {  	[dreg:$0x0] =	wrdreg $0xFFFFFFFF;
	(pc) =	sbr.abs _section_cstart, $3  }
0xca: {  	[dreg:$0x1] =	wrdreg $0xFFFFFFFF  }
0xcb: {  	_ =	task.clear_ibuf [dreg:s12], $0x2FFFF;
	_ =	strace $0x9FFFFFFF  }
0xcc: {  	(tm) =	ssettm $0x7FFFFFFF  }
0xcd: {  	_ =	shalt  }
tec
execute0_lowered:
.L_overlay_start_1:
0x0: {  	(tag) =	ssettag $0x1  }
0x1: {  	s0 =	rddreg [dreg:$0x0]  }
0x2: {  	s1 =	rddreg [dreg:$0x1]  }
0x3: {  	s2 =	rddreg [dreg:$0x2]  }
0x4: {  	s3 =	rddreg [dreg:$0x3]  }
0x5: {  	s4 =	rddreg [dreg:$0x4]  }
0x6: {  	s5 =	rddreg [dreg:$0x5]  }
0x7: {  	s6 =	rddreg [dreg:$0x6];
	s7 =	simm.s32 $0x0  }
0x8: {  	s22 =	srdreg.scid;
	s9 =	stileid.u32;
	s15 =	simm.s32 $0x1  }
0x9: {  	s17 =	simm.s32 $0x4600;
	s18 =	simm.s32 $0x4A00;
	s19 =	simm.s32 $0x4B00  }
0xa: {  	s20 =	simm.s32 $0x4680;
	s28 =	simm.s32 $0x0;
	[smem:$0x7FF] =	sst s7  }
0xb: {  	s21 =	sadd.s32 $0x1200, s5;
	s8 =	sadd.s32 $0xE00, s5;
	s7 =	sand.u32 $0x1, s22  }
0xc: {  	s9 =	sshll.u32 s9, $0xA;
	s5 =	sadd.s32 $0x1000, s5;
	_ =	strace $0x80000047  }
0xd: {  	[dreg:$0x8] =	wrdreg s21;
	s23 =	ssub.s32 $0x2, s7;
	s7 =	sshll.u32 s7, $0x9  }
0xe: {  	s22 =	simm.s32 $0x4780;
	[dreg:$0x9] =	wrdreg s8;
	s7 =	sor.u32 s7, s9  }
0xf: {  	[dreg:$0xa] =	wrdreg s5;
	s21 =	simm.s32 $0x4700;
	s0 =	sadd.s32 s0, s7  }
0x10: {  	s24 =	sshrl.u32 s23, $0x1;
	s1 =	sadd.s32 s1, s7;
	[dreg:$0xb] =	wrdreg s0  }
0x11: {  	s25 =	sshrl.u32 s7, $0x3;
	s30 =	sadd.s32 s6, s7;
	[dreg:$0xc] =	wrdreg s1  }
0x12: {  	s5 =	ssub.s32 s23, s24;
	s26 =	sadd.s32 s2, s25;
	[dreg:$0x10] =	wrdreg s30  }
0x13: {  	s23 =	simm.s32 $0x4800;
	s29 =	sadd.s32 s3, s25;
	[dreg:$0xd] =	wrdreg s26  }
0x14: {  	s24 =	simm.s32 $0x4A80;
	s0 =	sadd.s32 s4, s25;
	[dreg:$0xe] =	wrdreg s29  }
0x15: {  	s31 =	smax.u32 s5, $0x1;
	s2 =	simm.s32 $0x1000;
	[dreg:$0xf] =	wrdreg s0  }
0x16: {  	s3 =	simm.s32 $0x20000;
	s25 =	simm.s32 $0x4B80;
	[dreg:$0x11] =	wrdreg s31  }
.LBB2_1:
0x17: {  	s0 =	simm.s32 $0x0;
	s1 =	rddreg [dreg:$0xb]  }
0x18: {  	[tilespmem:s0], [sflag:$0x1] =	stream.strided.gather [hbm4b:s1+s2], $0x3000, s3, s2, $0x38;
	[tilespmem:$0x7C00] =	vst v63  }
0x19: {  	_ =	swait.ge [sflag:s15], $0x3000  }
0x1a: {  	[sflag:s15] =	ssyncset.done $0x0  }
0x1b: {  	s10 =	simm.s32 $0x3000;
	s9 =	rddreg [dreg:$0xc];
	[sflag:s15] =	ssyncadd.s32 $0xFFFFD000  }
0x1c: {  	[tilespmem:s10], [sflag:$0x1] =	stream.linear.gather [hbm4b:s9+s0], $0x1000, $0x38;
	[tilespmem:$0x7C00] =	vst v63  }
0x1d: {  	_ =	swait.ge [sflag:s15], $0x1000  }
0x1e: {  	[sflag:s15] =	ssyncset.done $0x0  }
0x1f: {  	s29 =	simm.s32 $0x4000;
	s11 =	rddreg [dreg:$0xd];
	[sflag:s15] =	ssyncadd.s32 $0xFFFFF000  }
0x20: {  	[tilespmem:s29], [sflag:$0x1] =	stream.linear.gather [hbm4b:s11+s0], $0x200, $0x38;
	[tilespmem:$0x7C00] =	vst v63  }
0x21: {  	_ =	swait.ge [sflag:s15], $0x200  }
0x22: {  	[sflag:s15] =	ssyncset.done $0x0  }
0x23: {  	s30 =	simm.s32 $0x4200;
	s12 =	rddreg [dreg:$0xe];
	[sflag:s15] =	ssyncadd.s32 $0xFFFFFE00  }
0x24: {  	[tilespmem:s30], [sflag:$0x1] =	stream.linear.gather [hbm4b:s12+s0], $0x200, $0x38;
	[tilespmem:$0x7C00] =	vst v63  }
0x25: {  	_ =	swait.ge [sflag:s15], $0x200  }
0x26: {  	[sflag:s15] =	ssyncset.done $0x0  }
0x27: {  	s31 =	simm.s32 $0x4400;
	s13 =	rddreg [dreg:$0xf];
	[sflag:s15] =	ssyncadd.s32 $0xFFFFFE00  }
0x28: {  	[tilespmem:s31], [sflag:$0x1] =	stream.linear.gather [hbm4b:s13+s0], $0x200, $0x38;
	[tilespmem:$0x7C00] =	vst v63  }
0x29: {  	_ =	swait.ge [sflag:s15], $0x200  }
0x2a: {  	[sflag:s15] =	ssyncset.done $0x0  }
0x2b: {  	s14 =	rddreg [dreg:$0x8];
	[sflag:s15] =	ssyncadd.s32 $0xFFFFFE00  }
0x2c: {  	[tilespmem:s17], [sflag:$0x1] =	stream.linear.gather [hbm4b:s14+s0], $0x280, $0x38;
	[tilespmem:$0x7C00] =	vst v63  }
0x2d: {  	_ =	swait.ge [sflag:s15], $0x280  }
0x2e: {  	[sflag:s15] =	ssyncset.done $0x0  }
0x2f: {  	s16 =	rddreg [dreg:$0x9];
	[sflag:s15] =	ssyncadd.s32 $0xFFFFFD80  }
0x30: {  	[tilespmem:s18], [sflag:$0x1] =	stream.linear.gather [hbm4b:s16+s0], $0x100, $0x38;
	[tilespmem:$0x7C00] =	vst v63  }
0x31: {  	_ =	swait.ge [sflag:s15], $0x100  }
0x32: {  	[sflag:s15] =	ssyncset.done $0x0  }
0x33: {  	s26 =	rddreg [dreg:$0xa];
	[sflag:s15] =	ssyncadd.s32 $0xFFFFFF00  }
0x34: {  	[tilespmem:s19], [sflag:$0x1] =	stream.linear.gather [hbm4b:s26+s0], $0x100, $0x38;
	[tilespmem:$0x7C00] =	vst v63  }
0x35: {  	s2 =	simm.s32 $0xFFFFF000;
	_ =	swait.ge [sflag:s15], $0x100  }
0x36: {  	s13 =	simm.s32 $0x0;
	s16 =	simm.s32 $0x0;
	[sflag:s15] =	ssyncset.done $0x0  }
0x37: {  	s0 =	simm.s32 $0xFFFFFE00;
	s26 =	simm.s32 $0x0;
	[sflag:s15] =	ssyncadd.s32 $0xFFFFFF00  }
.LBB2_2:
0x38: {  	s14 =	sadd.s32 $0x200, s0;
	s1 =	sadd.s32 $0x1000, s2  }
0x39: {  	s4 =	sand.u32 $0x60, s14;
	s3 =	sand.u32 $0xC00, s1  }
0x3a: {  	s6 =	sor.u32 s4, s3  }
0x3b: {  	v0 =	vld [tilespmem:s6+$0x0];
	_ =	sdelay $0x2  }
0x3c: {  	s5 =	sand.u32 $0xFFFFFC00, s13  }
0x3d: {  	s9 =	sadd.s32 s5, s16;
	v1 =	vld [tilespmem:s6+$0x80]  }
0x3e: {  	s7 =	sor.u32 $0x180, s9;
	v7 =	vld [tilespmem:s6+$0x100]  }
0x3f: {  	v33 =	vld [tilespmem:s7+$0x0]  }
0x40: {  	v42 =	vld [tilespmem:s6+$0x200]  }
0x41: {  	v2 =	vld.idx.msk [tilespmem:v0+s17+$0x0], $0xffff  }
0x42: {  	v3 =	vld.idx.msk [tilespmem:v0+s20+$0x0], $0xffff  }
0x43: {  	v4 =	vld.idx.msk [tilespmem:v0+s21+$0x0], $0xffff  }
0x44: {  	v5 =	vld.idx.msk [tilespmem:v0+s22+$0x0], $0xffff  }
0x45: {  	v0 =	vld.idx.msk [tilespmem:v0+s23+$0x0], $0xffff  }
0x46: {  	v9 =	vld.idx.msk [tilespmem:v1+s17+$0x0], $0xffff  }
0x47: {  	v11 =	vld.idx.msk [tilespmem:v1+s20+$0x0], $0xffff  }
0x48: {  	v13 =	vld.idx.msk [tilespmem:v1+s21+$0x0], $0xffff  }
0x49: {  	v15 =	vld.idx.msk [tilespmem:v1+s22+$0x0], $0xffff  }
0x4a: {  	v1 =	vld.idx.msk [tilespmem:v1+s23+$0x0], $0xffff  }
0x4b: {  	v17 =	vld.idx.msk [tilespmem:v7+s17+$0x0], $0xffff  }
0x4c: {  	v36 =	vld.idx.msk [tilespmem:v7+s20+$0x0], $0xffff  }
0x4d: {  	v18 =	vld.idx.msk [tilespmem:v7+s21+$0x0], $0xffff;
	v6 =	vunpack.i.u.bf16.f32 v2;
	v2 =	vunpack.i.l.bf16.f32 v2;
	v8 =	vunpack.i.l.bf16.f32 v3  }
0x4e: {  	v39 =	vld.idx.msk [tilespmem:v7+s22+$0x0], $0xffff;
	v3 =	vunpack.i.u.bf16.f32 v3;
	v10 =	vunpack.i.l.bf16.f32 v4;
	v4 =	vunpack.i.u.bf16.f32 v4  }
0x4f: {  	v7 =	vld.idx.msk [tilespmem:v7+s23+$0x0], $0xffff;
	v12 =	vunpack.i.u.bf16.f32 v5;
	v5 =	vunpack.i.l.bf16.f32 v5;
	v14 =	vunpack.i.l.bf16.f32 v0  }
0x50: {  	v45 =	vld.idx.msk [tilespmem:v33+s17+$0x0], $0xffff;
	v0 =	vunpack.i.u.bf16.f32 v0;
	v16 =	vunpack.i.l.bf16.f32 v9;
	v9 =	vunpack.i.u.bf16.f32 v9  }
0x51: {  	v48 =	vld.idx.msk [tilespmem:v33+s20+$0x0], $0xffff;
	v34 =	vunpack.i.u.bf16.f32 v11;
	v11 =	vunpack.i.l.bf16.f32 v11;
	v35 =	vunpack.i.l.bf16.f32 v13  }
0x52: {  	v50 =	vld.idx.msk [tilespmem:v33+s21+$0x0], $0xffff;
	v13 =	vunpack.i.u.bf16.f32 v13;
	v37 =	vunpack.i.l.bf16.f32 v15;
	v38 =	vunpack.i.u.bf16.f32 v15  }
0x53: {  	v40 =	vunpack.i.u.bf16.f32 v1;
	v1 =	vunpack.i.l.bf16.f32 v1;
	v41 =	vunpack.i.l.bf16.f32 v17  }
0x54: {  	v52 =	vld.idx.msk [tilespmem:v33+s22+$0x0], $0xffff;
	v43 =	vunpack.i.u.bf16.f32 v17;
	v44 =	vunpack.i.l.bf16.f32 v36;
	v46 =	vunpack.i.u.bf16.f32 v18  }
0x55: {  	v47 =	vunpack.i.l.bf16.f32 v18;
	v49 =	vunpack.i.l.bf16.f32 v39;
	v51 =	vunpack.i.l.bf16.f32 v7  }
0x56: {  	v53 =	vld.idx.msk [tilespmem:v33+s23+$0x0], $0xffff;
	v7 =	vunpack.i.u.bf16.f32 v7;
	v54 =	vunpack.i.u.bf16.f32 v45;
	v55 =	vunpack.i.l.bf16.f32 v45  }
0x57: {  	v58 =	vld.idx.msk [tilespmem:v42+s17+$0x0], $0xffff;
	v57 =	vunpack.i.l.bf16.f32 v48;
	v59 =	vunpack.i.u.bf16.f32 v48;
	v60 =	vunpack.i.l.bf16.f32 v50  }
0x58: {  	v56 =	vld [tilespmem:s6+$0x280];
	v15 =	vunpack.i.u.bf16.f32 v50;
	v2 =	vadd.f32 $0.0e+00, v2;
	v6 =	vadd.f32 $0.0e+00, v6  }
0x59: {  	v61 =	vld.idx.msk [tilespmem:v42+s20+$0x0], $0xffff;
	v62 =	vunpack.i.u.bf16.f32 v52;
	v8 =	vadd.f32 $0.0e+00, v8;
	v3 =	vadd.f32 $0.0e+00, v3  }
0x5a: {  	v20 =	vld.idx.msk [tilespmem:v42+s21+$0x0], $0xffff;
	v63 =	vunpack.i.l.bf16.f32 v52;
	v10 =	vadd.f32 $0.0e+00, v10;
	v4 =	vadd.f32 $0.0e+00, v4  }
0x5b: {  	v21 =	vunpack.i.l.bf16.f32 v53;
	v5 =	vadd.f32 $0.0e+00, v5;
	v12 =	vadd.f32 $0.0e+00, v12  }
0x5c: {  	v22 =	vld.idx.msk [tilespmem:v42+s22+$0x0], $0xffff;
	v23 =	vunpack.i.l.bf16.f32 v58;
	v14 =	vadd.f32 $0.0e+00, v14;
	v0 =	vadd.f32 $0.0e+00, v0  }
0x5d: {  	v24 =	vunpack.i.u.bf16.f32 v58;
	v2 =	vadd.f32 v16, v2;
	v6 =	vadd.f32 v9, v6  }
0x5e: {  	v26 =	vunpack.i.u.bf16.f32 v61;
	v8 =	vadd.f32 v11, v8;
	v3 =	vadd.f32 v34, v3  }
0x5f: {  	s8 =	sand.u32 $0x3, s26;
	v28 =	vunpack.i.l.bf16.f32 v20;
	v9 =	vadd.f32 v35, v10;
	v4 =	vadd.f32 v13, v4  }
0x60: {  	s5 =	sshll.u32 s8, $0x5;
	v27 =	vld.idx.msk [tilespmem:v56+s17+$0x0], $0xffff;
	v17 =	vunpack.i.u.bf16.f32 v20;
	v5 =	vadd.f32 v37, v5;
	v12 =	vadd.f32 v38, v12  }
0x61: {  	s5 =	sadd.s32 s5, s13;
	v29 =	vld.idx.msk [tilespmem:v56+s20+$0x0], $0xffff;
	v30 =	vunpack.i.l.bf16.f32 v22;
	v1 =	vadd.f32 v1, v14;
	v0 =	vadd.f32 v40, v0  }
0x62: {  	s8 =	sor.u32 $0x300, s5;
	v31 =	vld.idx.msk [tilespmem:v56+s21+$0x0], $0xffff;
	v11 =	vunpack.i.u.bf16.f32 v36;
	v2 =	vadd.f32 v41, v2;
	v6 =	vadd.f32 v43, v6  }
0x63: {  	v25 =	vld [tilespmem:s8+$0x0];
	v10 =	vunpack.i.u.bf16.f32 v39;
	v8 =	vadd.f32 v44, v8;
	v3 =	vadd.f32 v11, v3  }
0x64: {  	v16 =	vunpack.i.u.bf16.f32 v22;
	v9 =	vadd.f32 v47, v9;
	v4 =	vadd.f32 v46, v4  }
0x65: {  	v32 =	vld.idx.msk [tilespmem:v56+s22+$0x0], $0xffff;
	v34 =	vunpack.i.l.bf16.f32 v27;
	v5 =	vadd.f32 v49, v5;
	v10 =	vadd.f32 v10, v12  }
0x66: {  	v36 =	vunpack.i.l.bf16.f32 v29;
	v1 =	vadd.f32 v51, v1;
	v0 =	vadd.f32 v7, v0  }
0x67: {  	v14 =	vld.idx.msk [tilespmem:v42+s23+$0x0], $0xffff;
	v38 =	vunpack.i.u.bf16.f32 v31;
	v2 =	vadd.f32 v55, v2;
	v6 =	vadd.f32 v54, v6  }
0x68: {  	v39 =	vunpack.i.l.bf16.f32 v31;
	v7 =	vadd.f32 v57, v8;
	v3 =	vadd.f32 v59, v3  }
0x69: {  	v13 =	vld.idx.msk [tilespmem:v56+s23+$0x0], $0xffff;
	v11 =	vunpack.i.u.bf16.f32 v53;
	v8 =	vadd.f32 v60, v9;
	v4 =	vadd.f32 v15, v4  }
0x6a: {  	v41 =	vunpack.i.l.bf16.f32 v32;
	v5 =	vadd.f32 v63, v5;
	v10 =	vadd.f32 v62, v10  }
0x6b: {  	v37 =	vld.idx.msk [tilespmem:v25+s17+$0x0], $0xffff;
	v1 =	vadd.f32 v21, v1;
	v0 =	vadd.f32 v11, v0;
	v9 =	vunpack.i.l.bf16.f32 v61  }
0x6c: {  	s1 =	sor.u32 s14, s1;
	v15 =	vunpack.i.u.bf16.f32 v27;
	v11 =	vunpack.i.u.bf16.f32 v29;
	v33 =	vunpack.i.u.bf16.f32 v14  }
0x6d: {  	s10 =	sor.u32 $0x380, s1;
	v40 =	vld.idx.msk [tilespmem:v25+s20+$0x0], $0xffff;
	v14 =	vunpack.i.l.bf16.f32 v14;
	v2 =	vadd.f32 v23, v2;
	v6 =	vadd.f32 v24, v6  }
0x6e: {  	v35 =	vld [tilespmem:s10+$0x0];
	v43 =	vunpack.i.l.bf16.f32 v13;
	v7 =	vadd.f32 v9, v7;
	v3 =	vadd.f32 v26, v3  }
0x6f: {  	v45 =	vunpack.i.u.bf16.f32 v13;
	v8 =	vadd.f32 v28, v8;
	v4 =	vadd.f32 v17, v4  }
0x70: {  	v42 =	vld.idx.msk [tilespmem:v25+s21+$0x0], $0xffff;
	v47 =	vunpack.i.u.bf16.f32 v37;
	v5 =	vadd.f32 v30, v5;
	v10 =	vadd.f32 v16, v10  }
0x71: {  	v48 =	vunpack.i.l.bf16.f32 v37;
	v1 =	vadd.f32 v14, v1;
	v0 =	vadd.f32 v33, v0  }
0x72: {  	v44 =	vld.idx.msk [tilespmem:v25+s22+$0x0], $0xffff;
	v50 =	vunpack.i.l.bf16.f32 v40;
	v2 =	vadd.f32 v34, v2;
	v6 =	vadd.f32 v15, v6  }
0x73: {  	v52 =	vunpack.i.u.bf16.f32 v40;
	v7 =	vadd.f32 v36, v7;
	v3 =	vadd.f32 v11, v3  }
0x74: {  	v46 =	vld.idx.msk [tilespmem:v25+s23+$0x0], $0xffff;
	v9 =	vunpack.i.u.bf16.f32 v32;
	v8 =	vadd.f32 v39, v8;
	v4 =	vadd.f32 v38, v4  }
0x75: {  	v49 =	vld [tilespmem:s6+$0x1000];
	v53 =	vunpack.i.l.bf16.f32 v42;
	v5 =	vadd.f32 v41, v5;
	v9 =	vadd.f32 v9, v10  }
0x76: {  	v54 =	vunpack.i.u.bf16.f32 v42;
	v1 =	vadd.f32 v43, v1;
	v0 =	vadd.f32 v45, v0;
	v51 =	vld.idx.msk [tilespmem:v35+s17+$0x0], $0xffff  }
0x77: {  	v56 =	vunpack.i.u.bf16.f32 v44;
	v55 =	vld.idx.msk [tilespmem:v35+s20+$0x0], $0xffff;
	v2 =	vadd.f32 v48, v2;
	v6 =	vadd.f32 v47, v6  }
0x78: {  	v57 =	vunpack.i.l.bf16.f32 v44;
	v58 =	vld.idx.msk [tilespmem:v35+s21+$0x0], $0xffff;
	v7 =	vadd.f32 v50, v7;
	v3 =	vadd.f32 v52, v3  }
0x79: {  	v59 =	vunpack.i.l.bf16.f32 v46;
	v60 =	vld.idx.msk [tilespmem:v35+s22+$0x0], $0xffff;
	v8 =	vadd.f32 v53, v8;
	v4 =	vadd.f32 v54, v4  }
0x7a: {  	v63 =	vld [tilespmem:s6+$0x1080];
	v11 =	vunpack.i.u.bf16.f32 v46;
	v5 =	vadd.f32 v57, v5;
	v9 =	vadd.f32 v56, v9  }
0x7b: {  	v16 =	vld.idx.msk [tilespmem:v35+s23+$0x0], $0xffff;
	v1 =	vadd.f32 v59, v1;
	v0 =	vadd.f32 v11, v0  }
0x7c: {  	v29 =	vld [tilespmem:s6+$0x1100];
	v61 =	vunpack.i.l.bf16.f32 v51;
	v62 =	vunpack.i.u.bf16.f32 v51;
	v20 =	vunpack.i.u.bf16.f32 v55  }
0x7d: {  	v21 =	vld.idx.msk [tilespmem:v49+s17+$0x0], $0xffff;
	v10 =	vunpack.i.l.bf16.f32 v55;
	v22 =	vunpack.i.l.bf16.f32 v58;
	v17 =	vunpack.i.u.bf16.f32 v58  }
0x7e: {  	v23 =	vld.idx.msk [tilespmem:v49+s20+$0x0], $0xffff;
	v24 =	vunpack.i.l.bf16.f32 v60;
	v2 =	vadd.f32 v61, v2;
	v6 =	vadd.f32 v62, v6  }
0x7f: {  	v25 =	vld.idx.msk [tilespmem:v49+s21+$0x0], $0xffff;
	v15 =	vunpack.i.u.bf16.f32 v60;
	v7 =	vadd.f32 v10, v7;
	v3 =	vadd.f32 v20, v3  }
0x80: {  	v26 =	vld.idx.msk [tilespmem:v49+s22+$0x0], $0xffff;
	v27 =	vunpack.i.u.bf16.f32 v16;
	v8 =	vadd.f32 v22, v8;
	v4 =	vadd.f32 v17, v4  }
0x81: {  	v13 =	vld.idx.msk [tilespmem:v49+s23+$0x0], $0xffff;
	v16 =	vunpack.i.l.bf16.f32 v16;
	v5 =	vadd.f32 v24, v5;
	v9 =	vadd.f32 v15, v9  }
0x82: {  	v31 =	vld.idx.msk [tilespmem:v63+s17+$0x0], $0xffff;
	v1 =	vadd.f32 v16, v1;
	v0 =	vadd.f32 v27, v0;
	v28 =	vunpack.i.l.bf16.f32 v21  }
0x83: {  	v34 =	vld.idx.msk [tilespmem:v63+s20+$0x0], $0xffff;
	v14 =	vunpack.i.u.bf16.f32 v21;
	v30 =	vunpack.i.l.bf16.f32 v23;
	v11 =	vunpack.i.u.bf16.f32 v23  }
0x84: {  	v36 =	vld.idx.msk [tilespmem:v63+s21+$0x0], $0xffff;
	v32 =	vunpack.i.u.bf16.f32 v25;
	v33 =	vunpack.i.l.bf16.f32 v25;
	v2 =	vadd.f32 v28, v2  }
0x85: {  	v38 =	vld.idx.msk [tilespmem:v63+s22+$0x0], $0xffff;
	v35 =	vunpack.i.l.bf16.f32 v26;
	v6 =	vadd.f32 v14, v6;
	v7 =	vadd.f32 v30, v7  }
0x86: {  	v40 =	vld.idx.msk [tilespmem:v63+s23+$0x0], $0xffff;
	v10 =	vunpack.i.u.bf16.f32 v26;
	v3 =	vadd.f32 v11, v3;
	v8 =	vadd.f32 v33, v8  }
0x87: {  	s11 =	sor.u32 $0x1180, s9;
	v45 =	vld.idx.msk [tilespmem:v29+s17+$0x0], $0xffff;
	v37 =	vunpack.i.l.bf16.f32 v13;
	v4 =	vadd.f32 v32, v4;
	v5 =	vadd.f32 v35, v5  }
0x88: {  	v43 =	vld [tilespmem:s11+$0x0];
	v39 =	vunpack.i.u.bf16.f32 v13;
	v9 =	vadd.f32 v10, v9;
	v1 =	vadd.f32 v37, v1  }
0x89: {  	v49 =	vld.idx.msk [tilespmem:v29+s20+$0x0], $0xffff;
	v0 =	vadd.f32 v39, v0;
	v41 =	vunpack.i.u.bf16.f32 v31;
	v42 =	vunpack.i.l.bf16.f32 v31  }
0x8a: {  	v44 =	vunpack.i.l.bf16.f32 v34;
	v46 =	vunpack.i.u.bf16.f32 v34;
	v47 =	vunpack.i.l.bf16.f32 v36  }
0x8b: {  	v52 =	vld.idx.msk [tilespmem:v29+s21+$0x0], $0xffff;
	v48 =	vunpack.i.u.bf16.f32 v36;
	v50 =	vunpack.i.u.bf16.f32 v38;
	v51 =	vunpack.i.l.bf16.f32 v38  }
0x8c: {  	v53 =	vunpack.i.l.bf16.f32 v40;
	v11 =	vunpack.i.u.bf16.f32 v40;
	v55 =	vunpack.i.l.bf16.f32 v45  }
0x8d: {  	v54 =	vld.idx.msk [tilespmem:v29+s22+$0x0], $0xffff;
	v56 =	vunpack.i.u.bf16.f32 v45;
	v2 =	vadd.f32 v42, v2;
	v6 =	vadd.f32 v41, v6  }
0x8e: {  	v58 =	vunpack.i.u.bf16.f32 v49;
	v7 =	vadd.f32 v44, v7;
	v3 =	vadd.f32 v46, v3  }
0x8f: {  	v16 =	vld.idx.msk [tilespmem:v29+s23+$0x0], $0xffff;
	v10 =	vunpack.i.l.bf16.f32 v49;
	v8 =	vadd.f32 v47, v8;
	v4 =	vadd.f32 v48, v4  }
0x90: {  	v57 =	vld [tilespmem:s6+$0x1200];
	v60 =	vunpack.i.l.bf16.f32 v52;
	v5 =	vadd.f32 v51, v5;
	v9 =	vadd.f32 v50, v9  }
0x91: {  	v59 =	vld.idx.msk [tilespmem:v43+s17+$0x0], $0xffff;
	v17 =	vunpack.i.u.bf16.f32 v52;
	v1 =	vadd.f32 v53, v1;
	v0 =	vadd.f32 v11, v0  }
0x92: {  	v61 =	vld.idx.msk [tilespmem:v43+s20+$0x0], $0xffff;
	v62 =	vunpack.i.l.bf16.f32 v54;
	v2 =	vadd.f32 v55, v2;
	v6 =	vadd.f32 v56, v6  }
0x93: {  	v63 =	vld.idx.msk [tilespmem:v43+s21+$0x0], $0xffff;
	v15 =	vunpack.i.u.bf16.f32 v54;
	v7 =	vadd.f32 v10, v7;
	v3 =	vadd.f32 v58, v3  }
0x94: {  	v20 =	vld.idx.msk [tilespmem:v43+s22+$0x0], $0xffff;
	v21 =	vunpack.i.u.bf16.f32 v16;
	v8 =	vadd.f32 v60, v8;
	v4 =	vadd.f32 v17, v4  }
0x95: {  	v16 =	vunpack.i.l.bf16.f32 v16;
	v5 =	vadd.f32 v62, v5;
	v9 =	vadd.f32 v15, v9  }
0x96: {  	v13 =	vld.idx.msk [tilespmem:v43+s23+$0x0], $0xffff;
	v1 =	vadd.f32 v16, v1;
	v0 =	vadd.f32 v21, v0  }
0x97: {  	v23 =	vld [tilespmem:s6+$0x1280];
	v22 =	vunpack.i.l.bf16.f32 v59;
	v14 =	vunpack.i.u.bf16.f32 v59;
	v24 =	vunpack.i.l.bf16.f32 v61  }
0x98: {  	v25 =	vld.idx.msk [tilespmem:v57+s17+$0x0], $0xffff;
	v11 =	vunpack.i.u.bf16.f32 v61;
	v26 =	vunpack.i.u.bf16.f32 v63;
	v27 =	vunpack.i.l.bf16.f32 v63  }
0x99: {  	v28 =	vld.idx.msk [tilespmem:v57+s20+$0x0], $0xffff;
	v29 =	vunpack.i.l.bf16.f32 v20;
	v2 =	vadd.f32 v22, v2;
	v6 =	vadd.f32 v14, v6  }
0x9a: {  	v30 =	vld.idx.msk [tilespmem:v57+s21+$0x0], $0xffff;
	v10 =	vunpack.i.u.bf16.f32 v20;
	v7 =	vadd.f32 v24, v7;
	v3 =	vadd.f32 v11, v3  }
0x9b: {  	v32 =	vld.idx.msk [tilespmem:v57+s22+$0x0], $0xffff;
	v31 =	vunpack.i.l.bf16.f32 v13;
	v8 =	vadd.f32 v27, v8;
	v4 =	vadd.f32 v26, v4  }
0x9c: {  	v33 =	vunpack.i.u.bf16.f32 v13;
	v5 =	vadd.f32 v29, v5;
	v9 =	vadd.f32 v10, v9  }
0x9d: {  	s12 =	sor.u32 $0x1300, s5;
	v34 =	vld.idx.msk [tilespmem:v57+s23+$0x0], $0xffff;
	v1 =	vadd.f32 v31, v1;
	v0 =	vadd.f32 v33, v0  }
0x9e: {  	v37 =	vld [tilespmem:s12+$0x0];
	v35 =	vunpack.i.u.bf16.f32 v25;
	v36 =	vunpack.i.l.bf16.f32 v25;
	v38 =	vunpack.i.l.bf16.f32 v28  }
0x9f: {  	v39 =	vld.idx.msk [tilespmem:v23+s17+$0x0], $0xffff;
	v40 =	vunpack.i.u.bf16.f32 v28;
	v41 =	vunpack.i.l.bf16.f32 v30;
	v42 =	vunpack.i.u.bf16.f32 v30  }
0xa0: {  	v43 =	vld.idx.msk [tilespmem:v23+s20+$0x0], $0xffff;
	v44 =	vunpack.i.u.bf16.f32 v32;
	v2 =	vadd.f32 v36, v2;
	v6 =	vadd.f32 v35, v6  }
0xa1: {  	v45 =	vunpack.i.l.bf16.f32 v32;
	v46 =	vld.idx.msk [tilespmem:v23+s21+$0x0], $0xffff;
	v7 =	vadd.f32 v38, v7;
	v3 =	vadd.f32 v40, v3  }
0xa2: {  	v47 =	vunpack.i.l.bf16.f32 v34;
	v48 =	vld.idx.msk [tilespmem:v23+s22+$0x0], $0xffff;
	v8 =	vadd.f32 v41, v8;
	v4 =	vadd.f32 v42, v4  }
0xa3: {  	v11 =	vunpack.i.u.bf16.f32 v34;
	v5 =	vadd.f32 v45, v5;
	v9 =	vadd.f32 v44, v9  }
0xa4: {  	s1 =	sor.u32 $0x1380, s1;
	v16 =	vld.idx.msk [tilespmem:v23+s23+$0x0], $0xffff;
	v1 =	vadd.f32 v47, v1;
	v0 =	vadd.f32 v11, v0  }
0xa5: {  	v51 =	vld [tilespmem:s1+$0x0];
	v49 =	vunpack.i.l.bf16.f32 v39;
	v50 =	vunpack.i.u.bf16.f32 v39;
	v52 =	vunpack.i.u.bf16.f32 v43  }
0xa6: {  	v53 =	vld.idx.msk [tilespmem:v37+s17+$0x0], $0xffff;
	v10 =	vunpack.i.l.bf16.f32 v43;
	v54 =	vunpack.i.l.bf16.f32 v46;
	v17 =	vunpack.i.u.bf16.f32 v46  }
0xa7: {  	v55 =	vld.idx.msk [tilespmem:v37+s20+$0x0], $0xffff;
	v56 =	vunpack.i.l.bf16.f32 v48;
	v2 =	vadd.f32 v49, v2;
	v6 =	vadd.f32 v50, v6  }
0xa8: {  	v57 =	vld.idx.msk [tilespmem:v37+s21+$0x0], $0xffff;
	v15 =	vunpack.i.u.bf16.f32 v48;
	v7 =	vadd.f32 v10, v7;
	v3 =	vadd.f32 v52, v3  }
0xa9: {  	v58 =	vld.idx.msk [tilespmem:v37+s22+$0x0], $0xffff;
	v59 =	vunpack.i.u.bf16.f32 v16;
	v8 =	vadd.f32 v54, v8;
	v4 =	vadd.f32 v17, v4  }
0xaa: {  	v16 =	vunpack.i.l.bf16.f32 v16;
	v5 =	vadd.f32 v56, v5;
	v9 =	vadd.f32 v15, v9  }
0xab: {  	v13 =	vld.idx.msk [tilespmem:v37+s23+$0x0], $0xffff;
	v1 =	vadd.f32 v16, v1;
	v0 =	vadd.f32 v59, v0  }
0xac: {  	v61 =	vld [tilespmem:s6+$0x2000];
	v60 =	vunpack.i.l.bf16.f32 v53;
	v14 =	vunpack.i.u.bf16.f32 v53;
	v62 =	vunpack.i.l.bf16.f32 v55  }
0xad: {  	v63 =	vld.idx.msk [tilespmem:v51+s17+$0x0], $0xffff;
	v11 =	vunpack.i.u.bf16.f32 v55;
	v21 =	vunpack.i.u.bf16.f32 v57;
	v22 =	vunpack.i.l.bf16.f32 v57  }
0xae: {  	v23 =	vld.idx.msk [tilespmem:v51+s20+$0x0], $0xffff;
	v24 =	vunpack.i.l.bf16.f32 v58;
	v2 =	vadd.f32 v60, v2;
	v6 =	vadd.f32 v14, v6  }
0xaf: {  	v25 =	vld.idx.msk [tilespmem:v51+s21+$0x0], $0xffff;
	v10 =	vunpack.i.u.bf16.f32 v58;
	v7 =	vadd.f32 v62, v7;
	v3 =	vadd.f32 v11, v3  }
0xb0: {  	v27 =	vld.idx.msk [tilespmem:v51+s22+$0x0], $0xffff;
	v26 =	vunpack.i.l.bf16.f32 v13;
	v8 =	vadd.f32 v22, v8;
	v4 =	vadd.f32 v21, v4  }
0xb1: {  	v28 =	vunpack.i.u.bf16.f32 v13;
	v5 =	vadd.f32 v24, v5;
	v9 =	vadd.f32 v10, v9  }
0xb2: {  	v29 =	vld.idx.msk [tilespmem:v51+s23+$0x0], $0xffff;
	v1 =	vadd.f32 v26, v1;
	v0 =	vadd.f32 v28, v0  }
0xb3: {  	v32 =	vld [tilespmem:s6+$0x2080];
	v30 =	vunpack.i.u.bf16.f32 v63;
	v31 =	vunpack.i.l.bf16.f32 v63;
	v33 =	vunpack.i.l.bf16.f32 v23  }
0xb4: {  	v34 =	vld.idx.msk [tilespmem:v61+s17+$0x0], $0xffff;
	v35 =	vunpack.i.u.bf16.f32 v23;
	v36 =	vunpack.i.l.bf16.f32 v25;
	v37 =	vunpack.i.u.bf16.f32 v25  }
0xb5: {  	v38 =	vld.idx.msk [tilespmem:v61+s20+$0x0], $0xffff;
	v39 =	vunpack.i.u.bf16.f32 v27;
	v2 =	vadd.f32 v31, v2;
	v6 =	vadd.f32 v30, v6  }
0xb6: {  	v41 =	vld.idx.msk [tilespmem:v61+s21+$0x0], $0xffff;
	v40 =	vunpack.i.l.bf16.f32 v27;
	v7 =	vadd.f32 v33, v7;
	v3 =	vadd.f32 v35, v3  }
0xb7: {  	v43 =	vld.idx.msk [tilespmem:v61+s22+$0x0], $0xffff;
	v42 =	vunpack.i.l.bf16.f32 v29;
	v8 =	vadd.f32 v36, v8;
	v4 =	vadd.f32 v37, v4  }
0xb8: {  	v46 =	vld [tilespmem:s6+$0x2100];
	v11 =	vunpack.i.u.bf16.f32 v29;
	v5 =	vadd.f32 v40, v5;
	v9 =	vadd.f32 v39, v9  }
0xb9: {  	v16 =	vld.idx.msk [tilespmem:v61+s23+$0x0], $0xffff;
	v1 =	vadd.f32 v42, v1;
	v0 =	vadd.f32 v11, v0  }
0xba: {  	v44 =	vunpack.i.l.bf16.f32 v34;
	v45 =	vunpack.i.u.bf16.f32 v34;
	v47 =	vunpack.i.u.bf16.f32 v38  }
0xbb: {  	v48 =	vld.idx.msk [tilespmem:v32+s17+$0x0], $0xffff;
	v10 =	vunpack.i.l.bf16.f32 v38;
	v49 =	vunpack.i.l.bf16.f32 v41;
	v17 =	vunpack.i.u.bf16.f32 v41  }
0xbc: {  	v50 =	vld.idx.msk [tilespmem:v32+s20+$0x0], $0xffff;
	v51 =	vunpack.i.l.bf16.f32 v43;
	v2 =	vadd.f32 v44, v2;
	v6 =	vadd.f32 v45, v6  }
0xbd: {  	v52 =	vld.idx.msk [tilespmem:v32+s21+$0x0], $0xffff;
	v15 =	vunpack.i.u.bf16.f32 v43;
	v7 =	vadd.f32 v10, v7;
	v3 =	vadd.f32 v47, v3  }
0xbe: {  	s9 =	sor.u32 $0x2180, s9;
	v53 =	vld.idx.msk [tilespmem:v32+s22+$0x0], $0xffff;
	v54 =	vunpack.i.u.bf16.f32 v16;
	v8 =	vadd.f32 v49, v8;
	v4 =	vadd.f32 v17, v4  }
0xbf: {  	v56 =	vld [tilespmem:s9+$0x0];
	v16 =	vunpack.i.l.bf16.f32 v16;
	v5 =	vadd.f32 v51, v5;
	v9 =	vadd.f32 v15, v9  }
0xc0: {  	v13 =	vld.idx.msk [tilespmem:v32+s23+$0x0], $0xffff;
	v1 =	vadd.f32 v16, v1;
	v0 =	vadd.f32 v54, v0  }
0xc1: {  	v55 =	vunpack.i.l.bf16.f32 v48;
	v14 =	vunpack.i.u.bf16.f32 v48;
	v57 =	vunpack.i.l.bf16.f32 v50;
	v58 =	vld.idx.msk [tilespmem:v46+s17+$0x0], $0xffff  }
0xc2: {  	v11 =	vunpack.i.u.bf16.f32 v50;
	v59 =	vunpack.i.u.bf16.f32 v52;
	v60 =	vunpack.i.l.bf16.f32 v52;
	v61 =	vld.idx.msk [tilespmem:v46+s20+$0x0], $0xffff  }
0xc3: {  	v62 =	vunpack.i.l.bf16.f32 v53;
	v63 =	vld.idx.msk [tilespmem:v46+s21+$0x0], $0xffff;
	v2 =	vadd.f32 v55, v2;
	v6 =	vadd.f32 v14, v6  }
0xc4: {  	v10 =	vunpack.i.u.bf16.f32 v53;
	v20 =	vld.idx.msk [tilespmem:v46+s22+$0x0], $0xffff;
	v7 =	vadd.f32 v57, v7;
	v3 =	vadd.f32 v11, v3  }
0xc5: {  	v18 =	vunpack.i.l.bf16.f32 v13;
	v8 =	vadd.f32 v60, v8;
	v4 =	vadd.f32 v59, v4  }
0xc6: {  	v19 =	vunpack.i.u.bf16.f32 v13;
	v12 =	vld.idx.msk [tilespmem:v46+s23+$0x0], $0xffff;
	v5 =	vadd.f32 v62, v5;
	v9 =	vadd.f32 v10, v9  }
0xc7: {  	v1 =	vadd.f32 v18, v1;
	v0 =	vadd.f32 v19, v0;
	v21 =	vunpack.i.u.bf16.f32 v58  }
0xc8: {  	v24 =	vld.idx.msk [tilespmem:v56+s17+$0x0], $0xffff;
	v22 =	vunpack.i.l.bf16.f32 v58;
	v23 =	vunpack.i.l.bf16.f32 v61;
	v25 =	vunpack.i.u.bf16.f32 v61  }
0xc9: {  	v26 =	vunpack.i.l.bf16.f32 v63;
	v27 =	vunpack.i.u.bf16.f32 v63;
	v29 =	vunpack.i.u.bf16.f32 v20  }
0xca: {  	v28 =	vld.idx.msk [tilespmem:v56+s20+$0x0], $0xffff;
	v11 =	vunpack.i.l.bf16.f32 v20;
	v2 =	vadd.f32 v22, v2;
	v6 =	vadd.f32 v21, v6  }
0xcb: {  	v31 =	vunpack.i.u.bf16.f32 v12;
	v7 =	vadd.f32 v23, v7;
	v3 =	vadd.f32 v25, v3  }
0xcc: {  	v30 =	vld.idx.msk [tilespmem:v56+s21+$0x0], $0xffff;
	v12 =	vunpack.i.l.bf16.f32 v12;
	v8 =	vadd.f32 v26, v8;
	v4 =	vadd.f32 v27, v4  }
0xcd: {  	v5 =	vadd.f32 v11, v5;
	v9 =	vadd.f32 v29, v9;
	v32 =	vunpack.i.l.bf16.f32 v24  }
0xce: {  	v34 =	vld.idx.msk [tilespmem:v56+s22+$0x0], $0xffff;
	v1 =	vadd.f32 v12, v1;
	v33 =	vunpack.i.u.bf16.f32 v24;
	v2 =	vadd.f32 v32, v2  }
0xcf: {  	v0 =	vadd.f32 v31, v0;
	v35 =	vunpack.i.l.bf16.f32 v28;
	v6 =	vadd.f32 v33, v6  }
0xd0: {  	v36 =	vld.idx.msk [tilespmem:v56+s23+$0x0], $0xffff;
	v10 =	vunpack.i.u.bf16.f32 v28;
	v7 =	vadd.f32 v35, v7;
	v2 =	vmul.f32 $5.000000070e-02, v2  }
0xd1: {  	v37 =	vunpack.i.l.bf16.f32 v30;
	v3 =	vadd.f32 v10, v3;
	v6 =	vmul.f32 $5.000000070e-02, v6  }
0xd2: {  	v11 =	vunpack.i.u.bf16.f32 v30;
	v8 =	vadd.f32 v37, v8;
	v38 =	vmul.f32 $5.000000070e-02, v7;
	[tilespmem:s6+$0x4C00] =	vst v2  }
0xd3: {  	v39 =	vunpack.i.l.bf16.f32 v34;
	v4 =	vadd.f32 v11, v4;
	v3 =	vmul.f32 $5.000000070e-02, v3;
	[tilespmem:s6+$0x4C80] =	vst v6  }
0xd4: {  	v40 =	vunpack.i.u.bf16.f32 v34;
	v5 =	vadd.f32 v39, v5;
	v41 =	vmul.f32 $5.000000070e-02, v8;
	[tilespmem:s6+$0x4D00] =	vst v38  }
0xd5: {  	v42 =	vunpack.i.l.bf16.f32 v36;
	v43 =	vmul.f32 $5.000000070e-02, v4;
	v6 =	vadd.f32 v40, v9;
	[tilespmem:s7+$0x4C00] =	vst v3  }
0xd6: {  	v44 =	vunpack.i.u.bf16.f32 v36;
	v1 =	vadd.f32 v42, v1;
	v45 =	vmul.f32 $5.000000070e-02, v5;
	[tilespmem:s6+$0x4E00] =	vst v41  }
0xd7: {  	v0 =	vadd.f32 v44, v0;
	[tilespmem:s6+$0x4E80] =	vst v43;
	v46 =	vmul.f32 $5.000000070e-02, v6  }
0xd8: {  	v1 =	vmul.f32 $5.000000070e-02, v1;
	[tilespmem:s8+$0x4C00] =	vst v45  }
0xd9: {  	v0 =	vmul.f32 $5.000000070e-02, v0;
	[tilespmem:s10+$0x4C00] =	vst v46  }
0xda: {  	[tilespmem:s6+$0x5C00] =	vst v1  }
0xdb: {  	[tilespmem:s6+$0x5C80] =	vst v0  }
0xdc: {  	v0 =	vld [tilespmem:s29+$0x0];
	_ =	sdelay $0x6  }
0xdd: {  	v1 =	vld [tilespmem:s30+$0x0]  }
0xde: {  	v2 =	vld.idx.msk [tilespmem:v0+s18+$0x0], $0xffff;
	_ =	sdelay $0x4  }
0xdf: {  	v47 =	vunpack.i.l.bf16.f32 v2  }
0xe0: {  	v2 =	vunpack.i.u.bf16.f32 v2;
	[tilespmem:s6+$0x5D00] =	vst v47  }
0xe1: {  	[tilespmem:s11+$0x4C00] =	vst v2  }
0xe2: {  	v2 =	vld.idx.msk [tilespmem:v1+s18+$0x0], $0xffff;
	_ =	sdelay $0x4  }
0xe3: {  	v48 =	vunpack.i.l.bf16.f32 v2  }
0xe4: {  	v2 =	vunpack.i.u.bf16.f32 v2;
	[tilespmem:s12+$0x4C00] =	vst v48  }
0xe5: {  	[tilespmem:s1+$0x4C00] =	vst v2  }
0xe6: {  	v0 =	vld.idx.msk [tilespmem:v0+s24+$0x0], $0xffff;
	_ =	sdelay $0x4  }
0xe7: {  	v49 =	vunpack.i.l.bf16.f32 v0  }
0xe8: {  	v0 =	vunpack.i.u.bf16.f32 v0;
	[tilespmem:s6+$0x5E00] =	vst v49  }
0xe9: {  	v50 =	vld [tilespmem:s6+$0x3000];
	[tilespmem:s6+$0x5E80] =	vst v0  }
0xea: {  	v0 =	vld.idx.msk [tilespmem:v1+s24+$0x0], $0xffff;
	_ =	sdelay $0x2  }
0xeb: {  	v51 =	vld [tilespmem:s6+$0x3080];
	_ =	sdelay $0x1  }
0xec: {  	v53 =	vld [tilespmem:s6+$0x3100];
	v52 =	vunpack.i.l.bf16.f32 v0  }
0xed: {  	v56 =	vld [tilespmem:s6+$0x3200];
	v0 =	vunpack.i.u.bf16.f32 v0;
	[tilespmem:s6+$0x6C00] =	vst v52  }
0xee: {  	v59 =	vld [tilespmem:s6+$0x3280];
	[tilespmem:s6+$0x6C80] =	vst v0  }
0xef: {  	v0 =	vld.idx.msk [tilespmem:v50+s19+$0x0], $0xffff  }
0xf0: {  	v54 =	vld [tilespmem:s7+$0x3000]  }
0xf1: {  	v1 =	vld.idx.msk [tilespmem:v50+s25+$0x0], $0xffff  }
0xf2: {  	v55 =	vld.idx.msk [tilespmem:v51+s19+$0x0], $0xffff  }
0xf3: {  	v2 =	vld.idx.msk [tilespmem:v51+s25+$0x0], $0xffff  }
0xf4: {  	v57 =	vld.idx.msk [tilespmem:v53+s19+$0x0], $0xffff  }
0xf5: {  	v3 =	vld.idx.msk [tilespmem:v53+s25+$0x0], $0xffff  }
0xf6: {  	v18 =	vld.idx.msk [tilespmem:v56+s19+$0x0], $0xffff  }
0xf7: {  	v58 =	vunpack.i.l.bf16.f32 v0;
	v0 =	vunpack.i.u.bf16.f32 v0  }
0xf8: {  	v6 =	vld.idx.msk [tilespmem:v56+s25+$0x0], $0xffff;
	v60 =	vunpack.i.u.bf16.f32 v1;
	v1 =	vunpack.i.l.bf16.f32 v1;
	v62 =	vunpack.i.l.bf16.f32 v55  }
0xf9: {  	v63 =	vld [tilespmem:s8+$0x3000];
	v5 =	vunpack.i.u.bf16.f32 v55;
	v16 =	vunpack.i.l.bf16.f32 v2;
	v2 =	vunpack.i.u.bf16.f32 v2  }
0xfa: {  	v22 =	vld.idx.msk [tilespmem:v59+s19+$0x0], $0xffff;
	v17 =	vunpack.i.u.bf16.f32 v57;
	v7 =	vunpack.i.l.bf16.f32 v57;
	v19 =	vunpack.i.l.bf16.f32 v3  }
0xfb: {  	v3 =	vunpack.i.u.bf16.f32 v3;
	v25 =	vunpack.i.l.bf16.f32 v18;
	v8 =	vadd.f32 $0.0e+00, v58;
	v61 =	vld.idx.msk [tilespmem:v54+s19+$0x0], $0xffff  }
0xfc: {  	v27 =	vunpack.i.u.bf16.f32 v18;
	v0 =	vadd.f32 $0.0e+00, v0;
	v1 =	vadd.f32 $0.0e+00, v1  }
0xfd: {  	v28 =	vunpack.i.l.bf16.f32 v6;
	v10 =	vadd.f32 $0.0e+00, v60;
	v8 =	vadd.f32 v62, v8;
	v4 =	vld.idx.msk [tilespmem:v54+s25+$0x0], $0xffff  }
0xfe: {  	v24 =	vld.idx.msk [tilespmem:v59+s25+$0x0], $0xffff;
	v6 =	vunpack.i.u.bf16.f32 v6;
	v0 =	vadd.f32 v5, v0;
	v1 =	vadd.f32 v16, v1  }
0xff: {  	v30 =	vunpack.i.u.bf16.f32 v22;
	v2 =	vadd.f32 v2, v10;
	v7 =	vadd.f32 v7, v8  }
0x100: {  	v0 =	vadd.f32 v17, v0;
	v1 =	vadd.f32 v19, v1;
	v20 =	vunpack.i.l.bf16.f32 v61  }
0x101: {  	v26 =	vld.idx.msk [tilespmem:v63+s19+$0x0], $0xffff;
	v2 =	vadd.f32 v3, v2;
	v21 =	vunpack.i.u.bf16.f32 v61;
	v5 =	vadd.f32 v20, v7  }
0x102: {  	v23 =	vunpack.i.u.bf16.f32 v4;
	v4 =	vunpack.i.l.bf16.f32 v4;
	v0 =	vadd.f32 v21, v0  }
0x103: {  	v31 =	vunpack.i.u.bf16.f32 v24;
	v29 =	vld.idx.msk [tilespmem:v63+s25+$0x0], $0xffff;
	v1 =	vadd.f32 v4, v1;
	v3 =	vadd.f32 v25, v5  }
0x104: {  	v2 =	vadd.f32 v23, v2;
	v7 =	vunpack.i.l.bf16.f32 v22;
	v0 =	vadd.f32 v27, v0  }
0x105: {  	v32 =	vunpack.i.l.bf16.f32 v24;
	v1 =	vadd.f32 v28, v1;
	v3 =	vadd.f32 v7, v3  }
0x106: {  	v33 =	vunpack.i.l.bf16.f32 v26;
	v2 =	vadd.f32 v6, v2;
	v0 =	vadd.f32 v30, v0  }
0x107: {  	v4 =	vunpack.i.u.bf16.f32 v26;
	v1 =	vadd.f32 v32, v1;
	v3 =	vadd.f32 v33, v3  }
0x108: {  	v34 =	vunpack.i.l.bf16.f32 v29;
	v2 =	vadd.f32 v31, v2;
	v0 =	vadd.f32 v4, v0  }
0x109: {  	v5 =	vunpack.i.u.bf16.f32 v29;
	v1 =	vadd.f32 v34, v1;
	v3 =	vmul.f32 $1.428571490e-01, v3  }
0x10a: {  	v2 =	vadd.f32 v5, v2;
	v0 =	vmul.f32 $1.428571490e-01, v0  }
0x10b: {  	v1 =	vmul.f32 $1.428571490e-01, v1;
	[tilespmem:s6+$0x6D00] =	vst v3;
	s6 =	sadd.s32 $0x6E00, s3  }
0x10c: {  	s7 =	sadd.s32 $0x6E80, s3;
	v35 =	vmul.f32 $1.428571490e-01, v2;
	[tilespmem:s9+$0x4C00] =	vst v0;
	s10 =	sor.u32 s4, s6  }
0x10d: {  	s11 =	sor.u32 s4, s7;
	[tilespmem:s10+$0x0] =	vst v1  }
0x10e: {  	[tilespmem:s11+$0x0] =	vst v35  }
0x10f: {  	v0 =	vld [tilespmem:s31+$0x0];
	_ =	sdelay $0x4  }
0x110: {  	v0 =	vadd.f32 $-1.900000000e+01, v0;
	_ =	sdelay $0x1  }
0x111: {  	s8 =	sadd.s32 $0x6F00, s3;
	v0 =	vmul.f32 $1.538461600e-01, v0  }
0x112: {  	s12 =	sor.u32 s4, s8;
	s4 =	sor.u32 $0x10, s4  }
0x113: {  	s3 =	sor.u32 s3, s4;
	[tilespmem:s12+$0x0] =	vst v0  }
0x114: {  	v0 =	vld [tilespmem:s3+$0x0];
	_ =	sdelay $0x3  }
0x115: {  	v1 =	vld [tilespmem:s3+$0x80]  }
0x116: {  	v40 =	vld [tilespmem:s3+$0x100]  }
0x117: {  	v50 =	vld [tilespmem:s3+$0x180]  }
0x118: {  	v63 =	vld [tilespmem:s3+$0x200]  }
0x119: {  	v36 =	vld.idx.msk [tilespmem:v0+s17+$0x0], $0xffff  }
0x11a: {  	v3 =	vld.idx.msk [tilespmem:v0+s20+$0x0], $0xffff  }
0x11b: {  	v37 =	vld.idx.msk [tilespmem:v0+s21+$0x0], $0xffff  }
0x11c: {  	v38 =	vld.idx.msk [tilespmem:v0+s22+$0x0], $0xffff  }
0x11d: {  	v0 =	vld.idx.msk [tilespmem:v0+s23+$0x0], $0xffff  }
0x11e: {  	v42 =	vld.idx.msk [tilespmem:v1+s17+$0x0], $0xffff  }
0x11f: {  	v44 =	vld.idx.msk [tilespmem:v1+s20+$0x0], $0xffff  }
0x120: {  	v46 =	vld.idx.msk [tilespmem:v1+s21+$0x0], $0xffff  }
0x121: {  	v48 =	vld.idx.msk [tilespmem:v1+s22+$0x0], $0xffff  }
0x122: {  	v1 =	vld.idx.msk [tilespmem:v1+s23+$0x0], $0xffff  }
0x123: {  	v52 =	vld.idx.msk [tilespmem:v40+s17+$0x0], $0xffff;
	v39 =	vunpack.i.l.bf16.f32 v36;
	v2 =	vunpack.i.u.bf16.f32 v36;
	v41 =	vunpack.i.l.bf16.f32 v3  }
0x124: {  	v55 =	vld.idx.msk [tilespmem:v40+s20+$0x0], $0xffff;
	v3 =	vunpack.i.u.bf16.f32 v3;
	v43 =	vunpack.i.u.bf16.f32 v37;
	v4 =	vunpack.i.l.bf16.f32 v37  }
0x125: {  	v58 =	vld.idx.msk [tilespmem:v40+s21+$0x0], $0xffff;
	v45 =	vunpack.i.l.bf16.f32 v38;
	v5 =	vunpack.i.u.bf16.f32 v38;
	v47 =	vunpack.i.l.bf16.f32 v0  }
0x126: {  	v60 =	vld.idx.msk [tilespmem:v40+s22+$0x0], $0xffff;
	v0 =	vunpack.i.u.bf16.f32 v0;
	v49 =	vunpack.i.u.bf16.f32 v42;
	v9 =	vunpack.i.l.bf16.f32 v42  }
0x127: {  	v7 =	vld.idx.msk [tilespmem:v40+s23+$0x0], $0xffff;
	v51 =	vunpack.i.l.bf16.f32 v44;
	v11 =	vunpack.i.u.bf16.f32 v44;
	v53 =	vunpack.i.l.bf16.f32 v46  }
0x128: {  	v54 =	vunpack.i.u.bf16.f32 v46;
	v56 =	vunpack.i.u.bf16.f32 v48;
	v57 =	vunpack.i.l.bf16.f32 v48  }
0x129: {  	v22 =	vld.idx.msk [tilespmem:v50+s17+$0x0], $0xffff;
	v59 =	vunpack.i.l.bf16.f32 v1;
	v1 =	vunpack.i.u.bf16.f32 v1;
	v61 =	vunpack.i.l.bf16.f32 v52  }
0x12a: {  	v62 =	vunpack.i.u.bf16.f32 v52;
	v21 =	vunpack.i.u.bf16.f32 v55;
	v23 =	vunpack.i.l.bf16.f32 v58  }
0x12b: {  	v24 =	vld.idx.msk [tilespmem:v50+s20+$0x0], $0xffff;
	v15 =	vunpack.i.u.bf16.f32 v58;
	v25 =	vunpack.i.l.bf16.f32 v60;
	v13 =	vunpack.i.u.bf16.f32 v60  }
0x12c: {  	v26 =	vld.idx.msk [tilespmem:v50+s21+$0x0], $0xffff;
	v28 =	vunpack.i.u.bf16.f32 v7;
	v6 =	vadd.f32 $0.0e+00, v39;
	v2 =	vadd.f32 $0.0e+00, v2  }
0x12d: {  	v31 =	vld [tilespmem:s3+$0x280];
	v7 =	vunpack.i.l.bf16.f32 v7;
	v8 =	vadd.f32 $0.0e+00, v41;
	v3 =	vadd.f32 $0.0e+00, v3  }
0x12e: {  	v27 =	vld.idx.msk [tilespmem:v50+s22+$0x0], $0xffff;
	v30 =	vunpack.i.l.bf16.f32 v22;
	v4 =	vadd.f32 $0.0e+00, v4;
	v10 =	vadd.f32 $0.0e+00, v43  }
0x12f: {  	v40 =	vld.idx.msk [tilespmem:v63+s22+$0x0], $0xffff;
	v16 =	vunpack.i.u.bf16.f32 v22;
	v12 =	vadd.f32 $0.0e+00, v45;
	v5 =	vadd.f32 $0.0e+00, v5  }
0x130: {  	v29 =	vld.idx.msk [tilespmem:v50+s23+$0x0], $0xffff;
	v32 =	vunpack.i.l.bf16.f32 v24;
	v14 =	vadd.f32 $0.0e+00, v47;
	v0 =	vadd.f32 $0.0e+00, v0  }
0x131: {  	v34 =	vunpack.i.u.bf16.f32 v26;
	v6 =	vadd.f32 v9, v6;
	v2 =	vadd.f32 v49, v2  }
0x132: {  	v35 =	vunpack.i.l.bf16.f32 v26;
	v8 =	vadd.f32 v51, v8;
	v3 =	vadd.f32 v11, v3  }
0x133: {  	v33 =	vld.idx.msk [tilespmem:v63+s17+$0x0], $0xffff;
	v37 =	vunpack.i.l.bf16.f32 v27;
	v4 =	vadd.f32 v53, v4;
	v10 =	vadd.f32 v54, v10  }
0x134: {  	v52 =	vunpack.i.l.bf16.f32 v40;
	v12 =	vadd.f32 v57, v12;
	v5 =	vadd.f32 v56, v5  }
0x135: {  	v50 =	vld.idx.msk [tilespmem:v31+s20+$0x0], $0xffff;
	v39 =	vunpack.i.l.bf16.f32 v29;
	v11 =	vadd.f32 v59, v14;
	v0 =	vadd.f32 v1, v0  }
0x136: {  	v9 =	vunpack.i.l.bf16.f32 v55;
	v6 =	vadd.f32 v61, v6;
	v1 =	vadd.f32 v62, v2  }
0x137: {  	v36 =	vld.idx.msk [tilespmem:v63+s20+$0x0], $0xffff;
	v41 =	vunpack.i.u.bf16.f32 v29;
	v8 =	vadd.f32 v9, v8;
	v2 =	vadd.f32 v21, v3  }
0x138: {  	v38 =	vld.idx.msk [tilespmem:v63+s21+$0x0], $0xffff;
	v43 =	vunpack.i.u.bf16.f32 v33;
	v3 =	vadd.f32 v23, v4;
	v10 =	vadd.f32 v15, v10  }
0x139: {  	v51 =	vunpack.i.u.bf16.f32 v40;
	v4 =	vadd.f32 v25, v12;
	v5 =	vadd.f32 v13, v5  }
0x13a: {  	s9 =	sadd.s32 $0x10, s5;
	v42 =	vld.idx.msk [tilespmem:v63+s23+$0x0], $0xffff;
	v59 =	vunpack.i.u.bf16.f32 v50;
	v7 =	vadd.f32 v7, v11;
	v0 =	vadd.f32 v28, v0  }
0x13b: {  	s5 =	sor.u32 $0x300, s9;
	v46 =	vld.idx.msk [tilespmem:v31+s17+$0x0], $0xffff;
	v9 =	vunpack.i.u.bf16.f32 v24;
	v12 =	vunpack.i.u.bf16.f32 v27;
	v11 =	vunpack.i.l.bf16.f32 v33  }
0x13c: {  	v44 =	vld [tilespmem:s5+$0x0];
	v45 =	vunpack.i.l.bf16.f32 v36;
	v47 =	vunpack.i.u.bf16.f32 v36;
	v6 =	vadd.f32 v30, v6  }
0x13d: {  	v48 =	vunpack.i.l.bf16.f32 v38;
	v1 =	vadd.f32 v16, v1;
	v8 =	vadd.f32 v32, v8  }
0x13e: {  	v53 =	vld.idx.msk [tilespmem:v31+s21+$0x0], $0xffff;
	v49 =	vunpack.i.u.bf16.f32 v38;
	v2 =	vadd.f32 v9, v2;
	v3 =	vadd.f32 v35, v3  }
0x13f: {  	v54 =	vunpack.i.l.bf16.f32 v42;
	v9 =	vadd.f32 v34, v10;
	v4 =	vadd.f32 v37, v4  }
0x140: {  	s11 =	sor.u32 $0x380, s9;
	v55 =	vld.idx.msk [tilespmem:v31+s22+$0x0], $0xffff;
	v56 =	vunpack.i.l.bf16.f32 v46;
	v5 =	vadd.f32 v12, v5;
	v7 =	vadd.f32 v39, v7  }
0x141: {  	v58 =	vld [tilespmem:s11+$0x0];
	v57 =	vunpack.i.u.bf16.f32 v46;
	v0 =	vadd.f32 v41, v0;
	v6 =	vadd.f32 v11, v6  }
0x142: {  	v10 =	vunpack.i.u.bf16.f32 v42;
	v1 =	vadd.f32 v43, v1;
	v8 =	vadd.f32 v45, v8  }
0x143: {  	v13 =	vld.idx.msk [tilespmem:v31+s23+$0x0], $0xffff;
	v61 =	vunpack.i.l.bf16.f32 v53;
	v2 =	vadd.f32 v47, v2;
	v3 =	vadd.f32 v48, v3  }
0x144: {  	v60 =	vld.idx.msk [tilespmem:v44+s17+$0x0], $0xffff;
	v17 =	vunpack.i.u.bf16.f32 v53;
	v9 =	vadd.f32 v49, v9;
	v4 =	vadd.f32 v52, v4  }
0x145: {  	v62 =	vld.idx.msk [tilespmem:v44+s20+$0x0], $0xffff;
	v63 =	vunpack.i.l.bf16.f32 v55;
	v5 =	vadd.f32 v51, v5;
	v7 =	vadd.f32 v54, v7  }
0x146: {  	v21 =	vld.idx.msk [tilespmem:v44+s21+$0x0], $0xffff;
	v0 =	vadd.f32 v10, v0;
	v11 =	vunpack.i.l.bf16.f32 v50;
	v6 =	vadd.f32 v56, v6  }
0x147: {  	v16 =	vunpack.i.u.bf16.f32 v55;
	v22 =	vld.idx.msk [tilespmem:v44+s22+$0x0], $0xffff;
	v1 =	vadd.f32 v57, v1;
	v8 =	vadd.f32 v11, v8  }
0x148: {  	v14 =	vld.idx.msk [tilespmem:v44+s23+$0x0], $0xffff;
	v23 =	vunpack.i.u.bf16.f32 v13;
	v2 =	vadd.f32 v59, v2;
	v3 =	vadd.f32 v61, v3  }
0x149: {  	v27 =	vld.idx.msk [tilespmem:v58+s17+$0x0], $0xffff;
	v13 =	vunpack.i.l.bf16.f32 v13;
	v9 =	vadd.f32 v17, v9;
	v4 =	vadd.f32 v63, v4  }
0x14a: {  	v25 =	vld [tilespmem:s3+$0x1000];
	v5 =	vadd.f32 v16, v5;
	v7 =	vadd.f32 v13, v7  }
0x14b: {  	v30 =	vld.idx.msk [tilespmem:v58+s20+$0x0], $0xffff;
	v0 =	vadd.f32 v23, v0;
	v24 =	vunpack.i.l.bf16.f32 v60;
	v15 =	vunpack.i.u.bf16.f32 v60  }
0x14c: {  	v26 =	vunpack.i.l.bf16.f32 v62;
	v11 =	vunpack.i.u.bf16.f32 v62;
	v28 =	vunpack.i.u.bf16.f32 v21  }
0x14d: {  	v32 =	vld.idx.msk [tilespmem:v58+s21+$0x0], $0xffff;
	v29 =	vunpack.i.l.bf16.f32 v21;
	v31 =	vunpack.i.l.bf16.f32 v22;
	v10 =	vunpack.i.u.bf16.f32 v22  }
0x14e: {  	v33 =	vunpack.i.l.bf16.f32 v14;
	v35 =	vunpack.i.u.bf16.f32 v14;
	v37 =	vunpack.i.u.bf16.f32 v27  }
0x14f: {  	v34 =	vld.idx.msk [tilespmem:v58+s22+$0x0], $0xffff;
	v38 =	vunpack.i.l.bf16.f32 v27;
	v6 =	vadd.f32 v24, v6;
	v1 =	vadd.f32 v15, v1  }
0x150: {  	v40 =	vunpack.i.l.bf16.f32 v30;
	v8 =	vadd.f32 v26, v8;
	v2 =	vadd.f32 v11, v2  }
0x151: {  	v36 =	vld.idx.msk [tilespmem:v58+s23+$0x0], $0xffff;
	v42 =	vunpack.i.u.bf16.f32 v30;
	v3 =	vadd.f32 v29, v3;
	v9 =	vadd.f32 v28, v9  }
0x152: {  	v39 =	vld [tilespmem:s3+$0x1080];
	v43 =	vunpack.i.l.bf16.f32 v32;
	v4 =	vadd.f32 v31, v4;
	v5 =	vadd.f32 v10, v5  }
0x153: {  	v41 =	vld.idx.msk [tilespmem:v25+s17+$0x0], $0xffff;
	v44 =	vunpack.i.u.bf16.f32 v32;
	v7 =	vadd.f32 v33, v7;
	v0 =	vadd.f32 v35, v0  }
0x154: {  	v45 =	vld.idx.msk [tilespmem:v25+s20+$0x0], $0xffff;
	v46 =	vunpack.i.u.bf16.f32 v34;
	v6 =	vadd.f32 v38, v6;
	v1 =	vadd.f32 v37, v1  }
0x155: {  	v47 =	vunpack.i.l.bf16.f32 v34;
	v48 =	vld.idx.msk [tilespmem:v25+s21+$0x0], $0xffff;
	v8 =	vadd.f32 v40, v8;
	v2 =	vadd.f32 v42, v2  }
0x156: {  	v49 =	vunpack.i.l.bf16.f32 v36;
	v50 =	vld.idx.msk [tilespmem:v25+s22+$0x0], $0xffff;
	v3 =	vadd.f32 v43, v3;
	v9 =	vadd.f32 v44, v9  }
0x157: {  	v11 =	vunpack.i.u.bf16.f32 v36;
	v4 =	vadd.f32 v47, v4;
	v5 =	vadd.f32 v46, v5  }
0x158: {  	v16 =	vld.idx.msk [tilespmem:v25+s23+$0x0], $0xffff;
	v7 =	vadd.f32 v49, v7;
	v0 =	vadd.f32 v11, v0  }
0x159: {  	v53 =	vld [tilespmem:s3+$0x1100];
	v51 =	vunpack.i.l.bf16.f32 v41;
	v52 =	vunpack.i.u.bf16.f32 v41;
	v54 =	vunpack.i.u.bf16.f32 v45  }
0x15a: {  	v55 =	vld.idx.msk [tilespmem:v39+s17+$0x0], $0xffff;
	v10 =	vunpack.i.l.bf16.f32 v45;
	v56 =	vunpack.i.l.bf16.f32 v48;
	v17 =	vunpack.i.u.bf16.f32 v48  }
0x15b: {  	v57 =	vld.idx.msk [tilespmem:v39+s20+$0x0], $0xffff;
	v58 =	vunpack.i.l.bf16.f32 v50;
	v6 =	vadd.f32 v51, v6;
	v1 =	vadd.f32 v52, v1  }
0x15c: {  	v59 =	vld.idx.msk [tilespmem:v39+s21+$0x0], $0xffff;
	v15 =	vunpack.i.u.bf16.f32 v50;
	v8 =	vadd.f32 v10, v8;
	v2 =	vadd.f32 v54, v2  }
0x15d: {  	v60 =	vld.idx.msk [tilespmem:v39+s22+$0x0], $0xffff;
	v61 =	vunpack.i.u.bf16.f32 v16;
	v3 =	vadd.f32 v56, v3;
	v9 =	vadd.f32 v17, v9  }
0x15e: {  	v16 =	vunpack.i.l.bf16.f32 v16;
	v4 =	vadd.f32 v58, v4;
	v5 =	vadd.f32 v15, v5  }
0x15f: {  	v13 =	vld.idx.msk [tilespmem:v39+s23+$0x0], $0xffff;
	v7 =	vadd.f32 v16, v7;
	v0 =	vadd.f32 v61, v0  }
0x160: {  	v63 =	vld [tilespmem:s3+$0x1180];
	v62 =	vunpack.i.l.bf16.f32 v55;
	v14 =	vunpack.i.u.bf16.f32 v55;
	v21 =	vunpack.i.l.bf16.f32 v57  }
0x161: {  	v22 =	vld.idx.msk [tilespmem:v53+s17+$0x0], $0xffff;
	v11 =	vunpack.i.u.bf16.f32 v57;
	v23 =	vunpack.i.u.bf16.f32 v59;
	v24 =	vunpack.i.l.bf16.f32 v59  }
0x162: {  	v25 =	vld.idx.msk [tilespmem:v53+s20+$0x0], $0xffff;
	v26 =	vunpack.i.l.bf16.f32 v60;
	v6 =	vadd.f32 v62, v6;
	v1 =	vadd.f32 v14, v1  }
0x163: {  	v27 =	vld.idx.msk [tilespmem:v53+s21+$0x0], $0xffff;
	v10 =	vunpack.i.u.bf16.f32 v60;
	v8 =	vadd.f32 v21, v8;
	v2 =	vadd.f32 v11, v2  }
0x164: {  	v29 =	vld.idx.msk [tilespmem:v53+s22+$0x0], $0xffff;
	v28 =	vunpack.i.l.bf16.f32 v13;
	v3 =	vadd.f32 v24, v3;
	v9 =	vadd.f32 v23, v9  }
0x165: {  	v30 =	vunpack.i.u.bf16.f32 v13;
	v4 =	vadd.f32 v26, v4;
	v5 =	vadd.f32 v10, v5  }
0x166: {  	v31 =	vld.idx.msk [tilespmem:v53+s23+$0x0], $0xffff;
	v7 =	vadd.f32 v28, v7;
	v0 =	vadd.f32 v30, v0  }
0x167: {  	v34 =	vld [tilespmem:s3+$0x1200];
	v32 =	vunpack.i.u.bf16.f32 v22;
	v33 =	vunpack.i.l.bf16.f32 v22;
	v35 =	vunpack.i.l.bf16.f32 v25  }
0x168: {  	v36 =	vld.idx.msk [tilespmem:v63+s17+$0x0], $0xffff;
	v37 =	vunpack.i.u.bf16.f32 v25;
	v38 =	vunpack.i.l.bf16.f32 v27;
	v39 =	vunpack.i.u.bf16.f32 v27  }
0x169: {  	v40 =	vld.idx.msk [tilespmem:v63+s20+$0x0], $0xffff;
	v41 =	vunpack.i.u.bf16.f32 v29;
	v6 =	vadd.f32 v33, v6;
	v1 =	vadd.f32 v32, v1  }
0x16a: {  	v43 =	vld.idx.msk [tilespmem:v63+s21+$0x0], $0xffff;
	v42 =	vunpack.i.l.bf16.f32 v29;
	v8 =	vadd.f32 v35, v8;
	v2 =	vadd.f32 v37, v2  }
0x16b: {  	v45 =	vld.idx.msk [tilespmem:v63+s22+$0x0], $0xffff;
	v44 =	vunpack.i.l.bf16.f32 v31;
	v3 =	vadd.f32 v38, v3;
	v9 =	vadd.f32 v39, v9  }
0x16c: {  	v48 =	vld [tilespmem:s3+$0x1280];
	v11 =	vunpack.i.u.bf16.f32 v31;
	v4 =	vadd.f32 v42, v4;
	v5 =	vadd.f32 v41, v5  }
0x16d: {  	v16 =	vld.idx.msk [tilespmem:v63+s23+$0x0], $0xffff;
	v7 =	vadd.f32 v44, v7;
	v0 =	vadd.f32 v11, v0  }
0x16e: {  	v46 =	vunpack.i.l.bf16.f32 v36;
	v47 =	vunpack.i.u.bf16.f32 v36;
	v49 =	vunpack.i.u.bf16.f32 v40  }
0x16f: {  	v50 =	vld.idx.msk [tilespmem:v34+s17+$0x0], $0xffff;
	v10 =	vunpack.i.l.bf16.f32 v40;
	v51 =	vunpack.i.l.bf16.f32 v43;
	v17 =	vunpack.i.u.bf16.f32 v43  }
0x170: {  	v52 =	vld.idx.msk [tilespmem:v34+s20+$0x0], $0xffff;
	v53 =	vunpack.i.l.bf16.f32 v45;
	v6 =	vadd.f32 v46, v6;
	v1 =	vadd.f32 v47, v1  }
0x171: {  	v54 =	vld.idx.msk [tilespmem:v34+s21+$0x0], $0xffff;
	v15 =	vunpack.i.u.bf16.f32 v45;
	v8 =	vadd.f32 v10, v8;
	v2 =	vadd.f32 v49, v2  }
0x172: {  	s1 =	sor.u32 $0x1300, s9;
	v55 =	vld.idx.msk [tilespmem:v34+s22+$0x0], $0xffff;
	v56 =	vunpack.i.u.bf16.f32 v16;
	v3 =	vadd.f32 v51, v3;
	v9 =	vadd.f32 v17, v9  }
0x173: {  	v58 =	vld [tilespmem:s1+$0x0];
	v16 =	vunpack.i.l.bf16.f32 v16;
	v4 =	vadd.f32 v53, v4;
	v5 =	vadd.f32 v15, v5  }
0x174: {  	v13 =	vld.idx.msk [tilespmem:v34+s23+$0x0], $0xffff;
	v7 =	vadd.f32 v16, v7;
	v0 =	vadd.f32 v56, v0;
	v57 =	vunpack.i.l.bf16.f32 v50  }
0x175: {  	v14 =	vunpack.i.u.bf16.f32 v50;
	v59 =	vunpack.i.l.bf16.f32 v52;
	v11 =	vunpack.i.u.bf16.f32 v52;
	v60 =	vld.idx.msk [tilespmem:v48+s17+$0x0], $0xffff  }
0x176: {  	v61 =	vunpack.i.u.bf16.f32 v54;
	v62 =	vunpack.i.l.bf16.f32 v54;
	v63 =	vld.idx.msk [tilespmem:v48+s20+$0x0], $0xffff;
	v6 =	vadd.f32 v57, v6  }
0x177: {  	v20 =	vunpack.i.l.bf16.f32 v55;
	v21 =	vld.idx.msk [tilespmem:v48+s21+$0x0], $0xffff;
	v1 =	vadd.f32 v14, v1;
	v8 =	vadd.f32 v59, v8  }
0x178: {  	v10 =	vunpack.i.u.bf16.f32 v55;
	v23 =	vld.idx.msk [tilespmem:v48+s22+$0x0], $0xffff;
	v2 =	vadd.f32 v11, v2;
	v3 =	vadd.f32 v62, v3  }
0x179: {  	v22 =	vunpack.i.l.bf16.f32 v13;
	v9 =	vadd.f32 v61, v9;
	v4 =	vadd.f32 v20, v4  }
0x17a: {  	s12 =	sor.u32 $0x1380, s9;
	v24 =	vunpack.i.u.bf16.f32 v13;
	v25 =	vld.idx.msk [tilespmem:v48+s23+$0x0], $0xffff;
	v5 =	vadd.f32 v10, v5;
	v7 =	vadd.f32 v22, v7  }
0x17b: {  	v28 =	vld [tilespmem:s12+$0x0];
	v0 =	vadd.f32 v24, v0;
	v26 =	vunpack.i.u.bf16.f32 v60;
	v27 =	vunpack.i.l.bf16.f32 v60  }
0x17c: {  	v30 =	vld.idx.msk [tilespmem:v58+s17+$0x0], $0xffff;
	v29 =	vunpack.i.l.bf16.f32 v63;
	v31 =	vunpack.i.u.bf16.f32 v63;
	v32 =	vunpack.i.l.bf16.f32 v21  }
0x17d: {  	v34 =	vld.idx.msk [tilespmem:v58+s20+$0x0], $0xffff;
	v33 =	vunpack.i.u.bf16.f32 v21;
	v35 =	vunpack.i.u.bf16.f32 v23;
	v6 =	vadd.f32 v27, v6  }
0x17e: {  	v37 =	vld.idx.msk [tilespmem:v58+s21+$0x0], $0xffff;
	v36 =	vunpack.i.l.bf16.f32 v23;
	v1 =	vadd.f32 v26, v1;
	v8 =	vadd.f32 v29, v8  }
0x17f: {  	v39 =	vld.idx.msk [tilespmem:v58+s22+$0x0], $0xffff;
	v38 =	vunpack.i.l.bf16.f32 v25;
	v2 =	vadd.f32 v31, v2;
	v3 =	vadd.f32 v32, v3  }
0x180: {  	v11 =	vunpack.i.u.bf16.f32 v25;
	v9 =	vadd.f32 v33, v9;
	v4 =	vadd.f32 v36, v4  }
0x181: {  	v16 =	vld.idx.msk [tilespmem:v58+s23+$0x0], $0xffff;
	v5 =	vadd.f32 v35, v5;
	v7 =	vadd.f32 v38, v7;
	v40 =	vunpack.i.l.bf16.f32 v30  }
0x182: {  	v42 =	vld [tilespmem:s3+$0x2000];
	v0 =	vadd.f32 v11, v0;
	v41 =	vunpack.i.u.bf16.f32 v30;
	v43 =	vunpack.i.u.bf16.f32 v34  }
0x183: {  	v44 =	vld.idx.msk [tilespmem:v28+s17+$0x0], $0xffff;
	v10 =	vunpack.i.l.bf16.f32 v34;
	v45 =	vunpack.i.l.bf16.f32 v37;
	v17 =	vunpack.i.u.bf16.f32 v37  }
0x184: {  	v46 =	vld.idx.msk [tilespmem:v28+s20+$0x0], $0xffff;
	v47 =	vunpack.i.l.bf16.f32 v39;
	v6 =	vadd.f32 v40, v6;
	v1 =	vadd.f32 v41, v1  }
0x185: {  	v48 =	vld.idx.msk [tilespmem:v28+s21+$0x0], $0xffff;
	v15 =	vunpack.i.u.bf16.f32 v39;
	v8 =	vadd.f32 v10, v8;
	v2 =	vadd.f32 v43, v2  }
0x186: {  	v49 =	vld.idx.msk [tilespmem:v28+s22+$0x0], $0xffff;
	v50 =	vunpack.i.u.bf16.f32 v16;
	v3 =	vadd.f32 v45, v3;
	v9 =	vadd.f32 v17, v9  }
0x187: {  	v16 =	vunpack.i.l.bf16.f32 v16;
	v4 =	vadd.f32 v47, v4;
	v5 =	vadd.f32 v15, v5  }
0x188: {  	v13 =	vld.idx.msk [tilespmem:v28+s23+$0x0], $0xffff;
	v7 =	vadd.f32 v16, v7;
	v0 =	vadd.f32 v50, v0  }
0x189: {  	v52 =	vld [tilespmem:s3+$0x2080];
	v51 =	vunpack.i.l.bf16.f32 v44;
	v14 =	vunpack.i.u.bf16.f32 v44;
	v53 =	vunpack.i.l.bf16.f32 v46  }
0x18a: {  	v54 =	vld.idx.msk [tilespmem:v42+s17+$0x0], $0xffff;
	v11 =	vunpack.i.u.bf16.f32 v46;
	v55 =	vunpack.i.u.bf16.f32 v48;
	v56 =	vunpack.i.l.bf16.f32 v48  }
0x18b: {  	v57 =	vld.idx.msk [tilespmem:v42+s20+$0x0], $0xffff;
	v58 =	vunpack.i.l.bf16.f32 v49;
	v6 =	vadd.f32 v51, v6;
	v1 =	vadd.f32 v14, v1  }
0x18c: {  	v59 =	vld.idx.msk [tilespmem:v42+s21+$0x0], $0xffff;
	v10 =	vunpack.i.u.bf16.f32 v49;
	v8 =	vadd.f32 v53, v8;
	v2 =	vadd.f32 v11, v2  }
0x18d: {  	v61 =	vld.idx.msk [tilespmem:v42+s22+$0x0], $0xffff;
	v60 =	vunpack.i.l.bf16.f32 v13;
	v3 =	vadd.f32 v56, v3;
	v9 =	vadd.f32 v55, v9  }
0x18e: {  	v22 =	vld [tilespmem:s3+$0x2100];
	v62 =	vunpack.i.u.bf16.f32 v13;
	v4 =	vadd.f32 v58, v4;
	v5 =	vadd.f32 v10, v5  }
0x18f: {  	v63 =	vld.idx.msk [tilespmem:v42+s23+$0x0], $0xffff;
	v7 =	vadd.f32 v60, v7;
	v0 =	vadd.f32 v62, v0  }
0x190: {  	v20 =	vunpack.i.u.bf16.f32 v54;
	v21 =	vunpack.i.l.bf16.f32 v54;
	v23 =	vunpack.i.l.bf16.f32 v57  }
0x191: {  	v24 =	vld.idx.msk [tilespmem:v52+s17+$0x0], $0xffff;
	v25 =	vunpack.i.u.bf16.f32 v57;
	v26 =	vunpack.i.l.bf16.f32 v59;
	v27 =	vunpack.i.u.bf16.f32 v59  }
0x192: {  	v28 =	vld.idx.msk [tilespmem:v52+s20+$0x0], $0xffff;
	v29 =	vunpack.i.u.bf16.f32 v61;
	v6 =	vadd.f32 v21, v6;
	v1 =	vadd.f32 v20, v1  }
0x193: {  	v31 =	vld.idx.msk [tilespmem:v52+s21+$0x0], $0xffff;
	v30 =	vunpack.i.l.bf16.f32 v61;
	v8 =	vadd.f32 v23, v8;
	v2 =	vadd.f32 v25, v2  }
0x194: {  	v33 =	vld.idx.msk [tilespmem:v52+s22+$0x0], $0xffff;
	v32 =	vunpack.i.l.bf16.f32 v63;
	v3 =	vadd.f32 v26, v3;
	v9 =	vadd.f32 v27, v9  }
0x195: {  	v35 =	vld [tilespmem:s3+$0x2180];
	v11 =	vunpack.i.u.bf16.f32 v63;
	v4 =	vadd.f32 v30, v4;
	v5 =	vadd.f32 v29, v5  }
0x196: {  	v37 =	vld.idx.msk [tilespmem:v52+s23+$0x0], $0xffff;
	v7 =	vadd.f32 v32, v7;
	v0 =	vadd.f32 v11, v0  }
0x197: {  	v39 =	vld.idx.msk [tilespmem:v22+s17+$0x0], $0xffff;
	v34 =	vunpack.i.l.bf16.f32 v24;
	v36 =	vunpack.i.u.bf16.f32 v24;
	v38 =	vunpack.i.u.bf16.f32 v28  }
0x198: {  	v41 =	vld.idx.msk [tilespmem:v22+s20+$0x0], $0xffff;
	v10 =	vunpack.i.l.bf16.f32 v28;
	v40 =	vunpack.i.l.bf16.f32 v31;
	v42 =	vunpack.i.u.bf16.f32 v31  }
0x199: {  	v44 =	vld.idx.msk [tilespmem:v22+s21+$0x0], $0xffff;
	v43 =	vunpack.i.l.bf16.f32 v33;
	v6 =	vadd.f32 v34, v6;
	v1 =	vadd.f32 v36, v1  }
0x19a: {  	v46 =	vld.idx.msk [tilespmem:v22+s22+$0x0], $0xffff;
	v15 =	vunpack.i.u.bf16.f32 v33;
	v8 =	vadd.f32 v10, v8;
	v2 =	vadd.f32 v38, v2  }
0x19b: {  	v45 =	vunpack.i.u.bf16.f32 v37;
	v3 =	vadd.f32 v40, v3;
	v9 =	vadd.f32 v42, v9  }
0x19c: {  	v13 =	vld.idx.msk [tilespmem:v22+s23+$0x0], $0xffff;
	v12 =	vunpack.i.l.bf16.f32 v37;
	v4 =	vadd.f32 v43, v4;
	v5 =	vadd.f32 v15, v5  }
0x19d: {  	v7 =	vadd.f32 v12, v7;
	v0 =	vadd.f32 v45, v0;
	v47 =	vunpack.i.l.bf16.f32 v39  }
0x19e: {  	v14 =	vunpack.i.u.bf16.f32 v39;
	v48 =	vunpack.i.l.bf16.f32 v41;
	v49 =	vld.idx.msk [tilespmem:v35+s17+$0x0], $0xffff;
	v11 =	vunpack.i.u.bf16.f32 v41  }
0x19f: {  	v50 =	vunpack.i.u.bf16.f32 v44;
	v10 =	vunpack.i.l.bf16.f32 v44;
	v52 =	vunpack.i.l.bf16.f32 v46  }
0x1a0: {  	v51 =	vld.idx.msk [tilespmem:v35+s20+$0x0], $0xffff;
	v53 =	vunpack.i.u.bf16.f32 v46;
	v6 =	vadd.f32 v47, v6;
	v1 =	vadd.f32 v14, v1  }
0x1a1: {  	v54 =	vunpack.i.l.bf16.f32 v13;
	v8 =	vadd.f32 v48, v8;
	v2 =	vadd.f32 v11, v2  }
0x1a2: {  	v55 =	vld.idx.msk [tilespmem:v35+s21+$0x0], $0xffff;
	v57 =	vunpack.i.u.bf16.f32 v13;
	v3 =	vadd.f32 v10, v3;
	v9 =	vadd.f32 v50, v9  }
0x1a3: {  	v4 =	vadd.f32 v52, v4;
	v5 =	vadd.f32 v53, v5;
	v56 =	vunpack.i.l.bf16.f32 v49  }
0x1a4: {  	v59 =	vld.idx.msk [tilespmem:v35+s22+$0x0], $0xffff;
	v7 =	vadd.f32 v54, v7;
	v58 =	vunpack.i.u.bf16.f32 v49;
	v6 =	vadd.f32 v56, v6  }
0x1a5: {  	v0 =	vadd.f32 v57, v0;
	v60 =	vunpack.i.l.bf16.f32 v51;
	v1 =	vadd.f32 v58, v1  }
0x1a6: {  	v62 =	vld.idx.msk [tilespmem:v35+s23+$0x0], $0xffff;
	v61 =	vunpack.i.u.bf16.f32 v51;
	v8 =	vadd.f32 v60, v8;
	v6 =	vmul.f32 $5.000000070e-02, v6  }
0x1a7: {  	v63 =	vunpack.i.l.bf16.f32 v55;
	v2 =	vadd.f32 v61, v2;
	v1 =	vmul.f32 $5.000000070e-02, v1  }
0x1a8: {  	v16 =	vunpack.i.u.bf16.f32 v55;
	v3 =	vadd.f32 v63, v3;
	v17 =	vmul.f32 $5.000000070e-02, v8;
	[tilespmem:s3+$0x4C00] =	vst v6  }
0x1a9: {  	v19 =	vunpack.i.l.bf16.f32 v59;
	v18 =	vadd.f32 v16, v9;
	v20 =	vmul.f32 $5.000000070e-02, v2;
	[tilespmem:s3+$0x4C80] =	vst v1  }
0x1aa: {  	v21 =	vunpack.i.u.bf16.f32 v59;
	v4 =	vadd.f32 v19, v4;
	v3 =	vmul.f32 $5.000000070e-02, v3;
	[tilespmem:s3+$0x4D00] =	vst v17  }
0x1ab: {  	v22 =	vunpack.i.l.bf16.f32 v62;
	v2 =	vadd.f32 v21, v5;
	v23 =	vmul.f32 $5.000000070e-02, v18;
	[tilespmem:s3+$0x4D80] =	vst v20  }
0x1ac: {  	v24 =	vunpack.i.u.bf16.f32 v62;
	v5 =	vadd.f32 v22, v7;
	v25 =	vmul.f32 $5.000000070e-02, v4;
	[tilespmem:s3+$0x4E00] =	vst v3  }
0x1ad: {  	v0 =	vadd.f32 v24, v0;
	[tilespmem:s3+$0x4E80] =	vst v23;
	v26 =	vmul.f32 $5.000000070e-02, v2  }
0x1ae: {  	v27 =	vmul.f32 $5.000000070e-02, v5;
	[tilespmem:s5+$0x4C00] =	vst v25  }
0x1af: {  	v0 =	vmul.f32 $5.000000070e-02, v0;
	[tilespmem:s11+$0x4C00] =	vst v26  }
0x1b0: {  	s10 =	sand.u32 $0x180, s14;
	[tilespmem:s3+$0x5C00] =	vst v27  }
0x1b1: {  	s9 =	sor.u32 s10, s4;
	[tilespmem:s3+$0x5C80] =	vst v0  }
0x1b2: {  	v0 =	vld [tilespmem:s9+$0x4000];
	_ =	sdelay $0x6  }
0x1b3: {  	v1 =	vld [tilespmem:s9+$0x4200]  }
0x1b4: {  	v2 =	vld.idx.msk [tilespmem:v0+s18+$0x0], $0xffff;
	_ =	sdelay $0x4  }
0x1b5: {  	v28 =	vunpack.i.l.bf16.f32 v2  }
0x1b6: {  	v2 =	vunpack.i.u.bf16.f32 v2;
	[tilespmem:s3+$0x5D00] =	vst v28  }
0x1b7: {  	[tilespmem:s3+$0x5D80] =	vst v2  }
0x1b8: {  	v2 =	vld.idx.msk [tilespmem:v1+s18+$0x0], $0xffff;
	_ =	sdelay $0x4  }
0x1b9: {  	v29 =	vunpack.i.l.bf16.f32 v2  }
0x1ba: {  	v2 =	vunpack.i.u.bf16.f32 v2;
	[tilespmem:s1+$0x4C00] =	vst v29  }
0x1bb: {  	[tilespmem:s12+$0x4C00] =	vst v2  }
0x1bc: {  	v0 =	vld.idx.msk [tilespmem:v0+s24+$0x0], $0xffff;
	_ =	sdelay $0x4  }
0x1bd: {  	v30 =	vunpack.i.l.bf16.f32 v0  }
0x1be: {  	v0 =	vunpack.i.u.bf16.f32 v0;
	[tilespmem:s3+$0x5E00] =	vst v30  }
0x1bf: {  	v31 =	vld [tilespmem:s3+$0x3000];
	[tilespmem:s3+$0x5E80] =	vst v0  }
0x1c0: {  	v0 =	vld.idx.msk [tilespmem:v1+s24+$0x0], $0xffff;
	_ =	sdelay $0x1  }
0x1c1: {  	v32 =	vld [tilespmem:s3+$0x3080];
	_ =	sdelay $0x1  }
0x1c2: {  	v34 =	vld [tilespmem:s3+$0x3100]  }
0x1c3: {  	v36 =	vld [tilespmem:s3+$0x3180];
	v33 =	vunpack.i.l.bf16.f32 v0  }
0x1c4: {  	v38 =	vld [tilespmem:s3+$0x3200];
	v0 =	vunpack.i.u.bf16.f32 v0;
	[tilespmem:s3+$0x6C00] =	vst v33  }
0x1c5: {  	v41 =	vld [tilespmem:s3+$0x3280];
	[tilespmem:s3+$0x6C80] =	vst v0  }
0x1c6: {  	v35 =	vld.idx.msk [tilespmem:v31+s19+$0x0], $0xffff  }
0x1c7: {  	v1 =	vld.idx.msk [tilespmem:v31+s25+$0x0], $0xffff  }
0x1c8: {  	v37 =	vld.idx.msk [tilespmem:v32+s19+$0x0], $0xffff  }
0x1c9: {  	v2 =	vld.idx.msk [tilespmem:v32+s25+$0x0], $0xffff  }
0x1ca: {  	v40 =	vld.idx.msk [tilespmem:v34+s19+$0x0], $0xffff  }
0x1cb: {  	v0 =	vld.idx.msk [tilespmem:v34+s25+$0x0], $0xffff  }
0x1cc: {  	v44 =	vld.idx.msk [tilespmem:v36+s19+$0x0], $0xffff  }
0x1cd: {  	v5 =	vld.idx.msk [tilespmem:v36+s25+$0x0], $0xffff;
	v39 =	vunpack.i.l.bf16.f32 v35;
	v4 =	vunpack.i.u.bf16.f32 v35  }
0x1ce: {  	v3 =	vld [tilespmem:s5+$0x3000];
	v42 =	vunpack.i.u.bf16.f32 v1;
	v1 =	vunpack.i.l.bf16.f32 v1;
	v43 =	vunpack.i.l.bf16.f32 v37  }
0x1cf: {  	v47 =	vld.idx.msk [tilespmem:v38+s19+$0x0], $0xffff;
	v6 =	vunpack.i.u.bf16.f32 v37;
	v45 =	vunpack.i.l.bf16.f32 v2;
	v2 =	vunpack.i.u.bf16.f32 v2  }
0x1d0: {  	v46 =	vunpack.i.u.bf16.f32 v40;
	v9 =	vunpack.i.l.bf16.f32 v40;
	v48 =	vunpack.i.l.bf16.f32 v0  }
0x1d1: {  	v7 =	vld.idx.msk [tilespmem:v38+s25+$0x0], $0xffff;
	v0 =	vunpack.i.u.bf16.f32 v0;
	v49 =	vunpack.i.l.bf16.f32 v44;
	v8 =	vadd.f32 $0.0e+00, v39  }
0x1d2: {  	v50 =	vunpack.i.u.bf16.f32 v44;
	v52 =	vunpack.i.u.bf16.f32 v5;
	v4 =	vadd.f32 $0.0e+00, v4  }
0x1d3: {  	v51 =	vld.idx.msk [tilespmem:v41+s19+$0x0], $0xffff;
	v5 =	vunpack.i.l.bf16.f32 v5;
	v1 =	vadd.f32 $0.0e+00, v1;
	v8 =	vadd.f32 v43, v8  }
0x1d4: {  	v54 =	vunpack.i.l.bf16.f32 v47;
	v11 =	vadd.f32 $0.0e+00, v42;
	v4 =	vadd.f32 v6, v4  }
0x1d5: {  	v53 =	vld.idx.msk [tilespmem:v41+s25+$0x0], $0xffff;
	v56 =	vunpack.i.u.bf16.f32 v47;
	v1 =	vadd.f32 v45, v1;
	v8 =	vadd.f32 v9, v8  }
0x1d6: {  	v57 =	vunpack.i.l.bf16.f32 v7;
	v2 =	vadd.f32 v2, v11;
	v4 =	vadd.f32 v46, v4  }
0x1d7: {  	v7 =	vunpack.i.u.bf16.f32 v7;
	v55 =	vld.idx.msk [tilespmem:v3+s19+$0x0], $0xffff;
	v1 =	vadd.f32 v48, v1;
	v6 =	vadd.f32 v49, v8  }
0x1d8: {  	v58 =	vunpack.i.u.bf16.f32 v51;
	v0 =	vadd.f32 v0, v2;
	v2 =	vadd.f32 v50, v4  }
0x1d9: {  	v59 =	vunpack.i.l.bf16.f32 v51;
	v3 =	vld.idx.msk [tilespmem:v3+s25+$0x0], $0xffff;
	v1 =	vadd.f32 v5, v1;
	v4 =	vadd.f32 v54, v6  }
0x1da: {  	v60 =	vunpack.i.u.bf16.f32 v53;
	v0 =	vadd.f32 v52, v0;
	v2 =	vadd.f32 v56, v2  }
0x1db: {  	v61 =	vunpack.i.l.bf16.f32 v53;
	v1 =	vadd.f32 v57, v1;
	v4 =	vadd.f32 v59, v4  }
0x1dc: {  	v62 =	vunpack.i.l.bf16.f32 v55;
	v0 =	vadd.f32 v7, v0;
	v2 =	vadd.f32 v58, v2  }
0x1dd: {  	v5 =	vunpack.i.u.bf16.f32 v55;
	v1 =	vadd.f32 v61, v1;
	v4 =	vadd.f32 v62, v4  }
0x1de: {  	v63 =	vunpack.i.l.bf16.f32 v3;
	v0 =	vadd.f32 v60, v0;
	v2 =	vadd.f32 v5, v2  }
0x1df: {  	v3 =	vunpack.i.u.bf16.f32 v3;
	v1 =	vadd.f32 v63, v1;
	v4 =	vmul.f32 $1.428571490e-01, v4  }
0x1e0: {  	v0 =	vadd.f32 v3, v0;
	v2 =	vmul.f32 $1.428571490e-01, v2  }
0x1e1: {  	v1 =	vmul.f32 $1.428571490e-01, v1;
	[tilespmem:s3+$0x6D00] =	vst v4  }
0x1e2: {  	s11 =	sor.u32 s4, s6;
	v0 =	vmul.f32 $1.428571490e-01, v0;
	[tilespmem:s3+$0x6D80] =	vst v2  }
0x1e3: {  	s12 =	sor.u32 s4, s7;
	[tilespmem:s11+$0x0] =	vst v1  }
0x1e4: {  	[tilespmem:s12+$0x0] =	vst v0  }
0x1e5: {  	v0 =	vld [tilespmem:s9+$0x4400];
	_ =	sdelay $0x3  }
0x1e6: {  	p0 =	sne.s32 s0, $0xFFFFFFE0  }
.Ltmp0:
0x1e7: {  	v0 =	vadd.f32 $-1.900000000e+01, v0;
	(pc) =	sbr.rel @p0 .LBB2_2-.Ltmp0, $4  }
0x1e8: {  	_ = 	snop  }
0x1e9: {  	s26 =	sadd.s32 $0x1, s26;
	s2 =	sadd.s32 $0x100, s2;
	s0 =	sadd.s32 $0x20, s0;
	v0 =	vmul.f32 $1.538461600e-01, v0  }
0x1ea: {  	s16 =	sadd.s32 $0x20, s16;
	s13 =	sadd.s32 $0x100, s13;
	s14 =	sor.u32 s4, s8  }
0x1eb: {  	s29 =	sadd.s32 $0x20, s29;
	s30 =	sadd.s32 $0x20, s30;
	s31 =	sadd.s32 $0x20, s31;
	[tilespmem:s14+$0x0] =	vst v0  }
0x1ec: {  	s0 =	rddreg [dreg:$0x10]  }
0x1ed: {  	s2 =	simm.s32 $0x1000;
	s3 =	simm.s32 $0x20000;
	s1 =	simm.s32 $0x4C00  }
0x1ee: {  	[hbm4b:s0+s2] =	stream.strided.scatter [tilespmem:s1], [sflag:$0x1], $0x3000, s3, s2, $0x38;
	[tilespmem:$0x7C00] =	vst v63  }
0x1ef: {  	_ =	swait.ge [sflag:s15], $0x3000  }
0x1f0: {  	s28 =	sadd.s32 $0x1, s28;
	s31 =	rddreg [dreg:$0x11]  }
0x1f1: {  	p0 =	sne.s32 s28, s31  }
.Ltmp1:
0x1f2: {  	_ = 	snop;
	(pc) =	sbr.rel @p0 .LBB2_1-.Ltmp1, $3  }
0x1f3: {  	_ =	sdelay $0x1  }
0x1f4: {  	[sflag:s15] =	ssyncset.done $0x0  }
0x1f5: {  	[sflag:s15] =	ssyncadd.s32 $0xFFFFD000  }
0x1f6: {  	_ =	sfence.sel $0x180000  }
0x1f7: {  	[bflag:$0x0] =	sbarrier.arrive $0xFFFF  }
0x1f8: {  	_ =	strace $0x90000047  }
0x1f9: {  	s0 =	stileid.u32;
	[bflag:$0x2] =	sbarrier.arrive $0xFFFF  }
0x1fa: {  	p0 =	sne.s32 s0, $0x0;
	s0 =	rddreg [dreg:$0x7]  }
0x1fb: {  	s0 =	sadd.s32 @!p0 $0x100000, s0  }
0x1fc: {  	[sflag:s0] =	ssyncadd.tile.s32 @!p0 $0x1;
	_ =	shalt  }
.Lfunc_end2:
_tile_overlayer_lowered:
.L_overlay_start_2:
0x1fd: {  	(tag) =	ssettag $0x2  }
0x1fe: {  	s0 =	rddreg [dreg:$0x0];
	s2 =	stileid.u32  }
0x1ff: {  	s1 =	rddreg [dreg:$0x1];
	p0 =	sne.s32 s2, $0x0  }
0x200: {  	s3 =	rddreg [dreg:$0x2];
	[bflag:$0x3] =	sbarrier.arrive $0xFFFF;
	s2 =	simm.s32 @!p0 $0x1C01  }
0x201: {  	[timem:s3], [sflag:s2] =	dma.local @!p0 [hbm:s0], s1  }
0x202: {  	s0 =	simm.s32 @!p0 $0x1  }
0x203: {  	_ =	swait.ge @!p0 [sflag:s0], s1  }
0x204: {  	s1 =	ssub.s32 @!p0 $0x0, s1;
	[sflag:s0] =	ssyncset.done @!p0 $0x0  }
0x205: {  	[sflag:s0] =	ssyncadd.s32 @!p0 s1  }
0x206: {  	[bflag:$0x3] =	sbarrier.arrive $0xFFFF  }
0x207: {  	_ =	shalt  }

</sc_bundles>
